<compile_context>
chip_gen: v7x
topology: tpu7x:2x2x1
jax: 0.10.2.dev20260603
libtpu: 0.0.44.dev20260713+nightly
codegen_flags: <defaults>
</compile_context>

<pallas_src>
import functools

import jax
import jax.numpy as jnp
from jax import lax
from jax.experimental import pallas as pl
from jax.experimental.pallas import tpu as pltpu
from jax.experimental.pallas import tpu_sc as plsc

N = 10000
E = 320000
NC, NS, LANES = 2, 16, 16
NW = NC * NS
EW = E // NW
K = 80
NCH = EW // K
NP = 10240
RSUB = NP // NS

R = 1024
G = NP // R

NEG = -1.0e30
AW = 128



def _shuf(v, idx16):
    return lax.gather(
        v, idx16[:, None],
        lax.GatherDimensionNumbers(offset_dims=(), collapsed_slice_dims=(0,),
                                   start_index_map=(0,)),
        (1,), mode=lax.GatherScatterMode.PROMISE_IN_BOUNDS)


def _edge_body1(ta_buf, d_buf, u_buf):
    lane = lax.iota(jnp.int32, 16)
    half = lane >> 3

    def f(k, c):
        a = ta_buf[k, pl.ds(64, 16)]
        dd = d_buf[k, pl.ds(0, 16)]
        e = a + dd
        w = jnp.exp(jnp.maximum(e, 0.2 * e))
        for ci in range(4):
            wb = _shuf(w, half + 2 * ci)
            u_buf[k, pl.ds(ci * 16, 16)] = wb * ta_buf[k, pl.ds(ci * 16, 16)]
        u_buf[k, pl.ds(64, 16)] = w
        return c
    return f


def _edge_body2(ta_buf, d_buf, u_buf):
    nine = jnp.full((16,), 9, jnp.int32)

    def f(k, c):
        t2 = ta_buf[k, pl.ds(32, 16)]
        sa = _shuf(t2, nine)
        e = sa + d_buf[k, pl.ds(0, 16)]
        w = jnp.exp(jnp.maximum(e, 0.2 * e))
        u_buf[k, pl.ds(0, 16)] = w * ta_buf[k, pl.ds(0, 16)]
        u_buf[k, pl.ds(16, 16)] = w * ta_buf[k, pl.ds(16, 16)]
        u_buf[k, pl.ds(32, 16)] = w * t2
        return c
    return f


def _sc_edges(ta, d, edges, ta_w, d_w, u_w, edge_body):
    mesh = plsc.VectorSubcoreMesh(core_axis_name="c", subcore_axis_name="s")

    @functools.partial(
        pl.kernel,
        out_type=jax.ShapeDtypeStruct((NC, NP, AW), jnp.float32),
        mesh=mesh,
        scratch_types=[
            pltpu.VMEM((K,), jnp.int32),
            pltpu.VMEM((K,), jnp.int32),
            pltpu.VMEM((K,), jnp.int32),
            pltpu.VMEM((K,), jnp.int32),
            pltpu.VMEM((K,), jnp.int32),
            pltpu.VMEM((K,), jnp.int32),
            pltpu.VMEM((K, ta_w), jnp.float32),
            pltpu.VMEM((K, d_w), jnp.float32),
            pltpu.VMEM((K, ta_w), jnp.float32),
            pltpu.VMEM((K, d_w), jnp.float32),
            pltpu.VMEM((K, AW), jnp.float32),
            pltpu.VMEM((K, AW), jnp.float32),
            pltpu.VMEM_SHARED((NP, AW), jnp.float32),
            pltpu.SemaphoreType.DMA,
            pltpu.SemaphoreType.DMA,
            pltpu.SemaphoreType.DMA,
            pltpu.SemaphoreType.DMA,
            pltpu.SemaphoreType.DMA,
            pltpu.SemaphoreType.DMA,
        ],
        compiler_params=pltpu.CompilerParams(use_tc_tiling_on_sc=False),
    )
    def k(ta_hbm, d_hbm, edge_hbm, acc_hbm,
          siA, diA, dsA, siB, diB, dsB, taA, dA, taB, dB, uA, uB, acc_sh,
          semA, semB, simA, simB, ssemA, ssemB):
        cid = lax.axis_index("c")
        sid = lax.axis_index("s")
        wid = sid * NC + cid
        r0 = sid * RSUB
        e0 = wid * EW

        def fetch_idx(j, si, di, sem):
            pltpu.async_copy(edge_hbm.at[0, pl.ds(e0 + j * K, K)], si, sem)
            pltpu.async_copy(edge_hbm.at[1, pl.ds(e0 + j * K, K)], di, sem)

        def wait_idx(si, di, sem):
            pltpu.make_async_copy(edge_hbm.at[0, pl.ds(0, K)], si, sem).wait()
            pltpu.make_async_copy(edge_hbm.at[1, pl.ds(0, K)], di, sem).wait()

        def issue(si, di, ta_buf, d_buf, sem):
            pltpu.async_copy(ta_hbm.at[si], ta_buf, sem)
            pltpu.async_copy(d_hbm.at[di], d_buf, sem)

        def drain(si, di, ta_buf, d_buf, sem):
            pltpu.make_async_copy(ta_hbm.at[si], ta_buf, sem).wait()
            pltpu.make_async_copy(d_hbm.at[di], d_buf, sem).wait()

        def copy_idx(di, ds_):
            for ci in range(K // 16):
                ds_[pl.ds(ci * 16, 16)] = di[pl.ds(ci * 16, 16)]

        fetch_idx(0, siA, diA, simA)
        fetch_idx(1, siB, diB, simB)

        def zrow(r, c):
            for ci in range(AW // 16):
                uA[r, pl.ds(ci * 16, 16)] = jnp.zeros((16,), jnp.float32)
                uB[r, pl.ds(ci * 16, 16)] = jnp.zeros((16,), jnp.float32)
            return c
        lax.fori_loop(0, K, zrow, 0)

        def zcp(i, c):
            pltpu.sync_copy(uA, acc_sh.at[pl.ds(r0 + i * K, K)])
            return c
        lax.fori_loop(0, RSUB // K, zcp, 0)

        wait_idx(siA, diA, simA)
        issue(siA, diA, taA, dA, semA)
        wait_idx(siB, diB, simB)
        issue(siB, diB, taB, dB, semB)
        plsc.subcore_barrier()

        def half(j, si, di, ds_, ta_buf, d_buf, u_buf, sem, sim, ssem):
            drain(si, di, ta_buf, d_buf, sem)
            copy_idx(di, ds_)
            nj = j + 2

            @pl.when(nj < NCH)
            def _():
                fetch_idx(nj, si, di, sim)

            body = edge_body(ta_buf, d_buf, u_buf)
            plsc.parallel_loop(0, K, 1, unroll=2)(lambda kk: body(kk, 0))
            pltpu.sync_copy(u_buf, acc_sh.at[ds_], add=True)

            @pl.when(nj < NCH)
            def _():
                wait_idx(si, di, sim)
                issue(si, di, ta_buf, d_buf, sem)

        def pair(p, carry):
            j = 2 * p
            half(j, siA, diA, dsA, taA, dA, uA, semA, simA, ssemA)
            half(j + 1, siB, diB, dsB, taB, dB, uB, semB, simB, ssemB)
            return carry

        lax.fori_loop(0, (NCH - 1) // 2, pair, 0)
        half(NCH - 1, siA, diA, dsA, taA, dA, uA, semA, simA, ssemA)
        plsc.subcore_barrier()
        pltpu.sync_copy(acc_sh.at[pl.ds(r0, RSUB)],
                        acc_hbm.at[cid, pl.ds(r0, RSUB)])

    return k(ta, d, edges)



def _tc1(x, W1, As8, Ad8, Rep8):
    def body(x_r, w1_r, as_r, ad_r, rep_r, ta_r, d_r, self_r):
        h = jnp.dot(x_r[...], w1_r[...], preferred_element_type=jnp.float32)
        sa = jnp.dot(h, as_r[...], preferred_element_type=jnp.float32)
        da = jnp.dot(h, ad_r[...], preferred_element_type=jnp.float32)
        e = sa + da
        w8 = jnp.exp(jnp.maximum(e, 0.2 * e))
        w64 = jnp.dot(w8, rep_r[...], preferred_element_type=jnp.float32)
        z8 = jnp.zeros((R, 8), jnp.float32)
        ta_r[...] = jnp.concatenate([h, sa, jnp.full((R, 8), NEG)], axis=1)
        d_r[...] = jnp.concatenate([da, z8], axis=1)
        self_r[...] = jnp.concatenate([w64 * h, w8, z8], axis=1)

    return pl.pallas_call(
        body,
        grid=(G,),
        in_specs=[pl.BlockSpec((R, 128), lambda i: (i, 0)),
                  pl.BlockSpec((128, 64), lambda i: (0, 0)),
                  pl.BlockSpec((64, 8), lambda i: (0, 0)),
                  pl.BlockSpec((64, 8), lambda i: (0, 0)),
                  pl.BlockSpec((8, 64), lambda i: (0, 0))],
        out_specs=[pl.BlockSpec((R, 80), lambda i: (i, 0)),
                   pl.BlockSpec((R, 16), lambda i: (i, 0)),
                   pl.BlockSpec((R, 80), lambda i: (i, 0))],
        out_shape=[jax.ShapeDtypeStruct((N, 80), jnp.float32),
                   jax.ShapeDtypeStruct((N, 16), jnp.float32),
                   jax.ShapeDtypeStruct((N, 80), jnp.float32)],
    )(x, W1, As8, Ad8, Rep8)


def _tc2(acc, self1, b1, W2, As2, Ad2, Rep8):
    def body(a0_r, a1_r, s_r, b1_r, w2_r, as2_r, ad2_r, rep_r, ta_r, d_r, self_r):
        acc_b = a0_r[0] + a1_r[0]
        s = s_r[...]
        den = jnp.dot(acc_b[:, 64:72] + s[:, 64:72], rep_r[...],
                      preferred_element_type=jnp.float32)
        out1 = (acc_b[:, :64] + s[:, :64]) / den + b1_r[...]
        hh = jnp.where(out1 > 0, out1, jnp.exp(jnp.minimum(out1, 0.0)) - 1.0)
        h2 = jnp.dot(hh, w2_r[...], preferred_element_type=jnp.float32)
        sa = jnp.dot(h2, as2_r[...], preferred_element_type=jnp.float32)
        da = jnp.dot(h2, ad2_r[...], preferred_element_type=jnp.float32)
        e = sa + da
        w = jnp.exp(jnp.maximum(e, 0.2 * e))
        col = lax.broadcasted_iota(jnp.int32, (R, 8), 1)
        mid = jnp.where(col == 0, 1.0,
                        jnp.where(col == 1, sa[:, 0:1], 0.0)).astype(jnp.float32)
        hm = jnp.concatenate([h2, mid], axis=1)
        ta_r[...] = hm
        d_r[...] = da
        self_r[...] = hm * jnp.concatenate([w, w, w], axis=1)

    return pl.pallas_call(
        body,
        grid=(G,),
        in_specs=[pl.BlockSpec((1, R, AW), lambda i: (0, i, 0)),
                  pl.BlockSpec((1, R, AW), lambda i: (1, i, 0)),
                  pl.BlockSpec((R, 80), lambda i: (i, 0)),
                  pl.BlockSpec((1, 64), lambda i: (0, 0)),
                  pl.BlockSpec((64, 40), lambda i: (0, 0)),
                  pl.BlockSpec((40, 16), lambda i: (0, 0)),
                  pl.BlockSpec((40, 16), lambda i: (0, 0)),
                  pl.BlockSpec((8, 64), lambda i: (0, 0))],
        out_specs=[pl.BlockSpec((R, 48), lambda i: (i, 0)),
                   pl.BlockSpec((R, 16), lambda i: (i, 0)),
                   pl.BlockSpec((R, 48), lambda i: (i, 0))],
        out_shape=[jax.ShapeDtypeStruct((N, 48), jnp.float32),
                   jax.ShapeDtypeStruct((N, 16), jnp.float32),
                   jax.ShapeDtypeStruct((N, 48), jnp.float32)],
    )(acc, acc, self1, b1, W2, As2, Ad2, Rep8)


def _tc3(acc, self2, b2):
    def body(a0_r, a1_r, s_r, b2_r, o_r):
        acc_b = a0_r[0] + a1_r[0]
        s = s_r[...]
        o = (acc_b[:, :40] + s[:, :40]) / (acc_b[:, 40:41] + s[:, 40:41]) \
            + b2_r[...]
        m = jnp.max(o, axis=1, keepdims=True)
        lse = m + jnp.log(jnp.sum(jnp.exp(o - m), axis=1, keepdims=True))
        o_r[...] = o - lse

    return pl.pallas_call(
        body,
        grid=(G,),
        in_specs=[pl.BlockSpec((1, R, AW), lambda i: (0, i, 0)),
                  pl.BlockSpec((1, R, AW), lambda i: (1, i, 0)),
                  pl.BlockSpec((R, 48), lambda i: (i, 0)),
                  pl.BlockSpec((1, 40), lambda i: (0, 0))],
        out_specs=pl.BlockSpec((R, 40), lambda i: (i, 0)),
        out_shape=jax.ShapeDtypeStruct((N, 40), jnp.float32),
    )(acc, acc, self2, b2)



def kernel(x, edge_index, W1, att_src1, att_dst1, b1,
           W2, att_src2, att_dst2, b2):
    f32 = jnp.float32
    hd = jnp.arange(64) // 8
    sel = (hd[:, None] == jnp.arange(8)[None, :]).astype(f32)
    As8 = att_src1.reshape(64)[:, None] * sel
    Ad8 = att_dst1.reshape(64)[:, None] * sel
    Rep8 = sel.T

    ta1, d1, self1 = _tc1(x, W1, As8, Ad8, Rep8)
    acc1 = _sc_edges(ta1, d1, edge_index, 80, 16, 80, _edge_body1)

    As2 = jnp.broadcast_to(att_src2.reshape(40)[:, None], (40, 16)).astype(f32)
    Ad2 = jnp.broadcast_to(att_dst2.reshape(40)[:, None], (40, 16)).astype(f32)
    ta2, d2, self2 = _tc2(acc1, self1, b1.reshape(1, 64), W2, As2, Ad2, Rep8)

    acc2 = _sc_edges(ta2, d2, edge_index, 48, 16, 48, _edge_body2)

    return _tc3(acc2, self2, b2.reshape(1, 40))

# --- scband reference (transcript-rebuilt; emitter-appended) ---
"""Pipeline reference for scband-gat-net-42322607735199 (READ-ONLY COPY).

The authoritative reference and input builder live on the scoring server;
editing this copy changes nothing except your own understanding.
"""

import jax, jax.numpy as jnp
import numpy as np

N = 10000
E = 320000
F_IN = 128
H1 = 8
C1 = 8
NUM_CLASSES = 40


def setup_inputs(seed: int = 0) -> dict:
    key = jax.random.key(seed)
    ks = jax.random.split(key, 12)
    x = jax.random.normal(ks[0], (N, F_IN), dtype=jnp.float32)
    edge_index = jax.random.randint(ks[1], (2, E), 0, N, dtype=jnp.int32)
    W1 = jax.random.normal(ks[2], (F_IN, H1 * C1), dtype=jnp.float32) * (1.0 / np.sqrt(F_IN))
    att_src1 = jax.random.normal(ks[3], (H1, C1), dtype=jnp.float32) * 0.1
    att_dst1 = jax.random.normal(ks[4], (H1, C1), dtype=jnp.float32) * 0.1
    b1 = jnp.zeros((H1 * C1,), dtype=jnp.float32)
    W2 = jax.random.normal(ks[5], (H1 * C1, 1 * NUM_CLASSES), dtype=jnp.float32) * (1.0 / np.sqrt(H1 * C1))
    att_src2 = jax.random.normal(ks[6], (1, NUM_CLASSES), dtype=jnp.float32) * 0.1
    att_dst2 = jax.random.normal(ks[7], (1, NUM_CLASSES), dtype=jnp.float32) * 0.1
    b2 = jnp.zeros((NUM_CLASSES,), dtype=jnp.float32)
    return {"x": x, "edge_index": edge_index, "W1": W1, "att_src1": att_src1,
            "att_dst1": att_dst1, "b1": b1, "W2": W2, "att_src2": att_src2,
            "att_dst2": att_dst2, "b2": b2}


def gat_conv(x, edge_index, W, att_src, att_dst, bias, heads, out_ch, concat):
    n = x.shape[0]
    loop = jnp.arange(n, dtype=edge_index.dtype)
    src = jnp.concatenate([edge_index[0], loop])
    dst = jnp.concatenate([edge_index[1], loop])
    h = (x @ W).reshape(n, heads, out_ch)
    a_s = (h * att_src[None, :, :]).sum(-1)
    a_d = (h * att_dst[None, :, :]).sum(-1)
    e = jax.nn.leaky_relu(a_s[src] + a_d[dst], negative_slope=0.2)
    m = jax.ops.segment_max(e, dst, num_segments=n)
    m = jnp.where(jnp.isfinite(m), m, 0.0)
    ex = jnp.exp(e - m[dst])
    s = jax.ops.segment_sum(ex, dst, num_segments=n)
    alpha = ex / (s[dst] + 1e-16)
    out = jax.ops.segment_sum(h[src] * alpha[:, :, None], dst, num_segments=n)
    if concat:
        out = out.reshape(n, heads * out_ch)
    else:
        out = out.mean(axis=1)
    return out + bias


def reference(x, edge_index, W1, att_src1, att_dst1, b1, W2, att_src2, att_dst2, b2):
    # eval mode: dropout(p=0.6) is identity
    h = jax.nn.elu(gat_conv(x, edge_index, W1, att_src1, att_dst1, b1, H1, C1, True))
    out = gat_conv(h, edge_index, W2, att_src2, att_dst2, b2, 1, NUM_CLASSES, False)
    return jax.nn.log_softmax(out, axis=-1)

if __name__ == "__main__":
    import jax
    _d = setup_inputs()
    print(jax.jit(kernel)(*tuple(_d.values())))

</pallas_src>

<mosaic_0001>
#map = affine_map<(d0, d1) -> (0, 0)>
#map1 = affine_map<(d0, d1) -> (0, 0, 0)>
module attributes {stable_mosaic.version = 14 : i64} {
  func.func @k(%arg0: i32, %arg1: i32, %arg2: memref<10000x48xf32, #tpu.memory_space<hbm>>, %arg3: memref<10000x16xf32, #tpu.memory_space<hbm>>, %arg4: memref<2x320000xi32, #tpu.memory_space<hbm>>, %arg5: memref<2x10240x128xf32, #tpu.memory_space<hbm>>, %arg6: memref<80xi32, #tpu.memory_space<vmem>>, %arg7: memref<80xi32, #tpu.memory_space<vmem>>, %arg8: memref<80xi32, #tpu.memory_space<vmem>>, %arg9: memref<80xi32, #tpu.memory_space<vmem>>, %arg10: memref<80xi32, #tpu.memory_space<vmem>>, %arg11: memref<80xi32, #tpu.memory_space<vmem>>, %arg12: memref<80x48xf32, #tpu.memory_space<vmem>>, %arg13: memref<80x16xf32, #tpu.memory_space<vmem>>, %arg14: memref<80x48xf32, #tpu.memory_space<vmem>>, %arg15: memref<80x16xf32, #tpu.memory_space<vmem>>, %arg16: memref<80x128xf32, #tpu.memory_space<vmem>>, %arg17: memref<80x128xf32, #tpu.memory_space<vmem>>, %arg18: memref<10240x128xf32, #tpu.memory_space<vmem_shared>>, %arg19: memref<!tpu.dma_semaphore, #tpu.memory_space<semaphore_mem>>, %arg20: memref<!tpu.dma_semaphore, #tpu.memory_space<semaphore_mem>>, %arg21: memref<!tpu.dma_semaphore, #tpu.memory_space<semaphore_mem>>, %arg22: memref<!tpu.dma_semaphore, #tpu.memory_space<semaphore_mem>>, %arg23: memref<!tpu.dma_semaphore, #tpu.memory_space<semaphore_mem>>, %arg24: memref<!tpu.dma_semaphore, #tpu.memory_space<semaphore_mem>>) attributes {dimension_semantics = [#tpu.dimension_semantics<core_parallel>, #tpu.dimension_semantics<subcore_parallel>], iteration_bounds = array<i64: 2, 16>, scalar_prefetch = 0 : i64, scratch_operands = 19 : i64, tpu.core_type = #tpu.core_type<sc_vector_subcore>, window_params = [{transform_indices = #map}, {transform_indices = #map}, {transform_indices = #map}, {transform_indices = #map1}]} {
    %mul3A = arith.constant 2 : i32
    %mul3A_0 = arith.muli %arg1, %mul3A : i32
    %add3A = arith.addi %mul3A_0, %arg0 : i32
    %mul3A_1 = arith.constant 640 : i32
    %mul3A_2 = arith.muli %arg1, %mul3A_1 : i32
    %mul3A_3 = arith.constant 10000 : i32
    %mul3A_4 = arith.muli %add3A, %mul3A_3 : i32
    %add3A_5 = arith.constant 0 : i32
    %add3A_6 = arith.addi %mul3A_4, %add3A_5 : i32
    %dma_start3A = arith.constant 0 : i32
    %dma_start3A_7 = tpu.memref_slice %arg4[%dma_start3A, %add3A_6] : memref<2x320000xi32, #tpu.memory_space<hbm>> -> memref<1x80xi32, #tpu.memory_space<hbm>>
    %dma_start3A_8 = tpu.memref_squeeze %dma_start3A_7 : memref<1x80xi32, #tpu.memory_space<hbm>> -> memref<80xi32, #tpu.memory_space<hbm>>
    %dma_start3A_9 = tpu.memref_slice %arg4[%dma_start3A, %add3A_6] : memref<2x320000xi32, #tpu.memory_space<hbm>> -> memref<1x80xi32, #tpu.memory_space<hbm>>
    %dma_start3A_10 = tpu.memref_squeeze %dma_start3A_9 : memref<1x80xi32, #tpu.memory_space<hbm>> -> memref<80xi32, #tpu.memory_space<hbm>>
    tpu.enqueue_dma source(%dma_start3A_10 : memref<80xi32, #tpu.memory_space<hbm>>) target(%arg6 : memref<80xi32, #tpu.memory_space<vmem>>) target_semaphore(%arg21 : memref<!tpu.dma_semaphore, #tpu.memory_space<semaphore_mem>>)
    %add3A_11 = arith.constant 0 : i32
    %add3A_12 = arith.addi %mul3A_4, %add3A_11 : i32
    %dma_start3A_13 = arith.constant 1 : i32
    %dma_start3A_14 = tpu.memref_slice %arg4[%dma_start3A_13, %add3A_12] : memref<2x320000xi32, #tpu.memory_space<hbm>> -> memref<1x80xi32, #tpu.memory_space<hbm>>
    %dma_start3A_15 = tpu.memref_squeeze %dma_start3A_14 : memref<1x80xi32, #tpu.memory_space<hbm>> -> memref<80xi32, #tpu.memory_space<hbm>>
    %dma_start3A_16 = tpu.memref_slice %arg4[%dma_start3A_13, %add3A_12] : memref<2x320000xi32, #tpu.memory_space<hbm>> -> memref<1x80xi32, #tpu.memory_space<hbm>>
    %dma_start3A_17 = tpu.memref_squeeze %dma_start3A_16 : memref<1x80xi32, #tpu.memory_space<hbm>> -> memref<80xi32, #tpu.memory_space<hbm>>
    tpu.enqueue_dma source(%dma_start3A_17 : memref<80xi32, #tpu.memory_space<hbm>>) target(%arg7 : memref<80xi32, #tpu.memory_space<vmem>>) target_semaphore(%arg21 : memref<!tpu.dma_semaphore, #tpu.memory_space<semaphore_mem>>)
    %add3A_18 = arith.constant 80 : i32
    %add3A_19 = arith.addi %mul3A_4, %add3A_18 : i32
    %dma_start3A_20 = arith.constant 0 : i32
    %dma_start3A_21 = tpu.memref_slice %arg4[%dma_start3A_20, %add3A_19] : memref<2x320000xi32, #tpu.memory_space<hbm>> -> memref<1x80xi32, #tpu.memory_space<hbm>>
    %dma_start3A_22 = tpu.memref_squeeze %dma_start3A_21 : memref<1x80xi32, #tpu.memory_space<hbm>> -> memref<80xi32, #tpu.memory_space<hbm>>
    %dma_start3A_23 = tpu.memref_slice %arg4[%dma_start3A_20, %add3A_19] : memref<2x320000xi32, #tpu.memory_space<hbm>> -> memref<1x80xi32, #tpu.memory_space<hbm>>
    %dma_start3A_24 = tpu.memref_squeeze %dma_start3A_23 : memref<1x80xi32, #tpu.memory_space<hbm>> -> memref<80xi32, #tpu.memory_space<hbm>>
    tpu.enqueue_dma source(%dma_start3A_24 : memref<80xi32, #tpu.memory_space<hbm>>) target(%arg9 : memref<80xi32, #tpu.memory_space<vmem>>) target_semaphore(%arg22 : memref<!tpu.dma_semaphore, #tpu.memory_space<semaphore_mem>>)
    %add3A_25 = arith.constant 80 : i32
    %add3A_26 = arith.addi %mul3A_4, %add3A_25 : i32
    %dma_start3A_27 = arith.constant 1 : i32
    %dma_start3A_28 = tpu.memref_slice %arg4[%dma_start3A_27, %add3A_26] : memref<2x320000xi32, #tpu.memory_space<hbm>> -> memref<1x80xi32, #tpu.memory_space<hbm>>
    %dma_start3A_29 = tpu.memref_squeeze %dma_start3A_28 : memref<1x80xi32, #tpu.memory_space<hbm>> -> memref<80xi32, #tpu.memory_space<hbm>>
    %dma_start3A_30 = tpu.memref_slice %arg4[%dma_start3A_27, %add3A_26] : memref<2x320000xi32, #tpu.memory_space<hbm>> -> memref<1x80xi32, #tpu.memory_space<hbm>>
    %dma_start3A_31 = tpu.memref_squeeze %dma_start3A_30 : memref<1x80xi32, #tpu.memory_space<hbm>> -> memref<80xi32, #tpu.memory_space<hbm>>
    tpu.enqueue_dma source(%dma_start3A_31 : memref<80xi32, #tpu.memory_space<hbm>>) target(%arg10 : memref<80xi32, #tpu.memory_space<vmem>>) target_semaphore(%arg22 : memref<!tpu.dma_semaphore, #tpu.memory_space<semaphore_mem>>)
    %scan3A = arith.constant 0 : i32
    %scan3A_32 = arith.constant 0 : i32
    %scan3A_33 = arith.constant 80 : i32
    %scan3A_34 = arith.addi %scan3A_32, %scan3A_33 : i32
    %scan3A_35 = arith.constant 1 : i32
    scf.for %scan3A_131 = %scan3A_32 to %scan3A_34 step %scan3A_35  : i32 {
      %broadcast_in_dim3A_132 = arith.constant 0.000000e+00 : f32
      %broadcast_in_dim3A_133 = vector.broadcast %broadcast_in_dim3A_132 : f32 to vector<16xf32>
      %swap3A_134 = arith.index_cast %scan3A_131 : i32 to index
      %swap3A_135 = arith.constant 0 : index
      %swap3A_136 = tpu.vector_load %arg16[%swap3A_134, %swap3A_135] {strides = array<i32>} : memref<80x128xf32, #tpu.memory_space<vmem>>, vector<1x16xf32>,
      %swap3A_137 = vector.shape_cast %swap3A_136 : vector<1x16xf32> to vector<16xf32>
      %swap3A_138 = vector.shape_cast %broadcast_in_dim3A_133 : vector<16xf32> to vector<1x16xf32>
      tpu.vector_store %arg16[%swap3A_134, %swap3A_135], %swap3A_138 {strides = array<i32>} : memref<80x128xf32, #tpu.memory_space<vmem>>, vector<1x16xf32>,
      %broadcast_in_dim3A_139 = arith.constant 0.000000e+00 : f32
      %broadcast_in_dim3A_140 = vector.broadcast %broadcast_in_dim3A_139 : f32 to vector<16xf32>
      %swap3A_141 = arith.index_cast %scan3A_131 : i32 to index
      %swap3A_142 = arith.constant 0 : index
      %swap3A_143 = tpu.vector_load %arg17[%swap3A_141, %swap3A_142] {strides = array<i32>} : memref<80x128xf32, #tpu.memory_space<vmem>>, vector<1x16xf32>,
      %swap3A_144 = vector.shape_cast %swap3A_143 : vector<1x16xf32> to vector<16xf32>
      %swap3A_145 = vector.shape_cast %broadcast_in_dim3A_140 : vector<16xf32> to vector<1x16xf32>
      tpu.vector_store %arg17[%swap3A_141, %swap3A_142], %swap3A_145 {strides = array<i32>} : memref<80x128xf32, #tpu.memory_space<vmem>>, vector<1x16xf32>,
      %broadcast_in_dim3A_146 = arith.constant 0.000000e+00 : f32
      %broadcast_in_dim3A_147 = vector.broadcast %broadcast_in_dim3A_146 : f32 to vector<16xf32>
      %swap3A_148 = arith.index_cast %scan3A_131 : i32 to index
      %swap3A_149 = arith.constant 16 : index
      %swap3A_150 = tpu.vector_load %arg16[%swap3A_148, %swap3A_149] {strides = array<i32>} : memref<80x128xf32, #tpu.memory_space<vmem>>, vector<1x16xf32>,
      %swap3A_151 = vector.shape_cast %swap3A_150 : vector<1x16xf32> to vector<16xf32>
      %swap3A_152 = vector.shape_cast %broadcast_in_dim3A_147 : vector<16xf32> to vector<1x16xf32>
      tpu.vector_store %arg16[%swap3A_148, %swap3A_149], %swap3A_152 {strides = array<i32>} : memref<80x128xf32, #tpu.memory_space<vmem>>, vector<1x16xf32>,
      %broadcast_in_dim3A_153 = arith.constant 0.000000e+00 : f32
      %broadcast_in_dim3A_154 = vector.broadcast %broadcast_in_dim3A_153 : f32 to vector<16xf32>
      %swap3A_155 = arith.index_cast %scan3A_131 : i32 to index
      %swap3A_156 = arith.constant 16 : index
      %swap3A_157 = tpu.vector_load %arg17[%swap3A_155, %swap3A_156] {strides = array<i32>} : memref<80x128xf32, #tpu.memory_space<vmem>>, vector<1x16xf32>,
      %swap3A_158 = vector.shape_cast %swap3A_157 : vector<1x16xf32> to vector<16xf32>
      %swap3A_159 = vector.shape_cast %broadcast_in_dim3A_154 : vector<16xf32> to vector<1x16xf32>
      tpu.vector_store %arg17[%swap3A_155, %swap3A_156], %swap3A_159 {strides = array<i32>} : memref<80x128xf32, #tpu.memory_space<vmem>>, vector<1x16xf32>,
      %broadcast_in_dim3A_160 = arith.constant 0.000000e+00 : f32
      %broadcast_in_dim3A_161 = vector.broadcast %broadcast_in_dim3A_160 : f32 to vector<16xf32>
      %swap3A_162 = arith.index_cast %scan3A_131 : i32 to index
      %swap3A_163 = arith.constant 32 : index
      %swap3A_164 = tpu.vector_load %arg16[%swap3A_162, %swap3A_163] {strides = array<i32>} : memref<80x128xf32, #tpu.memory_space<vmem>>, vector<1x16xf32>,
      %swap3A_165 = vector.shape_cast %swap3A_164 : vector<1x16xf32> to vector<16xf32>
      %swap3A_166 = vector.shape_cast %broadcast_in_dim3A_161 : vector<16xf32> to vector<1x16xf32>
      tpu.vector_store %arg16[%swap3A_162, %swap3A_163], %swap3A_166 {strides = array<i32>} : memref<80x128xf32, #tpu.memory_space<vmem>>, vector<1x16xf32>,
      %broadcast_in_dim3A_167 = arith.constant 0.000000e+00 : f32
      %broadcast_in_dim3A_168 = vector.broadcast %broadcast_in_dim3A_167 : f32 to vector<16xf32>
      %swap3A_169 = arith.index_cast %scan3A_131 : i32 to index
      %swap3A_170 = arith.constant 32 : index
      %swap3A_171 = tpu.vector_load %arg17[%swap3A_169, %swap3A_170] {strides = array<i32>} : memref<80x128xf32, #tpu.memory_space<vmem>>, vector<1x16xf32>,
      %swap3A_172 = vector.shape_cast %swap3A_171 : vector<1x16xf32> to vector<16xf32>
      %swap3A_173 = vector.shape_cast %broadcast_in_dim3A_168 : vector<16xf32> to vector<1x16xf32>
      tpu.vector_store %arg17[%swap3A_169, %swap3A_170], %swap3A_173 {strides = array<i32>} : memref<80x128xf32, #tpu.memory_space<vmem>>, vector<1x16xf32>,
      %broadcast_in_dim3A_174 = arith.constant 0.000000e+00 : f32
      %broadcast_in_dim3A_175 = vector.broadcast %broadcast_in_dim3A_174 : f32 to vector<16xf32>
      %swap3A_176 = arith.index_cast %scan3A_131 : i32 to index
      %swap3A_177 = arith.constant 48 : index
      %swap3A_178 = tpu.vector_load %arg16[%swap3A_176, %swap3A_177] {strides = array<i32>} : memref<80x128xf32, #tpu.memory_space<vmem>>, vector<1x16xf32>,
      %swap3A_179 = vector.shape_cast %swap3A_178 : vector<1x16xf32> to vector<16xf32>
      %swap3A_180 = vector.shape_cast %broadcast_in_dim3A_175 : vector<16xf32> to vector<1x16xf32>
      tpu.vector_store %arg16[%swap3A_176, %swap3A_177], %swap3A_180 {strides = array<i32>} : memref<80x128xf32, #tpu.memory_space<vmem>>, vector<1x16xf32>,
      %broadcast_in_dim3A_181 = arith.constant 0.000000e+00 : f32
      %broadcast_in_dim3A_182 = vector.broadcast %broadcast_in_dim3A_181 : f32 to vector<16xf32>
      %swap3A_183 = arith.index_cast %scan3A_131 : i32 to index
      %swap3A_184 = arith.constant 48 : index
      %swap3A_185 = tpu.vector_load %arg17[%swap3A_183, %swap3A_184] {strides = array<i32>} : memref<80x128xf32, #tpu.memory_space<vmem>>, vector<1x16xf32>,
      %swap3A_186 = vector.shape_cast %swap3A_185 : vector<1x16xf32> to vector<16xf32>
      %swap3A_187 = vector.shape_cast %broadcast_in_dim3A_182 : vector<16xf32> to vector<1x16xf32>
      tpu.vector_store %arg17[%swap3A_183, %swap3A_184], %swap3A_187 {strides = array<i32>} : memref<80x128xf32, #tpu.memory_space<vmem>>, vector<1x16xf32>,
      %broadcast_in_dim3A_188 = arith.constant 0.000000e+00 : f32
      %broadcast_in_dim3A_189 = vector.broadcast %broadcast_in_dim3A_188 : f32 to vector<16xf32>
      %swap3A_190 = arith.index_cast %scan3A_131 : i32 to index
      %swap3A_191 = arith.constant 64 : index
      %swap3A_192 = tpu.vector_load %arg16[%swap3A_190, %swap3A_191] {strides = array<i32>} : memref<80x128xf32, #tpu.memory_space<vmem>>, vector<1x16xf32>,
      %swap3A_193 = vector.shape_cast %swap3A_192 : vector<1x16xf32> to vector<16xf32>
      %swap3A_194 = vector.shape_cast %broadcast_in_dim3A_189 : vector<16xf32> to vector<1x16xf32>
      tpu.vector_store %arg16[%swap3A_190, %swap3A_191], %swap3A_194 {strides = array<i32>} : memref<80x128xf32, #tpu.memory_space<vmem>>, vector<1x16xf32>,
      %broadcast_in_dim3A_195 = arith.constant 0.000000e+00 : f32
      %broadcast_in_dim3A_196 = vector.broadcast %broadcast_in_dim3A_195 : f32 to vector<16xf32>
      %swap3A_197 = arith.index_cast %scan3A_131 : i32 to index
      %swap3A_198 = arith.constant 64 : index
      %swap3A_199 = tpu.vector_load %arg17[%swap3A_197, %swap3A_198] {strides = array<i32>} : memref<80x128xf32, #tpu.memory_space<vmem>>, vector<1x16xf32>,
      %swap3A_200 = vector.shape_cast %swap3A_199 : vector<1x16xf32> to vector<16xf32>
      %swap3A_201 = vector.shape_cast %broadcast_in_dim3A_196 : vector<16xf32> to vector<1x16xf32>
      tpu.vector_store %arg17[%swap3A_197, %swap3A_198], %swap3A_201 {strides = array<i32>} : memref<80x128xf32, #tpu.memory_space<vmem>>, vector<1x16xf32>,
      %broadcast_in_dim3A_202 = arith.constant 0.000000e+00 : f32
      %broadcast_in_dim3A_203 = vector.broadcast %broadcast_in_dim3A_202 : f32 to vector<16xf32>
      %swap3A_204 = arith.index_cast %scan3A_131 : i32 to index
      %swap3A_205 = arith.constant 80 : index
      %swap3A_206 = tpu.vector_load %arg16[%swap3A_204, %swap3A_205] {strides = array<i32>} : memref<80x128xf32, #tpu.memory_space<vmem>>, vector<1x16xf32>,
      %swap3A_207 = vector.shape_cast %swap3A_206 : vector<1x16xf32> to vector<16xf32>
      %swap3A_208 = vector.shape_cast %broadcast_in_dim3A_203 : vector<16xf32> to vector<1x16xf32>
      tpu.vector_store %arg16[%swap3A_204, %swap3A_205], %swap3A_208 {strides = array<i32>} : memref<80x128xf32, #tpu.memory_space<vmem>>, vector<1x16xf32>,
      %broadcast_in_dim3A_209 = arith.constant 0.000000e+00 : f32
      %broadcast_in_dim3A_210 = vector.broadcast %broadcast_in_dim3A_209 : f32 to vector<16xf32>
      %swap3A_211 = arith.index_cast %scan3A_131 : i32 to index
      %swap3A_212 = arith.constant 80 : index
      %swap3A_213 = tpu.vector_load %arg17[%swap3A_211, %swap3A_212] {strides = array<i32>} : memref<80x128xf32, #tpu.memory_space<vmem>>, vector<1x16xf32>,
      %swap3A_214 = vector.shape_cast %swap3A_213 : vector<1x16xf32> to vector<16xf32>
      %swap3A_215 = vector.shape_cast %broadcast_in_dim3A_210 : vector<16xf32> to vector<1x16xf32>
      tpu.vector_store %arg17[%swap3A_211, %swap3A_212], %swap3A_215 {strides = array<i32>} : memref<80x128xf32, #tpu.memory_space<vmem>>, vector<1x16xf32>,
      %broadcast_in_dim3A_216 = arith.constant 0.000000e+00 : f32
      %broadcast_in_dim3A_217 = vector.broadcast %broadcast_in_dim3A_216 : f32 to vector<16xf32>
      %swap3A_218 = arith.index_cast %scan3A_131 : i32 to index
      %swap3A_219 = arith.constant 96 : index
      %swap3A_220 = tpu.vector_load %arg16[%swap3A_218, %swap3A_219] {strides = array<i32>} : memref<80x128xf32, #tpu.memory_space<vmem>>, vector<1x16xf32>,
      %swap3A_221 = vector.shape_cast %swap3A_220 : vector<1x16xf32> to vector<16xf32>
      %swap3A_222 = vector.shape_cast %broadcast_in_dim3A_217 : vector<16xf32> to vector<1x16xf32>
      tpu.vector_store %arg16[%swap3A_218, %swap3A_219], %swap3A_222 {strides = array<i32>} : memref<80x128xf32, #tpu.memory_space<vmem>>, vector<1x16xf32>,
      %broadcast_in_dim3A_223 = arith.constant 0.000000e+00 : f32
      %broadcast_in_dim3A_224 = vector.broadcast %broadcast_in_dim3A_223 : f32 to vector<16xf32>
      %swap3A_225 = arith.index_cast %scan3A_131 : i32 to index
      %swap3A_226 = arith.constant 96 : index
      %swap3A_227 = tpu.vector_load %arg17[%swap3A_225, %swap3A_226] {strides = array<i32>} : memref<80x128xf32, #tpu.memory_space<vmem>>, vector<1x16xf32>,
      %swap3A_228 = vector.shape_cast %swap3A_227 : vector<1x16xf32> to vector<16xf32>
      %swap3A_229 = vector.shape_cast %broadcast_in_dim3A_224 : vector<16xf32> to vector<1x16xf32>
      tpu.vector_store %arg17[%swap3A_225, %swap3A_226], %swap3A_229 {strides = array<i32>} : memref<80x128xf32, #tpu.memory_space<vmem>>, vector<1x16xf32>,
      %broadcast_in_dim3A_230 = arith.constant 0.000000e+00 : f32
      %broadcast_in_dim3A_231 = vector.broadcast %broadcast_in_dim3A_230 : f32 to vector<16xf32>
      %swap3A_232 = arith.index_cast %scan3A_131 : i32 to index
      %swap3A_233 = arith.constant 112 : index
      %swap3A_234 = tpu.vector_load %arg16[%swap3A_232, %swap3A_233] {strides = array<i32>} : memref<80x128xf32, #tpu.memory_space<vmem>>, vector<1x16xf32>,
      %swap3A_235 = vector.shape_cast %swap3A_234 : vector<1x16xf32> to vector<16xf32>
      %swap3A_236 = vector.shape_cast %broadcast_in_dim3A_231 : vector<16xf32> to vector<1x16xf32>
      tpu.vector_store %arg16[%swap3A_232, %swap3A_233], %swap3A_236 {strides = array<i32>} : memref<80x128xf32, #tpu.memory_space<vmem>>, vector<1x16xf32>,
      %broadcast_in_dim3A_237 = arith.constant 0.000000e+00 : f32
      %broadcast_in_dim3A_238 = vector.broadcast %broadcast_in_dim3A_237 : f32 to vector<16xf32>
      %swap3A_239 = arith.index_cast %scan3A_131 : i32 to index
      %swap3A_240 = arith.constant 112 : index
      %swap3A_241 = tpu.vector_load %arg17[%swap3A_239, %swap3A_240] {strides = array<i32>} : memref<80x128xf32, #tpu.memory_space<vmem>>, vector<1x16xf32>,
      %swap3A_242 = vector.shape_cast %swap3A_241 : vector<1x16xf32> to vector<16xf32>
      %swap3A_243 = vector.shape_cast %broadcast_in_dim3A_238 : vector<16xf32> to vector<1x16xf32>
      tpu.vector_store %arg17[%swap3A_239, %swap3A_240], %swap3A_243 {strides = array<i32>} : memref<80x128xf32, #tpu.memory_space<vmem>>, vector<1x16xf32>,
    }
    %scan3A_36 = arith.constant 80 : i32
    %scan3A_37 = arith.constant 0 : i32
    %scan3A_38 = arith.constant 0 : i32
    %scan3A_39 = arith.constant 8 : i32
    %scan3A_40 = arith.addi %scan3A_38, %scan3A_39 : i32
    %scan3A_41 = arith.constant 1 : i32
    scf.for %scan3A_131 = %scan3A_38 to %scan3A_40 step %scan3A_41  : i32 {
      %mul3A_132 = arith.constant 80 : i32
      %mul3A_133 = arith.muli %scan3A_131, %mul3A_132 : i32
      %add3A_134 = arith.addi %mul3A_2, %mul3A_133 : i32
      "tpu.region"() ({
        %run_scoped3A = tpu.sem_alloc : memref<!tpu.dma_semaphore, #tpu.memory_space<semaphore_mem>>
        %dma_start3A_135 = arith.constant 0 : i32
        %dma_start3A_136 = tpu.memref_slice %arg18[%add3A_134, %dma_start3A_135] : memref<10240x128xf32, #tpu.memory_space<vmem_shared>> -> memref<80x128xf32, #tpu.memory_space<vmem_shared>>
        %dma_start3A_137 = arith.constant 0 : i32
        %dma_start3A_138 = tpu.memref_slice %arg18[%add3A_134, %dma_start3A_137] : memref<10240x128xf32, #tpu.memory_space<vmem_shared>> -> memref<80x128xf32, #tpu.memory_space<vmem_shared>>
        tpu.enqueue_dma source(%arg16 : memref<80x128xf32, #tpu.memory_space<vmem>>) target(%dma_start3A_138 : memref<80x128xf32, #tpu.memory_space<vmem_shared>>) target_semaphore(%run_scoped3A : memref<!tpu.dma_semaphore, #tpu.memory_space<semaphore_mem>>)
        %dma_wait3A_139 = arith.constant 0 : i32
        %dma_wait3A_140 = tpu.memref_slice %arg18[%add3A_134, %dma_wait3A_139] : memref<10240x128xf32, #tpu.memory_space<vmem_shared>> -> memref<80x128xf32, #tpu.memory_space<vmem_shared>>
        %dma_wait3A_141 = arith.constant 0 : i32
        %dma_wait3A_142 = tpu.memref_slice %arg18[%add3A_134, %dma_wait3A_141] : memref<10240x128xf32, #tpu.memory_space<vmem_shared>> -> memref<80x128xf32, #tpu.memory_space<vmem_shared>>
        tpu.wait_dma2 semaphore(%run_scoped3A : memref<!tpu.dma_semaphore, #tpu.memory_space<semaphore_mem>>) src(%arg16 : memref<80x128xf32, #tpu.memory_space<vmem>>) dst(%dma_wait3A_142 : memref<80x128xf32, #tpu.memory_space<vmem_shared>>)
        tpu.yield
      }) : () -> ()
    }
    %scan3A_42 = arith.constant 8 : i32
    %dma_wait3A = arith.constant 0 : i32
    %dma_wait3A_43 = arith.constant 0 : i32
    %dma_wait3A_44 = tpu.memref_slice %arg4[%dma_wait3A, %dma_wait3A_43] : memref<2x320000xi32, #tpu.memory_space<hbm>> -> memref<1x80xi32, #tpu.memory_space<hbm>>
    %dma_wait3A_45 = tpu.memref_squeeze %dma_wait3A_44 : memref<1x80xi32, #tpu.memory_space<hbm>> -> memref<80xi32, #tpu.memory_space<hbm>>
    %dma_wait3A_46 = arith.constant 0 : i32
    %dma_wait3A_47 = tpu.memref_slice %arg4[%dma_wait3A, %dma_wait3A_46] : memref<2x320000xi32, #tpu.memory_space<hbm>> -> memref<1x80xi32, #tpu.memory_space<hbm>>
    %dma_wait3A_48 = tpu.memref_squeeze %dma_wait3A_47 : memref<1x80xi32, #tpu.memory_space<hbm>> -> memref<80xi32, #tpu.memory_space<hbm>>
    tpu.wait_dma2 semaphore(%arg21 : memref<!tpu.dma_semaphore, #tpu.memory_space<semaphore_mem>>) src(%dma_wait3A_48 : memref<80xi32, #tpu.memory_space<hbm>>) dst(%arg6 : memref<80xi32, #tpu.memory_space<vmem>>)
    %dma_wait3A_49 = arith.constant 1 : i32
    %dma_wait3A_50 = arith.constant 0 : i32
    %dma_wait3A_51 = tpu.memref_slice %arg4[%dma_wait3A_49, %dma_wait3A_50] : memref<2x320000xi32, #tpu.memory_space<hbm>> -> memref<1x80xi32, #tpu.memory_space<hbm>>
    %dma_wait3A_52 = tpu.memref_squeeze %dma_wait3A_51 : memref<1x80xi32, #tpu.memory_space<hbm>> -> memref<80xi32, #tpu.memory_space<hbm>>
    %dma_wait3A_53 = arith.constant 0 : i32
    %dma_wait3A_54 = tpu.memref_slice %arg4[%dma_wait3A_49, %dma_wait3A_53] : memref<2x320000xi32, #tpu.memory_space<hbm>> -> memref<1x80xi32, #tpu.memory_space<hbm>>
    %dma_wait3A_55 = tpu.memref_squeeze %dma_wait3A_54 : memref<1x80xi32, #tpu.memory_space<hbm>> -> memref<80xi32, #tpu.memory_space<hbm>>
    tpu.wait_dma2 semaphore(%arg21 : memref<!tpu.dma_semaphore, #tpu.memory_space<semaphore_mem>>) src(%dma_wait3A_55 : memref<80xi32, #tpu.memory_space<hbm>>) dst(%arg7 : memref<80xi32, #tpu.memory_space<vmem>>)
    %dma_start3A_56 = arith.constant 0 : i32
    %dma_start3A_57 = arith.constant 0 : i32
    %dma_start3A_58 = tpu.memref_slice %arg2[%dma_start3A_56, %dma_start3A_57] : memref<10000x48xf32, #tpu.memory_space<hbm>> -> memref<10000x48xf32, #tpu.memory_space<hbm>>
    tpu.enqueue_indirect_dma source(%dma_start3A_58 : memref<10000x48xf32, #tpu.memory_space<hbm>>) target(%arg12 : memref<80x48xf32, #tpu.memory_space<vmem>>) offsets(%arg6 : memref<80xi32, #tpu.memory_space<vmem>>) semaphore(%arg19 : memref<!tpu.dma_semaphore, #tpu.memory_space<semaphore_mem>>)
    %dma_start3A_59 = arith.constant 0 : i32
    %dma_start3A_60 = arith.constant 0 : i32
    %dma_start3A_61 = tpu.memref_slice %arg3[%dma_start3A_59, %dma_start3A_60] : memref<10000x16xf32, #tpu.memory_space<hbm>> -> memref<10000x16xf32, #tpu.memory_space<hbm>>
    tpu.enqueue_indirect_dma source(%dma_start3A_61 : memref<10000x16xf32, #tpu.memory_space<hbm>>) target(%arg13 : memref<80x16xf32, #tpu.memory_space<vmem>>) offsets(%arg7 : memref<80xi32, #tpu.memory_space<vmem>>) semaphore(%arg19 : memref<!tpu.dma_semaphore, #tpu.memory_space<semaphore_mem>>)
    %dma_wait3A_62 = arith.constant 0 : i32
    %dma_wait3A_63 = arith.constant 0 : i32
    %dma_wait3A_64 = tpu.memref_slice %arg4[%dma_wait3A_62, %dma_wait3A_63] : memref<2x320000xi32, #tpu.memory_space<hbm>> -> memref<1x80xi32, #tpu.memory_space<hbm>>
    %dma_wait3A_65 = tpu.memref_squeeze %dma_wait3A_64 : memref<1x80xi32, #tpu.memory_space<hbm>> -> memref<80xi32, #tpu.memory_space<hbm>>
    %dma_wait3A_66 = arith.constant 0 : i32
    %dma_wait3A_67 = tpu.memref_slice %arg4[%dma_wait3A_62, %dma_wait3A_66] : memref<2x320000xi32, #tpu.memory_space<hbm>> -> memref<1x80xi32, #tpu.memory_space<hbm>>
    %dma_wait3A_68 = tpu.memref_squeeze %dma_wait3A_67 : memref<1x80xi32, #tpu.memory_space<hbm>> -> memref<80xi32, #tpu.memory_space<hbm>>
    tpu.wait_dma2 semaphore(%arg22 : memref<!tpu.dma_semaphore, #tpu.memory_space<semaphore_mem>>) src(%dma_wait3A_68 : memref<80xi32, #tpu.memory_space<hbm>>) dst(%arg9 : memref<80xi32, #tpu.memory_space<vmem>>)
    %dma_wait3A_69 = arith.constant 1 : i32
    %dma_wait3A_70 = arith.constant 0 : i32
    %dma_wait3A_71 = tpu.memref_slice %arg4[%dma_wait3A_69, %dma_wait3A_70] : memref<2x320000xi32, #tpu.memory_space<hbm>> -> memref<1x80xi32, #tpu.memory_space<hbm>>
    %dma_wait3A_72 = tpu.memref_squeeze %dma_wait3A_71 : memref<1x80xi32, #tpu.memory_space<hbm>> -> memref<80xi32, #tpu.memory_space<hbm>>
    %dma_wait3A_73 = arith.constant 0 : i32
    %dma_wait3A_74 = tpu.memref_slice %arg4[%dma_wait3A_69, %dma_wait3A_73] : memref<2x320000xi32, #tpu.memory_space<hbm>> -> memref<1x80xi32, #tpu.memory_space<hbm>>
    %dma_wait3A_75 = tpu.memref_squeeze %dma_wait3A_74 : memref<1x80xi32, #tpu.memory_space<hbm>> -> memref<80xi32, #tpu.memory_space<hbm>>
    tpu.wait_dma2 semaphore(%arg22 : memref<!tpu.dma_semaphore, #tpu.memory_space<semaphore_mem>>) src(%dma_wait3A_75 : memref<80xi32, #tpu.memory_space<hbm>>) dst(%arg10 : memref<80xi32, #tpu.memory_space<vmem>>)
    %dma_start3A_76 = arith.constant 0 : i32
    %dma_start3A_77 = arith.constant 0 : i32
    %dma_start3A_78 = tpu.memref_slice %arg2[%dma_start3A_76, %dma_start3A_77] : memref<10000x48xf32, #tpu.memory_space<hbm>> -> memref<10000x48xf32, #tpu.memory_space<hbm>>
    tpu.enqueue_indirect_dma source(%dma_start3A_78 : memref<10000x48xf32, #tpu.memory_space<hbm>>) target(%arg14 : memref<80x48xf32, #tpu.memory_space<vmem>>) offsets(%arg9 : memref<80xi32, #tpu.memory_space<vmem>>) semaphore(%arg20 : memref<!tpu.dma_semaphore, #tpu.memory_space<semaphore_mem>>)
    %dma_start3A_79 = arith.constant 0 : i32
    %dma_start3A_80 = arith.constant 0 : i32
    %dma_start3A_81 = tpu.memref_slice %arg3[%dma_start3A_79, %dma_start3A_80] : memref<10000x16xf32, #tpu.memory_space<hbm>> -> memref<10000x16xf32, #tpu.memory_space<hbm>>
    tpu.enqueue_indirect_dma source(%dma_start3A_81 : memref<10000x16xf32, #tpu.memory_space<hbm>>) target(%arg15 : memref<80x16xf32, #tpu.memory_space<vmem>>) offsets(%arg10 : memref<80xi32, #tpu.memory_space<vmem>>) semaphore(%arg20 : memref<!tpu.dma_semaphore, #tpu.memory_space<semaphore_mem>>)
    %barrier3A = arith.constant 0 : index
    tpu.barrier barrier_id(%barrier3A)
    %scan3A_82 = arith.constant 0 : i32
    %scan3A_83 = arith.constant 0 : i32
    %scan3A_84 = arith.constant 62 : i32
    %scan3A_85 = arith.addi %scan3A_83, %scan3A_84 : i32
    %scan3A_86 = arith.constant 1 : i32
    scf.for %scan3A_131 = %scan3A_83 to %scan3A_85 step %scan3A_86  : i32 {
      %mul3A_132 = arith.constant 2 : i32
      %mul3A_133 = arith.muli %mul3A_132, %scan3A_131 : i32
      %dma_wait3A_134 = arith.constant 0 : i32
      %dma_wait3A_135 = arith.constant 0 : i32
      %dma_wait3A_136 = tpu.memref_slice %arg2[%dma_wait3A_134, %dma_wait3A_135] : memref<10000x48xf32, #tpu.memory_space<hbm>> -> memref<10000x48xf32, #tpu.memory_space<hbm>>
      tpu.wait_indirect_dma semaphore(%arg19 : memref<!tpu.dma_semaphore, #tpu.memory_space<semaphore_mem>>) src(%dma_wait3A_136 : memref<10000x48xf32, #tpu.memory_space<hbm>>) dst(%arg12 : memref<80x48xf32, #tpu.memory_space<vmem>>)
      %dma_wait3A_137 = arith.constant 0 : i32
      %dma_wait3A_138 = arith.constant 0 : i32
      %dma_wait3A_139 = tpu.memref_slice %arg3[%dma_wait3A_137, %dma_wait3A_138] : memref<10000x16xf32, #tpu.memory_space<hbm>> -> memref<10000x16xf32, #tpu.memory_space<hbm>>
      tpu.wait_indirect_dma semaphore(%arg19 : memref<!tpu.dma_semaphore, #tpu.memory_space<semaphore_mem>>) src(%dma_wait3A_139 : memref<10000x16xf32, #tpu.memory_space<hbm>>) dst(%arg13 : memref<80x16xf32, #tpu.memory_space<vmem>>)
      %get3A_140 = arith.constant 0 : index
      %get3A_141 = tpu.vector_load %arg7[%get3A_140] {strides = array<i32>} : memref<80xi32, #tpu.memory_space<vmem>>, vector<16xi32>,
      %get3A_142 = vector.shape_cast %get3A_141 : vector<16xi32> to vector<16xi32>
      %swap3A_143 = arith.constant 0 : index
      %swap3A_144 = tpu.vector_load %arg8[%swap3A_143] {strides = array<i32>} : memref<80xi32, #tpu.memory_space<vmem>>, vector<16xi32>,
      %swap3A_145 = vector.shape_cast %swap3A_144 : vector<16xi32> to vector<16xi32>
      %swap3A_146 = vector.shape_cast %get3A_142 : vector<16xi32> to vector<16xi32>
      tpu.vector_store %arg8[%swap3A_143], %swap3A_146 {strides = array<i32>} : memref<80xi32, #tpu.memory_space<vmem>>, vector<16xi32>,
      %get3A_147 = arith.constant 16 : index
      %get3A_148 = tpu.vector_load %arg7[%get3A_147] {strides = array<i32>} : memref<80xi32, #tpu.memory_space<vmem>>, vector<16xi32>,
      %get3A_149 = vector.shape_cast %get3A_148 : vector<16xi32> to vector<16xi32>
      %swap3A_150 = arith.constant 16 : index
      %swap3A_151 = tpu.vector_load %arg8[%swap3A_150] {strides = array<i32>} : memref<80xi32, #tpu.memory_space<vmem>>, vector<16xi32>,
      %swap3A_152 = vector.shape_cast %swap3A_151 : vector<16xi32> to vector<16xi32>
      %swap3A_153 = vector.shape_cast %get3A_149 : vector<16xi32> to vector<16xi32>
      tpu.vector_store %arg8[%swap3A_150], %swap3A_153 {strides = array<i32>} : memref<80xi32, #tpu.memory_space<vmem>>, vector<16xi32>,
      %get3A_154 = arith.constant 32 : index
      %get3A_155 = tpu.vector_load %arg7[%get3A_154] {strides = array<i32>} : memref<80xi32, #tpu.memory_space<vmem>>, vector<16xi32>,
      %get3A_156 = vector.shape_cast %get3A_155 : vector<16xi32> to vector<16xi32>
      %swap3A_157 = arith.constant 32 : index
      %swap3A_158 = tpu.vector_load %arg8[%swap3A_157] {strides = array<i32>} : memref<80xi32, #tpu.memory_space<vmem>>, vector<16xi32>,
      %swap3A_159 = vector.shape_cast %swap3A_158 : vector<16xi32> to vector<16xi32>
      %swap3A_160 = vector.shape_cast %get3A_156 : vector<16xi32> to vector<16xi32>
      tpu.vector_store %arg8[%swap3A_157], %swap3A_160 {strides = array<i32>} : memref<80xi32, #tpu.memory_space<vmem>>, vector<16xi32>,
      %get3A_161 = arith.constant 48 : index
      %get3A_162 = tpu.vector_load %arg7[%get3A_161] {strides = array<i32>} : memref<80xi32, #tpu.memory_space<vmem>>, vector<16xi32>,
      %get3A_163 = vector.shape_cast %get3A_162 : vector<16xi32> to vector<16xi32>
      %swap3A_164 = arith.constant 48 : index
      %swap3A_165 = tpu.vector_load %arg8[%swap3A_164] {strides = array<i32>} : memref<80xi32, #tpu.memory_space<vmem>>, vector<16xi32>,
      %swap3A_166 = vector.shape_cast %swap3A_165 : vector<16xi32> to vector<16xi32>
      %swap3A_167 = vector.shape_cast %get3A_163 : vector<16xi32> to vector<16xi32>
      tpu.vector_store %arg8[%swap3A_164], %swap3A_167 {strides = array<i32>} : memref<80xi32, #tpu.memory_space<vmem>>, vector<16xi32>,
      %get3A_168 = arith.constant 64 : index
      %get3A_169 = tpu.vector_load %arg7[%get3A_168] {strides = array<i32>} : memref<80xi32, #tpu.memory_space<vmem>>, vector<16xi32>,
      %get3A_170 = vector.shape_cast %get3A_169 : vector<16xi32> to vector<16xi32>
      %swap3A_171 = arith.constant 64 : index
      %swap3A_172 = tpu.vector_load %arg8[%swap3A_171] {strides = array<i32>} : memref<80xi32, #tpu.memory_space<vmem>>, vector<16xi32>,
      %swap3A_173 = vector.shape_cast %swap3A_172 : vector<16xi32> to vector<16xi32>
      %swap3A_174 = vector.shape_cast %get3A_170 : vector<16xi32> to vector<16xi32>
      tpu.vector_store %arg8[%swap3A_171], %swap3A_174 {strides = array<i32>} : memref<80xi32, #tpu.memory_space<vmem>>, vector<16xi32>,
      %add3A_175 = arith.constant 2 : i32
      %add3A_176 = arith.addi %mul3A_133, %add3A_175 : i32
      %lt3A = arith.constant 125 : i32
      %lt3A_177 = arith.cmpi slt, %add3A_176, %lt3A : i32
      %convert_element_type3A = arith.extui %lt3A_177 : i1 to i32
      %cond3A = arith.constant 0 : i32
      %cond3A_178 = arith.cmpi ne, %convert_element_type3A, %cond3A : i32
      scf.if %cond3A_178 {
        %mul3A_249 = arith.constant 80 : i32
        %mul3A_250 = arith.muli %add3A_176, %mul3A_249 : i32
        %add3A_251 = arith.addi %mul3A_4, %mul3A_250 : i32
        %dma_start3A_252 = arith.constant 0 : i32
        %dma_start3A_253 = tpu.memref_slice %arg4[%dma_start3A_252, %add3A_251] : memref<2x320000xi32, #tpu.memory_space<hbm>> -> memref<1x80xi32, #tpu.memory_space<hbm>>
        %dma_start3A_254 = tpu.memref_squeeze %dma_start3A_253 : memref<1x80xi32, #tpu.memory_space<hbm>> -> memref<80xi32, #tpu.memory_space<hbm>>
        %dma_start3A_255 = tpu.memref_slice %arg4[%dma_start3A_252, %add3A_251] : memref<2x320000xi32, #tpu.memory_space<hbm>> -> memref<1x80xi32, #tpu.memory_space<hbm>>
        %dma_start3A_256 = tpu.memref_squeeze %dma_start3A_255 : memref<1x80xi32, #tpu.memory_space<hbm>> -> memref<80xi32, #tpu.memory_space<hbm>>
        tpu.enqueue_dma source(%dma_start3A_256 : memref<80xi32, #tpu.memory_space<hbm>>) target(%arg6 : memref<80xi32, #tpu.memory_space<vmem>>) target_semaphore(%arg21 : memref<!tpu.dma_semaphore, #tpu.memory_space<semaphore_mem>>)
        %mul3A_257 = arith.constant 80 : i32
        %mul3A_258 = arith.muli %add3A_176, %mul3A_257 : i32
        %add3A_259 = arith.addi %mul3A_4, %mul3A_258 : i32
        %dma_start3A_260 = arith.constant 1 : i32
        %dma_start3A_261 = tpu.memref_slice %arg4[%dma_start3A_260, %add3A_259] : memref<2x320000xi32, #tpu.memory_space<hbm>> -> memref<1x80xi32, #tpu.memory_space<hbm>>
        %dma_start3A_262 = tpu.memref_squeeze %dma_start3A_261 : memref<1x80xi32, #tpu.memory_space<hbm>> -> memref<80xi32, #tpu.memory_space<hbm>>
        %dma_start3A_263 = tpu.memref_slice %arg4[%dma_start3A_260, %add3A_259] : memref<2x320000xi32, #tpu.memory_space<hbm>> -> memref<1x80xi32, #tpu.memory_space<hbm>>
        %dma_start3A_264 = tpu.memref_squeeze %dma_start3A_263 : memref<1x80xi32, #tpu.memory_space<hbm>> -> memref<80xi32, #tpu.memory_space<hbm>>
        tpu.enqueue_dma source(%dma_start3A_264 : memref<80xi32, #tpu.memory_space<hbm>>) target(%arg7 : memref<80xi32, #tpu.memory_space<vmem>>) target_semaphore(%arg21 : memref<!tpu.dma_semaphore, #tpu.memory_space<semaphore_mem>>)
      } else {
      }
      %broadcast_in_dim3A_179 = arith.constant 9 : i32
      %broadcast_in_dim3A_180 = vector.broadcast %broadcast_in_dim3A_179 : i32 to vector<16xi32>
      %parallel_loop3A_181 = arith.constant 0 : i32
      %parallel_loop3A_182 = arith.constant 80 : i32
      %parallel_loop3A_183 = arith.constant 1 : i32
      scf.for %parallel_loop3A_249 = %parallel_loop3A_181 to %parallel_loop3A_182 step %parallel_loop3A_183  : i32 {
        %parallel_loop3A_250 = arith.index_cast %parallel_loop3A_249 : i32 to index
        %parallel_loop3A_251 = arith.constant 32 : index
        %parallel_loop3A_252 = tpu.vector_load %arg12[%parallel_loop3A_250, %parallel_loop3A_251] {strides = array<i32>} : memref<80x48xf32, #tpu.memory_space<vmem>>, vector<1x16xf32>,
        %parallel_loop3A_253 = vector.shape_cast %parallel_loop3A_252 : vector<1x16xf32> to vector<16xf32>
        %parallel_loop3A_254 = vector.shape_cast %broadcast_in_dim3A_180 : vector<16xi32> to vector<16x1xi32>
        %parallel_loop3A_255 = vector.shape_cast %parallel_loop3A_254 : vector<16x1xi32> to vector<16xi32>
        %parallel_loop3A_256 = tpu.dynamic_gather %parallel_loop3A_253[%parallel_loop3A_255] in [0] : vector<16xf32>, vector<16xi32> -> vector<16xf32>
        %parallel_loop3A_257 = arith.index_cast %parallel_loop3A_249 : i32 to index
        %parallel_loop3A_258 = arith.constant 0 : index
        %parallel_loop3A_259 = tpu.vector_load %arg13[%parallel_loop3A_257, %parallel_loop3A_258] {strides = array<i32>} : memref<80x16xf32, #tpu.memory_space<vmem>>, vector<1x16xf32>,
        %parallel_loop3A_260 = vector.shape_cast %parallel_loop3A_259 : vector<1x16xf32> to vector<16xf32>
        %parallel_loop3A_261 = arith.addf %parallel_loop3A_256, %parallel_loop3A_260 : vector<16xf32>
        %parallel_loop3A_262 = arith.constant 2.000000e-01 : f32
        %parallel_loop3A_263 = vector.broadcast %parallel_loop3A_262 : f32 to vector<16xf32>
        %parallel_loop3A_264 = arith.mulf %parallel_loop3A_263, %parallel_loop3A_261 : vector<16xf32>
        %parallel_loop3A_265 = arith.maximumf %parallel_loop3A_261, %parallel_loop3A_264 : vector<16xf32>
        %parallel_loop3A_266 = math.exp %parallel_loop3A_265 : vector<16xf32>
        %parallel_loop3A_267 = arith.index_cast %parallel_loop3A_249 : i32 to index
        %parallel_loop3A_268 = arith.constant 0 : index
        %parallel_loop3A_269 = tpu.vector_load %arg12[%parallel_loop3A_267, %parallel_loop3A_268] {strides = array<i32>} : memref<80x48xf32, #tpu.memory_space<vmem>>, vector<1x16xf32>,
        %parallel_loop3A_270 = vector.shape_cast %parallel_loop3A_269 : vector<1x16xf32> to vector<16xf32>
        %parallel_loop3A_271 = arith.mulf %parallel_loop3A_266, %parallel_loop3A_270 : vector<16xf32>
        %parallel_loop3A_272 = arith.index_cast %parallel_loop3A_249 : i32 to index
        %parallel_loop3A_273 = arith.constant 0 : index
        %parallel_loop3A_274 = tpu.vector_load %arg16[%parallel_loop3A_272, %parallel_loop3A_273] {strides = array<i32>} : memref<80x128xf32, #tpu.memory_space<vmem>>, vector<1x16xf32>,
        %parallel_loop3A_275 = vector.shape_cast %parallel_loop3A_274 : vector<1x16xf32> to vector<16xf32>
        %parallel_loop3A_276 = vector.shape_cast %parallel_loop3A_271 : vector<16xf32> to vector<1x16xf32>
        tpu.vector_store %arg16[%parallel_loop3A_272, %parallel_loop3A_273], %parallel_loop3A_276 {strides = array<i32>} : memref<80x128xf32, #tpu.memory_space<vmem>>, vector<1x16xf32>,
        %parallel_loop3A_277 = arith.index_cast %parallel_loop3A_249 : i32 to index
        %parallel_loop3A_278 = arith.constant 16 : index
        %parallel_loop3A_279 = tpu.vector_load %arg12[%parallel_loop3A_277, %parallel_loop3A_278] {strides = array<i32>} : memref<80x48xf32, #tpu.memory_space<vmem>>, vector<1x16xf32>,
        %parallel_loop3A_280 = vector.shape_cast %parallel_loop3A_279 : vector<1x16xf32> to vector<16xf32>
        %parallel_loop3A_281 = arith.mulf %parallel_loop3A_266, %parallel_loop3A_280 : vector<16xf32>
        %parallel_loop3A_282 = arith.index_cast %parallel_loop3A_249 : i32 to index
        %parallel_loop3A_283 = arith.constant 16 : index
        %parallel_loop3A_284 = tpu.vector_load %arg16[%parallel_loop3A_282, %parallel_loop3A_283] {strides = array<i32>} : memref<80x128xf32, #tpu.memory_space<vmem>>, vector<1x16xf32>,
        %parallel_loop3A_285 = vector.shape_cast %parallel_loop3A_284 : vector<1x16xf32> to vector<16xf32>
        %parallel_loop3A_286 = vector.shape_cast %parallel_loop3A_281 : vector<16xf32> to vector<1x16xf32>
        tpu.vector_store %arg16[%parallel_loop3A_282, %parallel_loop3A_283], %parallel_loop3A_286 {strides = array<i32>} : memref<80x128xf32, #tpu.memory_space<vmem>>, vector<1x16xf32>,
        %parallel_loop3A_287 = arith.mulf %parallel_loop3A_266, %parallel_loop3A_253 : vector<16xf32>
        %parallel_loop3A_288 = arith.index_cast %parallel_loop3A_249 : i32 to index
        %parallel_loop3A_289 = arith.constant 32 : index
        %parallel_loop3A_290 = tpu.vector_load %arg16[%parallel_loop3A_288, %parallel_loop3A_289] {strides = array<i32>} : memref<80x128xf32, #tpu.memory_space<vmem>>, vector<1x16xf32>,
        %parallel_loop3A_291 = vector.shape_cast %parallel_loop3A_290 : vector<1x16xf32> to vector<16xf32>
        %parallel_loop3A_292 = vector.shape_cast %parallel_loop3A_287 : vector<16xf32> to vector<1x16xf32>
        tpu.vector_store %arg16[%parallel_loop3A_288, %parallel_loop3A_289], %parallel_loop3A_292 {strides = array<i32>} : memref<80x128xf32, #tpu.memory_space<vmem>>, vector<1x16xf32>,
      } {sc.loop_unroll_factor = 2 : i64, sc.parallel_access}
      "tpu.region"() ({
        %run_scoped3A = tpu.sem_alloc : memref<!tpu.dma_semaphore, #tpu.memory_space<semaphore_mem>>
        %dma_start3A_249 = arith.constant 0 : i32
        %dma_start3A_250 = arith.constant 0 : i32
        %dma_start3A_251 = tpu.memref_slice %arg18[%dma_start3A_249, %dma_start3A_250] : memref<10240x128xf32, #tpu.memory_space<vmem_shared>> -> memref<10240x128xf32, #tpu.memory_space<vmem_shared>>
        tpu.enqueue_indirect_dma source(%arg16 : memref<80x128xf32, #tpu.memory_space<vmem>>) target(%dma_start3A_251 : memref<10240x128xf32, #tpu.memory_space<vmem_shared>>) offsets(%arg8 : memref<80xi32, #tpu.memory_space<vmem>>) semaphore(%run_scoped3A : memref<!tpu.dma_semaphore, #tpu.memory_space<semaphore_mem>>) {add = true}
        %dma_wait3A_252 = arith.constant 0 : i32
        %dma_wait3A_253 = arith.constant 0 : i32
        %dma_wait3A_254 = tpu.memref_slice %arg18[%dma_wait3A_252, %dma_wait3A_253] : memref<10240x128xf32, #tpu.memory_space<vmem_shared>> -> memref<10240x128xf32, #tpu.memory_space<vmem_shared>>
        tpu.wait_indirect_dma semaphore(%run_scoped3A : memref<!tpu.dma_semaphore, #tpu.memory_space<semaphore_mem>>) src(%arg16 : memref<80x128xf32, #tpu.memory_space<vmem>>) dst(%dma_wait3A_254 : memref<10240x128xf32, #tpu.memory_space<vmem_shared>>)
        tpu.yield
      }) : () -> ()
      %lt3A_184 = arith.constant 125 : i32
      %lt3A_185 = arith.cmpi slt, %add3A_176, %lt3A_184 : i32
      %convert_element_type3A_186 = arith.extui %lt3A_185 : i1 to i32
      %cond3A_187 = arith.constant 0 : i32
      %cond3A_188 = arith.cmpi ne, %convert_element_type3A_186, %cond3A_187 : i32
      scf.if %cond3A_188 {
        %dma_wait3A_249 = arith.constant 0 : i32
        %dma_wait3A_250 = arith.constant 0 : i32
        %dma_wait3A_251 = tpu.memref_slice %arg4[%dma_wait3A_249, %dma_wait3A_250] : memref<2x320000xi32, #tpu.memory_space<hbm>> -> memref<1x80xi32, #tpu.memory_space<hbm>>
        %dma_wait3A_252 = tpu.memref_squeeze %dma_wait3A_251 : memref<1x80xi32, #tpu.memory_space<hbm>> -> memref<80xi32, #tpu.memory_space<hbm>>
        %dma_wait3A_253 = arith.constant 0 : i32
        %dma_wait3A_254 = tpu.memref_slice %arg4[%dma_wait3A_249, %dma_wait3A_253] : memref<2x320000xi32, #tpu.memory_space<hbm>> -> memref<1x80xi32, #tpu.memory_space<hbm>>
        %dma_wait3A_255 = tpu.memref_squeeze %dma_wait3A_254 : memref<1x80xi32, #tpu.memory_space<hbm>> -> memref<80xi32, #tpu.memory_space<hbm>>
        tpu.wait_dma2 semaphore(%arg21 : memref<!tpu.dma_semaphore, #tpu.memory_space<semaphore_mem>>) src(%dma_wait3A_255 : memref<80xi32, #tpu.memory_space<hbm>>) dst(%arg6 : memref<80xi32, #tpu.memory_space<vmem>>)
        %dma_wait3A_256 = arith.constant 1 : i32
        %dma_wait3A_257 = arith.constant 0 : i32
        %dma_wait3A_258 = tpu.memref_slice %arg4[%dma_wait3A_256, %dma_wait3A_257] : memref<2x320000xi32, #tpu.memory_space<hbm>> -> memref<1x80xi32, #tpu.memory_space<hbm>>
        %dma_wait3A_259 = tpu.memref_squeeze %dma_wait3A_258 : memref<1x80xi32, #tpu.memory_space<hbm>> -> memref<80xi32, #tpu.memory_space<hbm>>
        %dma_wait3A_260 = arith.constant 0 : i32
        %dma_wait3A_261 = tpu.memref_slice %arg4[%dma_wait3A_256, %dma_wait3A_260] : memref<2x320000xi32, #tpu.memory_space<hbm>> -> memref<1x80xi32, #tpu.memory_space<hbm>>
        %dma_wait3A_262 = tpu.memref_squeeze %dma_wait3A_261 : memref<1x80xi32, #tpu.memory_space<hbm>> -> memref<80xi32, #tpu.memory_space<hbm>>
        tpu.wait_dma2 semaphore(%arg21 : memref<!tpu.dma_semaphore, #tpu.memory_space<semaphore_mem>>) src(%dma_wait3A_262 : memref<80xi32, #tpu.memory_space<hbm>>) dst(%arg7 : memref<80xi32, #tpu.memory_space<vmem>>)
        %dma_start3A_263 = arith.constant 0 : i32
        %dma_start3A_264 = arith.constant 0 : i32
        %dma_start3A_265 = tpu.memref_slice %arg2[%dma_start3A_263, %dma_start3A_264] : memref<10000x48xf32, #tpu.memory_space<hbm>> -> memref<10000x48xf32, #tpu.memory_space<hbm>>
        tpu.enqueue_indirect_dma source(%dma_start3A_265 : memref<10000x48xf32, #tpu.memory_space<hbm>>) target(%arg12 : memref<80x48xf32, #tpu.memory_space<vmem>>) offsets(%arg6 : memref<80xi32, #tpu.memory_space<vmem>>) semaphore(%arg19 : memref<!tpu.dma_semaphore, #tpu.memory_space<semaphore_mem>>)
        %dma_start3A_266 = arith.constant 0 : i32
        %dma_start3A_267 = arith.constant 0 : i32
        %dma_start3A_268 = tpu.memref_slice %arg3[%dma_start3A_266, %dma_start3A_267] : memref<10000x16xf32, #tpu.memory_space<hbm>> -> memref<10000x16xf32, #tpu.memory_space<hbm>>
        tpu.enqueue_indirect_dma source(%dma_start3A_268 : memref<10000x16xf32, #tpu.memory_space<hbm>>) target(%arg13 : memref<80x16xf32, #tpu.memory_space<vmem>>) offsets(%arg7 : memref<80xi32, #tpu.memory_space<vmem>>) semaphore(%arg19 : memref<!tpu.dma_semaphore, #tpu.memory_space<semaphore_mem>>)
      } else {
      }
      %add3A_189 = arith.constant 1 : i32
      %add3A_190 = arith.addi %mul3A_133, %add3A_189 : i32
      %dma_wait3A_191 = arith.constant 0 : i32
      %dma_wait3A_192 = arith.constant 0 : i32
      %dma_wait3A_193 = tpu.memref_slice %arg2[%dma_wait3A_191, %dma_wait3A_192] : memref<10000x48xf32, #tpu.memory_space<hbm>> -> memref<10000x48xf32, #tpu.memory_space<hbm>>
      tpu.wait_indirect_dma semaphore(%arg20 : memref<!tpu.dma_semaphore, #tpu.memory_space<semaphore_mem>>) src(%dma_wait3A_193 : memref<10000x48xf32, #tpu.memory_space<hbm>>) dst(%arg14 : memref<80x48xf32, #tpu.memory_space<vmem>>)
      %dma_wait3A_194 = arith.constant 0 : i32
      %dma_wait3A_195 = arith.constant 0 : i32
      %dma_wait3A_196 = tpu.memref_slice %arg3[%dma_wait3A_194, %dma_wait3A_195] : memref<10000x16xf32, #tpu.memory_space<hbm>> -> memref<10000x16xf32, #tpu.memory_space<hbm>>
      tpu.wait_indirect_dma semaphore(%arg20 : memref<!tpu.dma_semaphore, #tpu.memory_space<semaphore_mem>>) src(%dma_wait3A_196 : memref<10000x16xf32, #tpu.memory_space<hbm>>) dst(%arg15 : memref<80x16xf32, #tpu.memory_space<vmem>>)
      %get3A_197 = arith.constant 0 : index
      %get3A_198 = tpu.vector_load %arg10[%get3A_197] {strides = array<i32>} : memref<80xi32, #tpu.memory_space<vmem>>, vector<16xi32>,
      %get3A_199 = vector.shape_cast %get3A_198 : vector<16xi32> to vector<16xi32>
      %swap3A_200 = arith.constant 0 : index
      %swap3A_201 = tpu.vector_load %arg11[%swap3A_200] {strides = array<i32>} : memref<80xi32, #tpu.memory_space<vmem>>, vector<16xi32>,
      %swap3A_202 = vector.shape_cast %swap3A_201 : vector<16xi32> to vector<16xi32>
      %swap3A_203 = vector.shape_cast %get3A_199 : vector<16xi32> to vector<16xi32>
      tpu.vector_store %arg11[%swap3A_200], %swap3A_203 {strides = array<i32>} : memref<80xi32, #tpu.memory_space<vmem>>, vector<16xi32>,
      %get3A_204 = arith.constant 16 : index
      %get3A_205 = tpu.vector_load %arg10[%get3A_204] {strides = array<i32>} : memref<80xi32, #tpu.memory_space<vmem>>, vector<16xi32>,
      %get3A_206 = vector.shape_cast %get3A_205 : vector<16xi32> to vector<16xi32>
      %swap3A_207 = arith.constant 16 : index
      %swap3A_208 = tpu.vector_load %arg11[%swap3A_207] {strides = array<i32>} : memref<80xi32, #tpu.memory_space<vmem>>, vector<16xi32>,
      %swap3A_209 = vector.shape_cast %swap3A_208 : vector<16xi32> to vector<16xi32>
      %swap3A_210 = vector.shape_cast %get3A_206 : vector<16xi32> to vector<16xi32>
      tpu.vector_store %arg11[%swap3A_207], %swap3A_210 {strides = array<i32>} : memref<80xi32, #tpu.memory_space<vmem>>, vector<16xi32>,
      %get3A_211 = arith.constant 32 : index
      %get3A_212 = tpu.vector_load %arg10[%get3A_211] {strides = array<i32>} : memref<80xi32, #tpu.memory_space<vmem>>, vector<16xi32>,
      %get3A_213 = vector.shape_cast %get3A_212 : vector<16xi32> to vector<16xi32>
      %swap3A_214 = arith.constant 32 : index
      %swap3A_215 = tpu.vector_load %arg11[%swap3A_214] {strides = array<i32>} : memref<80xi32, #tpu.memory_space<vmem>>, vector<16xi32>,
      %swap3A_216 = vector.shape_cast %swap3A_215 : vector<16xi32> to vector<16xi32>
      %swap3A_217 = vector.shape_cast %get3A_213 : vector<16xi32> to vector<16xi32>
      tpu.vector_store %arg11[%swap3A_214], %swap3A_217 {strides = array<i32>} : memref<80xi32, #tpu.memory_space<vmem>>, vector<16xi32>,
      %get3A_218 = arith.constant 48 : index
      %get3A_219 = tpu.vector_load %arg10[%get3A_218] {strides = array<i32>} : memref<80xi32, #tpu.memory_space<vmem>>, vector<16xi32>,
      %get3A_220 = vector.shape_cast %get3A_219 : vector<16xi32> to vector<16xi32>
      %swap3A_221 = arith.constant 48 : index
      %swap3A_222 = tpu.vector_load %arg11[%swap3A_221] {strides = array<i32>} : memref<80xi32, #tpu.memory_space<vmem>>, vector<16xi32>,
      %swap3A_223 = vector.shape_cast %swap3A_222 : vector<16xi32> to vector<16xi32>
      %swap3A_224 = vector.shape_cast %get3A_220 : vector<16xi32> to vector<16xi32>
      tpu.vector_store %arg11[%swap3A_221], %swap3A_224 {strides = array<i32>} : memref<80xi32, #tpu.memory_space<vmem>>, vector<16xi32>,
      %get3A_225 = arith.constant 64 : index
      %get3A_226 = tpu.vector_load %arg10[%get3A_225] {strides = array<i32>} : memref<80xi32, #tpu.memory_space<vmem>>, vector<16xi32>,
      %get3A_227 = vector.shape_cast %get3A_226 : vector<16xi32> to vector<16xi32>
      %swap3A_228 = arith.constant 64 : index
      %swap3A_229 = tpu.vector_load %arg11[%swap3A_228] {strides = array<i32>} : memref<80xi32, #tpu.memory_space<vmem>>, vector<16xi32>,
      %swap3A_230 = vector.shape_cast %swap3A_229 : vector<16xi32> to vector<16xi32>
      %swap3A_231 = vector.shape_cast %get3A_227 : vector<16xi32> to vector<16xi32>
      tpu.vector_store %arg11[%swap3A_228], %swap3A_231 {strides = array<i32>} : memref<80xi32, #tpu.memory_space<vmem>>, vector<16xi32>,
      %add3A_232 = arith.constant 2 : i32
      %add3A_233 = arith.addi %add3A_190, %add3A_232 : i32
      %lt3A_234 = arith.constant 125 : i32
      %lt3A_235 = arith.cmpi slt, %add3A_233, %lt3A_234 : i32
      %convert_element_type3A_236 = arith.extui %lt3A_235 : i1 to i32
      %cond3A_237 = arith.constant 0 : i32
      %cond3A_238 = arith.cmpi ne, %convert_element_type3A_236, %cond3A_237 : i32
      scf.if %cond3A_238 {
        %mul3A_249 = arith.constant 80 : i32
        %mul3A_250 = arith.muli %add3A_233, %mul3A_249 : i32
        %add3A_251 = arith.addi %mul3A_4, %mul3A_250 : i32
        %dma_start3A_252 = arith.constant 0 : i32
        %dma_start3A_253 = tpu.memref_slice %arg4[%dma_start3A_252, %add3A_251] : memref<2x320000xi32, #tpu.memory_space<hbm>> -> memref<1x80xi32, #tpu.memory_space<hbm>>
        %dma_start3A_254 = tpu.memref_squeeze %dma_start3A_253 : memref<1x80xi32, #tpu.memory_space<hbm>> -> memref<80xi32, #tpu.memory_space<hbm>>
        %dma_start3A_255 = tpu.memref_slice %arg4[%dma_start3A_252, %add3A_251] : memref<2x320000xi32, #tpu.memory_space<hbm>> -> memref<1x80xi32, #tpu.memory_space<hbm>>
        %dma_start3A_256 = tpu.memref_squeeze %dma_start3A_255 : memref<1x80xi32, #tpu.memory_space<hbm>> -> memref<80xi32, #tpu.memory_space<hbm>>
        tpu.enqueue_dma source(%dma_start3A_256 : memref<80xi32, #tpu.memory_space<hbm>>) target(%arg9 : memref<80xi32, #tpu.memory_space<vmem>>) target_semaphore(%arg22 : memref<!tpu.dma_semaphore, #tpu.memory_space<semaphore_mem>>)
        %mul3A_257 = arith.constant 80 : i32
        %mul3A_258 = arith.muli %add3A_233, %mul3A_257 : i32
        %add3A_259 = arith.addi %mul3A_4, %mul3A_258 : i32
        %dma_start3A_260 = arith.constant 1 : i32
        %dma_start3A_261 = tpu.memref_slice %arg4[%dma_start3A_260, %add3A_259] : memref<2x320000xi32, #tpu.memory_space<hbm>> -> memref<1x80xi32, #tpu.memory_space<hbm>>
        %dma_start3A_262 = tpu.memref_squeeze %dma_start3A_261 : memref<1x80xi32, #tpu.memory_space<hbm>> -> memref<80xi32, #tpu.memory_space<hbm>>
        %dma_start3A_263 = tpu.memref_slice %arg4[%dma_start3A_260, %add3A_259] : memref<2x320000xi32, #tpu.memory_space<hbm>> -> memref<1x80xi32, #tpu.memory_space<hbm>>
        %dma_start3A_264 = tpu.memref_squeeze %dma_start3A_263 : memref<1x80xi32, #tpu.memory_space<hbm>> -> memref<80xi32, #tpu.memory_space<hbm>>
        tpu.enqueue_dma source(%dma_start3A_264 : memref<80xi32, #tpu.memory_space<hbm>>) target(%arg10 : memref<80xi32, #tpu.memory_space<vmem>>) target_semaphore(%arg22 : memref<!tpu.dma_semaphore, #tpu.memory_space<semaphore_mem>>)
      } else {
      }
      %broadcast_in_dim3A_239 = arith.constant 9 : i32
      %broadcast_in_dim3A_240 = vector.broadcast %broadcast_in_dim3A_239 : i32 to vector<16xi32>
      %parallel_loop3A_241 = arith.constant 0 : i32
      %parallel_loop3A_242 = arith.constant 80 : i32
      %parallel_loop3A_243 = arith.constant 1 : i32
      scf.for %parallel_loop3A_249 = %parallel_loop3A_241 to %parallel_loop3A_242 step %parallel_loop3A_243  : i32 {
        %parallel_loop3A_250 = arith.index_cast %parallel_loop3A_249 : i32 to index
        %parallel_loop3A_251 = arith.constant 32 : index
        %parallel_loop3A_252 = tpu.vector_load %arg14[%parallel_loop3A_250, %parallel_loop3A_251] {strides = array<i32>} : memref<80x48xf32, #tpu.memory_space<vmem>>, vector<1x16xf32>,
        %parallel_loop3A_253 = vector.shape_cast %parallel_loop3A_252 : vector<1x16xf32> to vector<16xf32>
        %parallel_loop3A_254 = vector.shape_cast %broadcast_in_dim3A_240 : vector<16xi32> to vector<16x1xi32>
        %parallel_loop3A_255 = vector.shape_cast %parallel_loop3A_254 : vector<16x1xi32> to vector<16xi32>
        %parallel_loop3A_256 = tpu.dynamic_gather %parallel_loop3A_253[%parallel_loop3A_255] in [0] : vector<16xf32>, vector<16xi32> -> vector<16xf32>
        %parallel_loop3A_257 = arith.index_cast %parallel_loop3A_249 : i32 to index
        %parallel_loop3A_258 = arith.constant 0 : index
        %parallel_loop3A_259 = tpu.vector_load %arg15[%parallel_loop3A_257, %parallel_loop3A_258] {strides = array<i32>} : memref<80x16xf32, #tpu.memory_space<vmem>>, vector<1x16xf32>,
        %parallel_loop3A_260 = vector.shape_cast %parallel_loop3A_259 : vector<1x16xf32> to vector<16xf32>
        %parallel_loop3A_261 = arith.addf %parallel_loop3A_256, %parallel_loop3A_260 : vector<16xf32>
        %parallel_loop3A_262 = arith.constant 2.000000e-01 : f32
        %parallel_loop3A_263 = vector.broadcast %parallel_loop3A_262 : f32 to vector<16xf32>
        %parallel_loop3A_264 = arith.mulf %parallel_loop3A_263, %parallel_loop3A_261 : vector<16xf32>
        %parallel_loop3A_265 = arith.maximumf %parallel_loop3A_261, %parallel_loop3A_264 : vector<16xf32>
        %parallel_loop3A_266 = math.exp %parallel_loop3A_265 : vector<16xf32>
        %parallel_loop3A_267 = arith.index_cast %parallel_loop3A_249 : i32 to index
        %parallel_loop3A_268 = arith.constant 0 : index
        %parallel_loop3A_269 = tpu.vector_load %arg14[%parallel_loop3A_267, %parallel_loop3A_268] {strides = array<i32>} : memref<80x48xf32, #tpu.memory_space<vmem>>, vector<1x16xf32>,
        %parallel_loop3A_270 = vector.shape_cast %parallel_loop3A_269 : vector<1x16xf32> to vector<16xf32>
        %parallel_loop3A_271 = arith.mulf %parallel_loop3A_266, %parallel_loop3A_270 : vector<16xf32>
        %parallel_loop3A_272 = arith.index_cast %parallel_loop3A_249 : i32 to index
        %parallel_loop3A_273 = arith.constant 0 : index
        %parallel_loop3A_274 = tpu.vector_load %arg17[%parallel_loop3A_272, %parallel_loop3A_273] {strides = array<i32>} : memref<80x128xf32, #tpu.memory_space<vmem>>, vector<1x16xf32>,
        %parallel_loop3A_275 = vector.shape_cast %parallel_loop3A_274 : vector<1x16xf32> to vector<16xf32>
        %parallel_loop3A_276 = vector.shape_cast %parallel_loop3A_271 : vector<16xf32> to vector<1x16xf32>
        tpu.vector_store %arg17[%parallel_loop3A_272, %parallel_loop3A_273], %parallel_loop3A_276 {strides = array<i32>} : memref<80x128xf32, #tpu.memory_space<vmem>>, vector<1x16xf32>,
        %parallel_loop3A_277 = arith.index_cast %parallel_loop3A_249 : i32 to index
        %parallel_loop3A_278 = arith.constant 16 : index
        %parallel_loop3A_279 = tpu.vector_load %arg14[%parallel_loop3A_277, %parallel_loop3A_278] {strides = array<i32>} : memref<80x48xf32, #tpu.memory_space<vmem>>, vector<1x16xf32>,
        %parallel_loop3A_280 = vector.shape_cast %parallel_loop3A_279 : vector<1x16xf32> to vector<16xf32>
        %parallel_loop3A_281 = arith.mulf %parallel_loop3A_266, %parallel_loop3A_280 : vector<16xf32>
        %parallel_loop3A_282 = arith.index_cast %parallel_loop3A_249 : i32 to index
        %parallel_loop3A_283 = arith.constant 16 : index
        %parallel_loop3A_284 = tpu.vector_load %arg17[%parallel_loop3A_282, %parallel_loop3A_283] {strides = array<i32>} : memref<80x128xf32, #tpu.memory_space<vmem>>, vector<1x16xf32>,
        %parallel_loop3A_285 = vector.shape_cast %parallel_loop3A_284 : vector<1x16xf32> to vector<16xf32>
        %parallel_loop3A_286 = vector.shape_cast %parallel_loop3A_281 : vector<16xf32> to vector<1x16xf32>
        tpu.vector_store %arg17[%parallel_loop3A_282, %parallel_loop3A_283], %parallel_loop3A_286 {strides = array<i32>} : memref<80x128xf32, #tpu.memory_space<vmem>>, vector<1x16xf32>,
        %parallel_loop3A_287 = arith.mulf %parallel_loop3A_266, %parallel_loop3A_253 : vector<16xf32>
        %parallel_loop3A_288 = arith.index_cast %parallel_loop3A_249 : i32 to index
        %parallel_loop3A_289 = arith.constant 32 : index
        %parallel_loop3A_290 = tpu.vector_load %arg17[%parallel_loop3A_288, %parallel_loop3A_289] {strides = array<i32>} : memref<80x128xf32, #tpu.memory_space<vmem>>, vector<1x16xf32>,
        %parallel_loop3A_291 = vector.shape_cast %parallel_loop3A_290 : vector<1x16xf32> to vector<16xf32>
        %parallel_loop3A_292 = vector.shape_cast %parallel_loop3A_287 : vector<16xf32> to vector<1x16xf32>
        tpu.vector_store %arg17[%parallel_loop3A_288, %parallel_loop3A_289], %parallel_loop3A_292 {strides = array<i32>} : memref<80x128xf32, #tpu.memory_space<vmem>>, vector<1x16xf32>,
      } {sc.loop_unroll_factor = 2 : i64, sc.parallel_access}
      "tpu.region"() ({
        %run_scoped3A = tpu.sem_alloc : memref<!tpu.dma_semaphore, #tpu.memory_space<semaphore_mem>>
        %dma_start3A_249 = arith.constant 0 : i32
        %dma_start3A_250 = arith.constant 0 : i32
        %dma_start3A_251 = tpu.memref_slice %arg18[%dma_start3A_249, %dma_start3A_250] : memref<10240x128xf32, #tpu.memory_space<vmem_shared>> -> memref<10240x128xf32, #tpu.memory_space<vmem_shared>>
        tpu.enqueue_indirect_dma source(%arg17 : memref<80x128xf32, #tpu.memory_space<vmem>>) target(%dma_start3A_251 : memref<10240x128xf32, #tpu.memory_space<vmem_shared>>) offsets(%arg11 : memref<80xi32, #tpu.memory_space<vmem>>) semaphore(%run_scoped3A : memref<!tpu.dma_semaphore, #tpu.memory_space<semaphore_mem>>) {add = true}
        %dma_wait3A_252 = arith.constant 0 : i32
        %dma_wait3A_253 = arith.constant 0 : i32
        %dma_wait3A_254 = tpu.memref_slice %arg18[%dma_wait3A_252, %dma_wait3A_253] : memref<10240x128xf32, #tpu.memory_space<vmem_shared>> -> memref<10240x128xf32, #tpu.memory_space<vmem_shared>>
        tpu.wait_indirect_dma semaphore(%run_scoped3A : memref<!tpu.dma_semaphore, #tpu.memory_space<semaphore_mem>>) src(%arg17 : memref<80x128xf32, #tpu.memory_space<vmem>>) dst(%dma_wait3A_254 : memref<10240x128xf32, #tpu.memory_space<vmem_shared>>)
        tpu.yield
      }) : () -> ()
      %lt3A_244 = arith.constant 125 : i32
      %lt3A_245 = arith.cmpi slt, %add3A_233, %lt3A_244 : i32
      %convert_element_type3A_246 = arith.extui %lt3A_245 : i1 to i32
      %cond3A_247 = arith.constant 0 : i32
      %cond3A_248 = arith.cmpi ne, %convert_element_type3A_246, %cond3A_247 : i32
      scf.if %cond3A_248 {
        %dma_wait3A_249 = arith.constant 0 : i32
        %dma_wait3A_250 = arith.constant 0 : i32
        %dma_wait3A_251 = tpu.memref_slice %arg4[%dma_wait3A_249, %dma_wait3A_250] : memref<2x320000xi32, #tpu.memory_space<hbm>> -> memref<1x80xi32, #tpu.memory_space<hbm>>
        %dma_wait3A_252 = tpu.memref_squeeze %dma_wait3A_251 : memref<1x80xi32, #tpu.memory_space<hbm>> -> memref<80xi32, #tpu.memory_space<hbm>>
        %dma_wait3A_253 = arith.constant 0 : i32
        %dma_wait3A_254 = tpu.memref_slice %arg4[%dma_wait3A_249, %dma_wait3A_253] : memref<2x320000xi32, #tpu.memory_space<hbm>> -> memref<1x80xi32, #tpu.memory_space<hbm>>
        %dma_wait3A_255 = tpu.memref_squeeze %dma_wait3A_254 : memref<1x80xi32, #tpu.memory_space<hbm>> -> memref<80xi32, #tpu.memory_space<hbm>>
        tpu.wait_dma2 semaphore(%arg22 : memref<!tpu.dma_semaphore, #tpu.memory_space<semaphore_mem>>) src(%dma_wait3A_255 : memref<80xi32, #tpu.memory_space<hbm>>) dst(%arg9 : memref<80xi32, #tpu.memory_space<vmem>>)
        %dma_wait3A_256 = arith.constant 1 : i32
        %dma_wait3A_257 = arith.constant 0 : i32
        %dma_wait3A_258 = tpu.memref_slice %arg4[%dma_wait3A_256, %dma_wait3A_257] : memref<2x320000xi32, #tpu.memory_space<hbm>> -> memref<1x80xi32, #tpu.memory_space<hbm>>
        %dma_wait3A_259 = tpu.memref_squeeze %dma_wait3A_258 : memref<1x80xi32, #tpu.memory_space<hbm>> -> memref<80xi32, #tpu.memory_space<hbm>>
        %dma_wait3A_260 = arith.constant 0 : i32
        %dma_wait3A_261 = tpu.memref_slice %arg4[%dma_wait3A_256, %dma_wait3A_260] : memref<2x320000xi32, #tpu.memory_space<hbm>> -> memref<1x80xi32, #tpu.memory_space<hbm>>
        %dma_wait3A_262 = tpu.memref_squeeze %dma_wait3A_261 : memref<1x80xi32, #tpu.memory_space<hbm>> -> memref<80xi32, #tpu.memory_space<hbm>>
        tpu.wait_dma2 semaphore(%arg22 : memref<!tpu.dma_semaphore, #tpu.memory_space<semaphore_mem>>) src(%dma_wait3A_262 : memref<80xi32, #tpu.memory_space<hbm>>) dst(%arg10 : memref<80xi32, #tpu.memory_space<vmem>>)
        %dma_start3A_263 = arith.constant 0 : i32
        %dma_start3A_264 = arith.constant 0 : i32
        %dma_start3A_265 = tpu.memref_slice %arg2[%dma_start3A_263, %dma_start3A_264] : memref<10000x48xf32, #tpu.memory_space<hbm>> -> memref<10000x48xf32, #tpu.memory_space<hbm>>
        tpu.enqueue_indirect_dma source(%dma_start3A_265 : memref<10000x48xf32, #tpu.memory_space<hbm>>) target(%arg14 : memref<80x48xf32, #tpu.memory_space<vmem>>) offsets(%arg9 : memref<80xi32, #tpu.memory_space<vmem>>) semaphore(%arg20 : memref<!tpu.dma_semaphore, #tpu.memory_space<semaphore_mem>>)
        %dma_start3A_266 = arith.constant 0 : i32
        %dma_start3A_267 = arith.constant 0 : i32
        %dma_start3A_268 = tpu.memref_slice %arg3[%dma_start3A_266, %dma_start3A_267] : memref<10000x16xf32, #tpu.memory_space<hbm>> -> memref<10000x16xf32, #tpu.memory_space<hbm>>
        tpu.enqueue_indirect_dma source(%dma_start3A_268 : memref<10000x16xf32, #tpu.memory_space<hbm>>) target(%arg15 : memref<80x16xf32, #tpu.memory_space<vmem>>) offsets(%arg10 : memref<80xi32, #tpu.memory_space<vmem>>) semaphore(%arg20 : memref<!tpu.dma_semaphore, #tpu.memory_space<semaphore_mem>>)
      } else {
      }
    }
    %scan3A_87 = arith.constant 62 : i32
    %dma_wait3A_88 = arith.constant 0 : i32
    %dma_wait3A_89 = arith.constant 0 : i32
    %dma_wait3A_90 = tpu.memref_slice %arg2[%dma_wait3A_88, %dma_wait3A_89] : memref<10000x48xf32, #tpu.memory_space<hbm>> -> memref<10000x48xf32, #tpu.memory_space<hbm>>
    tpu.wait_indirect_dma semaphore(%arg19 : memref<!tpu.dma_semaphore, #tpu.memory_space<semaphore_mem>>) src(%dma_wait3A_90 : memref<10000x48xf32, #tpu.memory_space<hbm>>) dst(%arg12 : memref<80x48xf32, #tpu.memory_space<vmem>>)
    %dma_wait3A_91 = arith.constant 0 : i32
    %dma_wait3A_92 = arith.constant 0 : i32
    %dma_wait3A_93 = tpu.memref_slice %arg3[%dma_wait3A_91, %dma_wait3A_92] : memref<10000x16xf32, #tpu.memory_space<hbm>> -> memref<10000x16xf32, #tpu.memory_space<hbm>>
    tpu.wait_indirect_dma semaphore(%arg19 : memref<!tpu.dma_semaphore, #tpu.memory_space<semaphore_mem>>) src(%dma_wait3A_93 : memref<10000x16xf32, #tpu.memory_space<hbm>>) dst(%arg13 : memref<80x16xf32, #tpu.memory_space<vmem>>)
    %get3A = arith.constant 0 : index
    %get3A_94 = tpu.vector_load %arg7[%get3A] {strides = array<i32>} : memref<80xi32, #tpu.memory_space<vmem>>, vector<16xi32>,
    %get3A_95 = vector.shape_cast %get3A_94 : vector<16xi32> to vector<16xi32>
    %swap3A = arith.constant 0 : index
    %swap3A_96 = tpu.vector_load %arg8[%swap3A] {strides = array<i32>} : memref<80xi32, #tpu.memory_space<vmem>>, vector<16xi32>,
    %swap3A_97 = vector.shape_cast %swap3A_96 : vector<16xi32> to vector<16xi32>
    %swap3A_98 = vector.shape_cast %get3A_95 : vector<16xi32> to vector<16xi32>
    tpu.vector_store %arg8[%swap3A], %swap3A_98 {strides = array<i32>} : memref<80xi32, #tpu.memory_space<vmem>>, vector<16xi32>,
    %get3A_99 = arith.constant 16 : index
    %get3A_100 = tpu.vector_load %arg7[%get3A_99] {strides = array<i32>} : memref<80xi32, #tpu.memory_space<vmem>>, vector<16xi32>,
    %get3A_101 = vector.shape_cast %get3A_100 : vector<16xi32> to vector<16xi32>
    %swap3A_102 = arith.constant 16 : index
    %swap3A_103 = tpu.vector_load %arg8[%swap3A_102] {strides = array<i32>} : memref<80xi32, #tpu.memory_space<vmem>>, vector<16xi32>,
    %swap3A_104 = vector.shape_cast %swap3A_103 : vector<16xi32> to vector<16xi32>
    %swap3A_105 = vector.shape_cast %get3A_101 : vector<16xi32> to vector<16xi32>
    tpu.vector_store %arg8[%swap3A_102], %swap3A_105 {strides = array<i32>} : memref<80xi32, #tpu.memory_space<vmem>>, vector<16xi32>,
    %get3A_106 = arith.constant 32 : index
    %get3A_107 = tpu.vector_load %arg7[%get3A_106] {strides = array<i32>} : memref<80xi32, #tpu.memory_space<vmem>>, vector<16xi32>,
    %get3A_108 = vector.shape_cast %get3A_107 : vector<16xi32> to vector<16xi32>
    %swap3A_109 = arith.constant 32 : index
    %swap3A_110 = tpu.vector_load %arg8[%swap3A_109] {strides = array<i32>} : memref<80xi32, #tpu.memory_space<vmem>>, vector<16xi32>,
    %swap3A_111 = vector.shape_cast %swap3A_110 : vector<16xi32> to vector<16xi32>
    %swap3A_112 = vector.shape_cast %get3A_108 : vector<16xi32> to vector<16xi32>
    tpu.vector_store %arg8[%swap3A_109], %swap3A_112 {strides = array<i32>} : memref<80xi32, #tpu.memory_space<vmem>>, vector<16xi32>,
    %get3A_113 = arith.constant 48 : index
    %get3A_114 = tpu.vector_load %arg7[%get3A_113] {strides = array<i32>} : memref<80xi32, #tpu.memory_space<vmem>>, vector<16xi32>,
    %get3A_115 = vector.shape_cast %get3A_114 : vector<16xi32> to vector<16xi32>
    %swap3A_116 = arith.constant 48 : index
    %swap3A_117 = tpu.vector_load %arg8[%swap3A_116] {strides = array<i32>} : memref<80xi32, #tpu.memory_space<vmem>>, vector<16xi32>,
    %swap3A_118 = vector.shape_cast %swap3A_117 : vector<16xi32> to vector<16xi32>
    %swap3A_119 = vector.shape_cast %get3A_115 : vector<16xi32> to vector<16xi32>
    tpu.vector_store %arg8[%swap3A_116], %swap3A_119 {strides = array<i32>} : memref<80xi32, #tpu.memory_space<vmem>>, vector<16xi32>,
    %get3A_120 = arith.constant 64 : index
    %get3A_121 = tpu.vector_load %arg7[%get3A_120] {strides = array<i32>} : memref<80xi32, #tpu.memory_space<vmem>>, vector<16xi32>,
    %get3A_122 = vector.shape_cast %get3A_121 : vector<16xi32> to vector<16xi32>
    %swap3A_123 = arith.constant 64 : index
    %swap3A_124 = tpu.vector_load %arg8[%swap3A_123] {strides = array<i32>} : memref<80xi32, #tpu.memory_space<vmem>>, vector<16xi32>,
    %swap3A_125 = vector.shape_cast %swap3A_124 : vector<16xi32> to vector<16xi32>
    %swap3A_126 = vector.shape_cast %get3A_122 : vector<16xi32> to vector<16xi32>
    tpu.vector_store %arg8[%swap3A_123], %swap3A_126 {strides = array<i32>} : memref<80xi32, #tpu.memory_space<vmem>>, vector<16xi32>,
    %broadcast_in_dim3A = arith.constant 9 : i32
    %broadcast_in_dim3A_127 = vector.broadcast %broadcast_in_dim3A : i32 to vector<16xi32>
    %parallel_loop3A = arith.constant 0 : i32
    %parallel_loop3A_128 = arith.constant 80 : i32
    %parallel_loop3A_129 = arith.constant 1 : i32
    scf.for %parallel_loop3A_131 = %parallel_loop3A to %parallel_loop3A_128 step %parallel_loop3A_129  : i32 {
      %parallel_loop3A_132 = arith.index_cast %parallel_loop3A_131 : i32 to index
      %parallel_loop3A_133 = arith.constant 32 : index
      %parallel_loop3A_134 = tpu.vector_load %arg12[%parallel_loop3A_132, %parallel_loop3A_133] {strides = array<i32>} : memref<80x48xf32, #tpu.memory_space<vmem>>, vector<1x16xf32>,
      %parallel_loop3A_135 = vector.shape_cast %parallel_loop3A_134 : vector<1x16xf32> to vector<16xf32>
      %parallel_loop3A_136 = vector.shape_cast %broadcast_in_dim3A_127 : vector<16xi32> to vector<16x1xi32>
      %parallel_loop3A_137 = vector.shape_cast %parallel_loop3A_136 : vector<16x1xi32> to vector<16xi32>
      %parallel_loop3A_138 = tpu.dynamic_gather %parallel_loop3A_135[%parallel_loop3A_137] in [0] : vector<16xf32>, vector<16xi32> -> vector<16xf32>
      %parallel_loop3A_139 = arith.index_cast %parallel_loop3A_131 : i32 to index
      %parallel_loop3A_140 = arith.constant 0 : index
      %parallel_loop3A_141 = tpu.vector_load %arg13[%parallel_loop3A_139, %parallel_loop3A_140] {strides = array<i32>} : memref<80x16xf32, #tpu.memory_space<vmem>>, vector<1x16xf32>,
      %parallel_loop3A_142 = vector.shape_cast %parallel_loop3A_141 : vector<1x16xf32> to vector<16xf32>
      %parallel_loop3A_143 = arith.addf %parallel_loop3A_138, %parallel_loop3A_142 : vector<16xf32>
      %parallel_loop3A_144 = arith.constant 2.000000e-01 : f32
      %parallel_loop3A_145 = vector.broadcast %parallel_loop3A_144 : f32 to vector<16xf32>
      %parallel_loop3A_146 = arith.mulf %parallel_loop3A_145, %parallel_loop3A_143 : vector<16xf32>
      %parallel_loop3A_147 = arith.maximumf %parallel_loop3A_143, %parallel_loop3A_146 : vector<16xf32>
      %parallel_loop3A_148 = math.exp %parallel_loop3A_147 : vector<16xf32>
      %parallel_loop3A_149 = arith.index_cast %parallel_loop3A_131 : i32 to index
      %parallel_loop3A_150 = arith.constant 0 : index
      %parallel_loop3A_151 = tpu.vector_load %arg12[%parallel_loop3A_149, %parallel_loop3A_150] {strides = array<i32>} : memref<80x48xf32, #tpu.memory_space<vmem>>, vector<1x16xf32>,
      %parallel_loop3A_152 = vector.shape_cast %parallel_loop3A_151 : vector<1x16xf32> to vector<16xf32>
      %parallel_loop3A_153 = arith.mulf %parallel_loop3A_148, %parallel_loop3A_152 : vector<16xf32>
      %parallel_loop3A_154 = arith.index_cast %parallel_loop3A_131 : i32 to index
      %parallel_loop3A_155 = arith.constant 0 : index
      %parallel_loop3A_156 = tpu.vector_load %arg16[%parallel_loop3A_154, %parallel_loop3A_155] {strides = array<i32>} : memref<80x128xf32, #tpu.memory_space<vmem>>, vector<1x16xf32>,
      %parallel_loop3A_157 = vector.shape_cast %parallel_loop3A_156 : vector<1x16xf32> to vector<16xf32>
      %parallel_loop3A_158 = vector.shape_cast %parallel_loop3A_153 : vector<16xf32> to vector<1x16xf32>
      tpu.vector_store %arg16[%parallel_loop3A_154, %parallel_loop3A_155], %parallel_loop3A_158 {strides = array<i32>} : memref<80x128xf32, #tpu.memory_space<vmem>>, vector<1x16xf32>,
      %parallel_loop3A_159 = arith.index_cast %parallel_loop3A_131 : i32 to index
      %parallel_loop3A_160 = arith.constant 16 : index
      %parallel_loop3A_161 = tpu.vector_load %arg12[%parallel_loop3A_159, %parallel_loop3A_160] {strides = array<i32>} : memref<80x48xf32, #tpu.memory_space<vmem>>, vector<1x16xf32>,
      %parallel_loop3A_162 = vector.shape_cast %parallel_loop3A_161 : vector<1x16xf32> to vector<16xf32>
      %parallel_loop3A_163 = arith.mulf %parallel_loop3A_148, %parallel_loop3A_162 : vector<16xf32>
      %parallel_loop3A_164 = arith.index_cast %parallel_loop3A_131 : i32 to index
      %parallel_loop3A_165 = arith.constant 16 : index
      %parallel_loop3A_166 = tpu.vector_load %arg16[%parallel_loop3A_164, %parallel_loop3A_165] {strides = array<i32>} : memref<80x128xf32, #tpu.memory_space<vmem>>, vector<1x16xf32>,
      %parallel_loop3A_167 = vector.shape_cast %parallel_loop3A_166 : vector<1x16xf32> to vector<16xf32>
      %parallel_loop3A_168 = vector.shape_cast %parallel_loop3A_163 : vector<16xf32> to vector<1x16xf32>
      tpu.vector_store %arg16[%parallel_loop3A_164, %parallel_loop3A_165], %parallel_loop3A_168 {strides = array<i32>} : memref<80x128xf32, #tpu.memory_space<vmem>>, vector<1x16xf32>,
      %parallel_loop3A_169 = arith.mulf %parallel_loop3A_148, %parallel_loop3A_135 : vector<16xf32>
      %parallel_loop3A_170 = arith.index_cast %parallel_loop3A_131 : i32 to index
      %parallel_loop3A_171 = arith.constant 32 : index
      %parallel_loop3A_172 = tpu.vector_load %arg16[%parallel_loop3A_170, %parallel_loop3A_171] {strides = array<i32>} : memref<80x128xf32, #tpu.memory_space<vmem>>, vector<1x16xf32>,
      %parallel_loop3A_173 = vector.shape_cast %parallel_loop3A_172 : vector<1x16xf32> to vector<16xf32>
      %parallel_loop3A_174 = vector.shape_cast %parallel_loop3A_169 : vector<16xf32> to vector<1x16xf32>
      tpu.vector_store %arg16[%parallel_loop3A_170, %parallel_loop3A_171], %parallel_loop3A_174 {strides = array<i32>} : memref<80x128xf32, #tpu.memory_space<vmem>>, vector<1x16xf32>,
    } {sc.loop_unroll_factor = 2 : i64, sc.parallel_access}
    "tpu.region"() ({
      %run_scoped3A = tpu.sem_alloc : memref<!tpu.dma_semaphore, #tpu.memory_space<semaphore_mem>>
      %dma_start3A_131 = arith.constant 0 : i32
      %dma_start3A_132 = arith.constant 0 : i32
      %dma_start3A_133 = tpu.memref_slice %arg18[%dma_start3A_131, %dma_start3A_132] : memref<10240x128xf32, #tpu.memory_space<vmem_shared>> -> memref<10240x128xf32, #tpu.memory_space<vmem_shared>>
      tpu.enqueue_indirect_dma source(%arg16 : memref<80x128xf32, #tpu.memory_space<vmem>>) target(%dma_start3A_133 : memref<10240x128xf32, #tpu.memory_space<vmem_shared>>) offsets(%arg8 : memref<80xi32, #tpu.memory_space<vmem>>) semaphore(%run_scoped3A : memref<!tpu.dma_semaphore, #tpu.memory_space<semaphore_mem>>) {add = true}
      %dma_wait3A_134 = arith.constant 0 : i32
      %dma_wait3A_135 = arith.constant 0 : i32
      %dma_wait3A_136 = tpu.memref_slice %arg18[%dma_wait3A_134, %dma_wait3A_135] : memref<10240x128xf32, #tpu.memory_space<vmem_shared>> -> memref<10240x128xf32, #tpu.memory_space<vmem_shared>>
      tpu.wait_indirect_dma semaphore(%run_scoped3A : memref<!tpu.dma_semaphore, #tpu.memory_space<semaphore_mem>>) src(%arg16 : memref<80x128xf32, #tpu.memory_space<vmem>>) dst(%dma_wait3A_136 : memref<10240x128xf32, #tpu.memory_space<vmem_shared>>)
      tpu.yield
    }) : () -> ()
    %barrier3A_130 = arith.constant 0 : index
    tpu.barrier barrier_id(%barrier3A_130)
    "tpu.region"() ({
      %run_scoped3A = tpu.sem_alloc : memref<!tpu.dma_semaphore, #tpu.memory_space<semaphore_mem>>
      %dma_start3A_131 = arith.constant 0 : i32
      %dma_start3A_132 = tpu.memref_slice %arg5[%arg0, %mul3A_2, %dma_start3A_131] : memref<2x10240x128xf32, #tpu.memory_space<hbm>> -> memref<1x640x128xf32, #tpu.memory_space<hbm>>
      %dma_start3A_133 = tpu.memref_squeeze %dma_start3A_132 : memref<1x640x128xf32, #tpu.memory_space<hbm>> -> memref<640x128xf32, #tpu.memory_space<hbm>>
      %dma_start3A_134 = arith.constant 0 : i32
      %dma_start3A_135 = tpu.memref_slice %arg18[%mul3A_2, %dma_start3A_134] : memref<10240x128xf32, #tpu.memory_space<vmem_shared>> -> memref<640x128xf32, #tpu.memory_space<vmem_shared>>
      tpu.enqueue_dma source(%dma_start3A_135 : memref<640x128xf32, #tpu.memory_space<vmem_shared>>) target(%dma_start3A_133 : memref<640x128xf32, #tpu.memory_space<hbm>>) target_semaphore(%run_scoped3A : memref<!tpu.dma_semaphore, #tpu.memory_space<semaphore_mem>>)
      %dma_wait3A_136 = arith.constant 0 : i32
      %dma_wait3A_137 = tpu.memref_slice %arg5[%arg0, %mul3A_2, %dma_wait3A_136] : memref<2x10240x128xf32, #tpu.memory_space<hbm>> -> memref<1x640x128xf32, #tpu.memory_space<hbm>>
      %dma_wait3A_138 = tpu.memref_squeeze %dma_wait3A_137 : memref<1x640x128xf32, #tpu.memory_space<hbm>> -> memref<640x128xf32, #tpu.memory_space<hbm>>
      %dma_wait3A_139 = arith.constant 0 : i32
      %dma_wait3A_140 = tpu.memref_slice %arg18[%mul3A_2, %dma_wait3A_139] : memref<10240x128xf32, #tpu.memory_space<vmem_shared>> -> memref<640x128xf32, #tpu.memory_space<vmem_shared>>
      tpu.wait_dma2 semaphore(%run_scoped3A : memref<!tpu.dma_semaphore, #tpu.memory_space<semaphore_mem>>) src(%dma_wait3A_140 : memref<640x128xf32, #tpu.memory_space<vmem_shared>>) dst(%dma_wait3A_138 : memref<640x128xf32, #tpu.memory_space<hbm>>)
      tpu.yield
    }) : () -> ()
    return
  }
}

#map = affine_map<(d0, d1) -> (0, 0)>
#map1 = affine_map<(d0, d1) -> (0, 0, 0)>
module attributes {stable_mosaic.version = 14 : i64} {
  func.func @k(%arg0: i32, %arg1: i32, %arg2: memref<10000x80xf32, #tpu.memory_space<hbm>>, %arg3: memref<10000x16xf32, #tpu.memory_space<hbm>>, %arg4: memref<2x320000xi32, #tpu.memory_space<hbm>>, %arg5: memref<2x10240x128xf32, #tpu.memory_space<hbm>>, %arg6: memref<80xi32, #tpu.memory_space<vmem>>, %arg7: memref<80xi32, #tpu.memory_space<vmem>>, %arg8: memref<80xi32, #tpu.memory_space<vmem>>, %arg9: memref<80xi32, #tpu.memory_space<vmem>>, %arg10: memref<80xi32, #tpu.memory_space<vmem>>, %arg11: memref<80xi32, #tpu.memory_space<vmem>>, %arg12: memref<80x80xf32, #tpu.memory_space<vmem>>, %arg13: memref<80x16xf32, #tpu.memory_space<vmem>>, %arg14: memref<80x80xf32, #tpu.memory_space<vmem>>, %arg15: memref<80x16xf32, #tpu.memory_space<vmem>>, %arg16: memref<80x128xf32, #tpu.memory_space<vmem>>, %arg17: memref<80x128xf32, #tpu.memory_space<vmem>>, %arg18: memref<10240x128xf32, #tpu.memory_space<vmem_shared>>, %arg19: memref<!tpu.dma_semaphore, #tpu.memory_space<semaphore_mem>>, %arg20: memref<!tpu.dma_semaphore, #tpu.memory_space<semaphore_mem>>, %arg21: memref<!tpu.dma_semaphore, #tpu.memory_space<semaphore_mem>>, %arg22: memref<!tpu.dma_semaphore, #tpu.memory_space<semaphore_mem>>, %arg23: memref<!tpu.dma_semaphore, #tpu.memory_space<semaphore_mem>>, %arg24: memref<!tpu.dma_semaphore, #tpu.memory_space<semaphore_mem>>) attributes {dimension_semantics = [#tpu.dimension_semantics<core_parallel>, #tpu.dimension_semantics<subcore_parallel>], iteration_bounds = array<i64: 2, 16>, scalar_prefetch = 0 : i64, scratch_operands = 19 : i64, tpu.core_type = #tpu.core_type<sc_vector_subcore>, window_params = [{transform_indices = #map}, {transform_indices = #map}, {transform_indices = #map}, {transform_indices = #map1}]} {
    %mul3A = arith.constant 2 : i32
    %mul3A_0 = arith.muli %arg1, %mul3A : i32
    %add3A = arith.addi %mul3A_0, %arg0 : i32
    %mul3A_1 = arith.constant 640 : i32
    %mul3A_2 = arith.muli %arg1, %mul3A_1 : i32
    %mul3A_3 = arith.constant 10000 : i32
    %mul3A_4 = arith.muli %add3A, %mul3A_3 : i32
    %add3A_5 = arith.constant 0 : i32
    %add3A_6 = arith.addi %mul3A_4, %add3A_5 : i32
    %dma_start3A = arith.constant 0 : i32
    %dma_start3A_7 = tpu.memref_slice %arg4[%dma_start3A, %add3A_6] : memref<2x320000xi32, #tpu.memory_space<hbm>> -> memref<1x80xi32, #tpu.memory_space<hbm>>
    %dma_start3A_8 = tpu.memref_squeeze %dma_start3A_7 : memref<1x80xi32, #tpu.memory_space<hbm>> -> memref<80xi32, #tpu.memory_space<hbm>>
    %dma_start3A_9 = tpu.memref_slice %arg4[%dma_start3A, %add3A_6] : memref<2x320000xi32, #tpu.memory_space<hbm>> -> memref<1x80xi32, #tpu.memory_space<hbm>>
    %dma_start3A_10 = tpu.memref_squeeze %dma_start3A_9 : memref<1x80xi32, #tpu.memory_space<hbm>> -> memref<80xi32, #tpu.memory_space<hbm>>
    tpu.enqueue_dma source(%dma_start3A_10 : memref<80xi32, #tpu.memory_space<hbm>>) target(%arg6 : memref<80xi32, #tpu.memory_space<vmem>>) target_semaphore(%arg21 : memref<!tpu.dma_semaphore, #tpu.memory_space<semaphore_mem>>)
    %add3A_11 = arith.constant 0 : i32
    %add3A_12 = arith.addi %mul3A_4, %add3A_11 : i32
    %dma_start3A_13 = arith.constant 1 : i32
    %dma_start3A_14 = tpu.memref_slice %arg4[%dma_start3A_13, %add3A_12] : memref<2x320000xi32, #tpu.memory_space<hbm>> -> memref<1x80xi32, #tpu.memory_space<hbm>>
    %dma_start3A_15 = tpu.memref_squeeze %dma_start3A_14 : memref<1x80xi32, #tpu.memory_space<hbm>> -> memref<80xi32, #tpu.memory_space<hbm>>
    %dma_start3A_16 = tpu.memref_slice %arg4[%dma_start3A_13, %add3A_12] : memref<2x320000xi32, #tpu.memory_space<hbm>> -> memref<1x80xi32, #tpu.memory_space<hbm>>
    %dma_start3A_17 = tpu.memref_squeeze %dma_start3A_16 : memref<1x80xi32, #tpu.memory_space<hbm>> -> memref<80xi32, #tpu.memory_space<hbm>>
    tpu.enqueue_dma source(%dma_start3A_17 : memref<80xi32, #tpu.memory_space<hbm>>) target(%arg7 : memref<80xi32, #tpu.memory_space<vmem>>) target_semaphore(%arg21 : memref<!tpu.dma_semaphore, #tpu.memory_space<semaphore_mem>>)
    %add3A_18 = arith.constant 80 : i32
    %add3A_19 = arith.addi %mul3A_4, %add3A_18 : i32
    %dma_start3A_20 = arith.constant 0 : i32
    %dma_start3A_21 = tpu.memref_slice %arg4[%dma_start3A_20, %add3A_19] : memref<2x320000xi32, #tpu.memory_space<hbm>> -> memref<1x80xi32, #tpu.memory_space<hbm>>
    %dma_start3A_22 = tpu.memref_squeeze %dma_start3A_21 : memref<1x80xi32, #tpu.memory_space<hbm>> -> memref<80xi32, #tpu.memory_space<hbm>>
    %dma_start3A_23 = tpu.memref_slice %arg4[%dma_start3A_20, %add3A_19] : memref<2x320000xi32, #tpu.memory_space<hbm>> -> memref<1x80xi32, #tpu.memory_space<hbm>>
    %dma_start3A_24 = tpu.memref_squeeze %dma_start3A_23 : memref<1x80xi32, #tpu.memory_space<hbm>> -> memref<80xi32, #tpu.memory_space<hbm>>
    tpu.enqueue_dma source(%dma_start3A_24 : memref<80xi32, #tpu.memory_space<hbm>>) target(%arg9 : memref<80xi32, #tpu.memory_space<vmem>>) target_semaphore(%arg22 : memref<!tpu.dma_semaphore, #tpu.memory_space<semaphore_mem>>)
    %add3A_25 = arith.constant 80 : i32
    %add3A_26 = arith.addi %mul3A_4, %add3A_25 : i32
    %dma_start3A_27 = arith.constant 1 : i32
    %dma_start3A_28 = tpu.memref_slice %arg4[%dma_start3A_27, %add3A_26] : memref<2x320000xi32, #tpu.memory_space<hbm>> -> memref<1x80xi32, #tpu.memory_space<hbm>>
    %dma_start3A_29 = tpu.memref_squeeze %dma_start3A_28 : memref<1x80xi32, #tpu.memory_space<hbm>> -> memref<80xi32, #tpu.memory_space<hbm>>
    %dma_start3A_30 = tpu.memref_slice %arg4[%dma_start3A_27, %add3A_26] : memref<2x320000xi32, #tpu.memory_space<hbm>> -> memref<1x80xi32, #tpu.memory_space<hbm>>
    %dma_start3A_31 = tpu.memref_squeeze %dma_start3A_30 : memref<1x80xi32, #tpu.memory_space<hbm>> -> memref<80xi32, #tpu.memory_space<hbm>>
    tpu.enqueue_dma source(%dma_start3A_31 : memref<80xi32, #tpu.memory_space<hbm>>) target(%arg10 : memref<80xi32, #tpu.memory_space<vmem>>) target_semaphore(%arg22 : memref<!tpu.dma_semaphore, #tpu.memory_space<semaphore_mem>>)
    %scan3A = arith.constant 0 : i32
    %scan3A_32 = arith.constant 0 : i32
    %scan3A_33 = arith.constant 80 : i32
    %scan3A_34 = arith.addi %scan3A_32, %scan3A_33 : i32
    %scan3A_35 = arith.constant 1 : i32
    scf.for %scan3A_132 = %scan3A_32 to %scan3A_34 step %scan3A_35  : i32 {
      %broadcast_in_dim3A = arith.constant 0.000000e+00 : f32
      %broadcast_in_dim3A_133 = vector.broadcast %broadcast_in_dim3A : f32 to vector<16xf32>
      %swap3A_134 = arith.index_cast %scan3A_132 : i32 to index
      %swap3A_135 = arith.constant 0 : index
      %swap3A_136 = tpu.vector_load %arg16[%swap3A_134, %swap3A_135] {strides = array<i32>} : memref<80x128xf32, #tpu.memory_space<vmem>>, vector<1x16xf32>,
      %swap3A_137 = vector.shape_cast %swap3A_136 : vector<1x16xf32> to vector<16xf32>
      %swap3A_138 = vector.shape_cast %broadcast_in_dim3A_133 : vector<16xf32> to vector<1x16xf32>
      tpu.vector_store %arg16[%swap3A_134, %swap3A_135], %swap3A_138 {strides = array<i32>} : memref<80x128xf32, #tpu.memory_space<vmem>>, vector<1x16xf32>,
      %broadcast_in_dim3A_139 = arith.constant 0.000000e+00 : f32
      %broadcast_in_dim3A_140 = vector.broadcast %broadcast_in_dim3A_139 : f32 to vector<16xf32>
      %swap3A_141 = arith.index_cast %scan3A_132 : i32 to index
      %swap3A_142 = arith.constant 0 : index
      %swap3A_143 = tpu.vector_load %arg17[%swap3A_141, %swap3A_142] {strides = array<i32>} : memref<80x128xf32, #tpu.memory_space<vmem>>, vector<1x16xf32>,
      %swap3A_144 = vector.shape_cast %swap3A_143 : vector<1x16xf32> to vector<16xf32>
      %swap3A_145 = vector.shape_cast %broadcast_in_dim3A_140 : vector<16xf32> to vector<1x16xf32>
      tpu.vector_store %arg17[%swap3A_141, %swap3A_142], %swap3A_145 {strides = array<i32>} : memref<80x128xf32, #tpu.memory_space<vmem>>, vector<1x16xf32>,
      %broadcast_in_dim3A_146 = arith.constant 0.000000e+00 : f32
      %broadcast_in_dim3A_147 = vector.broadcast %broadcast_in_dim3A_146 : f32 to vector<16xf32>
      %swap3A_148 = arith.index_cast %scan3A_132 : i32 to index
      %swap3A_149 = arith.constant 16 : index
      %swap3A_150 = tpu.vector_load %arg16[%swap3A_148, %swap3A_149] {strides = array<i32>} : memref<80x128xf32, #tpu.memory_space<vmem>>, vector<1x16xf32>,
      %swap3A_151 = vector.shape_cast %swap3A_150 : vector<1x16xf32> to vector<16xf32>
      %swap3A_152 = vector.shape_cast %broadcast_in_dim3A_147 : vector<16xf32> to vector<1x16xf32>
      tpu.vector_store %arg16[%swap3A_148, %swap3A_149], %swap3A_152 {strides = array<i32>} : memref<80x128xf32, #tpu.memory_space<vmem>>, vector<1x16xf32>,
      %broadcast_in_dim3A_153 = arith.constant 0.000000e+00 : f32
      %broadcast_in_dim3A_154 = vector.broadcast %broadcast_in_dim3A_153 : f32 to vector<16xf32>
      %swap3A_155 = arith.index_cast %scan3A_132 : i32 to index
      %swap3A_156 = arith.constant 16 : index
      %swap3A_157 = tpu.vector_load %arg17[%swap3A_155, %swap3A_156] {strides = array<i32>} : memref<80x128xf32, #tpu.memory_space<vmem>>, vector<1x16xf32>,
      %swap3A_158 = vector.shape_cast %swap3A_157 : vector<1x16xf32> to vector<16xf32>
      %swap3A_159 = vector.shape_cast %broadcast_in_dim3A_154 : vector<16xf32> to vector<1x16xf32>
      tpu.vector_store %arg17[%swap3A_155, %swap3A_156], %swap3A_159 {strides = array<i32>} : memref<80x128xf32, #tpu.memory_space<vmem>>, vector<1x16xf32>,
      %broadcast_in_dim3A_160 = arith.constant 0.000000e+00 : f32
      %broadcast_in_dim3A_161 = vector.broadcast %broadcast_in_dim3A_160 : f32 to vector<16xf32>
      %swap3A_162 = arith.index_cast %scan3A_132 : i32 to index
      %swap3A_163 = arith.constant 32 : index
      %swap3A_164 = tpu.vector_load %arg16[%swap3A_162, %swap3A_163] {strides = array<i32>} : memref<80x128xf32, #tpu.memory_space<vmem>>, vector<1x16xf32>,
      %swap3A_165 = vector.shape_cast %swap3A_164 : vector<1x16xf32> to vector<16xf32>
      %swap3A_166 = vector.shape_cast %broadcast_in_dim3A_161 : vector<16xf32> to vector<1x16xf32>
      tpu.vector_store %arg16[%swap3A_162, %swap3A_163], %swap3A_166 {strides = array<i32>} : memref<80x128xf32, #tpu.memory_space<vmem>>, vector<1x16xf32>,
      %broadcast_in_dim3A_167 = arith.constant 0.000000e+00 : f32
      %broadcast_in_dim3A_168 = vector.broadcast %broadcast_in_dim3A_167 : f32 to vector<16xf32>
      %swap3A_169 = arith.index_cast %scan3A_132 : i32 to index
      %swap3A_170 = arith.constant 32 : index
      %swap3A_171 = tpu.vector_load %arg17[%swap3A_169, %swap3A_170] {strides = array<i32>} : memref<80x128xf32, #tpu.memory_space<vmem>>, vector<1x16xf32>,
      %swap3A_172 = vector.shape_cast %swap3A_171 : vector<1x16xf32> to vector<16xf32>
      %swap3A_173 = vector.shape_cast %broadcast_in_dim3A_168 : vector<16xf32> to vector<1x16xf32>
      tpu.vector_store %arg17[%swap3A_169, %swap3A_170], %swap3A_173 {strides = array<i32>} : memref<80x128xf32, #tpu.memory_space<vmem>>, vector<1x16xf32>,
      %broadcast_in_dim3A_174 = arith.constant 0.000000e+00 : f32
      %broadcast_in_dim3A_175 = vector.broadcast %broadcast_in_dim3A_174 : f32 to vector<16xf32>
      %swap3A_176 = arith.index_cast %scan3A_132 : i32 to index
      %swap3A_177 = arith.constant 48 : index
      %swap3A_178 = tpu.vector_load %arg16[%swap3A_176, %swap3A_177] {strides = array<i32>} : memref<80x128xf32, #tpu.memory_space<vmem>>, vector<1x16xf32>,
      %swap3A_179 = vector.shape_cast %swap3A_178 : vector<1x16xf32> to vector<16xf32>
      %swap3A_180 = vector.shape_cast %broadcast_in_dim3A_175 : vector<16xf32> to vector<1x16xf32>
      tpu.vector_store %arg16[%swap3A_176, %swap3A_177], %swap3A_180 {strides = array<i32>} : memref<80x128xf32, #tpu.memory_space<vmem>>, vector<1x16xf32>,
      %broadcast_in_dim3A_181 = arith.constant 0.000000e+00 : f32
      %broadcast_in_dim3A_182 = vector.broadcast %broadcast_in_dim3A_181 : f32 to vector<16xf32>
      %swap3A_183 = arith.index_cast %scan3A_132 : i32 to index
      %swap3A_184 = arith.constant 48 : index
      %swap3A_185 = tpu.vector_load %arg17[%swap3A_183, %swap3A_184] {strides = array<i32>} : memref<80x128xf32, #tpu.memory_space<vmem>>, vector<1x16xf32>,
      %swap3A_186 = vector.shape_cast %swap3A_185 : vector<1x16xf32> to vector<16xf32>
      %swap3A_187 = vector.shape_cast %broadcast_in_dim3A_182 : vector<16xf32> to vector<1x16xf32>
      tpu.vector_store %arg17[%swap3A_183, %swap3A_184], %swap3A_187 {strides = array<i32>} : memref<80x128xf32, #tpu.memory_space<vmem>>, vector<1x16xf32>,
      %broadcast_in_dim3A_188 = arith.constant 0.000000e+00 : f32
      %broadcast_in_dim3A_189 = vector.broadcast %broadcast_in_dim3A_188 : f32 to vector<16xf32>
      %swap3A_190 = arith.index_cast %scan3A_132 : i32 to index
      %swap3A_191 = arith.constant 64 : index
      %swap3A_192 = tpu.vector_load %arg16[%swap3A_190, %swap3A_191] {strides = array<i32>} : memref<80x128xf32, #tpu.memory_space<vmem>>, vector<1x16xf32>,
      %swap3A_193 = vector.shape_cast %swap3A_192 : vector<1x16xf32> to vector<16xf32>
      %swap3A_194 = vector.shape_cast %broadcast_in_dim3A_189 : vector<16xf32> to vector<1x16xf32>
      tpu.vector_store %arg16[%swap3A_190, %swap3A_191], %swap3A_194 {strides = array<i32>} : memref<80x128xf32, #tpu.memory_space<vmem>>, vector<1x16xf32>,
      %broadcast_in_dim3A_195 = arith.constant 0.000000e+00 : f32
      %broadcast_in_dim3A_196 = vector.broadcast %broadcast_in_dim3A_195 : f32 to vector<16xf32>
      %swap3A_197 = arith.index_cast %scan3A_132 : i32 to index
      %swap3A_198 = arith.constant 64 : index
      %swap3A_199 = tpu.vector_load %arg17[%swap3A_197, %swap3A_198] {strides = array<i32>} : memref<80x128xf32, #tpu.memory_space<vmem>>, vector<1x16xf32>,
      %swap3A_200 = vector.shape_cast %swap3A_199 : vector<1x16xf32> to vector<16xf32>
      %swap3A_201 = vector.shape_cast %broadcast_in_dim3A_196 : vector<16xf32> to vector<1x16xf32>
      tpu.vector_store %arg17[%swap3A_197, %swap3A_198], %swap3A_201 {strides = array<i32>} : memref<80x128xf32, #tpu.memory_space<vmem>>, vector<1x16xf32>,
      %broadcast_in_dim3A_202 = arith.constant 0.000000e+00 : f32
      %broadcast_in_dim3A_203 = vector.broadcast %broadcast_in_dim3A_202 : f32 to vector<16xf32>
      %swap3A_204 = arith.index_cast %scan3A_132 : i32 to index
      %swap3A_205 = arith.constant 80 : index
      %swap3A_206 = tpu.vector_load %arg16[%swap3A_204, %swap3A_205] {strides = array<i32>} : memref<80x128xf32, #tpu.memory_space<vmem>>, vector<1x16xf32>,
      %swap3A_207 = vector.shape_cast %swap3A_206 : vector<1x16xf32> to vector<16xf32>
      %swap3A_208 = vector.shape_cast %broadcast_in_dim3A_203 : vector<16xf32> to vector<1x16xf32>
      tpu.vector_store %arg16[%swap3A_204, %swap3A_205], %swap3A_208 {strides = array<i32>} : memref<80x128xf32, #tpu.memory_space<vmem>>, vector<1x16xf32>,
      %broadcast_in_dim3A_209 = arith.constant 0.000000e+00 : f32
      %broadcast_in_dim3A_210 = vector.broadcast %broadcast_in_dim3A_209 : f32 to vector<16xf32>
      %swap3A_211 = arith.index_cast %scan3A_132 : i32 to index
      %swap3A_212 = arith.constant 80 : index
      %swap3A_213 = tpu.vector_load %arg17[%swap3A_211, %swap3A_212] {strides = array<i32>} : memref<80x128xf32, #tpu.memory_space<vmem>>, vector<1x16xf32>,
      %swap3A_214 = vector.shape_cast %swap3A_213 : vector<1x16xf32> to vector<16xf32>
      %swap3A_215 = vector.shape_cast %broadcast_in_dim3A_210 : vector<16xf32> to vector<1x16xf32>
      tpu.vector_store %arg17[%swap3A_211, %swap3A_212], %swap3A_215 {strides = array<i32>} : memref<80x128xf32, #tpu.memory_space<vmem>>, vector<1x16xf32>,
      %broadcast_in_dim3A_216 = arith.constant 0.000000e+00 : f32
      %broadcast_in_dim3A_217 = vector.broadcast %broadcast_in_dim3A_216 : f32 to vector<16xf32>
      %swap3A_218 = arith.index_cast %scan3A_132 : i32 to index
      %swap3A_219 = arith.constant 96 : index
      %swap3A_220 = tpu.vector_load %arg16[%swap3A_218, %swap3A_219] {strides = array<i32>} : memref<80x128xf32, #tpu.memory_space<vmem>>, vector<1x16xf32>,
      %swap3A_221 = vector.shape_cast %swap3A_220 : vector<1x16xf32> to vector<16xf32>
      %swap3A_222 = vector.shape_cast %broadcast_in_dim3A_217 : vector<16xf32> to vector<1x16xf32>
      tpu.vector_store %arg16[%swap3A_218, %swap3A_219], %swap3A_222 {strides = array<i32>} : memref<80x128xf32, #tpu.memory_space<vmem>>, vector<1x16xf32>,
      %broadcast_in_dim3A_223 = arith.constant 0.000000e+00 : f32
      %broadcast_in_dim3A_224 = vector.broadcast %broadcast_in_dim3A_223 : f32 to vector<16xf32>
      %swap3A_225 = arith.index_cast %scan3A_132 : i32 to index
      %swap3A_226 = arith.constant 96 : index
      %swap3A_227 = tpu.vector_load %arg17[%swap3A_225, %swap3A_226] {strides = array<i32>} : memref<80x128xf32, #tpu.memory_space<vmem>>, vector<1x16xf32>,
      %swap3A_228 = vector.shape_cast %swap3A_227 : vector<1x16xf32> to vector<16xf32>
      %swap3A_229 = vector.shape_cast %broadcast_in_dim3A_224 : vector<16xf32> to vector<1x16xf32>
      tpu.vector_store %arg17[%swap3A_225, %swap3A_226], %swap3A_229 {strides = array<i32>} : memref<80x128xf32, #tpu.memory_space<vmem>>, vector<1x16xf32>,
      %broadcast_in_dim3A_230 = arith.constant 0.000000e+00 : f32
      %broadcast_in_dim3A_231 = vector.broadcast %broadcast_in_dim3A_230 : f32 to vector<16xf32>
      %swap3A_232 = arith.index_cast %scan3A_132 : i32 to index
      %swap3A_233 = arith.constant 112 : index
      %swap3A_234 = tpu.vector_load %arg16[%swap3A_232, %swap3A_233] {strides = array<i32>} : memref<80x128xf32, #tpu.memory_space<vmem>>, vector<1x16xf32>,
      %swap3A_235 = vector.shape_cast %swap3A_234 : vector<1x16xf32> to vector<16xf32>
      %swap3A_236 = vector.shape_cast %broadcast_in_dim3A_231 : vector<16xf32> to vector<1x16xf32>
      tpu.vector_store %arg16[%swap3A_232, %swap3A_233], %swap3A_236 {strides = array<i32>} : memref<80x128xf32, #tpu.memory_space<vmem>>, vector<1x16xf32>,
      %broadcast_in_dim3A_237 = arith.constant 0.000000e+00 : f32
      %broadcast_in_dim3A_238 = vector.broadcast %broadcast_in_dim3A_237 : f32 to vector<16xf32>
      %swap3A_239 = arith.index_cast %scan3A_132 : i32 to index
      %swap3A_240 = arith.constant 112 : index
      %swap3A_241 = tpu.vector_load %arg17[%swap3A_239, %swap3A_240] {strides = array<i32>} : memref<80x128xf32, #tpu.memory_space<vmem>>, vector<1x16xf32>,
      %swap3A_242 = vector.shape_cast %swap3A_241 : vector<1x16xf32> to vector<16xf32>
      %swap3A_243 = vector.shape_cast %broadcast_in_dim3A_238 : vector<16xf32> to vector<1x16xf32>
      tpu.vector_store %arg17[%swap3A_239, %swap3A_240], %swap3A_243 {strides = array<i32>} : memref<80x128xf32, #tpu.memory_space<vmem>>, vector<1x16xf32>,
    }
    %scan3A_36 = arith.constant 80 : i32
    %scan3A_37 = arith.constant 0 : i32
    %scan3A_38 = arith.constant 0 : i32
    %scan3A_39 = arith.constant 8 : i32
    %scan3A_40 = arith.addi %scan3A_38, %scan3A_39 : i32
    %scan3A_41 = arith.constant 1 : i32
    scf.for %scan3A_132 = %scan3A_38 to %scan3A_40 step %scan3A_41  : i32 {
      %mul3A_133 = arith.constant 80 : i32
      %mul3A_134 = arith.muli %scan3A_132, %mul3A_133 : i32
      %add3A_135 = arith.addi %mul3A_2, %mul3A_134 : i32
      "tpu.region"() ({
        %run_scoped3A = tpu.sem_alloc : memref<!tpu.dma_semaphore, #tpu.memory_space<semaphore_mem>>
        %dma_start3A_136 = arith.constant 0 : i32
        %dma_start3A_137 = tpu.memref_slice %arg18[%add3A_135, %dma_start3A_136] : memref<10240x128xf32, #tpu.memory_space<vmem_shared>> -> memref<80x128xf32, #tpu.memory_space<vmem_shared>>
        %dma_start3A_138 = arith.constant 0 : i32
        %dma_start3A_139 = tpu.memref_slice %arg18[%add3A_135, %dma_start3A_138] : memref<10240x128xf32, #tpu.memory_space<vmem_shared>> -> memref<80x128xf32, #tpu.memory_space<vmem_shared>>
        tpu.enqueue_dma source(%arg16 : memref<80x128xf32, #tpu.memory_space<vmem>>) target(%dma_start3A_139 : memref<80x128xf32, #tpu.memory_space<vmem_shared>>) target_semaphore(%run_scoped3A : memref<!tpu.dma_semaphore, #tpu.memory_space<semaphore_mem>>)
        %dma_wait3A_140 = arith.constant 0 : i32
        %dma_wait3A_141 = tpu.memref_slice %arg18[%add3A_135, %dma_wait3A_140] : memref<10240x128xf32, #tpu.memory_space<vmem_shared>> -> memref<80x128xf32, #tpu.memory_space<vmem_shared>>
        %dma_wait3A_142 = arith.constant 0 : i32
        %dma_wait3A_143 = tpu.memref_slice %arg18[%add3A_135, %dma_wait3A_142] : memref<10240x128xf32, #tpu.memory_space<vmem_shared>> -> memref<80x128xf32, #tpu.memory_space<vmem_shared>>
        tpu.wait_dma2 semaphore(%run_scoped3A : memref<!tpu.dma_semaphore, #tpu.memory_space<semaphore_mem>>) src(%arg16 : memref<80x128xf32, #tpu.memory_space<vmem>>) dst(%dma_wait3A_143 : memref<80x128xf32, #tpu.memory_space<vmem_shared>>)
        tpu.yield
      }) : () -> ()
    }
    %scan3A_42 = arith.constant 8 : i32
    %dma_wait3A = arith.constant 0 : i32
    %dma_wait3A_43 = arith.constant 0 : i32
    %dma_wait3A_44 = tpu.memref_slice %arg4[%dma_wait3A, %dma_wait3A_43] : memref<2x320000xi32, #tpu.memory_space<hbm>> -> memref<1x80xi32, #tpu.memory_space<hbm>>
    %dma_wait3A_45 = tpu.memref_squeeze %dma_wait3A_44 : memref<1x80xi32, #tpu.memory_space<hbm>> -> memref<80xi32, #tpu.memory_space<hbm>>
    %dma_wait3A_46 = arith.constant 0 : i32
    %dma_wait3A_47 = tpu.memref_slice %arg4[%dma_wait3A, %dma_wait3A_46] : memref<2x320000xi32, #tpu.memory_space<hbm>> -> memref<1x80xi32, #tpu.memory_space<hbm>>
    %dma_wait3A_48 = tpu.memref_squeeze %dma_wait3A_47 : memref<1x80xi32, #tpu.memory_space<hbm>> -> memref<80xi32, #tpu.memory_space<hbm>>
    tpu.wait_dma2 semaphore(%arg21 : memref<!tpu.dma_semaphore, #tpu.memory_space<semaphore_mem>>) src(%dma_wait3A_48 : memref<80xi32, #tpu.memory_space<hbm>>) dst(%arg6 : memref<80xi32, #tpu.memory_space<vmem>>)
    %dma_wait3A_49 = arith.constant 1 : i32
    %dma_wait3A_50 = arith.constant 0 : i32
    %dma_wait3A_51 = tpu.memref_slice %arg4[%dma_wait3A_49, %dma_wait3A_50] : memref<2x320000xi32, #tpu.memory_space<hbm>> -> memref<1x80xi32, #tpu.memory_space<hbm>>
    %dma_wait3A_52 = tpu.memref_squeeze %dma_wait3A_51 : memref<1x80xi32, #tpu.memory_space<hbm>> -> memref<80xi32, #tpu.memory_space<hbm>>
    %dma_wait3A_53 = arith.constant 0 : i32
    %dma_wait3A_54 = tpu.memref_slice %arg4[%dma_wait3A_49, %dma_wait3A_53] : memref<2x320000xi32, #tpu.memory_space<hbm>> -> memref<1x80xi32, #tpu.memory_space<hbm>>
    %dma_wait3A_55 = tpu.memref_squeeze %dma_wait3A_54 : memref<1x80xi32, #tpu.memory_space<hbm>> -> memref<80xi32, #tpu.memory_space<hbm>>
    tpu.wait_dma2 semaphore(%arg21 : memref<!tpu.dma_semaphore, #tpu.memory_space<semaphore_mem>>) src(%dma_wait3A_55 : memref<80xi32, #tpu.memory_space<hbm>>) dst(%arg7 : memref<80xi32, #tpu.memory_space<vmem>>)
    %dma_start3A_56 = arith.constant 0 : i32
    %dma_start3A_57 = arith.constant 0 : i32
    %dma_start3A_58 = tpu.memref_slice %arg2[%dma_start3A_56, %dma_start3A_57] : memref<10000x80xf32, #tpu.memory_space<hbm>> -> memref<10000x80xf32, #tpu.memory_space<hbm>>
    tpu.enqueue_indirect_dma source(%dma_start3A_58 : memref<10000x80xf32, #tpu.memory_space<hbm>>) target(%arg12 : memref<80x80xf32, #tpu.memory_space<vmem>>) offsets(%arg6 : memref<80xi32, #tpu.memory_space<vmem>>) semaphore(%arg19 : memref<!tpu.dma_semaphore, #tpu.memory_space<semaphore_mem>>)
    %dma_start3A_59 = arith.constant 0 : i32
    %dma_start3A_60 = arith.constant 0 : i32
    %dma_start3A_61 = tpu.memref_slice %arg3[%dma_start3A_59, %dma_start3A_60] : memref<10000x16xf32, #tpu.memory_space<hbm>> -> memref<10000x16xf32, #tpu.memory_space<hbm>>
    tpu.enqueue_indirect_dma source(%dma_start3A_61 : memref<10000x16xf32, #tpu.memory_space<hbm>>) target(%arg13 : memref<80x16xf32, #tpu.memory_space<vmem>>) offsets(%arg7 : memref<80xi32, #tpu.memory_space<vmem>>) semaphore(%arg19 : memref<!tpu.dma_semaphore, #tpu.memory_space<semaphore_mem>>)
    %dma_wait3A_62 = arith.constant 0 : i32
    %dma_wait3A_63 = arith.constant 0 : i32
    %dma_wait3A_64 = tpu.memref_slice %arg4[%dma_wait3A_62, %dma_wait3A_63] : memref<2x320000xi32, #tpu.memory_space<hbm>> -> memref<1x80xi32, #tpu.memory_space<hbm>>
    %dma_wait3A_65 = tpu.memref_squeeze %dma_wait3A_64 : memref<1x80xi32, #tpu.memory_space<hbm>> -> memref<80xi32, #tpu.memory_space<hbm>>
    %dma_wait3A_66 = arith.constant 0 : i32
    %dma_wait3A_67 = tpu.memref_slice %arg4[%dma_wait3A_62, %dma_wait3A_66] : memref<2x320000xi32, #tpu.memory_space<hbm>> -> memref<1x80xi32, #tpu.memory_space<hbm>>
    %dma_wait3A_68 = tpu.memref_squeeze %dma_wait3A_67 : memref<1x80xi32, #tpu.memory_space<hbm>> -> memref<80xi32, #tpu.memory_space<hbm>>
    tpu.wait_dma2 semaphore(%arg22 : memref<!tpu.dma_semaphore, #tpu.memory_space<semaphore_mem>>) src(%dma_wait3A_68 : memref<80xi32, #tpu.memory_space<hbm>>) dst(%arg9 : memref<80xi32, #tpu.memory_space<vmem>>)
    %dma_wait3A_69 = arith.constant 1 : i32
    %dma_wait3A_70 = arith.constant 0 : i32
    %dma_wait3A_71 = tpu.memref_slice %arg4[%dma_wait3A_69, %dma_wait3A_70] : memref<2x320000xi32, #tpu.memory_space<hbm>> -> memref<1x80xi32, #tpu.memory_space<hbm>>
    %dma_wait3A_72 = tpu.memref_squeeze %dma_wait3A_71 : memref<1x80xi32, #tpu.memory_space<hbm>> -> memref<80xi32, #tpu.memory_space<hbm>>
    %dma_wait3A_73 = arith.constant 0 : i32
    %dma_wait3A_74 = tpu.memref_slice %arg4[%dma_wait3A_69, %dma_wait3A_73] : memref<2x320000xi32, #tpu.memory_space<hbm>> -> memref<1x80xi32, #tpu.memory_space<hbm>>
    %dma_wait3A_75 = tpu.memref_squeeze %dma_wait3A_74 : memref<1x80xi32, #tpu.memory_space<hbm>> -> memref<80xi32, #tpu.memory_space<hbm>>
    tpu.wait_dma2 semaphore(%arg22 : memref<!tpu.dma_semaphore, #tpu.memory_space<semaphore_mem>>) src(%dma_wait3A_75 : memref<80xi32, #tpu.memory_space<hbm>>) dst(%arg10 : memref<80xi32, #tpu.memory_space<vmem>>)
    %dma_start3A_76 = arith.constant 0 : i32
    %dma_start3A_77 = arith.constant 0 : i32
    %dma_start3A_78 = tpu.memref_slice %arg2[%dma_start3A_76, %dma_start3A_77] : memref<10000x80xf32, #tpu.memory_space<hbm>> -> memref<10000x80xf32, #tpu.memory_space<hbm>>
    tpu.enqueue_indirect_dma source(%dma_start3A_78 : memref<10000x80xf32, #tpu.memory_space<hbm>>) target(%arg14 : memref<80x80xf32, #tpu.memory_space<vmem>>) offsets(%arg9 : memref<80xi32, #tpu.memory_space<vmem>>) semaphore(%arg20 : memref<!tpu.dma_semaphore, #tpu.memory_space<semaphore_mem>>)
    %dma_start3A_79 = arith.constant 0 : i32
    %dma_start3A_80 = arith.constant 0 : i32
    %dma_start3A_81 = tpu.memref_slice %arg3[%dma_start3A_79, %dma_start3A_80] : memref<10000x16xf32, #tpu.memory_space<hbm>> -> memref<10000x16xf32, #tpu.memory_space<hbm>>
    tpu.enqueue_indirect_dma source(%dma_start3A_81 : memref<10000x16xf32, #tpu.memory_space<hbm>>) target(%arg15 : memref<80x16xf32, #tpu.memory_space<vmem>>) offsets(%arg10 : memref<80xi32, #tpu.memory_space<vmem>>) semaphore(%arg20 : memref<!tpu.dma_semaphore, #tpu.memory_space<semaphore_mem>>)
    %barrier3A = arith.constant 0 : index
    tpu.barrier barrier_id(%barrier3A)
    %scan3A_82 = arith.constant 0 : i32
    %scan3A_83 = arith.constant 0 : i32
    %scan3A_84 = arith.constant 62 : i32
    %scan3A_85 = arith.addi %scan3A_83, %scan3A_84 : i32
    %scan3A_86 = arith.constant 1 : i32
    scf.for %scan3A_132 = %scan3A_83 to %scan3A_85 step %scan3A_86  : i32 {
      %mul3A_133 = arith.constant 2 : i32
      %mul3A_134 = arith.muli %mul3A_133, %scan3A_132 : i32
      %dma_wait3A_135 = arith.constant 0 : i32
      %dma_wait3A_136 = arith.constant 0 : i32
      %dma_wait3A_137 = tpu.memref_slice %arg2[%dma_wait3A_135, %dma_wait3A_136] : memref<10000x80xf32, #tpu.memory_space<hbm>> -> memref<10000x80xf32, #tpu.memory_space<hbm>>
      tpu.wait_indirect_dma semaphore(%arg19 : memref<!tpu.dma_semaphore, #tpu.memory_space<semaphore_mem>>) src(%dma_wait3A_137 : memref<10000x80xf32, #tpu.memory_space<hbm>>) dst(%arg12 : memref<80x80xf32, #tpu.memory_space<vmem>>)
      %dma_wait3A_138 = arith.constant 0 : i32
      %dma_wait3A_139 = arith.constant 0 : i32
      %dma_wait3A_140 = tpu.memref_slice %arg3[%dma_wait3A_138, %dma_wait3A_139] : memref<10000x16xf32, #tpu.memory_space<hbm>> -> memref<10000x16xf32, #tpu.memory_space<hbm>>
      tpu.wait_indirect_dma semaphore(%arg19 : memref<!tpu.dma_semaphore, #tpu.memory_space<semaphore_mem>>) src(%dma_wait3A_140 : memref<10000x16xf32, #tpu.memory_space<hbm>>) dst(%arg13 : memref<80x16xf32, #tpu.memory_space<vmem>>)
      %get3A_141 = arith.constant 0 : index
      %get3A_142 = tpu.vector_load %arg7[%get3A_141] {strides = array<i32>} : memref<80xi32, #tpu.memory_space<vmem>>, vector<16xi32>,
      %get3A_143 = vector.shape_cast %get3A_142 : vector<16xi32> to vector<16xi32>
      %swap3A_144 = arith.constant 0 : index
      %swap3A_145 = tpu.vector_load %arg8[%swap3A_144] {strides = array<i32>} : memref<80xi32, #tpu.memory_space<vmem>>, vector<16xi32>,
      %swap3A_146 = vector.shape_cast %swap3A_145 : vector<16xi32> to vector<16xi32>
      %swap3A_147 = vector.shape_cast %get3A_143 : vector<16xi32> to vector<16xi32>
      tpu.vector_store %arg8[%swap3A_144], %swap3A_147 {strides = array<i32>} : memref<80xi32, #tpu.memory_space<vmem>>, vector<16xi32>,
      %get3A_148 = arith.constant 16 : index
      %get3A_149 = tpu.vector_load %arg7[%get3A_148] {strides = array<i32>} : memref<80xi32, #tpu.memory_space<vmem>>, vector<16xi32>,
      %get3A_150 = vector.shape_cast %get3A_149 : vector<16xi32> to vector<16xi32>
      %swap3A_151 = arith.constant 16 : index
      %swap3A_152 = tpu.vector_load %arg8[%swap3A_151] {strides = array<i32>} : memref<80xi32, #tpu.memory_space<vmem>>, vector<16xi32>,
      %swap3A_153 = vector.shape_cast %swap3A_152 : vector<16xi32> to vector<16xi32>
      %swap3A_154 = vector.shape_cast %get3A_150 : vector<16xi32> to vector<16xi32>
      tpu.vector_store %arg8[%swap3A_151], %swap3A_154 {strides = array<i32>} : memref<80xi32, #tpu.memory_space<vmem>>, vector<16xi32>,
      %get3A_155 = arith.constant 32 : index
      %get3A_156 = tpu.vector_load %arg7[%get3A_155] {strides = array<i32>} : memref<80xi32, #tpu.memory_space<vmem>>, vector<16xi32>,
      %get3A_157 = vector.shape_cast %get3A_156 : vector<16xi32> to vector<16xi32>
      %swap3A_158 = arith.constant 32 : index
      %swap3A_159 = tpu.vector_load %arg8[%swap3A_158] {strides = array<i32>} : memref<80xi32, #tpu.memory_space<vmem>>, vector<16xi32>,
      %swap3A_160 = vector.shape_cast %swap3A_159 : vector<16xi32> to vector<16xi32>
      %swap3A_161 = vector.shape_cast %get3A_157 : vector<16xi32> to vector<16xi32>
      tpu.vector_store %arg8[%swap3A_158], %swap3A_161 {strides = array<i32>} : memref<80xi32, #tpu.memory_space<vmem>>, vector<16xi32>,
      %get3A_162 = arith.constant 48 : index
      %get3A_163 = tpu.vector_load %arg7[%get3A_162] {strides = array<i32>} : memref<80xi32, #tpu.memory_space<vmem>>, vector<16xi32>,
      %get3A_164 = vector.shape_cast %get3A_163 : vector<16xi32> to vector<16xi32>
      %swap3A_165 = arith.constant 48 : index
      %swap3A_166 = tpu.vector_load %arg8[%swap3A_165] {strides = array<i32>} : memref<80xi32, #tpu.memory_space<vmem>>, vector<16xi32>,
      %swap3A_167 = vector.shape_cast %swap3A_166 : vector<16xi32> to vector<16xi32>
      %swap3A_168 = vector.shape_cast %get3A_164 : vector<16xi32> to vector<16xi32>
      tpu.vector_store %arg8[%swap3A_165], %swap3A_168 {strides = array<i32>} : memref<80xi32, #tpu.memory_space<vmem>>, vector<16xi32>,
      %get3A_169 = arith.constant 64 : index
      %get3A_170 = tpu.vector_load %arg7[%get3A_169] {strides = array<i32>} : memref<80xi32, #tpu.memory_space<vmem>>, vector<16xi32>,
      %get3A_171 = vector.shape_cast %get3A_170 : vector<16xi32> to vector<16xi32>
      %swap3A_172 = arith.constant 64 : index
      %swap3A_173 = tpu.vector_load %arg8[%swap3A_172] {strides = array<i32>} : memref<80xi32, #tpu.memory_space<vmem>>, vector<16xi32>,
      %swap3A_174 = vector.shape_cast %swap3A_173 : vector<16xi32> to vector<16xi32>
      %swap3A_175 = vector.shape_cast %get3A_171 : vector<16xi32> to vector<16xi32>
      tpu.vector_store %arg8[%swap3A_172], %swap3A_175 {strides = array<i32>} : memref<80xi32, #tpu.memory_space<vmem>>, vector<16xi32>,
      %add3A_176 = arith.constant 2 : i32
      %add3A_177 = arith.addi %mul3A_134, %add3A_176 : i32
      %lt3A = arith.constant 125 : i32
      %lt3A_178 = arith.cmpi slt, %add3A_177, %lt3A : i32
      %convert_element_type3A = arith.extui %lt3A_178 : i1 to i32
      %cond3A = arith.constant 0 : i32
      %cond3A_179 = arith.cmpi ne, %convert_element_type3A, %cond3A : i32
      scf.if %cond3A_179 {
        %mul3A_254 = arith.constant 80 : i32
        %mul3A_255 = arith.muli %add3A_177, %mul3A_254 : i32
        %add3A_256 = arith.addi %mul3A_4, %mul3A_255 : i32
        %dma_start3A_257 = arith.constant 0 : i32
        %dma_start3A_258 = tpu.memref_slice %arg4[%dma_start3A_257, %add3A_256] : memref<2x320000xi32, #tpu.memory_space<hbm>> -> memref<1x80xi32, #tpu.memory_space<hbm>>
        %dma_start3A_259 = tpu.memref_squeeze %dma_start3A_258 : memref<1x80xi32, #tpu.memory_space<hbm>> -> memref<80xi32, #tpu.memory_space<hbm>>
        %dma_start3A_260 = tpu.memref_slice %arg4[%dma_start3A_257, %add3A_256] : memref<2x320000xi32, #tpu.memory_space<hbm>> -> memref<1x80xi32, #tpu.memory_space<hbm>>
        %dma_start3A_261 = tpu.memref_squeeze %dma_start3A_260 : memref<1x80xi32, #tpu.memory_space<hbm>> -> memref<80xi32, #tpu.memory_space<hbm>>
        tpu.enqueue_dma source(%dma_start3A_261 : memref<80xi32, #tpu.memory_space<hbm>>) target(%arg6 : memref<80xi32, #tpu.memory_space<vmem>>) target_semaphore(%arg21 : memref<!tpu.dma_semaphore, #tpu.memory_space<semaphore_mem>>)
        %mul3A_262 = arith.constant 80 : i32
        %mul3A_263 = arith.muli %add3A_177, %mul3A_262 : i32
        %add3A_264 = arith.addi %mul3A_4, %mul3A_263 : i32
        %dma_start3A_265 = arith.constant 1 : i32
        %dma_start3A_266 = tpu.memref_slice %arg4[%dma_start3A_265, %add3A_264] : memref<2x320000xi32, #tpu.memory_space<hbm>> -> memref<1x80xi32, #tpu.memory_space<hbm>>
        %dma_start3A_267 = tpu.memref_squeeze %dma_start3A_266 : memref<1x80xi32, #tpu.memory_space<hbm>> -> memref<80xi32, #tpu.memory_space<hbm>>
        %dma_start3A_268 = tpu.memref_slice %arg4[%dma_start3A_265, %add3A_264] : memref<2x320000xi32, #tpu.memory_space<hbm>> -> memref<1x80xi32, #tpu.memory_space<hbm>>
        %dma_start3A_269 = tpu.memref_squeeze %dma_start3A_268 : memref<1x80xi32, #tpu.memory_space<hbm>> -> memref<80xi32, #tpu.memory_space<hbm>>
        tpu.enqueue_dma source(%dma_start3A_269 : memref<80xi32, #tpu.memory_space<hbm>>) target(%arg7 : memref<80xi32, #tpu.memory_space<vmem>>) target_semaphore(%arg21 : memref<!tpu.dma_semaphore, #tpu.memory_space<semaphore_mem>>)
      } else {
      }
      %iota3A_180 = tpu.iota {dimensions = array<i32: 0>} : vector<16xi32>
      %shift_right_arithmetic3A_181 = arith.constant 3 : i32
      %shift_right_arithmetic3A_182 = vector.broadcast %shift_right_arithmetic3A_181 : i32 to vector<16xi32>
      %shift_right_arithmetic3A_183 = arith.shrsi %iota3A_180, %shift_right_arithmetic3A_182 : vector<16xi32>
      %parallel_loop3A_184 = arith.constant 0 : i32
      %parallel_loop3A_185 = arith.constant 80 : i32
      %parallel_loop3A_186 = arith.constant 1 : i32
      scf.for %parallel_loop3A_254 = %parallel_loop3A_184 to %parallel_loop3A_185 step %parallel_loop3A_186  : i32 {
        %parallel_loop3A_255 = arith.index_cast %parallel_loop3A_254 : i32 to index
        %parallel_loop3A_256 = arith.constant 64 : index
        %parallel_loop3A_257 = tpu.vector_load %arg12[%parallel_loop3A_255, %parallel_loop3A_256] {strides = array<i32>} : memref<80x80xf32, #tpu.memory_space<vmem>>, vector<1x16xf32>,
        %parallel_loop3A_258 = vector.shape_cast %parallel_loop3A_257 : vector<1x16xf32> to vector<16xf32>
        %parallel_loop3A_259 = arith.index_cast %parallel_loop3A_254 : i32 to index
        %parallel_loop3A_260 = arith.constant 0 : index
        %parallel_loop3A_261 = tpu.vector_load %arg13[%parallel_loop3A_259, %parallel_loop3A_260] {strides = array<i32>} : memref<80x16xf32, #tpu.memory_space<vmem>>, vector<1x16xf32>,
        %parallel_loop3A_262 = vector.shape_cast %parallel_loop3A_261 : vector<1x16xf32> to vector<16xf32>
        %parallel_loop3A_263 = arith.addf %parallel_loop3A_258, %parallel_loop3A_262 : vector<16xf32>
        %parallel_loop3A_264 = arith.constant 2.000000e-01 : f32
        %parallel_loop3A_265 = vector.broadcast %parallel_loop3A_264 : f32 to vector<16xf32>
        %parallel_loop3A_266 = arith.mulf %parallel_loop3A_265, %parallel_loop3A_263 : vector<16xf32>
        %parallel_loop3A_267 = arith.maximumf %parallel_loop3A_263, %parallel_loop3A_266 : vector<16xf32>
        %parallel_loop3A_268 = math.exp %parallel_loop3A_267 : vector<16xf32>
        %parallel_loop3A_269 = arith.constant 0 : i32
        %parallel_loop3A_270 = vector.broadcast %parallel_loop3A_269 : i32 to vector<16xi32>
        %parallel_loop3A_271 = arith.addi %shift_right_arithmetic3A_183, %parallel_loop3A_270 : vector<16xi32>
        %parallel_loop3A_272 = vector.shape_cast %parallel_loop3A_271 : vector<16xi32> to vector<16x1xi32>
        %parallel_loop3A_273 = vector.shape_cast %parallel_loop3A_272 : vector<16x1xi32> to vector<16xi32>
        %parallel_loop3A_274 = tpu.dynamic_gather %parallel_loop3A_268[%parallel_loop3A_273] in [0] : vector<16xf32>, vector<16xi32> -> vector<16xf32>
        %parallel_loop3A_275 = arith.index_cast %parallel_loop3A_254 : i32 to index
        %parallel_loop3A_276 = arith.constant 0 : index
        %parallel_loop3A_277 = tpu.vector_load %arg12[%parallel_loop3A_275, %parallel_loop3A_276] {strides = array<i32>} : memref<80x80xf32, #tpu.memory_space<vmem>>, vector<1x16xf32>,
        %parallel_loop3A_278 = vector.shape_cast %parallel_loop3A_277 : vector<1x16xf32> to vector<16xf32>
        %parallel_loop3A_279 = arith.mulf %parallel_loop3A_274, %parallel_loop3A_278 : vector<16xf32>
        %parallel_loop3A_280 = arith.index_cast %parallel_loop3A_254 : i32 to index
        %parallel_loop3A_281 = arith.constant 0 : index
        %parallel_loop3A_282 = tpu.vector_load %arg16[%parallel_loop3A_280, %parallel_loop3A_281] {strides = array<i32>} : memref<80x128xf32, #tpu.memory_space<vmem>>, vector<1x16xf32>,
        %parallel_loop3A_283 = vector.shape_cast %parallel_loop3A_282 : vector<1x16xf32> to vector<16xf32>
        %parallel_loop3A_284 = vector.shape_cast %parallel_loop3A_279 : vector<16xf32> to vector<1x16xf32>
        tpu.vector_store %arg16[%parallel_loop3A_280, %parallel_loop3A_281], %parallel_loop3A_284 {strides = array<i32>} : memref<80x128xf32, #tpu.memory_space<vmem>>, vector<1x16xf32>,
        %parallel_loop3A_285 = arith.constant 2 : i32
        %parallel_loop3A_286 = vector.broadcast %parallel_loop3A_285 : i32 to vector<16xi32>
        %parallel_loop3A_287 = arith.addi %shift_right_arithmetic3A_183, %parallel_loop3A_286 : vector<16xi32>
        %parallel_loop3A_288 = vector.shape_cast %parallel_loop3A_287 : vector<16xi32> to vector<16x1xi32>
        %parallel_loop3A_289 = vector.shape_cast %parallel_loop3A_288 : vector<16x1xi32> to vector<16xi32>
        %parallel_loop3A_290 = tpu.dynamic_gather %parallel_loop3A_268[%parallel_loop3A_289] in [0] : vector<16xf32>, vector<16xi32> -> vector<16xf32>
        %parallel_loop3A_291 = arith.index_cast %parallel_loop3A_254 : i32 to index
        %parallel_loop3A_292 = arith.constant 16 : index
        %parallel_loop3A_293 = tpu.vector_load %arg12[%parallel_loop3A_291, %parallel_loop3A_292] {strides = array<i32>} : memref<80x80xf32, #tpu.memory_space<vmem>>, vector<1x16xf32>,
        %parallel_loop3A_294 = vector.shape_cast %parallel_loop3A_293 : vector<1x16xf32> to vector<16xf32>
        %parallel_loop3A_295 = arith.mulf %parallel_loop3A_290, %parallel_loop3A_294 : vector<16xf32>
        %parallel_loop3A_296 = arith.index_cast %parallel_loop3A_254 : i32 to index
        %parallel_loop3A_297 = arith.constant 16 : index
        %parallel_loop3A_298 = tpu.vector_load %arg16[%parallel_loop3A_296, %parallel_loop3A_297] {strides = array<i32>} : memref<80x128xf32, #tpu.memory_space<vmem>>, vector<1x16xf32>,
        %parallel_loop3A_299 = vector.shape_cast %parallel_loop3A_298 : vector<1x16xf32> to vector<16xf32>
        %parallel_loop3A_300 = vector.shape_cast %parallel_loop3A_295 : vector<16xf32> to vector<1x16xf32>
        tpu.vector_store %arg16[%parallel_loop3A_296, %parallel_loop3A_297], %parallel_loop3A_300 {strides = array<i32>} : memref<80x128xf32, #tpu.memory_space<vmem>>, vector<1x16xf32>,
        %parallel_loop3A_301 = arith.constant 4 : i32
        %parallel_loop3A_302 = vector.broadcast %parallel_loop3A_301 : i32 to vector<16xi32>
        %parallel_loop3A_303 = arith.addi %shift_right_arithmetic3A_183, %parallel_loop3A_302 : vector<16xi32>
        %parallel_loop3A_304 = vector.shape_cast %parallel_loop3A_303 : vector<16xi32> to vector<16x1xi32>
        %parallel_loop3A_305 = vector.shape_cast %parallel_loop3A_304 : vector<16x1xi32> to vector<16xi32>
        %parallel_loop3A_306 = tpu.dynamic_gather %parallel_loop3A_268[%parallel_loop3A_305] in [0] : vector<16xf32>, vector<16xi32> -> vector<16xf32>
        %parallel_loop3A_307 = arith.index_cast %parallel_loop3A_254 : i32 to index
        %parallel_loop3A_308 = arith.constant 32 : index
        %parallel_loop3A_309 = tpu.vector_load %arg12[%parallel_loop3A_307, %parallel_loop3A_308] {strides = array<i32>} : memref<80x80xf32, #tpu.memory_space<vmem>>, vector<1x16xf32>,
        %parallel_loop3A_310 = vector.shape_cast %parallel_loop3A_309 : vector<1x16xf32> to vector<16xf32>
        %parallel_loop3A_311 = arith.mulf %parallel_loop3A_306, %parallel_loop3A_310 : vector<16xf32>
        %parallel_loop3A_312 = arith.index_cast %parallel_loop3A_254 : i32 to index
        %parallel_loop3A_313 = arith.constant 32 : index
        %parallel_loop3A_314 = tpu.vector_load %arg16[%parallel_loop3A_312, %parallel_loop3A_313] {strides = array<i32>} : memref<80x128xf32, #tpu.memory_space<vmem>>, vector<1x16xf32>,
        %parallel_loop3A_315 = vector.shape_cast %parallel_loop3A_314 : vector<1x16xf32> to vector<16xf32>
        %parallel_loop3A_316 = vector.shape_cast %parallel_loop3A_311 : vector<16xf32> to vector<1x16xf32>
        tpu.vector_store %arg16[%parallel_loop3A_312, %parallel_loop3A_313], %parallel_loop3A_316 {strides = array<i32>} : memref<80x128xf32, #tpu.memory_space<vmem>>, vector<1x16xf32>,
        %parallel_loop3A_317 = arith.constant 6 : i32
        %parallel_loop3A_318 = vector.broadcast %parallel_loop3A_317 : i32 to vector<16xi32>
        %parallel_loop3A_319 = arith.addi %shift_right_arithmetic3A_183, %parallel_loop3A_318 : vector<16xi32>
        %parallel_loop3A_320 = vector.shape_cast %parallel_loop3A_319 : vector<16xi32> to vector<16x1xi32>
        %parallel_loop3A_321 = vector.shape_cast %parallel_loop3A_320 : vector<16x1xi32> to vector<16xi32>
        %parallel_loop3A_322 = tpu.dynamic_gather %parallel_loop3A_268[%parallel_loop3A_321] in [0] : vector<16xf32>, vector<16xi32> -> vector<16xf32>
        %parallel_loop3A_323 = arith.index_cast %parallel_loop3A_254 : i32 to index
        %parallel_loop3A_324 = arith.constant 48 : index
        %parallel_loop3A_325 = tpu.vector_load %arg12[%parallel_loop3A_323, %parallel_loop3A_324] {strides = array<i32>} : memref<80x80xf32, #tpu.memory_space<vmem>>, vector<1x16xf32>,
        %parallel_loop3A_326 = vector.shape_cast %parallel_loop3A_325 : vector<1x16xf32> to vector<16xf32>
        %parallel_loop3A_327 = arith.mulf %parallel_loop3A_322, %parallel_loop3A_326 : vector<16xf32>
        %parallel_loop3A_328 = arith.index_cast %parallel_loop3A_254 : i32 to index
        %parallel_loop3A_329 = arith.constant 48 : index
        %parallel_loop3A_330 = tpu.vector_load %arg16[%parallel_loop3A_328, %parallel_loop3A_329] {strides = array<i32>} : memref<80x128xf32, #tpu.memory_space<vmem>>, vector<1x16xf32>,
        %parallel_loop3A_331 = vector.shape_cast %parallel_loop3A_330 : vector<1x16xf32> to vector<16xf32>
        %parallel_loop3A_332 = vector.shape_cast %parallel_loop3A_327 : vector<16xf32> to vector<1x16xf32>
        tpu.vector_store %arg16[%parallel_loop3A_328, %parallel_loop3A_329], %parallel_loop3A_332 {strides = array<i32>} : memref<80x128xf32, #tpu.memory_space<vmem>>, vector<1x16xf32>,
        %parallel_loop3A_333 = arith.index_cast %parallel_loop3A_254 : i32 to index
        %parallel_loop3A_334 = arith.constant 64 : index
        %parallel_loop3A_335 = tpu.vector_load %arg16[%parallel_loop3A_333, %parallel_loop3A_334] {strides = array<i32>} : memref<80x128xf32, #tpu.memory_space<vmem>>, vector<1x16xf32>,
        %parallel_loop3A_336 = vector.shape_cast %parallel_loop3A_335 : vector<1x16xf32> to vector<16xf32>
        %parallel_loop3A_337 = vector.shape_cast %parallel_loop3A_268 : vector<16xf32> to vector<1x16xf32>
        tpu.vector_store %arg16[%parallel_loop3A_333, %parallel_loop3A_334], %parallel_loop3A_337 {strides = array<i32>} : memref<80x128xf32, #tpu.memory_space<vmem>>, vector<1x16xf32>,
      } {sc.loop_unroll_factor = 2 : i64, sc.parallel_access}
      "tpu.region"() ({
        %run_scoped3A = tpu.sem_alloc : memref<!tpu.dma_semaphore, #tpu.memory_space<semaphore_mem>>
        %dma_start3A_254 = arith.constant 0 : i32
        %dma_start3A_255 = arith.constant 0 : i32
        %dma_start3A_256 = tpu.memref_slice %arg18[%dma_start3A_254, %dma_start3A_255] : memref<10240x128xf32, #tpu.memory_space<vmem_shared>> -> memref<10240x128xf32, #tpu.memory_space<vmem_shared>>
        tpu.enqueue_indirect_dma source(%arg16 : memref<80x128xf32, #tpu.memory_space<vmem>>) target(%dma_start3A_256 : memref<10240x128xf32, #tpu.memory_space<vmem_shared>>) offsets(%arg8 : memref<80xi32, #tpu.memory_space<vmem>>) semaphore(%run_scoped3A : memref<!tpu.dma_semaphore, #tpu.memory_space<semaphore_mem>>) {add = true}
        %dma_wait3A_257 = arith.constant 0 : i32
        %dma_wait3A_258 = arith.constant 0 : i32
        %dma_wait3A_259 = tpu.memref_slice %arg18[%dma_wait3A_257, %dma_wait3A_258] : memref<10240x128xf32, #tpu.memory_space<vmem_shared>> -> memref<10240x128xf32, #tpu.memory_space<vmem_shared>>
        tpu.wait_indirect_dma semaphore(%run_scoped3A : memref<!tpu.dma_semaphore, #tpu.memory_space<semaphore_mem>>) src(%arg16 : memref<80x128xf32, #tpu.memory_space<vmem>>) dst(%dma_wait3A_259 : memref<10240x128xf32, #tpu.memory_space<vmem_shared>>)
        tpu.yield
      }) : () -> ()
      %lt3A_187 = arith.constant 125 : i32
      %lt3A_188 = arith.cmpi slt, %add3A_177, %lt3A_187 : i32
      %convert_element_type3A_189 = arith.extui %lt3A_188 : i1 to i32
      %cond3A_190 = arith.constant 0 : i32
      %cond3A_191 = arith.cmpi ne, %convert_element_type3A_189, %cond3A_190 : i32
      scf.if %cond3A_191 {
        %dma_wait3A_254 = arith.constant 0 : i32
        %dma_wait3A_255 = arith.constant 0 : i32
        %dma_wait3A_256 = tpu.memref_slice %arg4[%dma_wait3A_254, %dma_wait3A_255] : memref<2x320000xi32, #tpu.memory_space<hbm>> -> memref<1x80xi32, #tpu.memory_space<hbm>>
        %dma_wait3A_257 = tpu.memref_squeeze %dma_wait3A_256 : memref<1x80xi32, #tpu.memory_space<hbm>> -> memref<80xi32, #tpu.memory_space<hbm>>
        %dma_wait3A_258 = arith.constant 0 : i32
        %dma_wait3A_259 = tpu.memref_slice %arg4[%dma_wait3A_254, %dma_wait3A_258] : memref<2x320000xi32, #tpu.memory_space<hbm>> -> memref<1x80xi32, #tpu.memory_space<hbm>>
        %dma_wait3A_260 = tpu.memref_squeeze %dma_wait3A_259 : memref<1x80xi32, #tpu.memory_space<hbm>> -> memref<80xi32, #tpu.memory_space<hbm>>
        tpu.wait_dma2 semaphore(%arg21 : memref<!tpu.dma_semaphore, #tpu.memory_space<semaphore_mem>>) src(%dma_wait3A_260 : memref<80xi32, #tpu.memory_space<hbm>>) dst(%arg6 : memref<80xi32, #tpu.memory_space<vmem>>)
        %dma_wait3A_261 = arith.constant 1 : i32
        %dma_wait3A_262 = arith.constant 0 : i32
        %dma_wait3A_263 = tpu.memref_slice %arg4[%dma_wait3A_261, %dma_wait3A_262] : memref<2x320000xi32, #tpu.memory_space<hbm>> -> memref<1x80xi32, #tpu.memory_space<hbm>>
        %dma_wait3A_264 = tpu.memref_squeeze %dma_wait3A_263 : memref<1x80xi32, #tpu.memory_space<hbm>> -> memref<80xi32, #tpu.memory_space<hbm>>
        %dma_wait3A_265 = arith.constant 0 : i32
        %dma_wait3A_266 = tpu.memref_slice %arg4[%dma_wait3A_261, %dma_wait3A_265] : memref<2x320000xi32, #tpu.memory_space<hbm>> -> memref<1x80xi32, #tpu.memory_space<hbm>>
        %dma_wait3A_267 = tpu.memref_squeeze %dma_wait3A_266 : memref<1x80xi32, #tpu.memory_space<hbm>> -> memref<80xi32, #tpu.memory_space<hbm>>
        tpu.wait_dma2 semaphore(%arg21 : memref<!tpu.dma_semaphore, #tpu.memory_space<semaphore_mem>>) src(%dma_wait3A_267 : memref<80xi32, #tpu.memory_space<hbm>>) dst(%arg7 : memref<80xi32, #tpu.memory_space<vmem>>)
        %dma_start3A_268 = arith.constant 0 : i32
        %dma_start3A_269 = arith.constant 0 : i32
        %dma_start3A_270 = tpu.memref_slice %arg2[%dma_start3A_268, %dma_start3A_269] : memref<10000x80xf32, #tpu.memory_space<hbm>> -> memref<10000x80xf32, #tpu.memory_space<hbm>>
        tpu.enqueue_indirect_dma source(%dma_start3A_270 : memref<10000x80xf32, #tpu.memory_space<hbm>>) target(%arg12 : memref<80x80xf32, #tpu.memory_space<vmem>>) offsets(%arg6 : memref<80xi32, #tpu.memory_space<vmem>>) semaphore(%arg19 : memref<!tpu.dma_semaphore, #tpu.memory_space<semaphore_mem>>)
        %dma_start3A_271 = arith.constant 0 : i32
        %dma_start3A_272 = arith.constant 0 : i32
        %dma_start3A_273 = tpu.memref_slice %arg3[%dma_start3A_271, %dma_start3A_272] : memref<10000x16xf32, #tpu.memory_space<hbm>> -> memref<10000x16xf32, #tpu.memory_space<hbm>>
        tpu.enqueue_indirect_dma source(%dma_start3A_273 : memref<10000x16xf32, #tpu.memory_space<hbm>>) target(%arg13 : memref<80x16xf32, #tpu.memory_space<vmem>>) offsets(%arg7 : memref<80xi32, #tpu.memory_space<vmem>>) semaphore(%arg19 : memref<!tpu.dma_semaphore, #tpu.memory_space<semaphore_mem>>)
      } else {
      }
      %add3A_192 = arith.constant 1 : i32
      %add3A_193 = arith.addi %mul3A_134, %add3A_192 : i32
      %dma_wait3A_194 = arith.constant 0 : i32
      %dma_wait3A_195 = arith.constant 0 : i32
      %dma_wait3A_196 = tpu.memref_slice %arg2[%dma_wait3A_194, %dma_wait3A_195] : memref<10000x80xf32, #tpu.memory_space<hbm>> -> memref<10000x80xf32, #tpu.memory_space<hbm>>
      tpu.wait_indirect_dma semaphore(%arg20 : memref<!tpu.dma_semaphore, #tpu.memory_space<semaphore_mem>>) src(%dma_wait3A_196 : memref<10000x80xf32, #tpu.memory_space<hbm>>) dst(%arg14 : memref<80x80xf32, #tpu.memory_space<vmem>>)
      %dma_wait3A_197 = arith.constant 0 : i32
      %dma_wait3A_198 = arith.constant 0 : i32
      %dma_wait3A_199 = tpu.memref_slice %arg3[%dma_wait3A_197, %dma_wait3A_198] : memref<10000x16xf32, #tpu.memory_space<hbm>> -> memref<10000x16xf32, #tpu.memory_space<hbm>>
      tpu.wait_indirect_dma semaphore(%arg20 : memref<!tpu.dma_semaphore, #tpu.memory_space<semaphore_mem>>) src(%dma_wait3A_199 : memref<10000x16xf32, #tpu.memory_space<hbm>>) dst(%arg15 : memref<80x16xf32, #tpu.memory_space<vmem>>)
      %get3A_200 = arith.constant 0 : index
      %get3A_201 = tpu.vector_load %arg10[%get3A_200] {strides = array<i32>} : memref<80xi32, #tpu.memory_space<vmem>>, vector<16xi32>,
      %get3A_202 = vector.shape_cast %get3A_201 : vector<16xi32> to vector<16xi32>
      %swap3A_203 = arith.constant 0 : index
      %swap3A_204 = tpu.vector_load %arg11[%swap3A_203] {strides = array<i32>} : memref<80xi32, #tpu.memory_space<vmem>>, vector<16xi32>,
      %swap3A_205 = vector.shape_cast %swap3A_204 : vector<16xi32> to vector<16xi32>
      %swap3A_206 = vector.shape_cast %get3A_202 : vector<16xi32> to vector<16xi32>
      tpu.vector_store %arg11[%swap3A_203], %swap3A_206 {strides = array<i32>} : memref<80xi32, #tpu.memory_space<vmem>>, vector<16xi32>,
      %get3A_207 = arith.constant 16 : index
      %get3A_208 = tpu.vector_load %arg10[%get3A_207] {strides = array<i32>} : memref<80xi32, #tpu.memory_space<vmem>>, vector<16xi32>,
      %get3A_209 = vector.shape_cast %get3A_208 : vector<16xi32> to vector<16xi32>
      %swap3A_210 = arith.constant 16 : index
      %swap3A_211 = tpu.vector_load %arg11[%swap3A_210] {strides = array<i32>} : memref<80xi32, #tpu.memory_space<vmem>>, vector<16xi32>,
      %swap3A_212 = vector.shape_cast %swap3A_211 : vector<16xi32> to vector<16xi32>
      %swap3A_213 = vector.shape_cast %get3A_209 : vector<16xi32> to vector<16xi32>
      tpu.vector_store %arg11[%swap3A_210], %swap3A_213 {strides = array<i32>} : memref<80xi32, #tpu.memory_space<vmem>>, vector<16xi32>,
      %get3A_214 = arith.constant 32 : index
      %get3A_215 = tpu.vector_load %arg10[%get3A_214] {strides = array<i32>} : memref<80xi32, #tpu.memory_space<vmem>>, vector<16xi32>,
      %get3A_216 = vector.shape_cast %get3A_215 : vector<16xi32> to vector<16xi32>
      %swap3A_217 = arith.constant 32 : index
      %swap3A_218 = tpu.vector_load %arg11[%swap3A_217] {strides = array<i32>} : memref<80xi32, #tpu.memory_space<vmem>>, vector<16xi32>,
      %swap3A_219 = vector.shape_cast %swap3A_218 : vector<16xi32> to vector<16xi32>
      %swap3A_220 = vector.shape_cast %get3A_216 : vector<16xi32> to vector<16xi32>
      tpu.vector_store %arg11[%swap3A_217], %swap3A_220 {strides = array<i32>} : memref<80xi32, #tpu.memory_space<vmem>>, vector<16xi32>,
      %get3A_221 = arith.constant 48 : index
      %get3A_222 = tpu.vector_load %arg10[%get3A_221] {strides = array<i32>} : memref<80xi32, #tpu.memory_space<vmem>>, vector<16xi32>,
      %get3A_223 = vector.shape_cast %get3A_222 : vector<16xi32> to vector<16xi32>
      %swap3A_224 = arith.constant 48 : index
      %swap3A_225 = tpu.vector_load %arg11[%swap3A_224] {strides = array<i32>} : memref<80xi32, #tpu.memory_space<vmem>>, vector<16xi32>,
      %swap3A_226 = vector.shape_cast %swap3A_225 : vector<16xi32> to vector<16xi32>
      %swap3A_227 = vector.shape_cast %get3A_223 : vector<16xi32> to vector<16xi32>
      tpu.vector_store %arg11[%swap3A_224], %swap3A_227 {strides = array<i32>} : memref<80xi32, #tpu.memory_space<vmem>>, vector<16xi32>,
      %get3A_228 = arith.constant 64 : index
      %get3A_229 = tpu.vector_load %arg10[%get3A_228] {strides = array<i32>} : memref<80xi32, #tpu.memory_space<vmem>>, vector<16xi32>,
      %get3A_230 = vector.shape_cast %get3A_229 : vector<16xi32> to vector<16xi32>
      %swap3A_231 = arith.constant 64 : index
      %swap3A_232 = tpu.vector_load %arg11[%swap3A_231] {strides = array<i32>} : memref<80xi32, #tpu.memory_space<vmem>>, vector<16xi32>,
      %swap3A_233 = vector.shape_cast %swap3A_232 : vector<16xi32> to vector<16xi32>
      %swap3A_234 = vector.shape_cast %get3A_230 : vector<16xi32> to vector<16xi32>
      tpu.vector_store %arg11[%swap3A_231], %swap3A_234 {strides = array<i32>} : memref<80xi32, #tpu.memory_space<vmem>>, vector<16xi32>,
      %add3A_235 = arith.constant 2 : i32
      %add3A_236 = arith.addi %add3A_193, %add3A_235 : i32
      %lt3A_237 = arith.constant 125 : i32
      %lt3A_238 = arith.cmpi slt, %add3A_236, %lt3A_237 : i32
      %convert_element_type3A_239 = arith.extui %lt3A_238 : i1 to i32
      %cond3A_240 = arith.constant 0 : i32
      %cond3A_241 = arith.cmpi ne, %convert_element_type3A_239, %cond3A_240 : i32
      scf.if %cond3A_241 {
        %mul3A_254 = arith.constant 80 : i32
        %mul3A_255 = arith.muli %add3A_236, %mul3A_254 : i32
        %add3A_256 = arith.addi %mul3A_4, %mul3A_255 : i32
        %dma_start3A_257 = arith.constant 0 : i32
        %dma_start3A_258 = tpu.memref_slice %arg4[%dma_start3A_257, %add3A_256] : memref<2x320000xi32, #tpu.memory_space<hbm>> -> memref<1x80xi32, #tpu.memory_space<hbm>>
        %dma_start3A_259 = tpu.memref_squeeze %dma_start3A_258 : memref<1x80xi32, #tpu.memory_space<hbm>> -> memref<80xi32, #tpu.memory_space<hbm>>
        %dma_start3A_260 = tpu.memref_slice %arg4[%dma_start3A_257, %add3A_256] : memref<2x320000xi32, #tpu.memory_space<hbm>> -> memref<1x80xi32, #tpu.memory_space<hbm>>
        %dma_start3A_261 = tpu.memref_squeeze %dma_start3A_260 : memref<1x80xi32, #tpu.memory_space<hbm>> -> memref<80xi32, #tpu.memory_space<hbm>>
        tpu.enqueue_dma source(%dma_start3A_261 : memref<80xi32, #tpu.memory_space<hbm>>) target(%arg9 : memref<80xi32, #tpu.memory_space<vmem>>) target_semaphore(%arg22 : memref<!tpu.dma_semaphore, #tpu.memory_space<semaphore_mem>>)
        %mul3A_262 = arith.constant 80 : i32
        %mul3A_263 = arith.muli %add3A_236, %mul3A_262 : i32
        %add3A_264 = arith.addi %mul3A_4, %mul3A_263 : i32
        %dma_start3A_265 = arith.constant 1 : i32
        %dma_start3A_266 = tpu.memref_slice %arg4[%dma_start3A_265, %add3A_264] : memref<2x320000xi32, #tpu.memory_space<hbm>> -> memref<1x80xi32, #tpu.memory_space<hbm>>
        %dma_start3A_267 = tpu.memref_squeeze %dma_start3A_266 : memref<1x80xi32, #tpu.memory_space<hbm>> -> memref<80xi32, #tpu.memory_space<hbm>>
        %dma_start3A_268 = tpu.memref_slice %arg4[%dma_start3A_265, %add3A_264] : memref<2x320000xi32, #tpu.memory_space<hbm>> -> memref<1x80xi32, #tpu.memory_space<hbm>>
        %dma_start3A_269 = tpu.memref_squeeze %dma_start3A_268 : memref<1x80xi32, #tpu.memory_space<hbm>> -> memref<80xi32, #tpu.memory_space<hbm>>
        tpu.enqueue_dma source(%dma_start3A_269 : memref<80xi32, #tpu.memory_space<hbm>>) target(%arg10 : memref<80xi32, #tpu.memory_space<vmem>>) target_semaphore(%arg22 : memref<!tpu.dma_semaphore, #tpu.memory_space<semaphore_mem>>)
      } else {
      }
      %iota3A_242 = tpu.iota {dimensions = array<i32: 0>} : vector<16xi32>
      %shift_right_arithmetic3A_243 = arith.constant 3 : i32
      %shift_right_arithmetic3A_244 = vector.broadcast %shift_right_arithmetic3A_243 : i32 to vector<16xi32>
      %shift_right_arithmetic3A_245 = arith.shrsi %iota3A_242, %shift_right_arithmetic3A_244 : vector<16xi32>
      %parallel_loop3A_246 = arith.constant 0 : i32
      %parallel_loop3A_247 = arith.constant 80 : i32
      %parallel_loop3A_248 = arith.constant 1 : i32
      scf.for %parallel_loop3A_254 = %parallel_loop3A_246 to %parallel_loop3A_247 step %parallel_loop3A_248  : i32 {
        %parallel_loop3A_255 = arith.index_cast %parallel_loop3A_254 : i32 to index
        %parallel_loop3A_256 = arith.constant 64 : index
        %parallel_loop3A_257 = tpu.vector_load %arg14[%parallel_loop3A_255, %parallel_loop3A_256] {strides = array<i32>} : memref<80x80xf32, #tpu.memory_space<vmem>>, vector<1x16xf32>,
        %parallel_loop3A_258 = vector.shape_cast %parallel_loop3A_257 : vector<1x16xf32> to vector<16xf32>
        %parallel_loop3A_259 = arith.index_cast %parallel_loop3A_254 : i32 to index
        %parallel_loop3A_260 = arith.constant 0 : index
        %parallel_loop3A_261 = tpu.vector_load %arg15[%parallel_loop3A_259, %parallel_loop3A_260] {strides = array<i32>} : memref<80x16xf32, #tpu.memory_space<vmem>>, vector<1x16xf32>,
        %parallel_loop3A_262 = vector.shape_cast %parallel_loop3A_261 : vector<1x16xf32> to vector<16xf32>
        %parallel_loop3A_263 = arith.addf %parallel_loop3A_258, %parallel_loop3A_262 : vector<16xf32>
        %parallel_loop3A_264 = arith.constant 2.000000e-01 : f32
        %parallel_loop3A_265 = vector.broadcast %parallel_loop3A_264 : f32 to vector<16xf32>
        %parallel_loop3A_266 = arith.mulf %parallel_loop3A_265, %parallel_loop3A_263 : vector<16xf32>
        %parallel_loop3A_267 = arith.maximumf %parallel_loop3A_263, %parallel_loop3A_266 : vector<16xf32>
        %parallel_loop3A_268 = math.exp %parallel_loop3A_267 : vector<16xf32>
        %parallel_loop3A_269 = arith.constant 0 : i32
        %parallel_loop3A_270 = vector.broadcast %parallel_loop3A_269 : i32 to vector<16xi32>
        %parallel_loop3A_271 = arith.addi %shift_right_arithmetic3A_245, %parallel_loop3A_270 : vector<16xi32>
        %parallel_loop3A_272 = vector.shape_cast %parallel_loop3A_271 : vector<16xi32> to vector<16x1xi32>
        %parallel_loop3A_273 = vector.shape_cast %parallel_loop3A_272 : vector<16x1xi32> to vector<16xi32>
        %parallel_loop3A_274 = tpu.dynamic_gather %parallel_loop3A_268[%parallel_loop3A_273] in [0] : vector<16xf32>, vector<16xi32> -> vector<16xf32>
        %parallel_loop3A_275 = arith.index_cast %parallel_loop3A_254 : i32 to index
        %parallel_loop3A_276 = arith.constant 0 : index
        %parallel_loop3A_277 = tpu.vector_load %arg14[%parallel_loop3A_275, %parallel_loop3A_276] {strides = array<i32>} : memref<80x80xf32, #tpu.memory_space<vmem>>, vector<1x16xf32>,
        %parallel_loop3A_278 = vector.shape_cast %parallel_loop3A_277 : vector<1x16xf32> to vector<16xf32>
        %parallel_loop3A_279 = arith.mulf %parallel_loop3A_274, %parallel_loop3A_278 : vector<16xf32>
        %parallel_loop3A_280 = arith.index_cast %parallel_loop3A_254 : i32 to index
        %parallel_loop3A_281 = arith.constant 0 : index
        %parallel_loop3A_282 = tpu.vector_load %arg17[%parallel_loop3A_280, %parallel_loop3A_281] {strides = array<i32>} : memref<80x128xf32, #tpu.memory_space<vmem>>, vector<1x16xf32>,
        %parallel_loop3A_283 = vector.shape_cast %parallel_loop3A_282 : vector<1x16xf32> to vector<16xf32>
        %parallel_loop3A_284 = vector.shape_cast %parallel_loop3A_279 : vector<16xf32> to vector<1x16xf32>
        tpu.vector_store %arg17[%parallel_loop3A_280, %parallel_loop3A_281], %parallel_loop3A_284 {strides = array<i32>} : memref<80x128xf32, #tpu.memory_space<vmem>>, vector<1x16xf32>,
        %parallel_loop3A_285 = arith.constant 2 : i32
        %parallel_loop3A_286 = vector.broadcast %parallel_loop3A_285 : i32 to vector<16xi32>
        %parallel_loop3A_287 = arith.addi %shift_right_arithmetic3A_245, %parallel_loop3A_286 : vector<16xi32>
        %parallel_loop3A_288 = vector.shape_cast %parallel_loop3A_287 : vector<16xi32> to vector<16x1xi32>
        %parallel_loop3A_289 = vector.shape_cast %parallel_loop3A_288 : vector<16x1xi32> to vector<16xi32>
        %parallel_loop3A_290 = tpu.dynamic_gather %parallel_loop3A_268[%parallel_loop3A_289] in [0] : vector<16xf32>, vector<16xi32> -> vector<16xf32>
        %parallel_loop3A_291 = arith.index_cast %parallel_loop3A_254 : i32 to index
        %parallel_loop3A_292 = arith.constant 16 : index
        %parallel_loop3A_293 = tpu.vector_load %arg14[%parallel_loop3A_291, %parallel_loop3A_292] {strides = array<i32>} : memref<80x80xf32, #tpu.memory_space<vmem>>, vector<1x16xf32>,
        %parallel_loop3A_294 = vector.shape_cast %parallel_loop3A_293 : vector<1x16xf32> to vector<16xf32>
        %parallel_loop3A_295 = arith.mulf %parallel_loop3A_290, %parallel_loop3A_294 : vector<16xf32>
        %parallel_loop3A_296 = arith.index_cast %parallel_loop3A_254 : i32 to index
        %parallel_loop3A_297 = arith.constant 16 : index
        %parallel_loop3A_298 = tpu.vector_load %arg17[%parallel_loop3A_296, %parallel_loop3A_297] {strides = array<i32>} : memref<80x128xf32, #tpu.memory_space<vmem>>, vector<1x16xf32>,
        %parallel_loop3A_299 = vector.shape_cast %parallel_loop3A_298 : vector<1x16xf32> to vector<16xf32>
        %parallel_loop3A_300 = vector.shape_cast %parallel_loop3A_295 : vector<16xf32> to vector<1x16xf32>
        tpu.vector_store %arg17[%parallel_loop3A_296, %parallel_loop3A_297], %parallel_loop3A_300 {strides = array<i32>} : memref<80x128xf32, #tpu.memory_space<vmem>>, vector<1x16xf32>,
        %parallel_loop3A_301 = arith.constant 4 : i32
        %parallel_loop3A_302 = vector.broadcast %parallel_loop3A_301 : i32 to vector<16xi32>
        %parallel_loop3A_303 = arith.addi %shift_right_arithmetic3A_245, %parallel_loop3A_302 : vector<16xi32>
        %parallel_loop3A_304 = vector.shape_cast %parallel_loop3A_303 : vector<16xi32> to vector<16x1xi32>
        %parallel_loop3A_305 = vector.shape_cast %parallel_loop3A_304 : vector<16x1xi32> to vector<16xi32>
        %parallel_loop3A_306 = tpu.dynamic_gather %parallel_loop3A_268[%parallel_loop3A_305] in [0] : vector<16xf32>, vector<16xi32> -> vector<16xf32>
        %parallel_loop3A_307 = arith.index_cast %parallel_loop3A_254 : i32 to index
        %parallel_loop3A_308 = arith.constant 32 : index
        %parallel_loop3A_309 = tpu.vector_load %arg14[%parallel_loop3A_307, %parallel_loop3A_308] {strides = array<i32>} : memref<80x80xf32, #tpu.memory_space<vmem>>, vector<1x16xf32>,
        %parallel_loop3A_310 = vector.shape_cast %parallel_loop3A_309 : vector<1x16xf32> to vector<16xf32>
        %parallel_loop3A_311 = arith.mulf %parallel_loop3A_306, %parallel_loop3A_310 : vector<16xf32>
        %parallel_loop3A_312 = arith.index_cast %parallel_loop3A_254 : i32 to index
        %parallel_loop3A_313 = arith.constant 32 : index
        %parallel_loop3A_314 = tpu.vector_load %arg17[%parallel_loop3A_312, %parallel_loop3A_313] {strides = array<i32>} : memref<80x128xf32, #tpu.memory_space<vmem>>, vector<1x16xf32>,
        %parallel_loop3A_315 = vector.shape_cast %parallel_loop3A_314 : vector<1x16xf32> to vector<16xf32>
        %parallel_loop3A_316 = vector.shape_cast %parallel_loop3A_311 : vector<16xf32> to vector<1x16xf32>
        tpu.vector_store %arg17[%parallel_loop3A_312, %parallel_loop3A_313], %parallel_loop3A_316 {strides = array<i32>} : memref<80x128xf32, #tpu.memory_space<vmem>>, vector<1x16xf32>,
        %parallel_loop3A_317 = arith.constant 6 : i32
        %parallel_loop3A_318 = vector.broadcast %parallel_loop3A_317 : i32 to vector<16xi32>
        %parallel_loop3A_319 = arith.addi %shift_right_arithmetic3A_245, %parallel_loop3A_318 : vector<16xi32>
        %parallel_loop3A_320 = vector.shape_cast %parallel_loop3A_319 : vector<16xi32> to vector<16x1xi32>
        %parallel_loop3A_321 = vector.shape_cast %parallel_loop3A_320 : vector<16x1xi32> to vector<16xi32>
        %parallel_loop3A_322 = tpu.dynamic_gather %parallel_loop3A_268[%parallel_loop3A_321] in [0] : vector<16xf32>, vector<16xi32> -> vector<16xf32>
        %parallel_loop3A_323 = arith.index_cast %parallel_loop3A_254 : i32 to index
        %parallel_loop3A_324 = arith.constant 48 : index
        %parallel_loop3A_325 = tpu.vector_load %arg14[%parallel_loop3A_323, %parallel_loop3A_324] {strides = array<i32>} : memref<80x80xf32, #tpu.memory_space<vmem>>, vector<1x16xf32>,
        %parallel_loop3A_326 = vector.shape_cast %parallel_loop3A_325 : vector<1x16xf32> to vector<16xf32>
        %parallel_loop3A_327 = arith.mulf %parallel_loop3A_322, %parallel_loop3A_326 : vector<16xf32>
        %parallel_loop3A_328 = arith.index_cast %parallel_loop3A_254 : i32 to index
        %parallel_loop3A_329 = arith.constant 48 : index
        %parallel_loop3A_330 = tpu.vector_load %arg17[%parallel_loop3A_328, %parallel_loop3A_329] {strides = array<i32>} : memref<80x128xf32, #tpu.memory_space<vmem>>, vector<1x16xf32>,
        %parallel_loop3A_331 = vector.shape_cast %parallel_loop3A_330 : vector<1x16xf32> to vector<16xf32>
        %parallel_loop3A_332 = vector.shape_cast %parallel_loop3A_327 : vector<16xf32> to vector<1x16xf32>
        tpu.vector_store %arg17[%parallel_loop3A_328, %parallel_loop3A_329], %parallel_loop3A_332 {strides = array<i32>} : memref<80x128xf32, #tpu.memory_space<vmem>>, vector<1x16xf32>,
        %parallel_loop3A_333 = arith.index_cast %parallel_loop3A_254 : i32 to index
        %parallel_loop3A_334 = arith.constant 64 : index
        %parallel_loop3A_335 = tpu.vector_load %arg17[%parallel_loop3A_333, %parallel_loop3A_334] {strides = array<i32>} : memref<80x128xf32, #tpu.memory_space<vmem>>, vector<1x16xf32>,
        %parallel_loop3A_336 = vector.shape_cast %parallel_loop3A_335 : vector<1x16xf32> to vector<16xf32>
        %parallel_loop3A_337 = vector.shape_cast %parallel_loop3A_268 : vector<16xf32> to vector<1x16xf32>
        tpu.vector_store %arg17[%parallel_loop3A_333, %parallel_loop3A_334], %parallel_loop3A_337 {strides = array<i32>} : memref<80x128xf32, #tpu.memory_space<vmem>>, vector<1x16xf32>,
      } {sc.loop_unroll_factor = 2 : i64, sc.parallel_access}
      "tpu.region"() ({
        %run_scoped3A = tpu.sem_alloc : memref<!tpu.dma_semaphore, #tpu.memory_space<semaphore_mem>>
        %dma_start3A_254 = arith.constant 0 : i32
        %dma_start3A_255 = arith.constant 0 : i32
        %dma_start3A_256 = tpu.memref_slice %arg18[%dma_start3A_254, %dma_start3A_255] : memref<10240x128xf32, #tpu.memory_space<vmem_shared>> -> memref<10240x128xf32, #tpu.memory_space<vmem_shared>>
        tpu.enqueue_indirect_dma source(%arg17 : memref<80x128xf32, #tpu.memory_space<vmem>>) target(%dma_start3A_256 : memref<10240x128xf32, #tpu.memory_space<vmem_shared>>) offsets(%arg11 : memref<80xi32, #tpu.memory_space<vmem>>) semaphore(%run_scoped3A : memref<!tpu.dma_semaphore, #tpu.memory_space<semaphore_mem>>) {add = true}
        %dma_wait3A_257 = arith.constant 0 : i32
        %dma_wait3A_258 = arith.constant 0 : i32
        %dma_wait3A_259 = tpu.memref_slice %arg18[%dma_wait3A_257, %dma_wait3A_258] : memref<10240x128xf32, #tpu.memory_space<vmem_shared>> -> memref<10240x128xf32, #tpu.memory_space<vmem_shared>>
        tpu.wait_indirect_dma semaphore(%run_scoped3A : memref<!tpu.dma_semaphore, #tpu.memory_space<semaphore_mem>>) src(%arg17 : memref<80x128xf32, #tpu.memory_space<vmem>>) dst(%dma_wait3A_259 : memref<10240x128xf32, #tpu.memory_space<vmem_shared>>)
        tpu.yield
      }) : () -> ()
      %lt3A_249 = arith.constant 125 : i32
      %lt3A_250 = arith.cmpi slt, %add3A_236, %lt3A_249 : i32
      %convert_element_type3A_251 = arith.extui %lt3A_250 : i1 to i32
      %cond3A_252 = arith.constant 0 : i32
      %cond3A_253 = arith.cmpi ne, %convert_element_type3A_251, %cond3A_252 : i32
      scf.if %cond3A_253 {
        %dma_wait3A_254 = arith.constant 0 : i32
        %dma_wait3A_255 = arith.constant 0 : i32
        %dma_wait3A_256 = tpu.memref_slice %arg4[%dma_wait3A_254, %dma_wait3A_255] : memref<2x320000xi32, #tpu.memory_space<hbm>> -> memref<1x80xi32, #tpu.memory_space<hbm>>
        %dma_wait3A_257 = tpu.memref_squeeze %dma_wait3A_256 : memref<1x80xi32, #tpu.memory_space<hbm>> -> memref<80xi32, #tpu.memory_space<hbm>>
        %dma_wait3A_258 = arith.constant 0 : i32
        %dma_wait3A_259 = tpu.memref_slice %arg4[%dma_wait3A_254, %dma_wait3A_258] : memref<2x320000xi32, #tpu.memory_space<hbm>> -> memref<1x80xi32, #tpu.memory_space<hbm>>
        %dma_wait3A_260 = tpu.memref_squeeze %dma_wait3A_259 : memref<1x80xi32, #tpu.memory_space<hbm>> -> memref<80xi32, #tpu.memory_space<hbm>>
        tpu.wait_dma2 semaphore(%arg22 : memref<!tpu.dma_semaphore, #tpu.memory_space<semaphore_mem>>) src(%dma_wait3A_260 : memref<80xi32, #tpu.memory_space<hbm>>) dst(%arg9 : memref<80xi32, #tpu.memory_space<vmem>>)
        %dma_wait3A_261 = arith.constant 1 : i32
        %dma_wait3A_262 = arith.constant 0 : i32
        %dma_wait3A_263 = tpu.memref_slice %arg4[%dma_wait3A_261, %dma_wait3A_262] : memref<2x320000xi32, #tpu.memory_space<hbm>> -> memref<1x80xi32, #tpu.memory_space<hbm>>
        %dma_wait3A_264 = tpu.memref_squeeze %dma_wait3A_263 : memref<1x80xi32, #tpu.memory_space<hbm>> -> memref<80xi32, #tpu.memory_space<hbm>>
        %dma_wait3A_265 = arith.constant 0 : i32
        %dma_wait3A_266 = tpu.memref_slice %arg4[%dma_wait3A_261, %dma_wait3A_265] : memref<2x320000xi32, #tpu.memory_space<hbm>> -> memref<1x80xi32, #tpu.memory_space<hbm>>
        %dma_wait3A_267 = tpu.memref_squeeze %dma_wait3A_266 : memref<1x80xi32, #tpu.memory_space<hbm>> -> memref<80xi32, #tpu.memory_space<hbm>>
        tpu.wait_dma2 semaphore(%arg22 : memref<!tpu.dma_semaphore, #tpu.memory_space<semaphore_mem>>) src(%dma_wait3A_267 : memref<80xi32, #tpu.memory_space<hbm>>) dst(%arg10 : memref<80xi32, #tpu.memory_space<vmem>>)
        %dma_start3A_268 = arith.constant 0 : i32
        %dma_start3A_269 = arith.constant 0 : i32
        %dma_start3A_270 = tpu.memref_slice %arg2[%dma_start3A_268, %dma_start3A_269] : memref<10000x80xf32, #tpu.memory_space<hbm>> -> memref<10000x80xf32, #tpu.memory_space<hbm>>
        tpu.enqueue_indirect_dma source(%dma_start3A_270 : memref<10000x80xf32, #tpu.memory_space<hbm>>) target(%arg14 : memref<80x80xf32, #tpu.memory_space<vmem>>) offsets(%arg9 : memref<80xi32, #tpu.memory_space<vmem>>) semaphore(%arg20 : memref<!tpu.dma_semaphore, #tpu.memory_space<semaphore_mem>>)
        %dma_start3A_271 = arith.constant 0 : i32
        %dma_start3A_272 = arith.constant 0 : i32
        %dma_start3A_273 = tpu.memref_slice %arg3[%dma_start3A_271, %dma_start3A_272] : memref<10000x16xf32, #tpu.memory_space<hbm>> -> memref<10000x16xf32, #tpu.memory_space<hbm>>
        tpu.enqueue_indirect_dma source(%dma_start3A_273 : memref<10000x16xf32, #tpu.memory_space<hbm>>) target(%arg15 : memref<80x16xf32, #tpu.memory_space<vmem>>) offsets(%arg10 : memref<80xi32, #tpu.memory_space<vmem>>) semaphore(%arg20 : memref<!tpu.dma_semaphore, #tpu.memory_space<semaphore_mem>>)
      } else {
      }
    }
    %scan3A_87 = arith.constant 62 : i32
    %dma_wait3A_88 = arith.constant 0 : i32
    %dma_wait3A_89 = arith.constant 0 : i32
    %dma_wait3A_90 = tpu.memref_slice %arg2[%dma_wait3A_88, %dma_wait3A_89] : memref<10000x80xf32, #tpu.memory_space<hbm>> -> memref<10000x80xf32, #tpu.memory_space<hbm>>
    tpu.wait_indirect_dma semaphore(%arg19 : memref<!tpu.dma_semaphore, #tpu.memory_space<semaphore_mem>>) src(%dma_wait3A_90 : memref<10000x80xf32, #tpu.memory_space<hbm>>) dst(%arg12 : memref<80x80xf32, #tpu.memory_space<vmem>>)
    %dma_wait3A_91 = arith.constant 0 : i32
    %dma_wait3A_92 = arith.constant 0 : i32
    %dma_wait3A_93 = tpu.memref_slice %arg3[%dma_wait3A_91, %dma_wait3A_92] : memref<10000x16xf32, #tpu.memory_space<hbm>> -> memref<10000x16xf32, #tpu.memory_space<hbm>>
    tpu.wait_indirect_dma semaphore(%arg19 : memref<!tpu.dma_semaphore, #tpu.memory_space<semaphore_mem>>) src(%dma_wait3A_93 : memref<10000x16xf32, #tpu.memory_space<hbm>>) dst(%arg13 : memref<80x16xf32, #tpu.memory_space<vmem>>)
    %get3A = arith.constant 0 : index
    %get3A_94 = tpu.vector_load %arg7[%get3A] {strides = array<i32>} : memref<80xi32, #tpu.memory_space<vmem>>, vector<16xi32>,
    %get3A_95 = vector.shape_cast %get3A_94 : vector<16xi32> to vector<16xi32>
    %swap3A = arith.constant 0 : index
    %swap3A_96 = tpu.vector_load %arg8[%swap3A] {strides = array<i32>} : memref<80xi32, #tpu.memory_space<vmem>>, vector<16xi32>,
    %swap3A_97 = vector.shape_cast %swap3A_96 : vector<16xi32> to vector<16xi32>
    %swap3A_98 = vector.shape_cast %get3A_95 : vector<16xi32> to vector<16xi32>
    tpu.vector_store %arg8[%swap3A], %swap3A_98 {strides = array<i32>} : memref<80xi32, #tpu.memory_space<vmem>>, vector<16xi32>,
    %get3A_99 = arith.constant 16 : index
    %get3A_100 = tpu.vector_load %arg7[%get3A_99] {strides = array<i32>} : memref<80xi32, #tpu.memory_space<vmem>>, vector<16xi32>,
    %get3A_101 = vector.shape_cast %get3A_100 : vector<16xi32> to vector<16xi32>
    %swap3A_102 = arith.constant 16 : index
    %swap3A_103 = tpu.vector_load %arg8[%swap3A_102] {strides = array<i32>} : memref<80xi32, #tpu.memory_space<vmem>>, vector<16xi32>,
    %swap3A_104 = vector.shape_cast %swap3A_103 : vector<16xi32> to vector<16xi32>
    %swap3A_105 = vector.shape_cast %get3A_101 : vector<16xi32> to vector<16xi32>
    tpu.vector_store %arg8[%swap3A_102], %swap3A_105 {strides = array<i32>} : memref<80xi32, #tpu.memory_space<vmem>>, vector<16xi32>,
    %get3A_106 = arith.constant 32 : index
    %get3A_107 = tpu.vector_load %arg7[%get3A_106] {strides = array<i32>} : memref<80xi32, #tpu.memory_space<vmem>>, vector<16xi32>,
    %get3A_108 = vector.shape_cast %get3A_107 : vector<16xi32> to vector<16xi32>
    %swap3A_109 = arith.constant 32 : index
    %swap3A_110 = tpu.vector_load %arg8[%swap3A_109] {strides = array<i32>} : memref<80xi32, #tpu.memory_space<vmem>>, vector<16xi32>,
    %swap3A_111 = vector.shape_cast %swap3A_110 : vector<16xi32> to vector<16xi32>
    %swap3A_112 = vector.shape_cast %get3A_108 : vector<16xi32> to vector<16xi32>
    tpu.vector_store %arg8[%swap3A_109], %swap3A_112 {strides = array<i32>} : memref<80xi32, #tpu.memory_space<vmem>>, vector<16xi32>,
    %get3A_113 = arith.constant 48 : index
    %get3A_114 = tpu.vector_load %arg7[%get3A_113] {strides = array<i32>} : memref<80xi32, #tpu.memory_space<vmem>>, vector<16xi32>,
    %get3A_115 = vector.shape_cast %get3A_114 : vector<16xi32> to vector<16xi32>
    %swap3A_116 = arith.constant 48 : index
    %swap3A_117 = tpu.vector_load %arg8[%swap3A_116] {strides = array<i32>} : memref<80xi32, #tpu.memory_space<vmem>>, vector<16xi32>,
    %swap3A_118 = vector.shape_cast %swap3A_117 : vector<16xi32> to vector<16xi32>
    %swap3A_119 = vector.shape_cast %get3A_115 : vector<16xi32> to vector<16xi32>
    tpu.vector_store %arg8[%swap3A_116], %swap3A_119 {strides = array<i32>} : memref<80xi32, #tpu.memory_space<vmem>>, vector<16xi32>,
    %get3A_120 = arith.constant 64 : index
    %get3A_121 = tpu.vector_load %arg7[%get3A_120] {strides = array<i32>} : memref<80xi32, #tpu.memory_space<vmem>>, vector<16xi32>,
    %get3A_122 = vector.shape_cast %get3A_121 : vector<16xi32> to vector<16xi32>
    %swap3A_123 = arith.constant 64 : index
    %swap3A_124 = tpu.vector_load %arg8[%swap3A_123] {strides = array<i32>} : memref<80xi32, #tpu.memory_space<vmem>>, vector<16xi32>,
    %swap3A_125 = vector.shape_cast %swap3A_124 : vector<16xi32> to vector<16xi32>
    %swap3A_126 = vector.shape_cast %get3A_122 : vector<16xi32> to vector<16xi32>
    tpu.vector_store %arg8[%swap3A_123], %swap3A_126 {strides = array<i32>} : memref<80xi32, #tpu.memory_space<vmem>>, vector<16xi32>,
    %iota3A = tpu.iota {dimensions = array<i32: 0>} : vector<16xi32>
    %shift_right_arithmetic3A = arith.constant 3 : i32
    %shift_right_arithmetic3A_127 = vector.broadcast %shift_right_arithmetic3A : i32 to vector<16xi32>
    %shift_right_arithmetic3A_128 = arith.shrsi %iota3A, %shift_right_arithmetic3A_127 : vector<16xi32>
    %parallel_loop3A = arith.constant 0 : i32
    %parallel_loop3A_129 = arith.constant 80 : i32
    %parallel_loop3A_130 = arith.constant 1 : i32
    scf.for %parallel_loop3A_132 = %parallel_loop3A to %parallel_loop3A_129 step %parallel_loop3A_130  : i32 {
      %parallel_loop3A_133 = arith.index_cast %parallel_loop3A_132 : i32 to index
      %parallel_loop3A_134 = arith.constant 64 : index
      %parallel_loop3A_135 = tpu.vector_load %arg12[%parallel_loop3A_133, %parallel_loop3A_134] {strides = array<i32>} : memref<80x80xf32, #tpu.memory_space<vmem>>, vector<1x16xf32>,
      %parallel_loop3A_136 = vector.shape_cast %parallel_loop3A_135 : vector<1x16xf32> to vector<16xf32>
      %parallel_loop3A_137 = arith.index_cast %parallel_loop3A_132 : i32 to index
      %parallel_loop3A_138 = arith.constant 0 : index
      %parallel_loop3A_139 = tpu.vector_load %arg13[%parallel_loop3A_137, %parallel_loop3A_138] {strides = array<i32>} : memref<80x16xf32, #tpu.memory_space<vmem>>, vector<1x16xf32>,
      %parallel_loop3A_140 = vector.shape_cast %parallel_loop3A_139 : vector<1x16xf32> to vector<16xf32>
      %parallel_loop3A_141 = arith.addf %parallel_loop3A_136, %parallel_loop3A_140 : vector<16xf32>
      %parallel_loop3A_142 = arith.constant 2.000000e-01 : f32
      %parallel_loop3A_143 = vector.broadcast %parallel_loop3A_142 : f32 to vector<16xf32>
      %parallel_loop3A_144 = arith.mulf %parallel_loop3A_143, %parallel_loop3A_141 : vector<16xf32>
      %parallel_loop3A_145 = arith.maximumf %parallel_loop3A_141, %parallel_loop3A_144 : vector<16xf32>
      %parallel_loop3A_146 = math.exp %parallel_loop3A_145 : vector<16xf32>
      %parallel_loop3A_147 = arith.constant 0 : i32
      %parallel_loop3A_148 = vector.broadcast %parallel_loop3A_147 : i32 to vector<16xi32>
      %parallel_loop3A_149 = arith.addi %shift_right_arithmetic3A_128, %parallel_loop3A_148 : vector<16xi32>
      %parallel_loop3A_150 = vector.shape_cast %parallel_loop3A_149 : vector<16xi32> to vector<16x1xi32>
      %parallel_loop3A_151 = vector.shape_cast %parallel_loop3A_150 : vector<16x1xi32> to vector<16xi32>
      %parallel_loop3A_152 = tpu.dynamic_gather %parallel_loop3A_146[%parallel_loop3A_151] in [0] : vector<16xf32>, vector<16xi32> -> vector<16xf32>
      %parallel_loop3A_153 = arith.index_cast %parallel_loop3A_132 : i32 to index
      %parallel_loop3A_154 = arith.constant 0 : index
      %parallel_loop3A_155 = tpu.vector_load %arg12[%parallel_loop3A_153, %parallel_loop3A_154] {strides = array<i32>} : memref<80x80xf32, #tpu.memory_space<vmem>>, vector<1x16xf32>,
      %parallel_loop3A_156 = vector.shape_cast %parallel_loop3A_155 : vector<1x16xf32> to vector<16xf32>
      %parallel_loop3A_157 = arith.mulf %parallel_loop3A_152, %parallel_loop3A_156 : vector<16xf32>
      %parallel_loop3A_158 = arith.index_cast %parallel_loop3A_132 : i32 to index
      %parallel_loop3A_159 = arith.constant 0 : index
      %parallel_loop3A_160 = tpu.vector_load %arg16[%parallel_loop3A_158, %parallel_loop3A_159] {strides = array<i32>} : memref<80x128xf32, #tpu.memory_space<vmem>>, vector<1x16xf32>,
      %parallel_loop3A_161 = vector.shape_cast %parallel_loop3A_160 : vector<1x16xf32> to vector<16xf32>
      %parallel_loop3A_162 = vector.shape_cast %parallel_loop3A_157 : vector<16xf32> to vector<1x16xf32>
      tpu.vector_store %arg16[%parallel_loop3A_158, %parallel_loop3A_159], %parallel_loop3A_162 {strides = array<i32>} : memref<80x128xf32, #tpu.memory_space<vmem>>, vector<1x16xf32>,
      %parallel_loop3A_163 = arith.constant 2 : i32
      %parallel_loop3A_164 = vector.broadcast %parallel_loop3A_163 : i32 to vector<16xi32>
      %parallel_loop3A_165 = arith.addi %shift_right_arithmetic3A_128, %parallel_loop3A_164 : vector<16xi32>
      %parallel_loop3A_166 = vector.shape_cast %parallel_loop3A_165 : vector<16xi32> to vector<16x1xi32>
      %parallel_loop3A_167 = vector.shape_cast %parallel_loop3A_166 : vector<16x1xi32> to vector<16xi32>
      %parallel_loop3A_168 = tpu.dynamic_gather %parallel_loop3A_146[%parallel_loop3A_167] in [0] : vector<16xf32>, vector<16xi32> -> vector<16xf32>
      %parallel_loop3A_169 = arith.index_cast %parallel_loop3A_132 : i32 to index
      %parallel_loop3A_170 = arith.constant 16 : index
      %parallel_loop3A_171 = tpu.vector_load %arg12[%parallel_loop3A_169, %parallel_loop3A_170] {strides = array<i32>} : memref<80x80xf32, #tpu.memory_space<vmem>>, vector<1x16xf32>,
      %parallel_loop3A_172 = vector.shape_cast %parallel_loop3A_171 : vector<1x16xf32> to vector<16xf32>
      %parallel_loop3A_173 = arith.mulf %parallel_loop3A_168, %parallel_loop3A_172 : vector<16xf32>
      %parallel_loop3A_174 = arith.index_cast %parallel_loop3A_132 : i32 to index
      %parallel_loop3A_175 = arith.constant 16 : index
      %parallel_loop3A_176 = tpu.vector_load %arg16[%parallel_loop3A_174, %parallel_loop3A_175] {strides = array<i32>} : memref<80x128xf32, #tpu.memory_space<vmem>>, vector<1x16xf32>,
      %parallel_loop3A_177 = vector.shape_cast %parallel_loop3A_176 : vector<1x16xf32> to vector<16xf32>
      %parallel_loop3A_178 = vector.shape_cast %parallel_loop3A_173 : vector<16xf32> to vector<1x16xf32>
      tpu.vector_store %arg16[%parallel_loop3A_174, %parallel_loop3A_175], %parallel_loop3A_178 {strides = array<i32>} : memref<80x128xf32, #tpu.memory_space<vmem>>, vector<1x16xf32>,
      %parallel_loop3A_179 = arith.constant 4 : i32
      %parallel_loop3A_180 = vector.broadcast %parallel_loop3A_179 : i32 to vector<16xi32>
      %parallel_loop3A_181 = arith.addi %shift_right_arithmetic3A_128, %parallel_loop3A_180 : vector<16xi32>
      %parallel_loop3A_182 = vector.shape_cast %parallel_loop3A_181 : vector<16xi32> to vector<16x1xi32>
      %parallel_loop3A_183 = vector.shape_cast %parallel_loop3A_182 : vector<16x1xi32> to vector<16xi32>
      %parallel_loop3A_184 = tpu.dynamic_gather %parallel_loop3A_146[%parallel_loop3A_183] in [0] : vector<16xf32>, vector<16xi32> -> vector<16xf32>
      %parallel_loop3A_185 = arith.index_cast %parallel_loop3A_132 : i32 to index
      %parallel_loop3A_186 = arith.constant 32 : index
      %parallel_loop3A_187 = tpu.vector_load %arg12[%parallel_loop3A_185, %parallel_loop3A_186] {strides = array<i32>} : memref<80x80xf32, #tpu.memory_space<vmem>>, vector<1x16xf32>,
      %parallel_loop3A_188 = vector.shape_cast %parallel_loop3A_187 : vector<1x16xf32> to vector<16xf32>
      %parallel_loop3A_189 = arith.mulf %parallel_loop3A_184, %parallel_loop3A_188 : vector<16xf32>
      %parallel_loop3A_190 = arith.index_cast %parallel_loop3A_132 : i32 to index
      %parallel_loop3A_191 = arith.constant 32 : index
      %parallel_loop3A_192 = tpu.vector_load %arg16[%parallel_loop3A_190, %parallel_loop3A_191] {strides = array<i32>} : memref<80x128xf32, #tpu.memory_space<vmem>>, vector<1x16xf32>,
      %parallel_loop3A_193 = vector.shape_cast %parallel_loop3A_192 : vector<1x16xf32> to vector<16xf32>
      %parallel_loop3A_194 = vector.shape_cast %parallel_loop3A_189 : vector<16xf32> to vector<1x16xf32>
      tpu.vector_store %arg16[%parallel_loop3A_190, %parallel_loop3A_191], %parallel_loop3A_194 {strides = array<i32>} : memref<80x128xf32, #tpu.memory_space<vmem>>, vector<1x16xf32>,
      %parallel_loop3A_195 = arith.constant 6 : i32
      %parallel_loop3A_196 = vector.broadcast %parallel_loop3A_195 : i32 to vector<16xi32>
      %parallel_loop3A_197 = arith.addi %shift_right_arithmetic3A_128, %parallel_loop3A_196 : vector<16xi32>
      %parallel_loop3A_198 = vector.shape_cast %parallel_loop3A_197 : vector<16xi32> to vector<16x1xi32>
      %parallel_loop3A_199 = vector.shape_cast %parallel_loop3A_198 : vector<16x1xi32> to vector<16xi32>
      %parallel_loop3A_200 = tpu.dynamic_gather %parallel_loop3A_146[%parallel_loop3A_199] in [0] : vector<16xf32>, vector<16xi32> -> vector<16xf32>
      %parallel_loop3A_201 = arith.index_cast %parallel_loop3A_132 : i32 to index
      %parallel_loop3A_202 = arith.constant 48 : index
      %parallel_loop3A_203 = tpu.vector_load %arg12[%parallel_loop3A_201, %parallel_loop3A_202] {strides = array<i32>} : memref<80x80xf32, #tpu.memory_space<vmem>>, vector<1x16xf32>,
      %parallel_loop3A_204 = vector.shape_cast %parallel_loop3A_203 : vector<1x16xf32> to vector<16xf32>
      %parallel_loop3A_205 = arith.mulf %parallel_loop3A_200, %parallel_loop3A_204 : vector<16xf32>
      %parallel_loop3A_206 = arith.index_cast %parallel_loop3A_132 : i32 to index
      %parallel_loop3A_207 = arith.constant 48 : index
      %parallel_loop3A_208 = tpu.vector_load %arg16[%parallel_loop3A_206, %parallel_loop3A_207] {strides = array<i32>} : memref<80x128xf32, #tpu.memory_space<vmem>>, vector<1x16xf32>,
      %parallel_loop3A_209 = vector.shape_cast %parallel_loop3A_208 : vector<1x16xf32> to vector<16xf32>
      %parallel_loop3A_210 = vector.shape_cast %parallel_loop3A_205 : vector<16xf32> to vector<1x16xf32>
      tpu.vector_store %arg16[%parallel_loop3A_206, %parallel_loop3A_207], %parallel_loop3A_210 {strides = array<i32>} : memref<80x128xf32, #tpu.memory_space<vmem>>, vector<1x16xf32>,
      %parallel_loop3A_211 = arith.index_cast %parallel_loop3A_132 : i32 to index
      %parallel_loop3A_212 = arith.constant 64 : index
      %parallel_loop3A_213 = tpu.vector_load %arg16[%parallel_loop3A_211, %parallel_loop3A_212] {strides = array<i32>} : memref<80x128xf32, #tpu.memory_space<vmem>>, vector<1x16xf32>,
      %parallel_loop3A_214 = vector.shape_cast %parallel_loop3A_213 : vector<1x16xf32> to vector<16xf32>
      %parallel_loop3A_215 = vector.shape_cast %parallel_loop3A_146 : vector<16xf32> to vector<1x16xf32>
      tpu.vector_store %arg16[%parallel_loop3A_211, %parallel_loop3A_212], %parallel_loop3A_215 {strides = array<i32>} : memref<80x128xf32, #tpu.memory_space<vmem>>, vector<1x16xf32>,
    } {sc.loop_unroll_factor = 2 : i64, sc.parallel_access}
    "tpu.region"() ({
      %run_scoped3A = tpu.sem_alloc : memref<!tpu.dma_semaphore, #tpu.memory_space<semaphore_mem>>
      %dma_start3A_132 = arith.constant 0 : i32
      %dma_start3A_133 = arith.constant 0 : i32
      %dma_start3A_134 = tpu.memref_slice %arg18[%dma_start3A_132, %dma_start3A_133] : memref<10240x128xf32, #tpu.memory_space<vmem_shared>> -> memref<10240x128xf32, #tpu.memory_space<vmem_shared>>
      tpu.enqueue_indirect_dma source(%arg16 : memref<80x128xf32, #tpu.memory_space<vmem>>) target(%dma_start3A_134 : memref<10240x128xf32, #tpu.memory_space<vmem_shared>>) offsets(%arg8 : memref<80xi32, #tpu.memory_space<vmem>>) semaphore(%run_scoped3A : memref<!tpu.dma_semaphore, #tpu.memory_space<semaphore_mem>>) {add = true}
      %dma_wait3A_135 = arith.constant 0 : i32
      %dma_wait3A_136 = arith.constant 0 : i32
      %dma_wait3A_137 = tpu.memref_slice %arg18[%dma_wait3A_135, %dma_wait3A_136] : memref<10240x128xf32, #tpu.memory_space<vmem_shared>> -> memref<10240x128xf32, #tpu.memory_space<vmem_shared>>
      tpu.wait_indirect_dma semaphore(%run_scoped3A : memref<!tpu.dma_semaphore, #tpu.memory_space<semaphore_mem>>) src(%arg16 : memref<80x128xf32, #tpu.memory_space<vmem>>) dst(%dma_wait3A_137 : memref<10240x128xf32, #tpu.memory_space<vmem_shared>>)
      tpu.yield
    }) : () -> ()
    %barrier3A_131 = arith.constant 0 : index
    tpu.barrier barrier_id(%barrier3A_131)
    "tpu.region"() ({
      %run_scoped3A = tpu.sem_alloc : memref<!tpu.dma_semaphore, #tpu.memory_space<semaphore_mem>>
      %dma_start3A_132 = arith.constant 0 : i32
      %dma_start3A_133 = tpu.memref_slice %arg5[%arg0, %mul3A_2, %dma_start3A_132] : memref<2x10240x128xf32, #tpu.memory_space<hbm>> -> memref<1x640x128xf32, #tpu.memory_space<hbm>>
      %dma_start3A_134 = tpu.memref_squeeze %dma_start3A_133 : memref<1x640x128xf32, #tpu.memory_space<hbm>> -> memref<640x128xf32, #tpu.memory_space<hbm>>
      %dma_start3A_135 = arith.constant 0 : i32
      %dma_start3A_136 = tpu.memref_slice %arg18[%mul3A_2, %dma_start3A_135] : memref<10240x128xf32, #tpu.memory_space<vmem_shared>> -> memref<640x128xf32, #tpu.memory_space<vmem_shared>>
      tpu.enqueue_dma source(%dma_start3A_136 : memref<640x128xf32, #tpu.memory_space<vmem_shared>>) target(%dma_start3A_134 : memref<640x128xf32, #tpu.memory_space<hbm>>) target_semaphore(%run_scoped3A : memref<!tpu.dma_semaphore, #tpu.memory_space<semaphore_mem>>)
      %dma_wait3A_137 = arith.constant 0 : i32
      %dma_wait3A_138 = tpu.memref_slice %arg5[%arg0, %mul3A_2, %dma_wait3A_137] : memref<2x10240x128xf32, #tpu.memory_space<hbm>> -> memref<1x640x128xf32, #tpu.memory_space<hbm>>
      %dma_wait3A_139 = tpu.memref_squeeze %dma_wait3A_138 : memref<1x640x128xf32, #tpu.memory_space<hbm>> -> memref<640x128xf32, #tpu.memory_space<hbm>>
      %dma_wait3A_140 = arith.constant 0 : i32
      %dma_wait3A_141 = tpu.memref_slice %arg18[%mul3A_2, %dma_wait3A_140] : memref<10240x128xf32, #tpu.memory_space<vmem_shared>> -> memref<640x128xf32, #tpu.memory_space<vmem_shared>>
      tpu.wait_dma2 semaphore(%run_scoped3A : memref<!tpu.dma_semaphore, #tpu.memory_space<semaphore_mem>>) src(%dma_wait3A_141 : memref<640x128xf32, #tpu.memory_space<vmem_shared>>) dst(%dma_wait3A_139 : memref<640x128xf32, #tpu.memory_space<hbm>>)
      tpu.yield
    }) : () -> ()
    return
  }
}

module attributes {stable_mosaic.version = 14 : i64} {
  func.func @body(%arg0: i32, %arg1: memref<1024x128xf32, #tpu.memory_space<vmem>>, %arg2: memref<128x64xf32, #tpu.memory_space<vmem>>, %arg3: memref<64x8xf32, #tpu.memory_space<vmem>>, %arg4: memref<64x8xf32, #tpu.memory_space<vmem>>, %arg5: memref<8x64xf32, #tpu.memory_space<vmem>>, %arg6: memref<1024x80xf32, #tpu.memory_space<vmem>>, %arg7: memref<1024x16xf32, #tpu.memory_space<vmem>>, %arg8: memref<1024x80xf32, #tpu.memory_space<vmem>>) attributes {dimension_semantics = [#tpu.dimension_semantics<arbitrary>], iteration_bounds = array<i64: 10>, scalar_prefetch = 0 : i64, scratch_operands = 0 : i64, tpu.core_type = #tpu.core_type<tc>, window_params = [{transform_indices = @transform_0, window_bounds = array<i64: 1024, 128>}, {pipeline_mode = #tpu.pipeline_mode<synchronous>, transform_indices = @transform_1, window_bounds = array<i64: 128, 64>}, {pipeline_mode = #tpu.pipeline_mode<synchronous>, transform_indices = @transform_2, window_bounds = array<i64: 64, 8>}, {pipeline_mode = #tpu.pipeline_mode<synchronous>, transform_indices = @transform_3, window_bounds = array<i64: 64, 8>}, {pipeline_mode = #tpu.pipeline_mode<synchronous>, transform_indices = @transform_4, window_bounds = array<i64: 8, 64>}, {transform_indices = @transform_5, window_bounds = array<i64: 1024, 80>}, {transform_indices = @transform_6, window_bounds = array<i64: 1024, 16>}, {transform_indices = @transform_7, window_bounds = array<i64: 1024, 80>}]} {
    %get3A = arith.constant 0 : index
    %get3A_0 = arith.constant 0 : index
    %get3A_1 = vector.load %arg1[%get3A, %get3A_0] : memref<1024x128xf32, #tpu.memory_space<vmem>>, vector<1024x128xf32>
    %get3A_2 = arith.constant 0 : index
    %get3A_3 = arith.constant 0 : index
    %get3A_4 = vector.load %arg2[%get3A_2, %get3A_3] : memref<128x64xf32, #tpu.memory_space<vmem>>, vector<128x64xf32>
    %dot_general3A = arith.constant dense<0.000000e+00> : vector<1024x64xf32>
    %dot_general3A_5 = tpu.matmul %get3A_1, %get3A_4, %dot_general3A {dimension_numbers = #tpu.dot_dimension_numbers<[1], [0], [0], [1], [0, 0, 1, 1], [], []>, transpose_lhs_hint = false} : vector<1024x128xf32>, vector<128x64xf32>, vector<1024x64xf32> -> vector<1024x64xf32>
    %get3A_6 = arith.constant 0 : index
    %get3A_7 = arith.constant 0 : index
    %get3A_8 = vector.load %arg3[%get3A_6, %get3A_7] : memref<64x8xf32, #tpu.memory_space<vmem>>, vector<64x8xf32>
    %dot_general3A_9 = arith.constant dense<0.000000e+00> : vector<1024x8xf32>
    %dot_general3A_10 = tpu.matmul %dot_general3A_5, %get3A_8, %dot_general3A_9 {dimension_numbers = #tpu.dot_dimension_numbers<[1], [0], [0], [1], [0, 0, 1, 1], [], []>, transpose_lhs_hint = false} : vector<1024x64xf32>, vector<64x8xf32>, vector<1024x8xf32> -> vector<1024x8xf32>
    %get3A_11 = arith.constant 0 : index
    %get3A_12 = arith.constant 0 : index
    %get3A_13 = vector.load %arg4[%get3A_11, %get3A_12] : memref<64x8xf32, #tpu.memory_space<vmem>>, vector<64x8xf32>
    %dot_general3A_14 = arith.constant dense<0.000000e+00> : vector<1024x8xf32>
    %dot_general3A_15 = tpu.matmul %dot_general3A_5, %get3A_13, %dot_general3A_14 {dimension_numbers = #tpu.dot_dimension_numbers<[1], [0], [0], [1], [0, 0, 1, 1], [], []>, transpose_lhs_hint = false} : vector<1024x64xf32>, vector<64x8xf32>, vector<1024x8xf32> -> vector<1024x8xf32>
    %add3A = arith.addf %dot_general3A_10, %dot_general3A_15 : vector<1024x8xf32>
    %mul3A = arith.constant 2.000000e-01 : f32
    %mul3A_16 = vector.broadcast %mul3A : f32 to vector<1024x8xf32>
    %mul3A_17 = arith.mulf %mul3A_16, %add3A : vector<1024x8xf32>
    %max3A = arith.maximumf %add3A, %mul3A_17 : vector<1024x8xf32>
    %exp3A = math.exp %max3A : vector<1024x8xf32>
    %get3A_18 = arith.constant 0 : index
    %get3A_19 = arith.constant 0 : index
    %get3A_20 = vector.load %arg5[%get3A_18, %get3A_19] : memref<8x64xf32, #tpu.memory_space<vmem>>, vector<8x64xf32>
    %dot_general3A_21 = arith.constant dense<0.000000e+00> : vector<1024x64xf32>
    %dot_general3A_22 = tpu.matmul %exp3A, %get3A_20, %dot_general3A_21 {dimension_numbers = #tpu.dot_dimension_numbers<[1], [0], [0], [1], [0, 0, 1, 1], [], []>, transpose_lhs_hint = false} : vector<1024x8xf32>, vector<8x64xf32>, vector<1024x64xf32> -> vector<1024x64xf32>
    %broadcast_in_dim3A = arith.constant 0.000000e+00 : f32
    %broadcast_in_dim3A_23 = vector.broadcast %broadcast_in_dim3A : f32 to vector<1024x8xf32>
    %broadcast_in_dim3A_24 = arith.constant -1.000000e+30 : f32
    %broadcast_in_dim3A_25 = vector.broadcast %broadcast_in_dim3A_24 : f32 to vector<1024x8xf32>
    %concatenate3A = tpu.concatenate %dot_general3A_5, %dot_general3A_10, %broadcast_in_dim3A_25 in 1 : vector<1024x64xf32>, vector<1024x8xf32>, vector<1024x8xf32> -> vector<1024x80xf32>
    %swap3A = arith.constant 0 : index
    %swap3A_26 = arith.constant 0 : index
    %swap3A_27 = vector.load %arg6[%swap3A, %swap3A_26] : memref<1024x80xf32, #tpu.memory_space<vmem>>, vector<1024x80xf32>
    tpu.vector_store %arg6[%swap3A, %swap3A_26], %concatenate3A {strides = array<i32>} : memref<1024x80xf32, #tpu.memory_space<vmem>>, vector<1024x80xf32>,
    %concatenate3A_28 = tpu.concatenate %dot_general3A_15, %broadcast_in_dim3A_23 in 1 : vector<1024x8xf32>, vector<1024x8xf32> -> vector<1024x16xf32>
    %swap3A_29 = arith.constant 0 : index
    %swap3A_30 = arith.constant 0 : index
    %swap3A_31 = vector.load %arg7[%swap3A_29, %swap3A_30] : memref<1024x16xf32, #tpu.memory_space<vmem>>, vector<1024x16xf32>
    tpu.vector_store %arg7[%swap3A_29, %swap3A_30], %concatenate3A_28 {strides = array<i32>} : memref<1024x16xf32, #tpu.memory_space<vmem>>, vector<1024x16xf32>,
    %mul3A_32 = arith.mulf %dot_general3A_22, %dot_general3A_5 : vector<1024x64xf32>
    %concatenate3A_33 = tpu.concatenate %mul3A_32, %exp3A, %broadcast_in_dim3A_23 in 1 : vector<1024x64xf32>, vector<1024x8xf32>, vector<1024x8xf32> -> vector<1024x80xf32>
    %swap3A_34 = arith.constant 0 : index
    %swap3A_35 = arith.constant 0 : index
    %swap3A_36 = vector.load %arg8[%swap3A_34, %swap3A_35] : memref<1024x80xf32, #tpu.memory_space<vmem>>, vector<1024x80xf32>
    tpu.vector_store %arg8[%swap3A_34, %swap3A_35], %concatenate3A_33 {strides = array<i32>} : memref<1024x80xf32, #tpu.memory_space<vmem>>, vector<1024x80xf32>,
    return
  }
  func.func @transform_0(%arg0: i32) -> (i32, i32) {
    %c0_i32 = arith.constant 0 : i32
    %c0_i32_0 = arith.constant 0 : i32
    return %arg0, %c0_i32 : i32, i32
  }
  func.func @transform_1(%arg0: i32) -> (i32, i32) {
    %c0_i32 = arith.constant 0 : i32
    %c0_i32_0 = arith.constant 0 : i32
    %c0_i32_1 = arith.constant 0 : i32
    return %c0_i32, %c0_i32_0 : i32, i32
  }
  func.func @transform_2(%arg0: i32) -> (i32, i32) {
    %c0_i32 = arith.constant 0 : i32
    %c0_i32_0 = arith.constant 0 : i32
    %c0_i32_1 = arith.constant 0 : i32
    return %c0_i32, %c0_i32_0 : i32, i32
  }
  func.func @transform_3(%arg0: i32) -> (i32, i32) {
    %c0_i32 = arith.constant 0 : i32
    %c0_i32_0 = arith.constant 0 : i32
    %c0_i32_1 = arith.constant 0 : i32
    return %c0_i32, %c0_i32_0 : i32, i32
  }
  func.func @transform_4(%arg0: i32) -> (i32, i32) {
    %c0_i32 = arith.constant 0 : i32
    %c0_i32_0 = arith.constant 0 : i32
    %c0_i32_1 = arith.constant 0 : i32
    return %c0_i32, %c0_i32_0 : i32, i32
  }
  func.func @transform_5(%arg0: i32) -> (i32, i32) {
    %c0_i32 = arith.constant 0 : i32
    %c0_i32_0 = arith.constant 0 : i32
    return %arg0, %c0_i32 : i32, i32
  }
  func.func @transform_6(%arg0: i32) -> (i32, i32) {
    %c0_i32 = arith.constant 0 : i32
    %c0_i32_0 = arith.constant 0 : i32
    return %arg0, %c0_i32 : i32, i32
  }
  func.func @transform_7(%arg0: i32) -> (i32, i32) {
    %c0_i32 = arith.constant 0 : i32
    %c0_i32_0 = arith.constant 0 : i32
    return %arg0, %c0_i32 : i32, i32
  }
}

module attributes {stable_mosaic.version = 14 : i64} {
  func.func @body(%arg0: i32, %arg1: memref<1x1024x128xf32, #tpu.memory_space<vmem>>, %arg2: memref<1x1024x128xf32, #tpu.memory_space<vmem>>, %arg3: memref<1024x80xf32, #tpu.memory_space<vmem>>, %arg4: memref<1x64xf32, #tpu.memory_space<vmem>>, %arg5: memref<64x40xf32, #tpu.memory_space<vmem>>, %arg6: memref<40x16xf32, #tpu.memory_space<vmem>>, %arg7: memref<40x16xf32, #tpu.memory_space<vmem>>, %arg8: memref<8x64xf32, #tpu.memory_space<vmem>>, %arg9: memref<1024x48xf32, #tpu.memory_space<vmem>>, %arg10: memref<1024x16xf32, #tpu.memory_space<vmem>>, %arg11: memref<1024x48xf32, #tpu.memory_space<vmem>>) attributes {dimension_semantics = [#tpu.dimension_semantics<arbitrary>], iteration_bounds = array<i64: 10>, scalar_prefetch = 0 : i64, scratch_operands = 0 : i64, tpu.core_type = #tpu.core_type<tc>, window_params = [{transform_indices = @transform_0, window_bounds = array<i64: 1, 1024, 128>}, {transform_indices = @transform_1, window_bounds = array<i64: 1, 1024, 128>}, {transform_indices = @transform_2, window_bounds = array<i64: 1024, 80>}, {pipeline_mode = #tpu.pipeline_mode<synchronous>, transform_indices = @transform_3, window_bounds = array<i64: 1, 64>}, {pipeline_mode = #tpu.pipeline_mode<synchronous>, transform_indices = @transform_4, window_bounds = array<i64: 64, 40>}, {pipeline_mode = #tpu.pipeline_mode<synchronous>, transform_indices = @transform_5, window_bounds = array<i64: 40, 16>}, {pipeline_mode = #tpu.pipeline_mode<synchronous>, transform_indices = @transform_6, window_bounds = array<i64: 40, 16>}, {pipeline_mode = #tpu.pipeline_mode<synchronous>, transform_indices = @transform_7, window_bounds = array<i64: 8, 64>}, {transform_indices = @transform_8, window_bounds = array<i64: 1024, 48>}, {transform_indices = @transform_9, window_bounds = array<i64: 1024, 16>}, {transform_indices = @transform_10, window_bounds = array<i64: 1024, 48>}]} {
    %get3A = arith.constant 0 : index
    %get3A_0 = arith.constant 0 : index
    %get3A_1 = arith.constant 0 : index
    %get3A_2 = vector.load %arg1[%get3A, %get3A_0, %get3A_1] : memref<1x1024x128xf32, #tpu.memory_space<vmem>>, vector<1x1024x128xf32>
    %get3A_3 = vector.shape_cast %get3A_2 : vector<1x1024x128xf32> to vector<1024x128xf32>
    %get3A_4 = arith.constant 0 : index
    %get3A_5 = arith.constant 0 : index
    %get3A_6 = arith.constant 0 : index
    %get3A_7 = vector.load %arg2[%get3A_4, %get3A_5, %get3A_6] : memref<1x1024x128xf32, #tpu.memory_space<vmem>>, vector<1x1024x128xf32>
    %get3A_8 = vector.shape_cast %get3A_7 : vector<1x1024x128xf32> to vector<1024x128xf32>
    %add3A = arith.addf %get3A_3, %get3A_8 : vector<1024x128xf32>
    %get3A_9 = arith.constant 0 : index
    %get3A_10 = arith.constant 0 : index
    %get3A_11 = vector.load %arg3[%get3A_9, %get3A_10] : memref<1024x80xf32, #tpu.memory_space<vmem>>, vector<1024x80xf32>
    %slice3A = vector.extract_strided_slice %add3A {offsets = [0, 64], sizes = [1024, 8], strides = [1, 1]} : vector<1024x128xf32> to vector<1024x8xf32>
    %slice3A_12 = vector.extract_strided_slice %get3A_11 {offsets = [0, 64], sizes = [1024, 8], strides = [1, 1]} : vector<1024x80xf32> to vector<1024x8xf32>
    %add3A_13 = arith.addf %slice3A, %slice3A_12 : vector<1024x8xf32>
    %get3A_14 = arith.constant 0 : index
    %get3A_15 = arith.constant 0 : index
    %get3A_16 = vector.load %arg8[%get3A_14, %get3A_15] : memref<8x64xf32, #tpu.memory_space<vmem>>, vector<8x64xf32>
    %dot_general3A = arith.constant dense<0.000000e+00> : vector<1024x64xf32>
    %dot_general3A_17 = tpu.matmul %add3A_13, %get3A_16, %dot_general3A {dimension_numbers = #tpu.dot_dimension_numbers<[1], [0], [0], [1], [0, 0, 1, 1], [], []>, transpose_lhs_hint = false} : vector<1024x8xf32>, vector<8x64xf32>, vector<1024x64xf32> -> vector<1024x64xf32>
    %slice3A_18 = vector.extract_strided_slice %add3A {offsets = [0, 0], sizes = [1024, 64], strides = [1, 1]} : vector<1024x128xf32> to vector<1024x64xf32>
    %slice3A_19 = vector.extract_strided_slice %get3A_11 {offsets = [0, 0], sizes = [1024, 64], strides = [1, 1]} : vector<1024x80xf32> to vector<1024x64xf32>
    %add3A_20 = arith.addf %slice3A_18, %slice3A_19 : vector<1024x64xf32>
    %div3A = arith.divf %add3A_20, %dot_general3A_17 : vector<1024x64xf32>
    %get3A_21 = arith.constant 0 : index
    %get3A_22 = arith.constant 0 : index
    %get3A_23 = vector.load %arg4[%get3A_21, %get3A_22] : memref<1x64xf32, #tpu.memory_space<vmem>>, vector<1x64xf32>
    %add3A_24 = vector.broadcast %get3A_23 : vector<1x64xf32> to vector<1024x64xf32>
    %add3A_25 = arith.addf %div3A, %add3A_24 : vector<1024x64xf32>
    %gt3A = arith.constant 0.000000e+00 : f32
    %gt3A_26 = vector.broadcast %gt3A : f32 to vector<1024x64xf32>
    %gt3A_27 = arith.cmpf ogt, %add3A_25, %gt3A_26 : vector<1024x64xf32>
    %min3A = arith.constant 0.000000e+00 : f32
    %min3A_28 = vector.broadcast %min3A : f32 to vector<1024x64xf32>
    %min3A_29 = arith.minimumf %add3A_25, %min3A_28 : vector<1024x64xf32>
    %exp3A = math.exp %min3A_29 : vector<1024x64xf32>
    %sub3A = arith.constant 1.000000e+00 : f32
    %sub3A_30 = vector.broadcast %sub3A : f32 to vector<1024x64xf32>
    %sub3A_31 = arith.subf %exp3A, %sub3A_30 : vector<1024x64xf32>
    %select_n3A = arith.select %gt3A_27, %add3A_25, %sub3A_31 : vector<1024x64xi1>, vector<1024x64xf32>
    %get3A_32 = arith.constant 0 : index
    %get3A_33 = arith.constant 0 : index
    %get3A_34 = vector.load %arg5[%get3A_32, %get3A_33] : memref<64x40xf32, #tpu.memory_space<vmem>>, vector<64x40xf32>
    %dot_general3A_35 = arith.constant dense<0.000000e+00> : vector<1024x40xf32>
    %dot_general3A_36 = tpu.matmul %select_n3A, %get3A_34, %dot_general3A_35 {dimension_numbers = #tpu.dot_dimension_numbers<[1], [0], [0], [1], [0, 0, 1, 1], [], []>, transpose_lhs_hint = false} : vector<1024x64xf32>, vector<64x40xf32>, vector<1024x40xf32> -> vector<1024x40xf32>
    %get3A_37 = arith.constant 0 : index
    %get3A_38 = arith.constant 0 : index
    %get3A_39 = vector.load %arg6[%get3A_37, %get3A_38] : memref<40x16xf32, #tpu.memory_space<vmem>>, vector<40x16xf32>
    %dot_general3A_40 = arith.constant dense<0.000000e+00> : vector<1024x16xf32>
    %dot_general3A_41 = tpu.matmul %dot_general3A_36, %get3A_39, %dot_general3A_40 {dimension_numbers = #tpu.dot_dimension_numbers<[1], [0], [0], [1], [0, 0, 1, 1], [], []>, transpose_lhs_hint = false} : vector<1024x40xf32>, vector<40x16xf32>, vector<1024x16xf32> -> vector<1024x16xf32>
    %get3A_42 = arith.constant 0 : index
    %get3A_43 = arith.constant 0 : index
    %get3A_44 = vector.load %arg7[%get3A_42, %get3A_43] : memref<40x16xf32, #tpu.memory_space<vmem>>, vector<40x16xf32>
    %dot_general3A_45 = arith.constant dense<0.000000e+00> : vector<1024x16xf32>
    %dot_general3A_46 = tpu.matmul %dot_general3A_36, %get3A_44, %dot_general3A_45 {dimension_numbers = #tpu.dot_dimension_numbers<[1], [0], [0], [1], [0, 0, 1, 1], [], []>, transpose_lhs_hint = false} : vector<1024x40xf32>, vector<40x16xf32>, vector<1024x16xf32> -> vector<1024x16xf32>
    %add3A_47 = arith.addf %dot_general3A_41, %dot_general3A_46 : vector<1024x16xf32>
    %mul3A = arith.constant 2.000000e-01 : f32
    %mul3A_48 = vector.broadcast %mul3A : f32 to vector<1024x16xf32>
    %mul3A_49 = arith.mulf %mul3A_48, %add3A_47 : vector<1024x16xf32>
    %max3A = arith.maximumf %add3A_47, %mul3A_49 : vector<1024x16xf32>
    %exp3A_50 = math.exp %max3A : vector<1024x16xf32>
    %iota3A = tpu.iota {dimensions = array<i32: 1>} : vector<1024x8xi32>
    %eq3A = arith.constant 0 : i32
    %eq3A_51 = vector.broadcast %eq3A : i32 to vector<1024x8xi32>
    %eq3A_52 = arith.cmpi eq, %iota3A, %eq3A_51 : vector<1024x8xi32>
    %eq3A_53 = arith.constant 1 : i32
    %eq3A_54 = vector.broadcast %eq3A_53 : i32 to vector<1024x8xi32>
    %eq3A_55 = arith.cmpi eq, %iota3A, %eq3A_54 : vector<1024x8xi32>
    %slice3A_56 = vector.extract_strided_slice %dot_general3A_41 {offsets = [0, 0], sizes = [1024, 1], strides = [1, 1]} : vector<1024x16xf32> to vector<1024x1xf32>
    %jit3A = arith.constant 0.000000e+00 : f32
    %broadcast_in_dim3A = vector.shape_cast %slice3A_56 : vector<1024x1xf32> to vector<1024x1xf32>
    %broadcast_in_dim3A_57 = vector.broadcast %broadcast_in_dim3A : vector<1024x1xf32> to vector<1024x8xf32>
    %broadcast_in_dim3A_58 = vector.broadcast %jit3A : f32 to vector<1024x8xf32>
    %select_n3A_59 = arith.select %eq3A_55, %broadcast_in_dim3A_57, %broadcast_in_dim3A_58 : vector<1024x8xi1>, vector<1024x8xf32>
    %jit3A_60 = arith.constant 1.000000e+00 : f32
    %broadcast_in_dim3A_61 = vector.broadcast %jit3A_60 : f32 to vector<1024x8xf32>
    %select_n3A_62 = arith.select %eq3A_52, %broadcast_in_dim3A_61, %select_n3A_59 : vector<1024x8xi1>, vector<1024x8xf32>
    %concatenate3A = tpu.concatenate %dot_general3A_36, %select_n3A_62 in 1 : vector<1024x40xf32>, vector<1024x8xf32> -> vector<1024x48xf32>
    %swap3A = arith.constant 0 : index
    %swap3A_63 = arith.constant 0 : index
    %swap3A_64 = vector.load %arg9[%swap3A, %swap3A_63] : memref<1024x48xf32, #tpu.memory_space<vmem>>, vector<1024x48xf32>
    tpu.vector_store %arg9[%swap3A, %swap3A_63], %concatenate3A {strides = array<i32>} : memref<1024x48xf32, #tpu.memory_space<vmem>>, vector<1024x48xf32>,
    %swap3A_65 = arith.constant 0 : index
    %swap3A_66 = arith.constant 0 : index
    %swap3A_67 = vector.load %arg10[%swap3A_65, %swap3A_66] : memref<1024x16xf32, #tpu.memory_space<vmem>>, vector<1024x16xf32>
    tpu.vector_store %arg10[%swap3A_65, %swap3A_66], %dot_general3A_46 {strides = array<i32>} : memref<1024x16xf32, #tpu.memory_space<vmem>>, vector<1024x16xf32>,
    %concatenate3A_68 = tpu.concatenate %exp3A_50, %exp3A_50, %exp3A_50 in 1 : vector<1024x16xf32>, vector<1024x16xf32>, vector<1024x16xf32> -> vector<1024x48xf32>
    %mul3A_69 = arith.mulf %concatenate3A, %concatenate3A_68 : vector<1024x48xf32>
    %swap3A_70 = arith.constant 0 : index
    %swap3A_71 = arith.constant 0 : index
    %swap3A_72 = vector.load %arg11[%swap3A_70, %swap3A_71] : memref<1024x48xf32, #tpu.memory_space<vmem>>, vector<1024x48xf32>
    tpu.vector_store %arg11[%swap3A_70, %swap3A_71], %mul3A_69 {strides = array<i32>} : memref<1024x48xf32, #tpu.memory_space<vmem>>, vector<1024x48xf32>,
    return
  }
  func.func @transform_0(%arg0: i32) -> (i32, i32, i32) {
    %c0_i32 = arith.constant 0 : i32
    %c0_i32_0 = arith.constant 0 : i32
    %c0_i32_1 = arith.constant 0 : i32
    return %c0_i32, %arg0, %c0_i32_0 : i32, i32, i32
  }
  func.func @transform_1(%arg0: i32) -> (i32, i32, i32) {
    %c1_i32 = arith.constant 1 : i32
    %c0_i32 = arith.constant 0 : i32
    %c0_i32_0 = arith.constant 0 : i32
    return %c1_i32, %arg0, %c0_i32 : i32, i32, i32
  }
  func.func @transform_2(%arg0: i32) -> (i32, i32) {
    %c0_i32 = arith.constant 0 : i32
    %c0_i32_0 = arith.constant 0 : i32
    return %arg0, %c0_i32 : i32, i32
  }
  func.func @transform_3(%arg0: i32) -> (i32, i32) {
    %c0_i32 = arith.constant 0 : i32
    %c0_i32_0 = arith.constant 0 : i32
    %c0_i32_1 = arith.constant 0 : i32
    return %c0_i32, %c0_i32_0 : i32, i32
  }
  func.func @transform_4(%arg0: i32) -> (i32, i32) {
    %c0_i32 = arith.constant 0 : i32
    %c0_i32_0 = arith.constant 0 : i32
    %c0_i32_1 = arith.constant 0 : i32
    return %c0_i32, %c0_i32_0 : i32, i32
  }
  func.func @transform_5(%arg0: i32) -> (i32, i32) {
    %c0_i32 = arith.constant 0 : i32
    %c0_i32_0 = arith.constant 0 : i32
    %c0_i32_1 = arith.constant 0 : i32
    return %c0_i32, %c0_i32_0 : i32, i32
  }
  func.func @transform_6(%arg0: i32) -> (i32, i32) {
    %c0_i32 = arith.constant 0 : i32
    %c0_i32_0 = arith.constant 0 : i32
    %c0_i32_1 = arith.constant 0 : i32
    return %c0_i32, %c0_i32_0 : i32, i32
  }
  func.func @transform_7(%arg0: i32) -> (i32, i32) {
    %c0_i32 = arith.constant 0 : i32
    %c0_i32_0 = arith.constant 0 : i32
    %c0_i32_1 = arith.constant 0 : i32
    return %c0_i32, %c0_i32_0 : i32, i32
  }
  func.func @transform_8(%arg0: i32) -> (i32, i32) {
    %c0_i32 = arith.constant 0 : i32
    %c0_i32_0 = arith.constant 0 : i32
    return %arg0, %c0_i32 : i32, i32
  }
  func.func @transform_9(%arg0: i32) -> (i32, i32) {
    %c0_i32 = arith.constant 0 : i32
    %c0_i32_0 = arith.constant 0 : i32
    return %arg0, %c0_i32 : i32, i32
  }
  func.func @transform_10(%arg0: i32) -> (i32, i32) {
    %c0_i32 = arith.constant 0 : i32
    %c0_i32_0 = arith.constant 0 : i32
    return %arg0, %c0_i32 : i32, i32
  }
}

module attributes {stable_mosaic.version = 14 : i64} {
  func.func @body(%arg0: i32, %arg1: memref<1x1024x128xf32, #tpu.memory_space<vmem>>, %arg2: memref<1x1024x128xf32, #tpu.memory_space<vmem>>, %arg3: memref<1024x48xf32, #tpu.memory_space<vmem>>, %arg4: memref<1x40xf32, #tpu.memory_space<vmem>>, %arg5: memref<1024x40xf32, #tpu.memory_space<vmem>>) attributes {dimension_semantics = [#tpu.dimension_semantics<arbitrary>], iteration_bounds = array<i64: 10>, scalar_prefetch = 0 : i64, scratch_operands = 0 : i64, tpu.core_type = #tpu.core_type<tc>, window_params = [{transform_indices = @transform_0, window_bounds = array<i64: 1, 1024, 128>}, {transform_indices = @transform_1, window_bounds = array<i64: 1, 1024, 128>}, {transform_indices = @transform_2, window_bounds = array<i64: 1024, 48>}, {pipeline_mode = #tpu.pipeline_mode<synchronous>, transform_indices = @transform_3, window_bounds = array<i64: 1, 40>}, {transform_indices = @transform_4, window_bounds = array<i64: 1024, 40>}]} {
    %get3A = arith.constant 0 : index
    %get3A_0 = arith.constant 0 : index
    %get3A_1 = arith.constant 0 : index
    %get3A_2 = vector.load %arg1[%get3A, %get3A_0, %get3A_1] : memref<1x1024x128xf32, #tpu.memory_space<vmem>>, vector<1x1024x128xf32>
    %get3A_3 = vector.shape_cast %get3A_2 : vector<1x1024x128xf32> to vector<1024x128xf32>
    %get3A_4 = arith.constant 0 : index
    %get3A_5 = arith.constant 0 : index
    %get3A_6 = arith.constant 0 : index
    %get3A_7 = vector.load %arg2[%get3A_4, %get3A_5, %get3A_6] : memref<1x1024x128xf32, #tpu.memory_space<vmem>>, vector<1x1024x128xf32>
    %get3A_8 = vector.shape_cast %get3A_7 : vector<1x1024x128xf32> to vector<1024x128xf32>
    %add3A = arith.addf %get3A_3, %get3A_8 : vector<1024x128xf32>
    %get3A_9 = arith.constant 0 : index
    %get3A_10 = arith.constant 0 : index
    %get3A_11 = vector.load %arg3[%get3A_9, %get3A_10] : memref<1024x48xf32, #tpu.memory_space<vmem>>, vector<1024x48xf32>
    %slice3A = vector.extract_strided_slice %add3A {offsets = [0, 0], sizes = [1024, 40], strides = [1, 1]} : vector<1024x128xf32> to vector<1024x40xf32>
    %slice3A_12 = vector.extract_strided_slice %get3A_11 {offsets = [0, 0], sizes = [1024, 40], strides = [1, 1]} : vector<1024x48xf32> to vector<1024x40xf32>
    %add3A_13 = arith.addf %slice3A, %slice3A_12 : vector<1024x40xf32>
    %slice3A_14 = vector.extract_strided_slice %add3A {offsets = [0, 40], sizes = [1024, 1], strides = [1, 1]} : vector<1024x128xf32> to vector<1024x1xf32>
    %slice3A_15 = vector.extract_strided_slice %get3A_11 {offsets = [0, 40], sizes = [1024, 1], strides = [1, 1]} : vector<1024x48xf32> to vector<1024x1xf32>
    %add3A_16 = arith.addf %slice3A_14, %slice3A_15 : vector<1024x1xf32>
    %div3A = vector.broadcast %add3A_16 : vector<1024x1xf32> to vector<1024x40xf32>
    %div3A_17 = arith.divf %add3A_13, %div3A : vector<1024x40xf32>
    %get3A_18 = arith.constant 0 : index
    %get3A_19 = arith.constant 0 : index
    %get3A_20 = vector.load %arg4[%get3A_18, %get3A_19] : memref<1x40xf32, #tpu.memory_space<vmem>>, vector<1x40xf32>
    %add3A_21 = vector.broadcast %get3A_20 : vector<1x40xf32> to vector<1024x40xf32>
    %add3A_22 = arith.addf %div3A_17, %add3A_21 : vector<1024x40xf32>
    %reduce_max3A = arith.constant dense<0xFF800000> : vector<1024xf32>
    %reduce_max3A_23 = vector.multi_reduction <maximumf>, %add3A_22, %reduce_max3A [1] : vector<1024x40xf32> to vector<1024xf32>
    %broadcast_in_dim3A = vector.shape_cast %reduce_max3A_23 : vector<1024xf32> to vector<1024x1xf32>
    %sub3A = vector.broadcast %broadcast_in_dim3A : vector<1024x1xf32> to vector<1024x40xf32>
    %sub3A_24 = arith.subf %add3A_22, %sub3A : vector<1024x40xf32>
    %exp3A = math.exp %sub3A_24 : vector<1024x40xf32>
    %reduce_sum3A = arith.constant dense<0.000000e+00> : vector<1024xf32>
    %reduce_sum3A_25 = vector.multi_reduction <add>, %exp3A, %reduce_sum3A [1] : vector<1024x40xf32> to vector<1024xf32>
    %broadcast_in_dim3A_26 = vector.shape_cast %reduce_sum3A_25 : vector<1024xf32> to vector<1024x1xf32>
    %log3A = math.log %broadcast_in_dim3A_26 : vector<1024x1xf32>
    %add3A_27 = arith.addf %broadcast_in_dim3A, %log3A : vector<1024x1xf32>
    %sub3A_28 = vector.broadcast %add3A_27 : vector<1024x1xf32> to vector<1024x40xf32>
    %sub3A_29 = arith.subf %add3A_22, %sub3A_28 : vector<1024x40xf32>
    %swap3A = arith.constant 0 : index
    %swap3A_30 = arith.constant 0 : index
    %swap3A_31 = vector.load %arg5[%swap3A, %swap3A_30] : memref<1024x40xf32, #tpu.memory_space<vmem>>, vector<1024x40xf32>
    tpu.vector_store %arg5[%swap3A, %swap3A_30], %sub3A_29 {strides = array<i32>} : memref<1024x40xf32, #tpu.memory_space<vmem>>, vector<1024x40xf32>,
    return
  }
  func.func @transform_0(%arg0: i32) -> (i32, i32, i32) {
    %c0_i32 = arith.constant 0 : i32
    %c0_i32_0 = arith.constant 0 : i32
    %c0_i32_1 = arith.constant 0 : i32
    return %c0_i32, %arg0, %c0_i32_0 : i32, i32, i32
  }
  func.func @transform_1(%arg0: i32) -> (i32, i32, i32) {
    %c1_i32 = arith.constant 1 : i32
    %c0_i32 = arith.constant 0 : i32
    %c0_i32_0 = arith.constant 0 : i32
    return %c1_i32, %arg0, %c0_i32 : i32, i32, i32
  }
  func.func @transform_2(%arg0: i32) -> (i32, i32) {
    %c0_i32 = arith.constant 0 : i32
    %c0_i32_0 = arith.constant 0 : i32
    return %arg0, %c0_i32 : i32, i32
  }
  func.func @transform_3(%arg0: i32) -> (i32, i32) {
    %c0_i32 = arith.constant 0 : i32
    %c0_i32_0 = arith.constant 0 : i32
    %c0_i32_1 = arith.constant 0 : i32
    return %c0_i32, %c0_i32_0 : i32, i32
  }
  func.func @transform_4(%arg0: i32) -> (i32, i32) {
    %c0_i32 = arith.constant 0 : i32
    %c0_i32_0 = arith.constant 0 : i32
    return %arg0, %c0_i32 : i32, i32
  }
}

</mosaic_0001>

<sc_bundles>
// kernel: kernel.10.cloned.1.call-start
scs
__scs_entry_jumppad:
0x0: {  	(pc) =	sbr.rel $0x88, $3  }
0x1: {  	(tag) =	ssettag $0x0;
	lr =	simm.s32 $0x1  }
0x2: {  	[smem:$0x3F97] =	sst lr;
	_ =	strace $0xD0000000  }
0x3: {  	_ = 	snop  }
0x4: {  	_ = 	snop  }
0x5: {  	_ = 	snop  }
0x6: {  	_ = 	snop  }
0x7: {  	_ = 	snop  }
__scs_overlays_trampoline_lowered:
0x8: {  	[smem:$0x3FA6] =	sst s0  }
0x9: {  	[smem:$0x3FA7] =	sst s1  }
0xa: {  	[smem:$0x3FA8] =	sst s2  }
0xb: {  	[smem:$0x3FA9] =	sst s3  }
0xc: {  	[smem:$0x3FAA] =	sst s4  }
0xd: {  	[smem:$0x3FAB] =	sst s5  }
0xe: {  	[smem:$0x3FAC] =	sst s6  }
0xf: {  	[smem:$0x3FAD] =	sst s7  }
0x10: {  	[smem:$0x3FAE] =	sst s8  }
0x11: {  	[smem:$0x3FAF] =	sst s9;
	s0 =	simm.s32 @!p0 $0x0  }
0x12: {  	s1 =	sld [smem:$0x3F95];
	s0 =	simm.s32 @p0 $0x1  }
0x13: {  	[smem:$0x3FB0] =	sst s0;
	s0 =	simm.s32 @!p1 $0x0  }
0x14: {  	s2 =	sld [smem:$0x3F94];
	s0 =	simm.s32 @p1 $0x1  }
0x15: {  	[smem:$0x3FB1] =	sst s0;
	s0 =	simm.s32 @!p2 $0x0  }
0x16: {  	s3 =	sld [smem:$0x3FDB];
	s0 =	simm.s32 @p2 $0x1  }
0x17: {  	s4 =	simm.s32 $0x1BF5;
	[smem:$0x3FB3] =	sst s0  }
0x18: {  	s0 =	sld [smem:$0x3F96];
	_ =	swait.ge [sflag:s4], $0x0  }
0x19: {  	s7 =	sld [smem:$0x3F97]  }
0x1a: {  	s8 =	sadd.s32 $0xFFFFE003, lr  }
0x1b: {  	s9 =	sadd.s32 $0xFFFFFEF7, lr;
	s5 =	simm.s32 $0xFFFFFFFF;
	p2 =	slt.u32 s8, $0xFFFFF086  }
0x1c: {  	p1 =	slt.u32 s9, $0xF7A;
	s5 =	simm.s32 @!p2 $0x0  }
0x1d: {  	s5 =	simm.s32 @p1 $0x1;
	p0 =	seq.s32 s7, s2  }
0x1e: {  	s7 =	smul.u32 @!p0 $0xF7A, s2;
	p2 =	seq.s32 @!p0 s5, $0x0  }
0x1f: {  	s9 =	smul.u32 $0xF7A, s1;
	s8 =	simm.s32 @!p0 $0x1BF5;
	p2 =	por !p2, p0  }
0x20: {  	[sflag:s8] =	ssyncset.s32 @!p0 $0xFFFFF086;
	s6 =	sadd.s32 @!p0 s3, s7;
	s7 =	simm.s32 @!p0 $0x108  }
0x21: {  	s3 =	sadd.s32 s3, s9;
	s6 =	sadd.s32 @!p0 $0x88, s6;
	s7 =	simm.s32 @p2 $0x1082  }
0x22: {  	[simem:s7], [sflag:s8] =	dma.local @!p0 [hbm:s6], $0xF7A  }
0x23: {  	s9 =	sor.u32 $0xD0000000, s2;
	s6 =	simm.s32 $0x108;
	_ =	swait.ge @!p0 [sflag:s8], $0x0  }
0x24: {  	s3 =	sadd.s32 $0x88, s3;
	s6 =	simm.s32 @!p1 $0x1082;
	[sflag:s4] =	ssyncset.s32 $0xFFFFF086  }
0x25: {  	[simem:s6], [sflag:s4] =	dma.local [hbm:s3], $0xF7A  }
0x26: {  	[smem:$0x3F97] =	sst s1;
	(tag) =	ssettag s2;
	_ =	strace s9  }
0x27: {  	s1 =	sld [smem:$0x3FA7]  }
0x28: {  	s2 =	sld [smem:$0x3FA8]  }
0x29: {  	s4 =	sld [smem:$0x3FAA]  }
0x2a: {  	p0 =	seq.s32 s5, $0x0;
	s5 =	sld [smem:$0x3FAB]  }
0x2b: {  	s6 =	sld [smem:$0x3FAC]  }
0x2c: {  	s7 =	sld [smem:$0x3FAD]  }
0x2d: {  	s3 =	simm.s32 $0x108;
	s8 =	sld [smem:$0x3FAE]  }
0x2e: {  	s3 =	simm.s32 @!p0 $0x1082;
	s9 =	sld [smem:$0x3FAF]  }
0x2f: {  	lr =	sadd.s32 s0, s3;
	s0 =	sld [smem:$0x3FA6]  }
0x30: {  	s3 =	sld [smem:$0x3FA9]  }
0x31: {  	[smem:$0x3FB2] =	sst s10  }
0x32: {  	s10 =	sld [smem:$0x3FB0];
	_ =	sdelay $0x3  }
0x33: {  	p0 =	seq.s32 s10, $0x1;
	s10 =	sld [smem:$0x3FB2];
	_ =	sdelay $0x3  }
0x34: {  	[smem:$0x3FB2] =	sst s10  }
0x35: {  	s10 =	sld [smem:$0x3FB1];
	_ =	sdelay $0x3  }
0x36: {  	p1 =	seq.s32 s10, $0x1;
	s10 =	sld [smem:$0x3FB2];
	_ =	sdelay $0x3  }
0x37: {  	[smem:$0x3FB2] =	sst s10  }
0x38: {  	s10 =	sld [smem:$0x3FB3]  }
0x39: {  	_ = 	snop;
	(pc) =	sbr.ind lr, $3  }
0x3a: {  	_ = 	snop  }
0x3b: {  	_ = 	snop  }
0x3c: {  	p2 =	seq.s32 s10, $0x1;
	s10 =	sld [smem:$0x3FB2]  }
0x3d: {  	_ =	shalt  }
0x3e: {  	_ =	shalt  }
0x3f: {  	_ =	shalt  }
0x40: {  	_ =	shalt  }
0x41: {  	_ =	shalt  }
0x42: {  	_ =	shalt  }
0x43: {  	_ =	shalt  }
0x44: {  	_ =	shalt  }
0x45: {  	_ =	shalt  }
0x46: {  	_ =	shalt  }
0x47: {  	_ =	shalt  }
0x48: {  	_ =	shalt  }
0x49: {  	_ =	shalt  }
0x4a: {  	_ =	shalt  }
0x4b: {  	_ =	shalt  }
0x4c: {  	_ =	shalt  }
0x4d: {  	_ =	shalt  }
0x4e: {  	_ =	shalt  }
0x4f: {  	_ =	shalt  }
0x50: {  	_ =	shalt  }
0x51: {  	_ =	shalt  }
0x52: {  	_ =	shalt  }
0x53: {  	_ =	shalt  }
0x54: {  	_ =	shalt  }
0x55: {  	_ =	shalt  }
0x56: {  	_ =	shalt  }
0x57: {  	_ =	shalt  }
0x58: {  	_ =	shalt  }
0x59: {  	_ =	shalt  }
0x5a: {  	_ =	shalt  }
0x5b: {  	_ =	shalt  }
0x5c: {  	_ =	shalt  }
0x5d: {  	_ =	shalt  }
0x5e: {  	_ =	shalt  }
0x5f: {  	_ =	shalt  }
0x60: {  	_ =	shalt  }
0x61: {  	_ =	shalt  }
0x62: {  	_ =	shalt  }
0x63: {  	_ =	shalt  }
0x64: {  	_ =	shalt  }
0x65: {  	_ =	shalt  }
0x66: {  	_ =	shalt  }
0x67: {  	_ =	shalt  }
0x68: {  	_ =	shalt  }
0x69: {  	_ =	shalt  }
0x6a: {  	_ =	shalt  }
0x6b: {  	_ =	shalt  }
0x6c: {  	_ =	shalt  }
0x6d: {  	_ =	shalt  }
0x6e: {  	_ =	shalt  }
0x6f: {  	_ =	shalt  }
0x70: {  	_ =	shalt  }
0x71: {  	_ =	shalt  }
0x72: {  	_ =	shalt  }
0x73: {  	_ =	shalt  }
0x74: {  	_ =	shalt  }
0x75: {  	_ =	shalt  }
0x76: {  	_ =	shalt  }
0x77: {  	_ =	shalt  }
0x78: {  	_ =	shalt  }
0x79: {  	_ =	shalt  }
0x7a: {  	_ =	shalt  }
0x7b: {  	_ =	shalt  }
0x7c: {  	_ =	shalt  }
0x7d: {  	_ =	shalt  }
0x7e: {  	_ =	shalt  }
0x7f: {  	_ =	shalt  }
0x80: {  	_ =	shalt  }
0x81: {  	_ =	shalt  }
0x82: {  	_ =	shalt  }
0x83: {  	_ =	shalt  }
0x84: {  	_ =	shalt  }
0x85: {  	_ =	shalt  }
0x86: {  	_ =	shalt  }
0x87: {  	_ =	shalt  }
.Lfunc_end0:
.L_simem_size_0:
called_computation.1_lowered:
.L_overlay_start_0:
0x88: {  	s2 =	sld [smem:$0x3FD9]  }
0x89: {  	s3 =	sld [smem:$0x3FFE];
	_ =	sdelay $0x1  }
0x8a: {  	s1 =	srdreg.scid  }
0x8b: {  	s0 =	sand.u32 $0x1, s1  }
0x8c: {  	s17 =	sshll.u32 s0, $0xA;
	s2 =	sadd.s32 s3, s2  }
0x8d: {  	s2 =	sadd.s32 s2, s17  }
0x8e: {  	[smem:$0x3FBE] =	sst s2  }
0x8f: {  	_ = 	snop  }
0x90: {  	s2 =	sld [smem:$0x3FD0];
	(tm) =	ssettm $0x1  }
0x91: {  	s18 =	sld [smem:$0x3FFB];
	_ =	sdelay $0x3  }
0x92: {  	_ =	strace s18  }
0x93: {  	s3 =	sld [smem:$0x3FFC];
	_ =	sdelay $0x3  }
0x94: {  	_ =	strace s3  }
0x95: {  	s3 =	sld [smem:$0x3FFD];
	_ =	sdelay $0x3  }
0x96: {  	_ =	strace s3  }
0x97: {  	_ =	strace $0x8FFFFFFF  }
0x98: {  	s19 =	sld [smem:$0x3FDB];
	_ =	sdelay $0x1  }
0x99: {  	s4 =	simm.s32 $_scs_section_size  }
0x9a: {  	s5 =	simm.s32 $_size__tile_overlayer_lowered;
	s6 =	simm.s32 $_tile_overlayer_lowered  }
0x9b: {  	s22 =	simm.s32 $0x1BFF;
	s21 =	sshll.u32 s6, $0x1;
	s3 =	sadd.s32 s4, s19  }
0x9c: {  	s7 =	simm.s32 $0x0;
	s20 =	sshll.u32 s5, $0x1;
	s5 =	sadd.s32 s21, s3  }
0x9d: {  	[timem:s7], [sflag:s22] =	dma.local [hbm:s5], s20  }
0x9e: {  	_ =	swait.ge [sflag:s22], s20  }
0x9f: {  	s4 =	ssub.s32 $0x0, s20;
	[sflag:s22] =	ssyncset.done $0x0  }
0xa0: {  	[sflag:s22] =	ssyncadd.s32 s4;
	_ =	sdelay $0x1  }
0xa1: {  	s23 =	simm.s32 $0x1B8B  }
0xa2: {  	_ =	swait.ge [sflag:s23], $0x1  }
0xa3: {  	[sflag:s23] =	ssyncset.done $0x0  }
0xa4: {  	s25 =	simm.s32 $0x1B8E;
	s24 =	sld [smem:$0x3FFE];
	[sflag:s23] =	ssyncadd.s32 $0xFFFFFFFF  }
0xa5: {  	s26 =	simm.s32 $execute0_lowered;
	[smem:$0x3FD2] =	sst s25  }
0xa6: {  	s5 =	sshll.u32 s26, $0x1;
	_ =	strace $0x80000049;
	[dreg:$0x1] =	wrdreg $0xFFFFFFFF  }
0xa7: {  	s28 =	simm.s32 $_size_execute0_lowered;
	s3 =	sadd.s32 s3, s5;
	[dreg:$0x0] =	wrdreg $0x0  }
0xa8: {  	s5 =	sshll.u32 s28, $0x1;
	[dreg:$0x2] =	wrdreg s3  }
0xa9: {  	[dreg:$0x3] =	wrdreg s5  }
0xaa: {  	[dreg:$0x4] =	wrdreg $0xC0  }
0xab: {  	_ =	task [dreg:s7], $0x5FFFF  }
0xac: {  	[dreg:$0x1] =	wrdreg $0xFFFFFFFF  }
0xad: {  	[dreg:$0x0] =	wrdreg $0x60  }
0xae: {  	[dreg:$0x2] =	wrdreg s24  }
0xaf: {  	[dreg:$0x3] =	wrdreg s2  }
0xb0: {  	[dreg:$0x4] =	wrdreg $0x79E00  }
0xb1: {  	[dreg:$0x5] =	wrdreg $0x9  }
0xb2: {  	_ =	task.clear_ibuf [dreg:s7], $0x6FFFF;
	_ =	strace $0x90000049  }
0xb3: {  	s29 =	simm.s32 $0x9;
	_ =	strace $0x8000004B  }
0xb4: {  	_ =	swait.ge [sflag:s29], $0x1  }
0xb5: {  	[sflag:s29] =	ssyncadd.s32 $0xFFFFFFFF  }
0xb6: {  	_ =	strace $0x9000004B  }
0xb7: {  	_ =	sfence  }
0xb8: {  	s30 =	sld [smem:$0x0];
	_ =	sdelay $0x2  }
0xb9: {  	s31 =	sshll.u32 s1, $0xD;
	s1 =	sshrl.u32 s1, $0x2  }
0xba: {  	s3 =	sand.u32 $0x4000, s31;
	s1 =	sadd.s32 s1, s30  }
0xbb: {  	s0 =	sor.u32 s3, s0;
	s1 =	sshll.u32 s1, $0x11  }
0xbc: {  	s0 =	sor.u32 s1, s0  }
0xbd: {  	s0 =	sadd.s32 $0x8F2B, s0  }
0xbe: {  	[sflag:s0] =	ssyncadd.remote.s32 $0x1  }
0xbf: {  	_ =	sfence.sel $0xFFFF  }
0xc0: {  	[dreg:$0x0] =	wrdreg $0xFFFFFFFF;
	(pc) =	sbr.abs _section_cstart, $3  }
0xc1: {  	[dreg:$0x1] =	wrdreg $0xFFFFFFFF  }
0xc2: {  	_ =	task.clear_ibuf [dreg:s7], $0x2FFFF;
	_ =	strace $0x9FFFFFFF  }
0xc3: {  	(tm) =	ssettm $0x7FFFFFFF  }
tec
execute0_lowered:
.L_overlay_start_1:
0x0: {  	(tag) =	ssettag $0x1  }
0x1: {  	s0 =	rddreg [dreg:$0x0]  }
0x2: {  	s1 =	rddreg [dreg:$0x1]  }
0x3: {  	s3 =	rddreg [dreg:$0x2]  }
0x4: {  	s2 =	srdreg.scid;
	s11 =	stileid.u32;
	s4 =	simm.s32 $0x0  }
0x5: {  	s28 =	simm.s32 $0x29E0;
	s29 =	simm.s32 $0x5;
	s30 =	simm.s32 $0x3  }
0x6: {  	s2 =	sand.u32 $0x1, s2;
	s7 =	smul.u32 $0x14000, s11;
	s6 =	sshll.u32 s11, $0x1  }
0x7: {  	s5 =	smul.u32 $0x140000, s2;
	s6 =	sor.u32 s2, s6;
	s2 =	ssub.s32 $0x2, s2  }
0x8: {  	[smem:$0x7FF] =	sst s4;
	s9 =	smul.u32 $0x2710, s6;
	s10 =	sshrl.u32 s2, $0x1  }
0x9: {  	s15 =	smul.u32 $0x50000, s11;
	_ =	strace $0x8000004A;
	s2 =	ssub.s32 s2, s10  }
0xa: {  	s6 =	sadd.s32 $0x1C00, s0;
	s14 =	sshrl.u32 s9, $0x3;
	s2 =	smax.u32 s2, $0x1  }
0xb: {  	s8 =	sadd.s32 s7, s5;
	s12 =	sadd.s32 s6, s14;
	[dreg:$0xa] =	wrdreg s2  }
0xc: {  	s5 =	sadd.s32 $0x15600, s0;
	s16 =	sadd.s32 $0x9C40, s12;
	[dreg:$0x4] =	wrdreg s12  }
0xd: {  	s8 =	sshrl.u32 s8, $0x3;
	s17 =	sadd.s32 $0xA, s12;
	[dreg:$0x5] =	wrdreg s16  }
0xe: {  	s0 =	sadd.s32 s8, s0;
	s18 =	sadd.s32 $0x9C4A, s12;
	[dreg:$0x6] =	wrdreg s17  }
0xf: {  	s8 =	sshrl.u32 s15, $0x2;
	s0 =	sadd.s32 $0x24200, s0;
	[dreg:$0x7] =	wrdreg s18  }
0x10: {  	s31 =	simm.s32 $0x1E0;
	s8 =	sadd.s32 s8, s3;
	[dreg:$0x8] =	wrdreg s0  }
0x11: {  	s13 =	simm.s32 $0xA0;
	s20 =	sadd.s32 $0x2800, s8;
	[dreg:$0x9] =	wrdreg s8  }
0x12: {  	s19 =	sadd.s32 s7, s3;
	s21 =	sadd.s32 $0x5000, s8;
	[dreg:$0xb] =	wrdreg s20  }
0x13: {  	s10 =	simm.s32 $0x1;
	s22 =	sadd.s32 $0x7800, s8;
	[dreg:$0xc] =	wrdreg s21  }
0x14: {  	s11 =	sadd.s32 $0xA0, s9;
	s23 =	sadd.s32 $0xA000, s8;
	[dreg:$0xd] =	wrdreg s22  }
0x15: {  	s2 =	simm.s32 $0x4;
	s24 =	sadd.s32 $0xC800, s8;
	[dreg:$0xe] =	wrdreg s23  }
0x16: {  	s15 =	simm.s32 $0x2;
	s25 =	sadd.s32 $0xF000, s8;
	[dreg:$0xf] =	wrdreg s24  }
0x17: {  	s12 =	sadd.s32 $0xF0, s9;
	s26 =	sadd.s32 $0x11800, s8;
	[dreg:$0x10] =	wrdreg s25  }
0x18: {  	s0 =	sshrl.u32 s19, $0x3;
	s8 =	simm.s32 $0x0;
	[dreg:$0x11] =	wrdreg s26  }
0x19: {  	v0 =	vimm.f32 $0.0e+00;
	v1 =	vimm.s32 $0x9;
	s23 =	simm.s32 $0x50;
	[dreg:$0x12] =	wrdreg s0;
	s0 =	simm.s32 $0x10E0  }
.LBB2_1:
0x1a: {  	[dreg:$0x13] =	wrdreg s8  }
0x1b: {  	s7 =	rddreg [dreg:$0x4]  }
0x1c: {  	s21 =	rddreg [dreg:$0x5]  }
0x1d: {  	[tilespmem:s4], [sflag:$0x3] =	stream.linear.gather [hbm4b:s7+s4], $0x50, $0x38;
	[tilespmem:$0x1B9E0] =	vst v63  }
0x1e: {  	s22 =	rddreg [dreg:$0x6]  }
0x1f: {  	[tilespmem:s23], [sflag:$0x3] =	stream.linear.gather [hbm4b:s21+s4], $0x50, $0x38;
	[tilespmem:$0x1B9E0] =	vst v63  }
0x20: {  	s24 =	simm.s32 $0xF0;
	s25 =	rddreg [dreg:$0x7]  }
0x21: {  	[tilespmem:s24], [sflag:$0x4] =	stream.linear.gather [hbm4b:s22+s4], $0x50, $0x38;
	[tilespmem:$0x1B9E0] =	vst v63  }
0x22: {  	s26 =	simm.s32 $0x140;
	s8 =	simm.s32 $0x200;
	s7 =	simm.s32 $0x0  }
0x23: {  	[tilespmem:s26], [sflag:$0x4] =	stream.linear.gather [hbm4b:s25+s4], $0x50, $0x38;
	[tilespmem:$0x1B9E0] =	vst v63  }
.LBB2_2:
0x24: {  	p0 =	sne.s32 s8, $0x9E00;
	[tilespmem:s7+$0x5250] =	vst v0  }
0x25: {  	[tilespmem:s7+$0x29E0] =	vst v0  }
0x26: {  	[tilespmem:s7+$0x51E0] =	vst v0  }
0x27: {  	[tilespmem:s7+$0x29F0] =	vst v0  }
0x28: {  	[tilespmem:s7+$0x51F0] =	vst v0  }
0x29: {  	[tilespmem:s7+$0x2A00] =	vst v0  }
0x2a: {  	[tilespmem:s7+$0x5200] =	vst v0  }
0x2b: {  	[tilespmem:s7+$0x2A10] =	vst v0  }
0x2c: {  	[tilespmem:s7+$0x5210] =	vst v0  }
0x2d: {  	[tilespmem:s7+$0x2A20] =	vst v0  }
0x2e: {  	[tilespmem:s7+$0x5220] =	vst v0  }
.Ltmp0:
0x2f: {  	[tilespmem:s7+$0x2A30] =	vst v0;
	(pc) =	sbr.rel @p0 .LBB2_2-.Ltmp0, $4  }
0x30: {  	[tilespmem:s7+$0x5230] =	vst v0  }
0x31: {  	[tilespmem:s7+$0x2A40] =	vst v0  }
0x32: {  	[tilespmem:s7+$0x5240] =	vst v0  }
0x33: {  	[tilespmem:s7+$0x2A50] =	vst v0;
	s7 =	sshra.s32 s8, $0x2;
	s8 =	sadd.s32 $0x200, s8  }
0x34: {  	[tilespmem:s7+$0x5250] =	vst v0  }
0x35: {  	[tilespmem:s7+$0x29E0] =	vst v0  }
0x36: {  	[tilespmem:s7+$0x51E0] =	vst v0  }
0x37: {  	[tilespmem:s7+$0x29F0] =	vst v0  }
0x38: {  	[tilespmem:s7+$0x51F0] =	vst v0  }
0x39: {  	[tilespmem:s7+$0x2A00] =	vst v0  }
0x3a: {  	[tilespmem:s7+$0x5200] =	vst v0  }
0x3b: {  	[tilespmem:s7+$0x2A10] =	vst v0  }
0x3c: {  	[tilespmem:s7+$0x5210] =	vst v0  }
0x3d: {  	[tilespmem:s7+$0x2A20] =	vst v0  }
0x3e: {  	[tilespmem:s7+$0x5220] =	vst v0  }
0x3f: {  	[tilespmem:s7+$0x2A30] =	vst v0  }
0x40: {  	[tilespmem:s7+$0x5230] =	vst v0  }
0x41: {  	[tilespmem:s7+$0x2A40] =	vst v0  }
0x42: {  	[tilespmem:s7+$0x5240] =	vst v0  }
0x43: {  	[tilespmem:s7+$0x2A50] =	vst v0;
	s14 =	rddreg [dreg:$0x9]  }
0x44: {  	[spmem:s14] =	stream.linear.scatter [tilespmem:s28], [sflag:$0x5], $0x2800, $0x38;
	[tilespmem:$0x1B9E0] =	vst v63  }
0x45: {  	_ =	swait.ge [sflag:s29], $0x2800  }
0x46: {  	[sflag:s29] =	ssyncset.done $0x0  }
0x47: {  	s16 =	rddreg [dreg:$0xb];
	[sflag:s29] =	ssyncadd.s32 $0xFFFFD800  }
0x48: {  	[spmem:s16] =	stream.linear.scatter [tilespmem:s28], [sflag:$0x5], $0x2800, $0x38;
	[tilespmem:$0x1B9E0] =	vst v63  }
0x49: {  	_ =	swait.ge [sflag:s29], $0x2800  }
0x4a: {  	[sflag:s29] =	ssyncset.done $0x0  }
0x4b: {  	s17 =	rddreg [dreg:$0xc];
	[sflag:s29] =	ssyncadd.s32 $0xFFFFD800  }
0x4c: {  	[spmem:s17] =	stream.linear.scatter [tilespmem:s28], [sflag:$0x5], $0x2800, $0x38;
	[tilespmem:$0x1B9E0] =	vst v63  }
0x4d: {  	_ =	swait.ge [sflag:s29], $0x2800  }
0x4e: {  	[sflag:s29] =	ssyncset.done $0x0  }
0x4f: {  	s18 =	rddreg [dreg:$0xd];
	[sflag:s29] =	ssyncadd.s32 $0xFFFFD800  }
0x50: {  	[spmem:s18] =	stream.linear.scatter [tilespmem:s28], [sflag:$0x5], $0x2800, $0x38;
	[tilespmem:$0x1B9E0] =	vst v63  }
0x51: {  	_ =	swait.ge [sflag:s29], $0x2800  }
0x52: {  	[sflag:s29] =	ssyncset.done $0x0  }
0x53: {  	s19 =	rddreg [dreg:$0xe];
	[sflag:s29] =	ssyncadd.s32 $0xFFFFD800  }
0x54: {  	[spmem:s19] =	stream.linear.scatter [tilespmem:s28], [sflag:$0x5], $0x2800, $0x38;
	[tilespmem:$0x1B9E0] =	vst v63  }
0x55: {  	_ =	swait.ge [sflag:s29], $0x2800  }
0x56: {  	[sflag:s29] =	ssyncset.done $0x0  }
0x57: {  	s20 =	rddreg [dreg:$0xf];
	[sflag:s29] =	ssyncadd.s32 $0xFFFFD800  }
0x58: {  	[spmem:s20] =	stream.linear.scatter [tilespmem:s28], [sflag:$0x5], $0x2800, $0x38;
	[tilespmem:$0x1B9E0] =	vst v63  }
0x59: {  	_ =	swait.ge [sflag:s29], $0x2800  }
0x5a: {  	[sflag:s29] =	ssyncset.done $0x0  }
0x5b: {  	s21 =	rddreg [dreg:$0x10];
	[sflag:s29] =	ssyncadd.s32 $0xFFFFD800  }
0x5c: {  	[spmem:s21] =	stream.linear.scatter [tilespmem:s28], [sflag:$0x5], $0x2800, $0x38;
	[tilespmem:$0x1B9E0] =	vst v63  }
0x5d: {  	_ =	swait.ge [sflag:s29], $0x2800  }
0x5e: {  	[sflag:s29] =	ssyncset.done $0x0  }
0x5f: {  	s22 =	rddreg [dreg:$0x11];
	[sflag:s29] =	ssyncadd.s32 $0xFFFFD800  }
0x60: {  	[spmem:s22] =	stream.linear.scatter [tilespmem:s28], [sflag:$0x5], $0x2800, $0x38;
	[tilespmem:$0x1B9E0] =	vst v63  }
0x61: {  	_ =	swait.ge [sflag:s29], $0x2800  }
0x62: {  	[sflag:s29] =	ssyncset.done $0x0  }
0x63: {  	[sflag:s29] =	ssyncadd.s32 $0xFFFFD800  }
0x64: {  	_ =	swait.ge [sflag:s30], $0x50  }
0x65: {  	[sflag:s30] =	ssyncset.done $0x0  }
0x66: {  	[sflag:s30] =	ssyncadd.s32 $0xFFFFFFB0  }
0x67: {  	_ =	swait.ge [sflag:s30], $0x50  }
0x68: {  	[sflag:s30] =	ssyncset.done $0x0  }
0x69: {  	s19 =	simm.s32 $0x0;
	[sflag:s30] =	ssyncadd.s32 $0xFFFFFFB0  }
0x6a: {  	[tilespmem:s31], [sflag:$0x1] =	stream.indirect.gather [hbm4b:s5+s23], $0x30, s19, s23, $0xb8;
	[tilespmem:$0x1B9E0] =	vst v63  }
0x6b: {  	_ = 	snop  }
0x6c: {  	[tilespmem:s0], [sflag:$0x1] =	stream.indirect.gather [hbm4b:s1+s23], $0x10, s23, s23, $0xb8;
	[tilespmem:$0x1B9E0] =	vst v63  }
0x6d: {  	_ =	swait.ge [sflag:s2], $0x50  }
0x6e: {  	[sflag:s2] =	ssyncset.done $0x0  }
0x6f: {  	[sflag:s2] =	ssyncadd.s32 $0xFFFFFFB0  }
0x70: {  	_ =	swait.ge [sflag:s2], $0x50  }
0x71: {  	[sflag:s2] =	ssyncset.done $0x0  }
0x72: {  	s24 =	simm.s32 $0xF0;
	s8 =	simm.s32 $0x15E0;
	[sflag:s2] =	ssyncadd.s32 $0xFFFFFFB0  }
0x73: {  	[tilespmem:s8], [sflag:$0x2] =	stream.indirect.gather [hbm4b:s5+s23], $0x30, s24, s23, $0xb8;
	[tilespmem:$0x1B9E0] =	vst v63  }
0x74: {  	s25 =	simm.s32 $0x140;
	s26 =	simm.s32 $0x24E0  }
0x75: {  	[tilespmem:s26], [sflag:$0x2] =	stream.indirect.gather [hbm4b:s1+s23], $0x10, s25, s23, $0xb8;
	[tilespmem:$0x1B9E0] =	vst v63  }
0x76: {  	[bflag:$0x0] =	sbarrier.arrive $0xFFFF  }
.LBB2_4:
0x77: {  	_ =	swait.ge [sflag:s10], $0xF00  }
0x78: {  	[sflag:s10] =	ssyncset.done $0x0  }
0x79: {  	[sflag:s10] =	ssyncadd.s32 $0xFFFFF100  }
0x7a: {  	_ =	swait.ge [sflag:s10], $0x500  }
0x7b: {  	[sflag:s10] =	ssyncset.done $0x0  }
0x7c: {  	[sflag:s10] =	ssyncadd.s32 $0xFFFFFB00  }
0x7d: {  	v2 =	vld [tilespmem:$0x50]  }
0x7e: {  	v3 =	vld [tilespmem:$0x60]  }
0x7f: {  	v4 =	vld [tilespmem:$0x70]  }
0x80: {  	v5 =	vld [tilespmem:$0x80]  }
0x81: {  	v6 =	vld [tilespmem:$0x90]  }
0x82: {  	s20 =	smul.u32 $0xA0, s19;
	[tilespmem:$0xA0] =	vst v2  }
0x83: {  	[tilespmem:$0xB0] =	vst v3  }
0x84: {  	s7 =	sadd.s32 s20, s11;
	[tilespmem:$0xC0] =	vst v4  }
0x85: {  	s7 =	sshrl.u32 s7, $0x3;
	[tilespmem:$0xD0] =	vst v5  }
0x86: {  	s7 =	sadd.s32 s6, s7;
	[tilespmem:$0xE0] =	vst v6  }
0x87: {  	[tilespmem:s4], [sflag:$0x3] =	stream.linear.gather [hbm4b:s7+s4], $0x50, $0x38;
	[tilespmem:$0x1B9E0] =	vst v63  }
0x88: {  	s9 =	simm.s32 $0x210;
	s7 =	sadd.s32 $0x9C40, s7  }
0x89: {  	[tilespmem:s23], [sflag:$0x3] =	stream.linear.gather [hbm4b:s7+s4], $0x50, $0x38;
	[tilespmem:$0x1B9E0] =	vst v63  }
0x8a: {  	v4 =	vld [tilespmem:s9+$0x20]  }
0x8b: {  	s21 =	simm.s32 $0x10F0  }
0x8c: {  	v2 =	vld [tilespmem:s21+$0x0];
	_ =	sdelay $0x1  }
0x8d: {  	v8 =	vld [tilespmem:s9+$0xFFFFFFF0]  }
0x8e: {  	v3 =	vperm.xlane v4, v1  }
0x8f: {  	s8 =	simm.s32 $0x270;
	v5 =	vld [tilespmem:s21+$0xFFFFFFF0]  }
0x90: {  	v9 =	vld [tilespmem:s8+$0x20];
	v2 =	vadd.f32 v2, v3  }
0x91: {  	s22 =	simm.s32 $0x1110  }
0x92: {  	v6 =	vld [tilespmem:s22+$0x0];
	v7 =	vperm.xlane v8, v1;
	v3 =	vmul.f32 $2.000000030e-01, v2  }
0x93: {  	v12 =	vld [tilespmem:s8+$0xFFFFFFF0]  }
0x94: {  	v2 =	vmax.f32 v2, v3;
	v3 =	vadd.f32 v5, v7  }
0x95: {  	v5 =	vperm.xlane v9, v1;
	v7 =	vld [tilespmem:s22+$0xFFFFFFF0]  }
0x96: {  	v2 =	vmul.f32 $1.442695020e+00, v2;
	v10 =	vmul.f32 $2.000000030e-01, v3  }
0x97: {  	s22 =	simm.s32 $0x2D0;
	v5 =	vadd.f32 v6, v5  }
0x98: {  	v13 =	vld [tilespmem:s22+$0x20];
	v6 =	vperm.xlane v12, v1;
	(erf) = vpow2.f32 v2;
	v3 =	vmax.f32 v3, v10  }
0x99: {  	s24 =	simm.s32 $0x1130;
	v10 =	vmul.f32 $2.000000030e-01, v5;
	v3 =	vmul.f32 $1.442695020e+00, v3  }
0x9a: {  	v11 =	vld [tilespmem:s24+$0x0];
	v6 =	vadd.f32 v7, v6  }
0x9b: {  	v2 =	vld [tilespmem:s22+$0xFFFFFFF0];
	v5 =	vmax.f32 v5, v10;
	(erf) = vpow2.f32 v3  }
0x9c: {  	v7 =	vld [tilespmem:s9+$0x0];
	v3 =	vmul.f32 $1.442695020e+00, v5;
	v5 =	vmul.f32 $2.000000030e-01, v6  }
0x9d: {  	s21 =	simm.s32 $0x330;
	v10 =	vld [tilespmem:s24+$0xFFFFFFF0];
	v15 =	vperm.xlane v13, v1  }
0x9e: {  	(erf) = vpow2.f32 v3;
	v6 =	vmax.f32 v6, v5;
	v5 =	vld [tilespmem:s21+$0x20]  }
0x9f: {  	v14 =	vld [tilespmem:s9+$0xFFFFFFD0];
	v11 =	vadd.f32 v11, v15  }
0xa0: {  	s25 =	simm.s32 $0x1150;
	v16 =	vld [tilespmem:s8+$0xFFFFFFD0];
	v3 =	vperm.xlane v2, v1;
	v6 =	vmul.f32 $1.442695020e+00, v6  }
0xa1: {  	v19 =	vld [tilespmem:s25+$0x0];
	v18 =	vmul.f32 $2.000000030e-01, v11  }
0xa2: {  	v10 =	vadd.f32 v10, v3;
	v3 =	vld [tilespmem:s21+$0xFFFFFFF0];
	v15 =	vpop (erf);
	(erf) = vpow2.f32 v6  }
0xa3: {  	v6 =	vmax.f32 v11, v18;
	v11 =	vld [tilespmem:s8+$0x0];
	v7 =	vmul.f32 v15, v7;
	v21 =	vperm.xlane v5, v1  }
0xa4: {  	s18 =	simm.s32 $0x2A80;
	v23 =	vld [tilespmem:s25+$0xFFFFFFF0];
	v18 =	vmul.f32 $2.000000030e-01, v10;
	v6 =	vmul.f32 $1.442695020e+00, v6  }
0xa5: {  	v17 =	vld [tilespmem:s22+$0xFFFFFFD0];
	v22 =	vmul.f32 v15, v4;
	[tilespmem:s18+$0xFFFFFFE0] =	vst v7  }
0xa6: {  	s25 =	simm.s32 $0x390;
	v4 =	vmax.f32 v10, v18;
	v20 =	vld [tilespmem:s9+$0x10];
	v24 =	vpop (erf);
	(erf) = vpow2.f32 v6;
	v10 =	vadd.f32 v19, v21  }
0xa7: {  	v18 =	vperm.xlane v3, v1;
	v19 =	vmul.f32 $1.442695020e+00, v4;
	v6 =	vld [tilespmem:s25+$0x20];
	v21 =	vpop (erf)  }
0xa8: {  	s26 =	simm.s32 $0x1170;
	v4 =	vld [tilespmem:s25+$0xFFFFFFF0];
	v25 =	vmul.f32 $2.000000030e-01, v10;
	v11 =	vmul.f32 v21, v11  }
0xa9: {  	s14 =	simm.s32 $0x2B80;
	v26 =	vmul.f32 v24, v8;
	v8 =	vld [tilespmem:s26+$0x0]  }
0xaa: {  	v18 =	vadd.f32 v23, v18;
	(erf) = vpow2.f32 v19;
	v10 =	vmax.f32 v10, v25;
	v25 =	vld [tilespmem:s26+$0xFFFFFFF0];
	[tilespmem:s14+$0xFFFFFFE0] =	vst v11  }
0xab: {  	v14 =	vmul.f32 v24, v14;
	v15 =	vmul.f32 v15, v20;
	v20 =	vld [tilespmem:s8+$0x10]  }
0xac: {  	v19 =	vld [tilespmem:s22+$0x0];
	v23 =	vmul.f32 $2.000000030e-01, v18;
	v10 =	vmul.f32 $1.442695020e+00, v10  }
0xad: {  	v7 =	vld [tilespmem:s21+$0xFFFFFFD0];
	[tilespmem:s18+$0xFFFFFF60] =	vst v14;
	v14 =	vmul.f32 v21, v9;
	v27 =	vperm.xlane v6, v1  }
0xae: {  	[tilespmem:s18+$0x0] =	vst v22;
	v9 =	vld [tilespmem:s25+$0xFFFFFFD0];
	v22 =	vperm.xlane v4, v1;
	v11 =	vpop (erf);
	(erf) = vpow2.f32 v10;
	v10 =	vmax.f32 v18, v23  }
0xaf: {  	s7 =	simm.s32 $0x3F0;
	[tilespmem:s14+$0x0] =	vst v14;
	v18 =	vadd.f32 v8, v27;
	v27 =	vld [tilespmem:s9+$0xFFFFFFE0];
	v16 =	vmul.f32 v11, v16;
	v23 =	vmul.f32 $1.442695020e+00, v10  }
0xb0: {  	[tilespmem:s18+$0xFFFFFFF0] =	vst v15;
	v10 =	vld [tilespmem:s7+$0x20];
	v14 =	vmul.f32 v11, v12;
	v15 =	vpop (erf);
	v12 =	vmul.f32 v21, v20;
	v21 =	vadd.f32 v25, v22  }
0xb1: {  	s16 =	simm.s32 $0x1190;
	v8 =	vld [tilespmem:s7+$0xFFFFFFF0];
	v28 =	vmul.f32 $2.000000030e-01, v18;
	v19 =	vmul.f32 v15, v19  }
0xb2: {  	s9 =	simm.s32 $0x2C80;
	[tilespmem:s14+$0xFFFFFF60] =	vst v16;
	v16 =	vld [tilespmem:s16+$0x0];
	(erf) = vpow2.f32 v23;
	v23 =	vmul.f32 $2.000000030e-01, v21  }
0xb3: {  	v22 =	vmul.f32 v15, v13;
	v18 =	vmax.f32 v18, v28;
	v13 =	vpop (erf);
	[tilespmem:s9+$0xFFFFFFE0] =	vst v19;
	v19 =	vld [tilespmem:s21+$0x0]  }
0xb4: {  	[tilespmem:s18+$0xFFFFFF80] =	vst v26;
	v25 =	vmul.f32 $1.442695020e+00, v18;
	v63 =	vmul.f32 v13, v17;
	v18 =	vld [tilespmem:s22+$0x10];
	v17 =	vmax.f32 v21, v23  }
0xb5: {  	v20 =	vld [tilespmem:s16+$0xFFFFFFF0];
	[tilespmem:s14+$0xFFFFFFF0] =	vst v12;
	v26 =	vperm.xlane v10, v1  }
0xb6: {  	s17 =	simm.s32 $0xA;
	v24 =	vmul.f32 v24, v27;
	[tilespmem:s9+$0x0] =	vst v22;
	v12 =	vld [tilespmem:s7+$0xFFFFFFD0];
	(erf) = vpow2.f32 v25  }
0xb7: {  	s24 =	simm.s32 $0x450;
	v22 =	vperm.xlane v8, v1;
	[tilespmem:s9+$0xFFFFFF60] =	vst v63;
	v21 =	vadd.f32 v16, v26;
	v16 =	vld [tilespmem:s8+$0xFFFFFFE0];
	s8 =	simm.s32 $0x2C80;
	v23 =	vmul.f32 $1.442695020e+00, v17;
	v17 =	vpop (erf)  }
.LBB2_5:
0xb8: {  	v25 =	vld [tilespmem:s24+$0x20];
	v19 =	vmul.f32 v17, v19;
	[tilespmem:s14+$0xFFFFFF80] =	vst v14;
	v14 =	vmul.f32 v13, v2;
	v2 =	vmovc v3;
	v3 =	vmov v4;
	s26 =	smov.u32 s25;
	s25 =	smov.u32 s7;
	s7 =	smov.u32 s24  }
0xb9: {  	s17 =	sadd.s32 $0x2, s17;
	s16 =	sadd.s32 $0x20, s16;
	s9 =	sadd.s32 $0x100, s9;
	v4 =	vmovc v8;
	v26 =	vmul.f32 $2.000000030e-01, v21;
	v29 =	vmul.f32 v15, v18;
	[tilespmem:s18+$0xFFFFFF70] =	vst v24;
	v8 =	vld [tilespmem:s24+$0xFFFFFFF0];
	v24 =	vmovc v11;
	v11 =	vmov v13  }
0xba: {  	p0 =	slt.u32 s17, $0x4E;
	s18 =	smov.u32 s14;
	s14 =	smov.u32 s8;
	v27 =	vld [tilespmem:s16+$0x0];
	v28 =	vadd.f32 v20, v22;
	(erf) = vpow2.f32 v23;
	[tilespmem:s9+$0xFFFFFFE0] =	vst v19;
	v20 =	vmul.f32 v17, v5;
	v5 =	vmovc v6  }
.Ltmp1:
0xbb: {  	v15 =	vmov v17;
	s8 =	smov.u32 s9;
	v6 =	vmov v10;
	v18 =	vmax.f32 v21, v26;
	v19 =	vld [tilespmem:s26+$0x0];
	v13 =	vpop (erf);
	[tilespmem:s14+$0xFFFFFFF0] =	vst v29;
	(pc) =	sbr.rel @p0 .LBB2_5-.Ltmp1, $4  }
0xbc: {  	v29 =	vmul.f32 $2.000000030e-01, v28;
	v21 =	vmul.f32 $1.442695020e+00, v18;
	v18 =	vld [tilespmem:s21+$0x10];
	[tilespmem:s9+$0x0] =	vst v20  }
0xbd: {  	v26 =	vmul.f32 v13, v7;
	v7 =	vmovc v9;
	v9 =	vmovc v12;
	v20 =	vld [tilespmem:s16+$0xFFFFFFF0];
	v23 =	vperm.xlane v25, v1;
	v10 =	vmov v25  }
0xbe: {  	v22 =	vperm.xlane v8, v1;
	v12 =	vld [tilespmem:s24+$0xFFFFFFD0];
	v25 =	vmax.f32 v28, v29;
	(erf) = vpow2.f32 v21  }
0xbf: {  	v24 =	vmul.f32 v24, v16;
	s24 =	sadd.s32 $0x60, s24;
	v21 =	vadd.f32 v27, v23;
	v23 =	vmul.f32 $1.442695020e+00, v25;
	v17 =	vpop (erf);
	[tilespmem:s9+$0xFFFFFF60] =	vst v26;
	v16 =	vld [tilespmem:s22+$0xFFFFFFE0];
	s22 =	smov.u32 s21;
	s21 =	smov.u32 s26  }
0xc0: {  	_ =	sdelay $0x1  }
0xc1: {  	v25 =	vmul.f32 $2.000000030e-01, v21;
	v20 =	vadd.f32 v20, v22;
	_ =	sdelay $0x1  }
0xc2: {  	v19 =	vmul.f32 v17, v19;
	v21 =	vmax.f32 v21, v25;
	v22 =	vmul.f32 $2.000000030e-01, v20  }
0xc3: {  	v21 =	vmul.f32 $1.442695020e+00, v21  }
0xc4: {  	[tilespmem:s14+$0xFFFFFF80] =	vst v14;
	s9 =	sadd.s32 $0x100, s9;
	(erf) = vpow2.f32 v23;
	v15 =	vmul.f32 v15, v18;
	v14 =	vmax.f32 v20, v22  }
0xc5: {  	v18 =	vld [tilespmem:s25+$0x0];
	[tilespmem:s9+$0xFFFFFFE0] =	vst v19;
	(erf) = vpow2.f32 v21;
	v14 =	vmul.f32 $1.442695020e+00, v14  }
0xc6: {  	v19 =	vpop (erf);
	v20 =	vld [tilespmem:s21+$0x10]  }
0xc7: {  	v7 =	vmul.f32 v19, v7  }
0xc8: {  	v5 =	vmul.f32 v17, v5;
	v2 =	vmul.f32 v13, v2;
	[tilespmem:s8+$0xFFFFFFF0] =	vst v15  }
0xc9: {  	[tilespmem:s9+$0xFFFFFF60] =	vst v7;
	v7 =	vmul.f32 v11, v16;
	(erf) = vpow2.f32 v14;
	v14 =	vpop (erf)  }
0xca: {  	[tilespmem:s9+$0x0] =	vst v5;
	v11 =	vld [tilespmem:s7+$0x0];
	v15 =	vmul.f32 v14, v18  }
0xcb: {  	v5 =	vld [tilespmem:s22+$0xFFFFFFE0];
	[tilespmem:s8+$0xFFFFFF80] =	vst v2;
	v2 =	vmul.f32 v17, v20  }
0xcc: {  	[tilespmem:s14+$0xFFFFFF70] =	vst v7  }
0xcd: {  	s16 =	sadd.s32 $0x100, s9;
	v6 =	vmul.f32 v14, v6;
	v7 =	vpop (erf);
	[tilespmem:s9+$0xFFFFFFF0] =	vst v2  }
0xce: {  	[tilespmem:s16+$0xFFFFFFE0] =	vst v15;
	v15 =	vpop (erf)  }
0xcf: {  	v2 =	vld [tilespmem:s25+$0x10];
	[tilespmem:s16+$0x0] =	vst v6;
	v6 =	vmul.f32 v15, v11  }
0xd0: {  	v9 =	vmul.f32 v7, v9  }
0xd1: {  	[tilespmem:s18+$0xFFFFFF70] =	vst v24  }
0xd2: {  	s26 =	sadd.s32 $0x100, s16;
	v3 =	vmul.f32 v19, v3;
	[tilespmem:s16+$0xFFFFFF60] =	vst v9  }
0xd3: {  	v5 =	vmul.f32 v13, v5;
	v9 =	vld [tilespmem:s21+$0xFFFFFFE0];
	[tilespmem:s26+$0xFFFFFFE0] =	vst v6;
	v6 =	vpop (erf)  }
0xd4: {  	[tilespmem:s9+$0xFFFFFF80] =	vst v3;
	v3 =	vld [tilespmem:s7+$0x10];
	v11 =	vmul.f32 v6, v12  }
0xd5: {  	[tilespmem:s8+$0xFFFFFF70] =	vst v5;
	v2 =	vmul.f32 v14, v2  }
0xd6: {  	v5 =	vmul.f32 v15, v10;
	v10 =	vld [tilespmem:s25+$0xFFFFFFE0];
	[tilespmem:s26+$0xFFFFFF60] =	vst v11  }
0xd7: {  	v4 =	vmul.f32 v7, v4;
	[tilespmem:s16+$0xFFFFFFF0] =	vst v2;
	v2 =	vld [tilespmem:s7+$0xFFFFFFE0]  }
0xd8: {  	[tilespmem:s26+$0x0] =	vst v5;
	v5 =	vmul.f32 v19, v9  }
0xd9: {  	[tilespmem:s16+$0xFFFFFF80] =	vst v4;
	v3 =	vmul.f32 v15, v3  }
0xda: {  	v4 =	vmul.f32 v6, v8;
	[tilespmem:s9+$0xFFFFFF70] =	vst v5  }
0xdb: {  	[tilespmem:s26+$0xFFFFFFF0] =	vst v3;
	v3 =	vmul.f32 v7, v10  }
0xdc: {  	[tilespmem:s26+$0xFFFFFF80] =	vst v4;
	v2 =	vmul.f32 v6, v2  }
0xdd: {  	[tilespmem:s16+$0xFFFFFF70] =	vst v3  }
0xde: {  	[tilespmem:s26+$0xFFFFFF70] =	vst v2  }
0xdf: {  	[spmem:s3] =	stream.indirect.scatter.add.f32 [tilespmem:s28], [sflag:$0x5], $0x80, s13, s23, $0xb8;
	[tilespmem:$0x1B9E0] =	vst v63  }
0xe0: {  	_ =	swait.ge [sflag:s29], $0x2800  }
0xe1: {  	[sflag:s29] =	ssyncset.done $0x0  }
0xe2: {  	[sflag:s29] =	ssyncadd.s32 $0xFFFFD800  }
0xe3: {  	_ =	swait.ge [sflag:s30], $0x50  }
0xe4: {  	[sflag:s30] =	ssyncset.done $0x0  }
0xe5: {  	[sflag:s30] =	ssyncadd.s32 $0xFFFFFFB0  }
0xe6: {  	_ =	swait.ge [sflag:s30], $0x50  }
0xe7: {  	[sflag:s30] =	ssyncset.done $0x0  }
0xe8: {  	[sflag:s30] =	ssyncadd.s32 $0xFFFFFFB0  }
0xe9: {  	[tilespmem:s31], [sflag:$0x1] =	stream.indirect.gather [hbm4b:s5+s23], $0x30, s4, s23, $0xb8;
	[tilespmem:$0x1B9E0] =	vst v63  }
0xea: {  	_ = 	snop  }
0xeb: {  	[tilespmem:s0], [sflag:$0x1] =	stream.indirect.gather [hbm4b:s1+s23], $0x10, s23, s23, $0xb8;
	[tilespmem:$0x1B9E0] =	vst v63  }
0xec: {  	_ =	swait.ge [sflag:s15], $0xF00  }
0xed: {  	[sflag:s15] =	ssyncset.done $0x0  }
0xee: {  	[sflag:s15] =	ssyncadd.s32 $0xFFFFF100  }
0xef: {  	_ =	swait.ge [sflag:s15], $0x500  }
0xf0: {  	[sflag:s15] =	ssyncset.done $0x0  }
0xf1: {  	[sflag:s15] =	ssyncadd.s32 $0xFFFFFB00  }
0xf2: {  	v2 =	vld [tilespmem:$0x140]  }
0xf3: {  	v3 =	vld [tilespmem:$0x150]  }
0xf4: {  	v4 =	vld [tilespmem:$0x160]  }
0xf5: {  	v5 =	vld [tilespmem:$0x170]  }
0xf6: {  	v6 =	vld [tilespmem:$0x180]  }
0xf7: {  	[tilespmem:$0x190] =	vst v2  }
0xf8: {  	p0 =	seq.s32 s19, $0x3D;
	[tilespmem:$0x1A0] =	vst v3  }
0xf9: {  	s7 =	sadd.s32 @!p0 s20, s12;
	[tilespmem:$0x1B0] =	vst v4  }
0xfa: {  	s7 =	sshrl.u32 @!p0 s7, $0x3;
	[tilespmem:$0x1C0] =	vst v5  }
0xfb: {  	s8 =	simm.s32 @!p0 $0x0;
	s9 =	simm.s32 @!p0 $0xF0;
	s7 =	sadd.s32 @!p0 s6, s7;
	[tilespmem:$0x1D0] =	vst v6  }
0xfc: {  	[tilespmem:s9], [sflag:$0x4] =	stream.linear.gather @!p0 [hbm4b:s7+s8], $0x50, $0x38;
	[tilespmem:$0x1B9E0] =	vst v63  }
0xfd: {  	s17 =	simm.s32 $0x1610;
	s7 =	sadd.s32 @!p0 $0x9C40, s7;
	s9 =	simm.s32 @!p0 $0x140  }
0xfe: {  	[tilespmem:s9], [sflag:$0x4] =	stream.linear.gather @!p0 [hbm4b:s7+s8], $0x50, $0x38;
	[tilespmem:$0x1B9E0] =	vst v63  }
0xff: {  	v4 =	vld [tilespmem:s17+$0x20]  }
0x100: {  	s21 =	simm.s32 $0x24F0  }
0x101: {  	v2 =	vld [tilespmem:s21+$0x0];
	_ =	sdelay $0x1  }
0x102: {  	v8 =	vld [tilespmem:s17+$0xFFFFFFF0]  }
0x103: {  	v3 =	vperm.xlane v4, v1  }
0x104: {  	s8 =	simm.s32 $0x1670;
	v5 =	vld [tilespmem:s21+$0xFFFFFFF0]  }
0x105: {  	v9 =	vld [tilespmem:s8+$0x20];
	v2 =	vadd.f32 v2, v3  }
0x106: {  	s22 =	simm.s32 $0x2510  }
0x107: {  	v6 =	vld [tilespmem:s22+$0x0];
	v7 =	vperm.xlane v8, v1;
	v3 =	vmul.f32 $2.000000030e-01, v2  }
0x108: {  	v12 =	vld [tilespmem:s8+$0xFFFFFFF0]  }
0x109: {  	v2 =	vmax.f32 v2, v3;
	v3 =	vadd.f32 v5, v7  }
0x10a: {  	v5 =	vperm.xlane v9, v1;
	v7 =	vld [tilespmem:s22+$0xFFFFFFF0]  }
0x10b: {  	v2 =	vmul.f32 $1.442695020e+00, v2;
	v10 =	vmul.f32 $2.000000030e-01, v3  }
0x10c: {  	s21 =	simm.s32 $0x16D0;
	v5 =	vadd.f32 v6, v5  }
0x10d: {  	v13 =	vld [tilespmem:s21+$0x20];
	v6 =	vperm.xlane v12, v1;
	(erf) = vpow2.f32 v2;
	v3 =	vmax.f32 v3, v10  }
0x10e: {  	s24 =	simm.s32 $0x2530;
	v10 =	vmul.f32 $2.000000030e-01, v5;
	v3 =	vmul.f32 $1.442695020e+00, v3  }
0x10f: {  	v11 =	vld [tilespmem:s24+$0x0];
	v6 =	vadd.f32 v7, v6  }
0x110: {  	v2 =	vld [tilespmem:s21+$0xFFFFFFF0];
	v5 =	vmax.f32 v5, v10;
	(erf) = vpow2.f32 v3  }
0x111: {  	v7 =	vld [tilespmem:s17+$0x0];
	v3 =	vmul.f32 $1.442695020e+00, v5;
	v5 =	vmul.f32 $2.000000030e-01, v6  }
0x112: {  	s20 =	simm.s32 $0x1730;
	v15 =	vperm.xlane v13, v1;
	v10 =	vld [tilespmem:s24+$0xFFFFFFF0]  }
0x113: {  	(erf) = vpow2.f32 v3;
	v6 =	vmax.f32 v6, v5;
	v5 =	vld [tilespmem:s20+$0x20]  }
0x114: {  	v14 =	vld [tilespmem:s17+$0xFFFFFFD0];
	v11 =	vadd.f32 v11, v15  }
0x115: {  	s25 =	simm.s32 $0x2550;
	v16 =	vld [tilespmem:s8+$0xFFFFFFD0];
	v3 =	vperm.xlane v2, v1;
	v6 =	vmul.f32 $1.442695020e+00, v6  }
0x116: {  	v19 =	vld [tilespmem:s25+$0x0];
	v18 =	vmul.f32 $2.000000030e-01, v11  }
0x117: {  	v10 =	vadd.f32 v10, v3;
	v3 =	vld [tilespmem:s20+$0xFFFFFFF0];
	v15 =	vpop (erf);
	(erf) = vpow2.f32 v6  }
0x118: {  	v6 =	vmax.f32 v11, v18;
	v11 =	vld [tilespmem:s8+$0x0];
	v7 =	vmul.f32 v15, v7;
	v21 =	vperm.xlane v5, v1  }
0x119: {  	s18 =	simm.s32 $0x5280;
	v23 =	vld [tilespmem:s25+$0xFFFFFFF0];
	v18 =	vmul.f32 $2.000000030e-01, v10;
	v6 =	vmul.f32 $1.442695020e+00, v6  }
0x11a: {  	v17 =	vld [tilespmem:s21+$0xFFFFFFD0];
	v22 =	vmul.f32 v15, v4;
	[tilespmem:s18+$0xFFFFFFE0] =	vst v7  }
0x11b: {  	s22 =	simm.s32 $0x1790;
	v4 =	vmax.f32 v10, v18;
	v20 =	vld [tilespmem:s17+$0x10];
	v24 =	vpop (erf);
	(erf) = vpow2.f32 v6;
	v10 =	vadd.f32 v19, v21  }
0x11c: {  	v18 =	vperm.xlane v3, v1;
	v19 =	vmul.f32 $1.442695020e+00, v4;
	v6 =	vld [tilespmem:s22+$0x20];
	v21 =	vpop (erf)  }
0x11d: {  	s26 =	simm.s32 $0x2570;
	v4 =	vld [tilespmem:s22+$0xFFFFFFF0];
	v25 =	vmul.f32 $2.000000030e-01, v10;
	v11 =	vmul.f32 v21, v11  }
0x11e: {  	s14 =	simm.s32 $0x5380;
	v26 =	vmul.f32 v24, v8;
	v8 =	vld [tilespmem:s26+$0x0]  }
0x11f: {  	v18 =	vadd.f32 v23, v18;
	(erf) = vpow2.f32 v19;
	v10 =	vmax.f32 v10, v25;
	v25 =	vld [tilespmem:s26+$0xFFFFFFF0];
	[tilespmem:s14+$0xFFFFFFE0] =	vst v11  }
0x120: {  	v14 =	vmul.f32 v24, v14;
	v15 =	vmul.f32 v15, v20;
	v20 =	vld [tilespmem:s8+$0x10]  }
0x121: {  	v19 =	vld [tilespmem:s21+$0x0];
	v23 =	vmul.f32 $2.000000030e-01, v18;
	v10 =	vmul.f32 $1.442695020e+00, v10  }
0x122: {  	v7 =	vld [tilespmem:s20+$0xFFFFFFD0];
	[tilespmem:s18+$0xFFFFFF60] =	vst v14;
	v14 =	vmul.f32 v21, v9;
	v27 =	vperm.xlane v6, v1  }
0x123: {  	[tilespmem:s18+$0x0] =	vst v22;
	v9 =	vld [tilespmem:s22+$0xFFFFFFD0];
	v22 =	vperm.xlane v4, v1;
	v11 =	vpop (erf);
	(erf) = vpow2.f32 v10;
	v10 =	vmax.f32 v18, v23  }
0x124: {  	s7 =	simm.s32 $0x17F0;
	[tilespmem:s14+$0x0] =	vst v14;
	v18 =	vadd.f32 v8, v27;
	v27 =	vld [tilespmem:s17+$0xFFFFFFE0];
	v16 =	vmul.f32 v11, v16;
	v23 =	vmul.f32 $1.442695020e+00, v10  }
0x125: {  	[tilespmem:s18+$0xFFFFFFF0] =	vst v15;
	v10 =	vld [tilespmem:s7+$0x20];
	v14 =	vmul.f32 v11, v12;
	v15 =	vpop (erf);
	v12 =	vmul.f32 v21, v20;
	v21 =	vadd.f32 v25, v22  }
0x126: {  	s16 =	simm.s32 $0x2590;
	v8 =	vld [tilespmem:s7+$0xFFFFFFF0];
	v28 =	vmul.f32 $2.000000030e-01, v18;
	v19 =	vmul.f32 v15, v19  }
0x127: {  	s9 =	simm.s32 $0x5480;
	[tilespmem:s14+$0xFFFFFF60] =	vst v16;
	v16 =	vld [tilespmem:s16+$0x0];
	(erf) = vpow2.f32 v23;
	v23 =	vmul.f32 $2.000000030e-01, v21  }
0x128: {  	v22 =	vmul.f32 v15, v13;
	v18 =	vmax.f32 v18, v28;
	v13 =	vpop (erf);
	[tilespmem:s9+$0xFFFFFFE0] =	vst v19;
	v19 =	vld [tilespmem:s20+$0x0]  }
0x129: {  	[tilespmem:s18+$0xFFFFFF80] =	vst v26;
	v25 =	vmul.f32 $1.442695020e+00, v18;
	v63 =	vmul.f32 v13, v17;
	v18 =	vld [tilespmem:s21+$0x10];
	v17 =	vmax.f32 v21, v23  }
0x12a: {  	v20 =	vld [tilespmem:s16+$0xFFFFFFF0];
	[tilespmem:s14+$0xFFFFFFF0] =	vst v12;
	v26 =	vperm.xlane v10, v1  }
0x12b: {  	s24 =	simm.s32 $0x1850;
	v24 =	vmul.f32 v24, v27;
	[tilespmem:s9+$0x0] =	vst v22;
	v12 =	vld [tilespmem:s7+$0xFFFFFFD0];
	(erf) = vpow2.f32 v25  }
0x12c: {  	s17 =	simm.s32 $0xA;
	v22 =	vperm.xlane v8, v1;
	[tilespmem:s9+$0xFFFFFF60] =	vst v63;
	v21 =	vadd.f32 v16, v26;
	v16 =	vld [tilespmem:s8+$0xFFFFFFE0];
	s8 =	simm.s32 $0x5480;
	v23 =	vmul.f32 $1.442695020e+00, v17;
	v17 =	vpop (erf)  }
.LBB2_7:
0x12d: {  	v25 =	vld [tilespmem:s24+$0x20];
	v19 =	vmul.f32 v17, v19;
	[tilespmem:s14+$0xFFFFFF80] =	vst v14;
	v14 =	vmul.f32 v13, v2;
	v2 =	vmovc v3;
	v3 =	vmov v4;
	s25 =	smov.u32 s22;
	s22 =	smov.u32 s7;
	s7 =	smov.u32 s24  }
0x12e: {  	s17 =	sadd.s32 $0x2, s17;
	s16 =	sadd.s32 $0x20, s16;
	s9 =	sadd.s32 $0x100, s9;
	v4 =	vmovc v8;
	v26 =	vmul.f32 $2.000000030e-01, v21;
	v29 =	vmul.f32 v15, v18;
	[tilespmem:s18+$0xFFFFFF70] =	vst v24;
	v8 =	vld [tilespmem:s24+$0xFFFFFFF0];
	v24 =	vmovc v11;
	v11 =	vmov v13  }
0x12f: {  	p1 =	slt.u32 s17, $0x4E;
	s18 =	smov.u32 s14;
	s14 =	smov.u32 s8;
	v27 =	vld [tilespmem:s16+$0x0];
	v28 =	vadd.f32 v20, v22;
	(erf) = vpow2.f32 v23;
	[tilespmem:s9+$0xFFFFFFE0] =	vst v19;
	v20 =	vmul.f32 v17, v5;
	v5 =	vmovc v6  }
.Ltmp2:
0x130: {  	v15 =	vmov v17;
	s8 =	smov.u32 s9;
	v6 =	vmov v10;
	v18 =	vmax.f32 v21, v26;
	v19 =	vld [tilespmem:s25+$0x0];
	v13 =	vpop (erf);
	[tilespmem:s14+$0xFFFFFFF0] =	vst v29;
	(pc) =	sbr.rel @p1 .LBB2_7-.Ltmp2, $4  }
0x131: {  	v29 =	vmul.f32 $2.000000030e-01, v28;
	v21 =	vmul.f32 $1.442695020e+00, v18;
	v18 =	vld [tilespmem:s20+$0x10];
	[tilespmem:s9+$0x0] =	vst v20  }
0x132: {  	v26 =	vmul.f32 v13, v7;
	v7 =	vmovc v9;
	v9 =	vmovc v12;
	v20 =	vld [tilespmem:s16+$0xFFFFFFF0];
	v23 =	vperm.xlane v25, v1;
	v10 =	vmov v25  }
0x133: {  	v22 =	vperm.xlane v8, v1;
	v12 =	vld [tilespmem:s24+$0xFFFFFFD0];
	v25 =	vmax.f32 v28, v29;
	(erf) = vpow2.f32 v21  }
0x134: {  	v24 =	vmul.f32 v24, v16;
	s24 =	sadd.s32 $0x60, s24;
	v21 =	vadd.f32 v27, v23;
	v23 =	vmul.f32 $1.442695020e+00, v25;
	v17 =	vpop (erf);
	[tilespmem:s9+$0xFFFFFF60] =	vst v26;
	v16 =	vld [tilespmem:s21+$0xFFFFFFE0];
	s21 =	smov.u32 s20;
	s20 =	smov.u32 s25  }
0x135: {  	_ = 	snop  }
0x136: {  	v25 =	vmul.f32 $2.000000030e-01, v21  }
0x137: {  	v20 =	vadd.f32 v20, v22  }
0x138: {  	v21 =	vmax.f32 v21, v25  }
0x139: {  	v22 =	vmul.f32 $2.000000030e-01, v20;
	v21 =	vmul.f32 $1.442695020e+00, v21  }
0x13a: {  	v19 =	vmul.f32 v17, v19;
	(erf) = vpow2.f32 v23  }
0x13b: {  	[tilespmem:s14+$0xFFFFFF80] =	vst v14;
	s9 =	sadd.s32 $0x100, s9;
	v45 =	vmax.f32 v20, v22;
	(erf) = vpow2.f32 v21  }
0x13c: {  	v46 =	vld [tilespmem:s22+$0x0];
	v2 =	vmul.f32 v13, v2;
	[tilespmem:s9+$0xFFFFFFE0] =	vst v19;
	v14 =	vmul.f32 $1.442695020e+00, v45  }
0x13d: {  	v15 =	vmul.f32 v15, v18;
	[tilespmem:s18+$0xFFFFFF70] =	vst v24;
	v48 =	vld [tilespmem:s20+$0x10]  }
0x13e: {  	v5 =	vmul.f32 v17, v5;
	v49 =	vld [tilespmem:s21+$0xFFFFFFE0];
	[tilespmem:s8+$0xFFFFFF80] =	vst v2;
	v47 =	vpop (erf);
	(erf) = vpow2.f32 v14  }
0x13f: {  	[tilespmem:s8+$0xFFFFFFF0] =	vst v15;
	v7 =	vmul.f32 v47, v7  }
0x140: {  	v52 =	vld [tilespmem:s7+$0x0];
	[tilespmem:s9+$0x0] =	vst v5;
	v51 =	vmul.f32 v11, v16;
	v50 =	vpop (erf)  }
0x141: {  	[tilespmem:s9+$0xFFFFFF60] =	vst v7;
	v53 =	vmul.f32 v50, v46  }
0x142: {  	s16 =	sadd.s32 $0x100, s9;
	[tilespmem:s14+$0xFFFFFF70] =	vst v51;
	v2 =	vmul.f32 v17, v48  }
0x143: {  	v3 =	vmul.f32 v47, v3;
	[tilespmem:s16+$0xFFFFFFE0] =	vst v53;
	v54 =	vpop (erf)  }
0x144: {  	v5 =	vmul.f32 v13, v49;
	[tilespmem:s9+$0xFFFFFFF0] =	vst v2;
	v2 =	vld [tilespmem:s22+$0x10];
	v55 =	vpop (erf)  }
0x145: {  	v57 =	vld [tilespmem:s20+$0xFFFFFFE0];
	[tilespmem:s9+$0xFFFFFF80] =	vst v3;
	v56 =	vmul.f32 v55, v52  }
0x146: {  	s24 =	sadd.s32 $0x100, s16;
	[tilespmem:s8+$0xFFFFFF70] =	vst v5;
	v6 =	vmul.f32 v50, v6  }
0x147: {  	v9 =	vmul.f32 v54, v9;
	[tilespmem:s24+$0xFFFFFFE0] =	vst v56;
	v58 =	vpop (erf)  }
0x148: {  	[tilespmem:s16+$0x0] =	vst v6;
	v3 =	vld [tilespmem:s7+$0x10];
	v59 =	vmul.f32 v58, v12  }
0x149: {  	[tilespmem:s16+$0xFFFFFF60] =	vst v9;
	v2 =	vmul.f32 v50, v2  }
0x14a: {  	v4 =	vmul.f32 v54, v4;
	v61 =	vld [tilespmem:s22+$0xFFFFFFE0];
	[tilespmem:s24+$0xFFFFFF60] =	vst v59  }
0x14b: {  	v62 =	vmul.f32 v47, v57;
	[tilespmem:s16+$0xFFFFFFF0] =	vst v2;
	v2 =	vld [tilespmem:s7+$0xFFFFFFE0]  }
0x14c: {  	[tilespmem:s16+$0xFFFFFF80] =	vst v4;
	v60 =	vmul.f32 v55, v10  }
0x14d: {  	[tilespmem:s9+$0xFFFFFF70] =	vst v62;
	v3 =	vmul.f32 v55, v3  }
0x14e: {  	[tilespmem:s24+$0x0] =	vst v60;
	v63 =	vmul.f32 v58, v8  }
0x14f: {  	[tilespmem:s24+$0xFFFFFFF0] =	vst v3;
	v3 =	vmul.f32 v54, v61  }
0x150: {  	[tilespmem:s24+$0xFFFFFF80] =	vst v63;
	v2 =	vmul.f32 v58, v2  }
0x151: {  	[tilespmem:s16+$0xFFFFFF70] =	vst v3  }
.Ltmp3:
0x152: {  	s25 =	simm.s32 $0x190;
	s26 =	simm.s32 $0x51E0;
	[tilespmem:s24+$0xFFFFFF70] =	vst v2;
	(pc) =	sbr.rel @p0 .LBB2_10-.Ltmp3, $4  }
0x153: {  	[spmem:s3] =	stream.indirect.scatter.add.f32 [tilespmem:s26], [sflag:$0x5], $0x80, s25, s23, $0xb8;
	[tilespmem:$0x1B9E0] =	vst v63  }
0x154: {  	_ =	swait.ge [sflag:s29], $0x2800  }
0x155: {  	[sflag:s29] =	ssyncset.done $0x0  }
0x156: {  	[sflag:s29] =	ssyncadd.s32 $0xFFFFD800  }
0x157: {  	_ =	swait.ge [sflag:s2], $0x50  }
0x158: {  	[sflag:s2] =	ssyncset.done $0x0  }
0x159: {  	[sflag:s2] =	ssyncadd.s32 $0xFFFFFFB0  }
0x15a: {  	_ =	swait.ge [sflag:s2], $0x50  }
.Ltmp4:
0x15b: {  	[sflag:s2] =	ssyncset.done $0x0;
	(pc) =	sbr.rel .LBB2_4-.Ltmp4, $4  }
0x15c: {  	s7 =	simm.s32 $0xF0;
	s8 =	simm.s32 $0x15E0;
	[sflag:s2] =	ssyncadd.s32 $0xFFFFFFB0  }
0x15d: {  	[tilespmem:s8], [sflag:$0x2] =	stream.indirect.gather [hbm4b:s5+s23], $0x30, s7, s23, $0xb8;
	[tilespmem:$0x1B9E0] =	vst v63  }
0x15e: {  	s25 =	simm.s32 $0x140;
	s26 =	simm.s32 $0x24E0;
	s19 =	sadd.s32 $0x1, s19  }
0x15f: {  	[tilespmem:s26], [sflag:$0x2] =	stream.indirect.gather [hbm4b:s1+s23], $0x10, s25, s23, $0xb8;
	[tilespmem:$0x1B9E0] =	vst v63  }
.LBB2_10:
0x160: {  	_ =	swait.ge [sflag:s10], $0xF00  }
0x161: {  	[sflag:s10] =	ssyncset.done $0x0  }
0x162: {  	[sflag:s10] =	ssyncadd.s32 $0xFFFFF100  }
0x163: {  	_ =	swait.ge [sflag:s10], $0x500  }
0x164: {  	[sflag:s10] =	ssyncset.done $0x0  }
0x165: {  	[sflag:s10] =	ssyncadd.s32 $0xFFFFFB00  }
0x166: {  	v2 =	vld [tilespmem:$0x50]  }
0x167: {  	v3 =	vld [tilespmem:$0x60]  }
0x168: {  	v4 =	vld [tilespmem:$0x70]  }
0x169: {  	v5 =	vld [tilespmem:$0x80]  }
0x16a: {  	v6 =	vld [tilespmem:$0x90]  }
0x16b: {  	[tilespmem:$0xA0] =	vst v2  }
0x16c: {  	[tilespmem:$0xB0] =	vst v3  }
0x16d: {  	[tilespmem:$0xC0] =	vst v4  }
0x16e: {  	[tilespmem:$0xD0] =	vst v5  }
0x16f: {  	s9 =	simm.s32 $0x210;
	[tilespmem:$0xE0] =	vst v6  }
0x170: {  	v4 =	vld [tilespmem:s9+$0x20]  }
0x171: {  	s7 =	simm.s32 $0x10F0  }
0x172: {  	v2 =	vld [tilespmem:s7+$0x0];
	_ =	sdelay $0x1  }
0x173: {  	v8 =	vld [tilespmem:s9+$0xFFFFFFF0]  }
0x174: {  	v3 =	vperm.xlane v4, v1  }
0x175: {  	s8 =	simm.s32 $0x270;
	v5 =	vld [tilespmem:s7+$0xFFFFFFF0]  }
0x176: {  	v9 =	vld [tilespmem:s8+$0x20];
	v2 =	vadd.f32 v2, v3  }
0x177: {  	s22 =	simm.s32 $0x1110  }
0x178: {  	v6 =	vld [tilespmem:s22+$0x0];
	v7 =	vperm.xlane v8, v1;
	v3 =	vmul.f32 $2.000000030e-01, v2  }
0x179: {  	v12 =	vld [tilespmem:s8+$0xFFFFFFF0]  }
0x17a: {  	v2 =	vmax.f32 v2, v3;
	v3 =	vadd.f32 v5, v7  }
0x17b: {  	v5 =	vperm.xlane v9, v1;
	v7 =	vld [tilespmem:s22+$0xFFFFFFF0]  }
0x17c: {  	v2 =	vmul.f32 $1.442695020e+00, v2;
	v10 =	vmul.f32 $2.000000030e-01, v3  }
0x17d: {  	s20 =	simm.s32 $0x2D0;
	v5 =	vadd.f32 v6, v5  }
0x17e: {  	v13 =	vld [tilespmem:s20+$0x20];
	v6 =	vperm.xlane v12, v1;
	(erf) = vpow2.f32 v2;
	v3 =	vmax.f32 v3, v10  }
0x17f: {  	s24 =	simm.s32 $0x1130;
	v10 =	vmul.f32 $2.000000030e-01, v5;
	v3 =	vmul.f32 $1.442695020e+00, v3  }
0x180: {  	v11 =	vld [tilespmem:s24+$0x0];
	v6 =	vadd.f32 v7, v6  }
0x181: {  	v2 =	vld [tilespmem:s20+$0xFFFFFFF0];
	v5 =	vmax.f32 v5, v10;
	(erf) = vpow2.f32 v3  }
0x182: {  	v7 =	vld [tilespmem:s9+$0x0];
	v3 =	vmul.f32 $1.442695020e+00, v5;
	v5 =	vmul.f32 $2.000000030e-01, v6  }
0x183: {  	s19 =	simm.s32 $0x330;
	v15 =	vperm.xlane v13, v1;
	v10 =	vld [tilespmem:s24+$0xFFFFFFF0]  }
0x184: {  	(erf) = vpow2.f32 v3;
	v6 =	vmax.f32 v6, v5;
	v5 =	vld [tilespmem:s19+$0x20]  }
0x185: {  	v14 =	vld [tilespmem:s9+$0xFFFFFFD0];
	v11 =	vadd.f32 v11, v15  }
0x186: {  	s25 =	simm.s32 $0x1150;
	v16 =	vld [tilespmem:s8+$0xFFFFFFD0];
	v3 =	vperm.xlane v2, v1;
	v6 =	vmul.f32 $1.442695020e+00, v6  }
0x187: {  	v19 =	vld [tilespmem:s25+$0x0];
	v18 =	vmul.f32 $2.000000030e-01, v11  }
0x188: {  	v10 =	vadd.f32 v10, v3;
	v3 =	vld [tilespmem:s19+$0xFFFFFFF0];
	v15 =	vpop (erf);
	(erf) = vpow2.f32 v6  }
0x189: {  	v6 =	vmax.f32 v11, v18;
	v11 =	vld [tilespmem:s8+$0x0];
	v7 =	vmul.f32 v15, v7;
	v21 =	vperm.xlane v5, v1  }
0x18a: {  	s18 =	simm.s32 $0x2A80;
	v17 =	vld [tilespmem:s20+$0xFFFFFFD0];
	v18 =	vmul.f32 $2.000000030e-01, v10;
	v6 =	vmul.f32 $1.442695020e+00, v6  }
0x18b: {  	v23 =	vld [tilespmem:s25+$0xFFFFFFF0];
	v22 =	vmul.f32 v15, v4;
	[tilespmem:s18+$0xFFFFFFE0] =	vst v7  }
0x18c: {  	s21 =	simm.s32 $0x390;
	v4 =	vmax.f32 v10, v18;
	v20 =	vld [tilespmem:s9+$0x10];
	v24 =	vpop (erf);
	(erf) = vpow2.f32 v6;
	v10 =	vadd.f32 v19, v21  }
0x18d: {  	v18 =	vperm.xlane v3, v1;
	v19 =	vmul.f32 $1.442695020e+00, v4;
	v6 =	vld [tilespmem:s21+$0x20];
	v21 =	vpop (erf)  }
0x18e: {  	s26 =	simm.s32 $0x1170;
	v4 =	vld [tilespmem:s21+$0xFFFFFFF0];
	v25 =	vmul.f32 $2.000000030e-01, v10;
	v11 =	vmul.f32 v21, v11  }
0x18f: {  	s14 =	simm.s32 $0x2B80;
	v26 =	vmul.f32 v24, v8;
	v8 =	vld [tilespmem:s26+$0x0]  }
0x190: {  	v18 =	vadd.f32 v23, v18;
	(erf) = vpow2.f32 v19;
	v10 =	vmax.f32 v10, v25;
	v25 =	vld [tilespmem:s26+$0xFFFFFFF0];
	[tilespmem:s14+$0xFFFFFFE0] =	vst v11  }
0x191: {  	v14 =	vmul.f32 v24, v14;
	v15 =	vmul.f32 v15, v20;
	v20 =	vld [tilespmem:s8+$0x10]  }
0x192: {  	v19 =	vld [tilespmem:s20+$0x0];
	v23 =	vmul.f32 $2.000000030e-01, v18;
	v10 =	vmul.f32 $1.442695020e+00, v10  }
0x193: {  	v7 =	vld [tilespmem:s19+$0xFFFFFFD0];
	[tilespmem:s18+$0xFFFFFF60] =	vst v14;
	v14 =	vmul.f32 v21, v9;
	v27 =	vperm.xlane v6, v1  }
0x194: {  	[tilespmem:s18+$0x0] =	vst v22;
	v9 =	vld [tilespmem:s21+$0xFFFFFFD0];
	v22 =	vperm.xlane v4, v1;
	v11 =	vpop (erf);
	(erf) = vpow2.f32 v10;
	v10 =	vmax.f32 v18, v23  }
0x195: {  	s7 =	simm.s32 $0x3F0;
	[tilespmem:s14+$0x0] =	vst v14;
	v18 =	vadd.f32 v8, v27;
	v27 =	vld [tilespmem:s9+$0xFFFFFFE0];
	v16 =	vmul.f32 v11, v16;
	v23 =	vmul.f32 $1.442695020e+00, v10  }
0x196: {  	[tilespmem:s18+$0xFFFFFFF0] =	vst v15;
	v10 =	vld [tilespmem:s7+$0x20];
	v14 =	vmul.f32 v11, v12;
	v15 =	vpop (erf);
	v12 =	vmul.f32 v21, v20;
	v21 =	vadd.f32 v25, v22  }
0x197: {  	s16 =	simm.s32 $0x1190;
	v8 =	vld [tilespmem:s7+$0xFFFFFFF0];
	v28 =	vmul.f32 $2.000000030e-01, v18;
	v19 =	vmul.f32 v15, v19  }
0x198: {  	s9 =	simm.s32 $0x2C80;
	[tilespmem:s14+$0xFFFFFF60] =	vst v16;
	v16 =	vld [tilespmem:s16+$0x0];
	(erf) = vpow2.f32 v23;
	v23 =	vmul.f32 $2.000000030e-01, v21  }
0x199: {  	v22 =	vmul.f32 v15, v13;
	v18 =	vmax.f32 v18, v28;
	v13 =	vpop (erf);
	[tilespmem:s9+$0xFFFFFFE0] =	vst v19;
	v19 =	vld [tilespmem:s19+$0x0]  }
0x19a: {  	[tilespmem:s18+$0xFFFFFF80] =	vst v26;
	v25 =	vmul.f32 $1.442695020e+00, v18;
	v63 =	vmul.f32 v13, v17;
	v18 =	vld [tilespmem:s20+$0x10];
	v17 =	vmax.f32 v21, v23  }
0x19b: {  	v20 =	vld [tilespmem:s16+$0xFFFFFFF0];
	[tilespmem:s14+$0xFFFFFFF0] =	vst v12;
	v26 =	vperm.xlane v10, v1  }
0x19c: {  	s17 =	simm.s32 $0xA;
	v24 =	vmul.f32 v24, v27;
	[tilespmem:s9+$0x0] =	vst v22;
	v12 =	vld [tilespmem:s7+$0xFFFFFFD0];
	(erf) = vpow2.f32 v25  }
0x19d: {  	s22 =	simm.s32 $0x450;
	v22 =	vperm.xlane v8, v1;
	[tilespmem:s9+$0xFFFFFF60] =	vst v63;
	v21 =	vadd.f32 v16, v26;
	v16 =	vld [tilespmem:s8+$0xFFFFFFE0];
	s8 =	simm.s32 $0x2C80;
	v23 =	vmul.f32 $1.442695020e+00, v17;
	v17 =	vpop (erf)  }
.LBB2_11:
0x19e: {  	v25 =	vld [tilespmem:s22+$0x20];
	v19 =	vmul.f32 v17, v19;
	[tilespmem:s14+$0xFFFFFF80] =	vst v14;
	v14 =	vmul.f32 v13, v2;
	v2 =	vmovc v3;
	v3 =	vmov v4;
	s24 =	smov.u32 s21;
	s21 =	smov.u32 s7;
	s7 =	smov.u32 s22  }
0x19f: {  	s17 =	sadd.s32 $0x2, s17;
	s16 =	sadd.s32 $0x20, s16;
	s9 =	sadd.s32 $0x100, s9;
	v4 =	vmovc v8;
	v26 =	vmul.f32 $2.000000030e-01, v21;
	v29 =	vmul.f32 v15, v18;
	[tilespmem:s18+$0xFFFFFF70] =	vst v24;
	v8 =	vld [tilespmem:s22+$0xFFFFFFF0];
	v24 =	vmovc v11;
	v11 =	vmov v13  }
0x1a0: {  	p0 =	slt.u32 s17, $0x4E;
	s18 =	smov.u32 s14;
	s14 =	smov.u32 s8;
	v27 =	vld [tilespmem:s16+$0x0];
	v28 =	vadd.f32 v20, v22;
	(erf) = vpow2.f32 v23;
	[tilespmem:s9+$0xFFFFFFE0] =	vst v19;
	v20 =	vmul.f32 v17, v5;
	v5 =	vmovc v6  }
.Ltmp5:
0x1a1: {  	v15 =	vmov v17;
	s8 =	smov.u32 s9;
	v6 =	vmov v10;
	v18 =	vmax.f32 v21, v26;
	v19 =	vld [tilespmem:s24+$0x0];
	v13 =	vpop (erf);
	[tilespmem:s14+$0xFFFFFFF0] =	vst v29;
	(pc) =	sbr.rel @p0 .LBB2_11-.Ltmp5, $4  }
0x1a2: {  	v29 =	vmul.f32 $2.000000030e-01, v28;
	v21 =	vmul.f32 $1.442695020e+00, v18;
	v18 =	vld [tilespmem:s19+$0x10];
	[tilespmem:s9+$0x0] =	vst v20  }
0x1a3: {  	v26 =	vmul.f32 v13, v7;
	v7 =	vmovc v9;
	v9 =	vmovc v12;
	v20 =	vld [tilespmem:s16+$0xFFFFFFF0];
	v23 =	vperm.xlane v25, v1;
	v10 =	vmov v25  }
0x1a4: {  	v22 =	vperm.xlane v8, v1;
	v12 =	vld [tilespmem:s22+$0xFFFFFFD0];
	v25 =	vmax.f32 v28, v29;
	(erf) = vpow2.f32 v21  }
0x1a5: {  	v24 =	vmul.f32 v24, v16;
	s22 =	sadd.s32 $0x60, s22;
	v21 =	vadd.f32 v27, v23;
	v23 =	vmul.f32 $1.442695020e+00, v25;
	v17 =	vpop (erf);
	[tilespmem:s9+$0xFFFFFF60] =	vst v26;
	v16 =	vld [tilespmem:s20+$0xFFFFFFE0];
	s20 =	smov.u32 s19;
	s19 =	smov.u32 s24  }
0x1a6: {  	_ = 	snop  }
0x1a7: {  	v25 =	vmul.f32 $2.000000030e-01, v21  }
0x1a8: {  	v20 =	vadd.f32 v20, v22  }
0x1a9: {  	v21 =	vmax.f32 v21, v25  }
0x1aa: {  	v22 =	vmul.f32 $2.000000030e-01, v20;
	v21 =	vmul.f32 $1.442695020e+00, v21  }
0x1ab: {  	v19 =	vmul.f32 v17, v19;
	(erf) = vpow2.f32 v23  }
0x1ac: {  	[tilespmem:s14+$0xFFFFFF80] =	vst v14;
	s9 =	sadd.s32 $0x100, s9;
	v45 =	vmax.f32 v20, v22;
	(erf) = vpow2.f32 v21  }
0x1ad: {  	v46 =	vld [tilespmem:s21+$0x0];
	v2 =	vmul.f32 v13, v2;
	[tilespmem:s9+$0xFFFFFFE0] =	vst v19;
	v14 =	vmul.f32 $1.442695020e+00, v45  }
0x1ae: {  	v15 =	vmul.f32 v15, v18;
	[tilespmem:s18+$0xFFFFFF70] =	vst v24;
	v48 =	vld [tilespmem:s19+$0x10]  }
0x1af: {  	v5 =	vmul.f32 v17, v5;
	v49 =	vld [tilespmem:s20+$0xFFFFFFE0];
	[tilespmem:s8+$0xFFFFFF80] =	vst v2;
	v47 =	vpop (erf);
	(erf) = vpow2.f32 v14  }
0x1b0: {  	[tilespmem:s8+$0xFFFFFFF0] =	vst v15;
	v7 =	vmul.f32 v47, v7  }
0x1b1: {  	v52 =	vld [tilespmem:s7+$0x0];
	[tilespmem:s9+$0x0] =	vst v5;
	v51 =	vmul.f32 v11, v16;
	v50 =	vpop (erf)  }
0x1b2: {  	[tilespmem:s9+$0xFFFFFF60] =	vst v7;
	v53 =	vmul.f32 v50, v46  }
0x1b3: {  	s16 =	sadd.s32 $0x100, s9;
	[tilespmem:s14+$0xFFFFFF70] =	vst v51;
	v2 =	vmul.f32 v17, v48  }
0x1b4: {  	v3 =	vmul.f32 v47, v3;
	[tilespmem:s16+$0xFFFFFFE0] =	vst v53;
	v54 =	vpop (erf)  }
0x1b5: {  	v5 =	vmul.f32 v13, v49;
	[tilespmem:s9+$0xFFFFFFF0] =	vst v2;
	v2 =	vld [tilespmem:s21+$0x10];
	v55 =	vpop (erf)  }
0x1b6: {  	v57 =	vld [tilespmem:s19+$0xFFFFFFE0];
	[tilespmem:s9+$0xFFFFFF80] =	vst v3;
	v56 =	vmul.f32 v55, v52  }
0x1b7: {  	s20 =	sadd.s32 $0x100, s16;
	[tilespmem:s8+$0xFFFFFF70] =	vst v5;
	v6 =	vmul.f32 v50, v6  }
0x1b8: {  	v9 =	vmul.f32 v54, v9;
	[tilespmem:s20+$0xFFFFFFE0] =	vst v56;
	v58 =	vpop (erf)  }
0x1b9: {  	[tilespmem:s16+$0x0] =	vst v6;
	v3 =	vld [tilespmem:s7+$0x10];
	v59 =	vmul.f32 v58, v12  }
0x1ba: {  	[tilespmem:s16+$0xFFFFFF60] =	vst v9;
	v2 =	vmul.f32 v50, v2  }
0x1bb: {  	v4 =	vmul.f32 v54, v4;
	v61 =	vld [tilespmem:s21+$0xFFFFFFE0];
	[tilespmem:s20+$0xFFFFFF60] =	vst v59  }
0x1bc: {  	v62 =	vmul.f32 v47, v57;
	[tilespmem:s16+$0xFFFFFFF0] =	vst v2;
	v2 =	vld [tilespmem:s7+$0xFFFFFFE0]  }
0x1bd: {  	[tilespmem:s16+$0xFFFFFF80] =	vst v4;
	v60 =	vmul.f32 v55, v10  }
0x1be: {  	[tilespmem:s9+$0xFFFFFF70] =	vst v62;
	v3 =	vmul.f32 v55, v3  }
0x1bf: {  	[tilespmem:s20+$0x0] =	vst v60;
	v63 =	vmul.f32 v58, v8  }
0x1c0: {  	[tilespmem:s20+$0xFFFFFFF0] =	vst v3;
	v3 =	vmul.f32 v54, v61  }
0x1c1: {  	[tilespmem:s20+$0xFFFFFF80] =	vst v63;
	v2 =	vmul.f32 v58, v2  }
0x1c2: {  	[tilespmem:s16+$0xFFFFFF70] =	vst v3  }
0x1c3: {  	[tilespmem:s20+$0xFFFFFF70] =	vst v2  }
0x1c4: {  	[spmem:s3] =	stream.indirect.scatter.add.f32 [tilespmem:s28], [sflag:$0x5], $0x80, s13, s23, $0xb8;
	[tilespmem:$0x1B9E0] =	vst v63  }
0x1c5: {  	_ =	swait.ge [sflag:s29], $0x2800  }
0x1c6: {  	[sflag:s29] =	ssyncset.done $0x0  }
0x1c7: {  	[sflag:s29] =	ssyncadd.s32 $0xFFFFD800  }
0x1c8: {  	s21 =	stileid.u32;
	[bflag:$0x0] =	sbarrier.arrive $0xFFFF  }
0x1c9: {  	s7 =	sshll.u32 s21, $0x6;
	s22 =	rddreg [dreg:$0x8]  }
0x1ca: {  	s7 =	sor.u32 $0x1C05, s7;
	s24 =	rddreg [dreg:$0x12]  }
0x1cb: {  	[hbm:s22], [sflag:s7] =	dma.local [spmem:s24], $0x2800  }
0x1cc: {  	_ =	swait.ge [sflag:s29], $0x2800  }
0x1cd: {  	s25 =	rddreg [dreg:$0x13]  }
0x1ce: {  	s26 =	rddreg [dreg:$0xa];
	s8 =	sadd.s32 $0x1, s25  }
0x1cf: {  	p0 =	sne.s32 s8, s26  }
.Ltmp6:
0x1d0: {  	_ = 	snop;
	(pc) =	sbr.rel @p0 .LBB2_1-.Ltmp6, $3  }
0x1d1: {  	_ =	sdelay $0x1  }
0x1d2: {  	[sflag:s29] =	ssyncset.done $0x0  }
0x1d3: {  	[sflag:s29] =	ssyncadd.s32 $0xFFFFD800  }
0x1d4: {  	_ =	sfence.sel $0x180000  }
0x1d5: {  	[bflag:$0x0] =	sbarrier.arrive $0xFFFF  }
0x1d6: {  	_ =	strace $0x9000004A  }
0x1d7: {  	s0 =	stileid.u32;
	[bflag:$0x2] =	sbarrier.arrive $0xFFFF  }
0x1d8: {  	p0 =	sne.s32 s0, $0x0;
	s0 =	rddreg [dreg:$0x3]  }
0x1d9: {  	s0 =	sadd.s32 @!p0 $0x100000, s0  }
0x1da: {  	[sflag:s0] =	ssyncadd.tile.s32 @!p0 $0x1;
	_ =	shalt  }
.Lfunc_end2:
_tile_overlayer_lowered:
.L_overlay_start_2:
0x1db: {  	(tag) =	ssettag $0x2  }
0x1dc: {  	s0 =	rddreg [dreg:$0x0];
	s2 =	stileid.u32  }
0x1dd: {  	s1 =	rddreg [dreg:$0x1];
	p0 =	sne.s32 s2, $0x0  }
0x1de: {  	s3 =	rddreg [dreg:$0x2];
	[bflag:$0x3] =	sbarrier.arrive $0xFFFF;
	s2 =	simm.s32 @!p0 $0x1C05  }
0x1df: {  	[timem:s3], [sflag:s2] =	dma.local @!p0 [hbm:s0], s1  }
0x1e0: {  	s0 =	simm.s32 @!p0 $0x5  }
0x1e1: {  	_ =	swait.ge @!p0 [sflag:s0], s1  }
0x1e2: {  	s1 =	ssub.s32 @!p0 $0x0, s1;
	[sflag:s0] =	ssyncset.done @!p0 $0x0  }
0x1e3: {  	[sflag:s0] =	ssyncadd.s32 @!p0 s1  }
0x1e4: {  	[bflag:$0x3] =	sbarrier.arrive $0xFFFF  }
0x1e5: {  	_ =	shalt  }

// kernel: kernel.7.cloned.1.call-start
scs
__scs_entry_jumppad:
0x0: {  	(pc) =	sbr.rel $0x88, $3  }
0x1: {  	(tag) =	ssettag $0x0;
	lr =	simm.s32 $0x1  }
0x2: {  	[smem:$0x3F97] =	sst lr;
	_ =	strace $0xD0000000  }
0x3: {  	_ = 	snop  }
0x4: {  	_ = 	snop  }
0x5: {  	_ = 	snop  }
0x6: {  	_ = 	snop  }
0x7: {  	_ = 	snop  }
__scs_overlays_trampoline_lowered:
0x8: {  	[smem:$0x3FA6] =	sst s0  }
0x9: {  	[smem:$0x3FA7] =	sst s1  }
0xa: {  	[smem:$0x3FA8] =	sst s2  }
0xb: {  	[smem:$0x3FA9] =	sst s3  }
0xc: {  	[smem:$0x3FAA] =	sst s4  }
0xd: {  	[smem:$0x3FAB] =	sst s5  }
0xe: {  	[smem:$0x3FAC] =	sst s6  }
0xf: {  	[smem:$0x3FAD] =	sst s7  }
0x10: {  	[smem:$0x3FAE] =	sst s8  }
0x11: {  	[smem:$0x3FAF] =	sst s9;
	s0 =	simm.s32 @!p0 $0x0  }
0x12: {  	s1 =	sld [smem:$0x3F95];
	s0 =	simm.s32 @p0 $0x1  }
0x13: {  	[smem:$0x3FB0] =	sst s0;
	s0 =	simm.s32 @!p1 $0x0  }
0x14: {  	s2 =	sld [smem:$0x3F94];
	s0 =	simm.s32 @p1 $0x1  }
0x15: {  	[smem:$0x3FB1] =	sst s0;
	s0 =	simm.s32 @!p2 $0x0  }
0x16: {  	s3 =	sld [smem:$0x3FDB];
	s0 =	simm.s32 @p2 $0x1  }
0x17: {  	s4 =	simm.s32 $0x1BF5;
	[smem:$0x3FB3] =	sst s0  }
0x18: {  	s0 =	sld [smem:$0x3F96];
	_ =	swait.ge [sflag:s4], $0x0  }
0x19: {  	s7 =	sld [smem:$0x3F97]  }
0x1a: {  	s8 =	sadd.s32 $0xFFFFE003, lr  }
0x1b: {  	s9 =	sadd.s32 $0xFFFFFEF7, lr;
	s5 =	simm.s32 $0xFFFFFFFF;
	p2 =	slt.u32 s8, $0xFFFFF086  }
0x1c: {  	p1 =	slt.u32 s9, $0xF7A;
	s5 =	simm.s32 @!p2 $0x0  }
0x1d: {  	s5 =	simm.s32 @p1 $0x1;
	p0 =	seq.s32 s7, s2  }
0x1e: {  	s7 =	smul.u32 @!p0 $0xF7A, s2;
	p2 =	seq.s32 @!p0 s5, $0x0  }
0x1f: {  	s9 =	smul.u32 $0xF7A, s1;
	s8 =	simm.s32 @!p0 $0x1BF5;
	p2 =	por !p2, p0  }
0x20: {  	[sflag:s8] =	ssyncset.s32 @!p0 $0xFFFFF086;
	s6 =	sadd.s32 @!p0 s3, s7;
	s7 =	simm.s32 @!p0 $0x108  }
0x21: {  	s3 =	sadd.s32 s3, s9;
	s6 =	sadd.s32 @!p0 $0x88, s6;
	s7 =	simm.s32 @p2 $0x1082  }
0x22: {  	[simem:s7], [sflag:s8] =	dma.local @!p0 [hbm:s6], $0xF7A  }
0x23: {  	s9 =	sor.u32 $0xD0000000, s2;
	s6 =	simm.s32 $0x108;
	_ =	swait.ge @!p0 [sflag:s8], $0x0  }
0x24: {  	s3 =	sadd.s32 $0x88, s3;
	s6 =	simm.s32 @!p1 $0x1082;
	[sflag:s4] =	ssyncset.s32 $0xFFFFF086  }
0x25: {  	[simem:s6], [sflag:s4] =	dma.local [hbm:s3], $0xF7A  }
0x26: {  	[smem:$0x3F97] =	sst s1;
	(tag) =	ssettag s2;
	_ =	strace s9  }
0x27: {  	s1 =	sld [smem:$0x3FA7]  }
0x28: {  	s2 =	sld [smem:$0x3FA8]  }
0x29: {  	s4 =	sld [smem:$0x3FAA]  }
0x2a: {  	p0 =	seq.s32 s5, $0x0;
	s5 =	sld [smem:$0x3FAB]  }
0x2b: {  	s6 =	sld [smem:$0x3FAC]  }
0x2c: {  	s7 =	sld [smem:$0x3FAD]  }
0x2d: {  	s3 =	simm.s32 $0x108;
	s8 =	sld [smem:$0x3FAE]  }
0x2e: {  	s3 =	simm.s32 @!p0 $0x1082;
	s9 =	sld [smem:$0x3FAF]  }
0x2f: {  	lr =	sadd.s32 s0, s3;
	s0 =	sld [smem:$0x3FA6]  }
0x30: {  	s3 =	sld [smem:$0x3FA9]  }
0x31: {  	[smem:$0x3FB2] =	sst s10  }
0x32: {  	s10 =	sld [smem:$0x3FB0];
	_ =	sdelay $0x3  }
0x33: {  	p0 =	seq.s32 s10, $0x1;
	s10 =	sld [smem:$0x3FB2];
	_ =	sdelay $0x3  }
0x34: {  	[smem:$0x3FB2] =	sst s10  }
0x35: {  	s10 =	sld [smem:$0x3FB1];
	_ =	sdelay $0x3  }
0x36: {  	p1 =	seq.s32 s10, $0x1;
	s10 =	sld [smem:$0x3FB2];
	_ =	sdelay $0x3  }
0x37: {  	[smem:$0x3FB2] =	sst s10  }
0x38: {  	s10 =	sld [smem:$0x3FB3]  }
0x39: {  	_ = 	snop;
	(pc) =	sbr.ind lr, $3  }
0x3a: {  	_ = 	snop  }
0x3b: {  	_ = 	snop  }
0x3c: {  	p2 =	seq.s32 s10, $0x1;
	s10 =	sld [smem:$0x3FB2]  }
0x3d: {  	_ =	shalt  }
0x3e: {  	_ =	shalt  }
0x3f: {  	_ =	shalt  }
0x40: {  	_ =	shalt  }
0x41: {  	_ =	shalt  }
0x42: {  	_ =	shalt  }
0x43: {  	_ =	shalt  }
0x44: {  	_ =	shalt  }
0x45: {  	_ =	shalt  }
0x46: {  	_ =	shalt  }
0x47: {  	_ =	shalt  }
0x48: {  	_ =	shalt  }
0x49: {  	_ =	shalt  }
0x4a: {  	_ =	shalt  }
0x4b: {  	_ =	shalt  }
0x4c: {  	_ =	shalt  }
0x4d: {  	_ =	shalt  }
0x4e: {  	_ =	shalt  }
0x4f: {  	_ =	shalt  }
0x50: {  	_ =	shalt  }
0x51: {  	_ =	shalt  }
0x52: {  	_ =	shalt  }
0x53: {  	_ =	shalt  }
0x54: {  	_ =	shalt  }
0x55: {  	_ =	shalt  }
0x56: {  	_ =	shalt  }
0x57: {  	_ =	shalt  }
0x58: {  	_ =	shalt  }
0x59: {  	_ =	shalt  }
0x5a: {  	_ =	shalt  }
0x5b: {  	_ =	shalt  }
0x5c: {  	_ =	shalt  }
0x5d: {  	_ =	shalt  }
0x5e: {  	_ =	shalt  }
0x5f: {  	_ =	shalt  }
0x60: {  	_ =	shalt  }
0x61: {  	_ =	shalt  }
0x62: {  	_ =	shalt  }
0x63: {  	_ =	shalt  }
0x64: {  	_ =	shalt  }
0x65: {  	_ =	shalt  }
0x66: {  	_ =	shalt  }
0x67: {  	_ =	shalt  }
0x68: {  	_ =	shalt  }
0x69: {  	_ =	shalt  }
0x6a: {  	_ =	shalt  }
0x6b: {  	_ =	shalt  }
0x6c: {  	_ =	shalt  }
0x6d: {  	_ =	shalt  }
0x6e: {  	_ =	shalt  }
0x6f: {  	_ =	shalt  }
0x70: {  	_ =	shalt  }
0x71: {  	_ =	shalt  }
0x72: {  	_ =	shalt  }
0x73: {  	_ =	shalt  }
0x74: {  	_ =	shalt  }
0x75: {  	_ =	shalt  }
0x76: {  	_ =	shalt  }
0x77: {  	_ =	shalt  }
0x78: {  	_ =	shalt  }
0x79: {  	_ =	shalt  }
0x7a: {  	_ =	shalt  }
0x7b: {  	_ =	shalt  }
0x7c: {  	_ =	shalt  }
0x7d: {  	_ =	shalt  }
0x7e: {  	_ =	shalt  }
0x7f: {  	_ =	shalt  }
0x80: {  	_ =	shalt  }
0x81: {  	_ =	shalt  }
0x82: {  	_ =	shalt  }
0x83: {  	_ =	shalt  }
0x84: {  	_ =	shalt  }
0x85: {  	_ =	shalt  }
0x86: {  	_ =	shalt  }
0x87: {  	_ =	shalt  }
.Lfunc_end0:
.L_simem_size_0:
called_computation_lowered:
.L_overlay_start_0:
0x88: {  	s2 =	sld [smem:$0x3FD9]  }
0x89: {  	s3 =	sld [smem:$0x3FFE];
	_ =	sdelay $0x1  }
0x8a: {  	s1 =	srdreg.scid  }
0x8b: {  	s0 =	sand.u32 $0x1, s1  }
0x8c: {  	s17 =	sshll.u32 s0, $0xA;
	s2 =	sadd.s32 s3, s2  }
0x8d: {  	s2 =	sadd.s32 s2, s17  }
0x8e: {  	[smem:$0x3FBE] =	sst s2  }
0x8f: {  	_ = 	snop  }
0x90: {  	s2 =	sld [smem:$0x3FD0];
	(tm) =	ssettm $0x1  }
0x91: {  	s18 =	sld [smem:$0x3FFB];
	_ =	sdelay $0x3  }
0x92: {  	_ =	strace s18  }
0x93: {  	s3 =	sld [smem:$0x3FFC];
	_ =	sdelay $0x3  }
0x94: {  	_ =	strace s3  }
0x95: {  	s3 =	sld [smem:$0x3FFD];
	_ =	sdelay $0x3  }
0x96: {  	_ =	strace s3  }
0x97: {  	_ =	strace $0x8FFFFFFF  }
0x98: {  	s19 =	sld [smem:$0x3FDB];
	_ =	sdelay $0x1  }
0x99: {  	s4 =	simm.s32 $_scs_section_size  }
0x9a: {  	s5 =	simm.s32 $_size__tile_overlayer_lowered;
	s6 =	simm.s32 $_tile_overlayer_lowered  }
0x9b: {  	s22 =	simm.s32 $0x1BFF;
	s21 =	sshll.u32 s6, $0x1;
	s3 =	sadd.s32 s4, s19  }
0x9c: {  	s7 =	simm.s32 $0x0;
	s20 =	sshll.u32 s5, $0x1;
	s5 =	sadd.s32 s21, s3  }
0x9d: {  	[timem:s7], [sflag:s22] =	dma.local [hbm:s5], s20  }
0x9e: {  	_ =	swait.ge [sflag:s22], s20  }
0x9f: {  	s4 =	ssub.s32 $0x0, s20;
	[sflag:s22] =	ssyncset.done $0x0  }
0xa0: {  	[sflag:s22] =	ssyncadd.s32 s4;
	_ =	sdelay $0x1  }
0xa1: {  	s23 =	simm.s32 $0x1B8B  }
0xa2: {  	_ =	swait.ge [sflag:s23], $0x1  }
0xa3: {  	[sflag:s23] =	ssyncset.done $0x0  }
0xa4: {  	s25 =	simm.s32 $0x1B8E;
	s24 =	sld [smem:$0x3FFE];
	[sflag:s23] =	ssyncadd.s32 $0xFFFFFFFF  }
0xa5: {  	s26 =	simm.s32 $execute0_lowered;
	[smem:$0x3FD2] =	sst s25  }
0xa6: {  	s5 =	sshll.u32 s26, $0x1;
	_ =	strace $0x80000046;
	[dreg:$0x1] =	wrdreg $0xFFFFFFFF  }
0xa7: {  	s28 =	simm.s32 $_size_execute0_lowered;
	s3 =	sadd.s32 s3, s5;
	[dreg:$0x0] =	wrdreg $0x0  }
0xa8: {  	s5 =	sshll.u32 s28, $0x1;
	[dreg:$0x2] =	wrdreg s3  }
0xa9: {  	[dreg:$0x3] =	wrdreg s5  }
0xaa: {  	[dreg:$0x4] =	wrdreg $0xC0  }
0xab: {  	_ =	task [dreg:s7], $0x5FFFF  }
0xac: {  	[dreg:$0x1] =	wrdreg $0xFFFFFFFF  }
0xad: {  	[dreg:$0x0] =	wrdreg $0x60  }
0xae: {  	[dreg:$0x2] =	wrdreg s24  }
0xaf: {  	[dreg:$0x3] =	wrdreg s2  }
0xb0: {  	[dreg:$0x4] =	wrdreg $0x8DE00  }
0xb1: {  	[dreg:$0x5] =	wrdreg $0x9  }
0xb2: {  	_ =	task.clear_ibuf [dreg:s7], $0x6FFFF;
	_ =	strace $0x90000046  }
0xb3: {  	s29 =	simm.s32 $0x9;
	_ =	strace $0x80000048  }
0xb4: {  	_ =	swait.ge [sflag:s29], $0x1  }
0xb5: {  	[sflag:s29] =	ssyncadd.s32 $0xFFFFFFFF  }
0xb6: {  	_ =	strace $0x90000048  }
0xb7: {  	_ =	sfence  }
0xb8: {  	s30 =	sld [smem:$0x0];
	_ =	sdelay $0x2  }
0xb9: {  	s31 =	sshll.u32 s1, $0xD;
	s1 =	sshrl.u32 s1, $0x2  }
0xba: {  	s3 =	sand.u32 $0x4000, s31;
	s1 =	sadd.s32 s1, s30  }
0xbb: {  	s0 =	sor.u32 s3, s0;
	s1 =	sshll.u32 s1, $0x11  }
0xbc: {  	s0 =	sor.u32 s1, s0  }
0xbd: {  	s0 =	sadd.s32 $0x8F2B, s0  }
0xbe: {  	[sflag:s0] =	ssyncadd.remote.s32 $0x1  }
0xbf: {  	_ =	sfence.sel $0xFFFF  }
0xc0: {  	[dreg:$0x0] =	wrdreg $0xFFFFFFFF;
	(pc) =	sbr.abs _section_cstart, $3  }
0xc1: {  	[dreg:$0x1] =	wrdreg $0xFFFFFFFF  }
0xc2: {  	_ =	task.clear_ibuf [dreg:s7], $0x2FFFF;
	_ =	strace $0x9FFFFFFF  }
0xc3: {  	(tm) =	ssettm $0x7FFFFFFF  }
tec
execute0_lowered:
.L_overlay_start_1:
0x0: {  	(tag) =	ssettag $0x1  }
0x1: {  	s0 =	rddreg [dreg:$0x0]  }
0x2: {  	s1 =	rddreg [dreg:$0x1]  }
0x3: {  	s3 =	rddreg [dreg:$0x2]  }
0x4: {  	s2 =	srdreg.scid;
	s11 =	stileid.u32  }
0x5: {  	s4 =	simm.s32 $0x0;
	s28 =	simm.s32 $0x3DE0;
	s29 =	simm.s32 $0x5  }
0x6: {  	s2 =	sand.u32 $0x1, s2;
	s7 =	smul.u32 $0x14000, s11;
	s6 =	sshll.u32 s11, $0x1  }
0x7: {  	s5 =	smul.u32 $0x140000, s2;
	s6 =	sor.u32 s2, s6;
	s2 =	ssub.s32 $0x2, s2  }
0x8: {  	[smem:$0x7FF] =	sst s4;
	s9 =	smul.u32 $0x2710, s6;
	s10 =	sshrl.u32 s2, $0x1  }
0x9: {  	s16 =	smul.u32 $0x50000, s11;
	_ =	strace $0x80000047;
	s2 =	ssub.s32 s2, s10  }
0xa: {  	s6 =	sadd.s32 $0x1C00, s0;
	s15 =	sshrl.u32 s9, $0x3;
	s2 =	smax.u32 s2, $0x1  }
0xb: {  	s8 =	sadd.s32 s7, s5;
	s12 =	sadd.s32 s6, s15;
	[dreg:$0xa] =	wrdreg s2  }
0xc: {  	s5 =	sadd.s32 $0x15600, s0;
	s17 =	sadd.s32 $0x9C40, s12;
	[dreg:$0x4] =	wrdreg s12  }
0xd: {  	s8 =	sshrl.u32 s8, $0x3;
	s18 =	sadd.s32 $0xA, s12;
	[dreg:$0x5] =	wrdreg s17  }
0xe: {  	s0 =	sadd.s32 s8, s0;
	s19 =	sadd.s32 $0x9C4A, s12;
	[dreg:$0x6] =	wrdreg s18  }
0xf: {  	s8 =	sshrl.u32 s16, $0x2;
	s0 =	sadd.s32 $0x2DE00, s0;
	[dreg:$0x7] =	wrdreg s19  }
0x10: {  	s30 =	simm.s32 $0x3;
	s8 =	sadd.s32 s8, s3;
	[dreg:$0x8] =	wrdreg s0  }
0x11: {  	s13 =	simm.s32 $0xA0;
	s21 =	sadd.s32 $0x2800, s8;
	[dreg:$0x9] =	wrdreg s8  }
0x12: {  	s20 =	sadd.s32 s7, s3;
	s22 =	sadd.s32 $0x5000, s8;
	[dreg:$0xb] =	wrdreg s21  }
0x13: {  	s10 =	simm.s32 $0x1;
	s23 =	sadd.s32 $0x7800, s8;
	[dreg:$0xc] =	wrdreg s22  }
0x14: {  	s11 =	sadd.s32 $0xA0, s9;
	s24 =	sadd.s32 $0xA000, s8;
	[dreg:$0xd] =	wrdreg s23  }
0x15: {  	s2 =	simm.s32 $0x4;
	s25 =	sadd.s32 $0xC800, s8;
	[dreg:$0xe] =	wrdreg s24  }
0x16: {  	s15 =	simm.s32 $0x2;
	s26 =	sadd.s32 $0xF000, s8;
	[dreg:$0xf] =	wrdreg s25  }
0x17: {  	v1 =	vlaneseq.u32;
	s12 =	sadd.s32 $0xF0, s9;
	s31 =	sadd.s32 $0x11800, s8;
	[dreg:$0x10] =	wrdreg s26  }
0x18: {  	v0 =	vimm.f32 $0.0e+00;
	v1 =	vshrl.u32 v1, $0x3;
	s0 =	sshrl.u32 s20, $0x3;
	s8 =	simm.s32 $0x0;
	[dreg:$0x11] =	wrdreg s31  }
0x19: {  	v2 =	vor.u32 $0x2, v1;
	v3 =	vor.u32 $0x4, v1;
	v4 =	vor.u32 $0x6, v1;
	s23 =	simm.s32 $0x50;
	[dreg:$0x12] =	wrdreg s0;
	s0 =	simm.s32 $0x1AE0  }
.LBB2_1:
0x1a: {  	[dreg:$0x13] =	wrdreg s8  }
0x1b: {  	s7 =	rddreg [dreg:$0x4]  }
0x1c: {  	s22 =	rddreg [dreg:$0x5]  }
0x1d: {  	[tilespmem:s4], [sflag:$0x3] =	stream.linear.gather [hbm4b:s7+s4], $0x50, $0x38;
	[tilespmem:$0x1CDE0] =	vst v63  }
0x1e: {  	s24 =	rddreg [dreg:$0x6]  }
0x1f: {  	[tilespmem:s23], [sflag:$0x3] =	stream.linear.gather [hbm4b:s22+s4], $0x50, $0x38;
	[tilespmem:$0x1CDE0] =	vst v63  }
0x20: {  	s25 =	simm.s32 $0xF0;
	s26 =	rddreg [dreg:$0x7]  }
0x21: {  	[tilespmem:s25], [sflag:$0x4] =	stream.linear.gather [hbm4b:s24+s4], $0x50, $0x38;
	[tilespmem:$0x1CDE0] =	vst v63  }
0x22: {  	s31 =	simm.s32 $0x140;
	s8 =	simm.s32 $0x200;
	s7 =	simm.s32 $0x0  }
0x23: {  	[tilespmem:s31], [sflag:$0x4] =	stream.linear.gather [hbm4b:s26+s4], $0x50, $0x38;
	[tilespmem:$0x1CDE0] =	vst v63  }
.LBB2_2:
0x24: {  	p0 =	sne.s32 s8, $0x9E00;
	[tilespmem:s7+$0x6650] =	vst v0  }
0x25: {  	[tilespmem:s7+$0x3DE0] =	vst v0  }
0x26: {  	[tilespmem:s7+$0x65E0] =	vst v0  }
0x27: {  	[tilespmem:s7+$0x3DF0] =	vst v0  }
0x28: {  	[tilespmem:s7+$0x65F0] =	vst v0  }
0x29: {  	[tilespmem:s7+$0x3E00] =	vst v0  }
0x2a: {  	[tilespmem:s7+$0x6600] =	vst v0  }
0x2b: {  	[tilespmem:s7+$0x3E10] =	vst v0  }
0x2c: {  	[tilespmem:s7+$0x6610] =	vst v0  }
0x2d: {  	[tilespmem:s7+$0x3E20] =	vst v0  }
0x2e: {  	[tilespmem:s7+$0x6620] =	vst v0  }
.Ltmp0:
0x2f: {  	[tilespmem:s7+$0x3E30] =	vst v0;
	(pc) =	sbr.rel @p0 .LBB2_2-.Ltmp0, $4  }
0x30: {  	[tilespmem:s7+$0x6630] =	vst v0  }
0x31: {  	[tilespmem:s7+$0x3E40] =	vst v0  }
0x32: {  	[tilespmem:s7+$0x6640] =	vst v0  }
0x33: {  	[tilespmem:s7+$0x3E50] =	vst v0;
	s7 =	sshra.s32 s8, $0x2;
	s8 =	sadd.s32 $0x200, s8  }
0x34: {  	[tilespmem:s7+$0x6650] =	vst v0  }
0x35: {  	[tilespmem:s7+$0x3DE0] =	vst v0  }
0x36: {  	[tilespmem:s7+$0x65E0] =	vst v0  }
0x37: {  	[tilespmem:s7+$0x3DF0] =	vst v0  }
0x38: {  	[tilespmem:s7+$0x65F0] =	vst v0  }
0x39: {  	[tilespmem:s7+$0x3E00] =	vst v0  }
0x3a: {  	[tilespmem:s7+$0x6600] =	vst v0  }
0x3b: {  	[tilespmem:s7+$0x3E10] =	vst v0  }
0x3c: {  	[tilespmem:s7+$0x6610] =	vst v0  }
0x3d: {  	[tilespmem:s7+$0x3E20] =	vst v0  }
0x3e: {  	[tilespmem:s7+$0x6620] =	vst v0  }
0x3f: {  	[tilespmem:s7+$0x3E30] =	vst v0  }
0x40: {  	[tilespmem:s7+$0x6630] =	vst v0  }
0x41: {  	[tilespmem:s7+$0x3E40] =	vst v0  }
0x42: {  	[tilespmem:s7+$0x6640] =	vst v0  }
0x43: {  	[tilespmem:s7+$0x3E50] =	vst v0;
	s14 =	rddreg [dreg:$0x9]  }
0x44: {  	[spmem:s14] =	stream.linear.scatter [tilespmem:s28], [sflag:$0x5], $0x2800, $0x38;
	[tilespmem:$0x1CDE0] =	vst v63  }
0x45: {  	_ =	swait.ge [sflag:s29], $0x2800  }
0x46: {  	[sflag:s29] =	ssyncset.done $0x0  }
0x47: {  	s16 =	rddreg [dreg:$0xb];
	[sflag:s29] =	ssyncadd.s32 $0xFFFFD800  }
0x48: {  	[spmem:s16] =	stream.linear.scatter [tilespmem:s28], [sflag:$0x5], $0x2800, $0x38;
	[tilespmem:$0x1CDE0] =	vst v63  }
0x49: {  	_ =	swait.ge [sflag:s29], $0x2800  }
0x4a: {  	[sflag:s29] =	ssyncset.done $0x0  }
0x4b: {  	s17 =	rddreg [dreg:$0xc];
	[sflag:s29] =	ssyncadd.s32 $0xFFFFD800  }
0x4c: {  	[spmem:s17] =	stream.linear.scatter [tilespmem:s28], [sflag:$0x5], $0x2800, $0x38;
	[tilespmem:$0x1CDE0] =	vst v63  }
0x4d: {  	_ =	swait.ge [sflag:s29], $0x2800  }
0x4e: {  	[sflag:s29] =	ssyncset.done $0x0  }
0x4f: {  	s18 =	rddreg [dreg:$0xd];
	[sflag:s29] =	ssyncadd.s32 $0xFFFFD800  }
0x50: {  	[spmem:s18] =	stream.linear.scatter [tilespmem:s28], [sflag:$0x5], $0x2800, $0x38;
	[tilespmem:$0x1CDE0] =	vst v63  }
0x51: {  	_ =	swait.ge [sflag:s29], $0x2800  }
0x52: {  	[sflag:s29] =	ssyncset.done $0x0  }
0x53: {  	s19 =	rddreg [dreg:$0xe];
	[sflag:s29] =	ssyncadd.s32 $0xFFFFD800  }
0x54: {  	[spmem:s19] =	stream.linear.scatter [tilespmem:s28], [sflag:$0x5], $0x2800, $0x38;
	[tilespmem:$0x1CDE0] =	vst v63  }
0x55: {  	_ =	swait.ge [sflag:s29], $0x2800  }
0x56: {  	[sflag:s29] =	ssyncset.done $0x0  }
0x57: {  	s20 =	rddreg [dreg:$0xf];
	[sflag:s29] =	ssyncadd.s32 $0xFFFFD800  }
0x58: {  	[spmem:s20] =	stream.linear.scatter [tilespmem:s28], [sflag:$0x5], $0x2800, $0x38;
	[tilespmem:$0x1CDE0] =	vst v63  }
0x59: {  	_ =	swait.ge [sflag:s29], $0x2800  }
0x5a: {  	[sflag:s29] =	ssyncset.done $0x0  }
0x5b: {  	s21 =	rddreg [dreg:$0x10];
	[sflag:s29] =	ssyncadd.s32 $0xFFFFD800  }
0x5c: {  	[spmem:s21] =	stream.linear.scatter [tilespmem:s28], [sflag:$0x5], $0x2800, $0x38;
	[tilespmem:$0x1CDE0] =	vst v63  }
0x5d: {  	_ =	swait.ge [sflag:s29], $0x2800  }
0x5e: {  	[sflag:s29] =	ssyncset.done $0x0  }
0x5f: {  	s22 =	rddreg [dreg:$0x11];
	[sflag:s29] =	ssyncadd.s32 $0xFFFFD800  }
0x60: {  	[spmem:s22] =	stream.linear.scatter [tilespmem:s28], [sflag:$0x5], $0x2800, $0x38;
	[tilespmem:$0x1CDE0] =	vst v63  }
0x61: {  	_ =	swait.ge [sflag:s29], $0x2800  }
0x62: {  	[sflag:s29] =	ssyncset.done $0x0  }
0x63: {  	[sflag:s29] =	ssyncadd.s32 $0xFFFFD800  }
0x64: {  	_ =	swait.ge [sflag:s30], $0x50  }
0x65: {  	[sflag:s30] =	ssyncset.done $0x0  }
0x66: {  	[sflag:s30] =	ssyncadd.s32 $0xFFFFFFB0  }
0x67: {  	_ =	swait.ge [sflag:s30], $0x50  }
0x68: {  	[sflag:s30] =	ssyncset.done $0x0  }
0x69: {  	s24 =	simm.s32 $0x1E0;
	s19 =	simm.s32 $0x0;
	[sflag:s30] =	ssyncadd.s32 $0xFFFFFFB0  }
0x6a: {  	[tilespmem:s24], [sflag:$0x1] =	stream.indirect.gather [hbm4b:s5+s23], $0x50, s19, s23, $0xb8;
	[tilespmem:$0x1CDE0] =	vst v63  }
0x6b: {  	_ = 	snop  }
0x6c: {  	[tilespmem:s0], [sflag:$0x1] =	stream.indirect.gather [hbm4b:s1+s23], $0x10, s23, s23, $0xb8;
	[tilespmem:$0x1CDE0] =	vst v63  }
0x6d: {  	_ =	swait.ge [sflag:s2], $0x50  }
0x6e: {  	[sflag:s2] =	ssyncset.done $0x0  }
0x6f: {  	[sflag:s2] =	ssyncadd.s32 $0xFFFFFFB0  }
0x70: {  	_ =	swait.ge [sflag:s2], $0x50  }
0x71: {  	[sflag:s2] =	ssyncset.done $0x0  }
0x72: {  	s25 =	simm.s32 $0xF0;
	s8 =	simm.s32 $0x1FE0;
	[sflag:s2] =	ssyncadd.s32 $0xFFFFFFB0  }
0x73: {  	[tilespmem:s8], [sflag:$0x2] =	stream.indirect.gather [hbm4b:s5+s23], $0x50, s25, s23, $0xb8;
	[tilespmem:$0x1CDE0] =	vst v63  }
0x74: {  	s26 =	simm.s32 $0x140;
	s31 =	simm.s32 $0x38E0  }
0x75: {  	[tilespmem:s31], [sflag:$0x2] =	stream.indirect.gather [hbm4b:s1+s23], $0x10, s26, s23, $0xb8;
	[tilespmem:$0x1CDE0] =	vst v63  }
0x76: {  	[bflag:$0x0] =	sbarrier.arrive $0xFFFF  }
.LBB2_4:
0x77: {  	_ =	swait.ge [sflag:s10], $0x1900  }
0x78: {  	[sflag:s10] =	ssyncset.done $0x0  }
0x79: {  	[sflag:s10] =	ssyncadd.s32 $0xFFFFE700  }
0x7a: {  	_ =	swait.ge [sflag:s10], $0x500  }
0x7b: {  	[sflag:s10] =	ssyncset.done $0x0  }
0x7c: {  	[sflag:s10] =	ssyncadd.s32 $0xFFFFFB00  }
0x7d: {  	v5 =	vld [tilespmem:$0x50]  }
0x7e: {  	v6 =	vld [tilespmem:$0x60]  }
0x7f: {  	v7 =	vld [tilespmem:$0x70]  }
0x80: {  	v8 =	vld [tilespmem:$0x80]  }
0x81: {  	v9 =	vld [tilespmem:$0x90]  }
0x82: {  	s20 =	smul.u32 $0xA0, s19;
	[tilespmem:$0xA0] =	vst v5  }
0x83: {  	[tilespmem:$0xB0] =	vst v6  }
0x84: {  	s7 =	sadd.s32 s20, s11;
	[tilespmem:$0xC0] =	vst v7  }
0x85: {  	s7 =	sshrl.u32 s7, $0x3;
	[tilespmem:$0xD0] =	vst v8  }
0x86: {  	s7 =	sadd.s32 s6, s7;
	[tilespmem:$0xE0] =	vst v9  }
0x87: {  	[tilespmem:s4], [sflag:$0x3] =	stream.linear.gather [hbm4b:s7+s4], $0x50, $0x38;
	[tilespmem:$0x1CDE0] =	vst v63  }
0x88: {  	s17 =	simm.s32 $0x230;
	s7 =	sadd.s32 $0x9C40, s7  }
0x89: {  	[tilespmem:s23], [sflag:$0x3] =	stream.linear.gather [hbm4b:s7+s4], $0x50, $0x38;
	[tilespmem:$0x1CDE0] =	vst v63  }
0x8a: {  	s22 =	simm.s32 $0x1AF0;
	v5 =	vld [tilespmem:s17+$0x40]  }
0x8b: {  	v6 =	vld [tilespmem:s22+$0x0];
	_ =	sdelay $0x4  }
0x8c: {  	v5 =	vadd.f32 v6, v5;
	_ =	sdelay $0x1  }
0x8d: {  	v7 =	vld [tilespmem:s22+$0xFFFFFFF0];
	v6 =	vmul.f32 $2.000000030e-01, v5  }
0x8e: {  	s24 =	simm.s32 $0x1B10;
	v8 =	vld [tilespmem:s17+$0xFFFFFFF0]  }
0x8f: {  	s25 =	simm.s32 $0x2D0;
	v9 =	vld [tilespmem:s24+$0x0];
	v5 =	vmax.f32 v5, v6  }
0x90: {  	v6 =	vld [tilespmem:s25+$0x40];
	v5 =	vmul.f32 $1.442695020e+00, v5;
	_ =	sdelay $0x1  }
0x91: {  	(erf) = vpow2.f32 v5;
	_ =	sdelay $0x1  }
0x92: {  	v5 =	vadd.f32 v7, v8  }
0x93: {  	v6 =	vadd.f32 v9, v6  }
0x94: {  	v7 =	vmul.f32 $2.000000030e-01, v5  }
0x95: {  	v8 =	vld [tilespmem:s24+$0xFFFFFFF0];
	v10 =	vmul.f32 $2.000000030e-01, v6  }
0x96: {  	v9 =	vld [tilespmem:s25+$0xFFFFFFF0];
	v5 =	vmax.f32 v5, v7  }
0x97: {  	s8 =	simm.s32 $0x1B30;
	v7 =	vld [tilespmem:s17+$0x0];
	v5 =	vmul.f32 $1.442695020e+00, v5;
	v6 =	vmax.f32 v6, v10  }
0x98: {  	s21 =	simm.s32 $0x370;
	v12 =	vld [tilespmem:s8+$0x0];
	v6 =	vmul.f32 $1.442695020e+00, v6  }
0x99: {  	(erf) = vpow2.f32 v5;
	v5 =	vld [tilespmem:s21+$0x40];
	v10 =	vpop (erf)  }
0x9a: {  	(erf) = vpow2.f32 v6;
	v11 =	vperm.xlane v10, v1  }
0x9b: {  	v6 =	vadd.f32 v8, v9  }
0x9c: {  	v7 =	vmul.f32 v7, v11  }
0x9d: {  	s7 =	simm.s32 $0x3E60;
	v8 =	vld [tilespmem:s8+$0xFFFFFFF0];
	v9 =	vmul.f32 $2.000000030e-01, v6  }
0x9e: {  	v11 =	vld [tilespmem:s21+$0xFFFFFFF0];
	v5 =	vadd.f32 v12, v5;
	[tilespmem:s7+$0x0] =	vst v7  }
0x9f: {  	v6 =	vmax.f32 v6, v9;
	v7 =	vld [tilespmem:s17+$0x10]  }
0xa0: {  	v15 =	vld [tilespmem:s17+$0xFFFFFFB0];
	v9 =	vmul.f32 $1.442695020e+00, v6;
	v12 =	vmul.f32 $2.000000030e-01, v5  }
0xa1: {  	v13 =	vld [tilespmem:s25+$0x0]  }
0xa2: {  	v14 =	vperm.xlane v10, v2;
	v6 =	vpop (erf);
	(erf) = vpow2.f32 v9;
	v5 =	vmax.f32 v5, v12  }
0xa3: {  	s26 =	simm.s32 $0x1B50;
	v5 =	vmul.f32 $1.442695020e+00, v5;
	v12 =	vperm.xlane v6, v1;
	v18 =	vpop (erf)  }
0xa4: {  	s22 =	simm.s32 $0x410;
	v17 =	vld [tilespmem:s26+$0x0];
	v8 =	vadd.f32 v8, v11;
	v11 =	vperm.xlane v18, v1;
	v7 =	vmul.f32 v7, v14  }
0xa5: {  	v9 =	vld [tilespmem:s22+$0x40];
	(erf) = vpow2.f32 v5;
	v12 =	vmul.f32 v15, v12  }
0xa6: {  	v14 =	vmul.f32 $2.000000030e-01, v8;
	v5 =	vmul.f32 v13, v11;
	v13 =	vld [tilespmem:s26+$0xFFFFFFF0];
	[tilespmem:s7+$0x10] =	vst v7  }
0xa7: {  	s14 =	simm.s32 $0x3F60;
	[tilespmem:s7+$0xFFFFFF80] =	vst v12;
	v7 =	vld [tilespmem:s17+$0x20]  }
0xa8: {  	v12 =	vld [tilespmem:s22+$0xFFFFFFF0];
	v8 =	vmax.f32 v8, v14;
	[tilespmem:s14+$0x0] =	vst v5  }
0xa9: {  	v5 =	vmul.f32 $1.442695020e+00, v8;
	v14 =	vld [tilespmem:s25+$0x10]  }
0xaa: {  	v16 =	vld [tilespmem:s25+$0xFFFFFFB0];
	v8 =	vperm.xlane v10, v3  }
0xab: {  	s18 =	simm.s32 $0x4B0;
	v24 =	vld [tilespmem:s21+$0x0];
	v17 =	vadd.f32 v17, v9;
	(erf) = vpow2.f32 v5  }
0xac: {  	v28 =	vld [tilespmem:s18+$0xFFFFFFF0];
	v7 =	vmul.f32 v7, v8;
	v8 =	vperm.xlane v18, v2  }
0xad: {  	v20 =	vld [tilespmem:s17+$0xFFFFFFC0];
	v23 =	vmul.f32 $2.000000030e-01, v17;
	v5 =	vpop (erf)  }
0xae: {  	v22 =	vld [tilespmem:s22+$0xFFFFFFB0];
	v13 =	vadd.f32 v13, v12;
	v21 =	vperm.xlane v5, v1;
	[tilespmem:s7+$0x20] =	vst v7;
	v7 =	vmul.f32 v14, v8  }
0xaf: {  	v19 =	vperm.xlane v6, v3;
	v15 =	vperm.xlane v6, v2;
	v11 =	vld [tilespmem:s21+$0xFFFFFFB0]  }
0xb0: {  	s31 =	simm.s32 $0x1B70;
	v12 =	vpop (erf);
	v8 =	vmul.f32 v16, v21;
	v14 =	vmax.f32 v17, v23;
	v21 =	vld [tilespmem:s18+$0x40];
	[tilespmem:s14+$0x10] =	vst v7;
	v7 =	vmul.f32 $2.000000030e-01, v13  }
0xb1: {  	v16 =	vperm.xlane v12, v1;
	v23 =	vld [tilespmem:s31+$0x0];
	v14 =	vmul.f32 $1.442695020e+00, v14  }
0xb2: {  	v9 =	vperm.xlane v6, v4;
	v15 =	vmul.f32 v20, v15;
	v26 =	vld [tilespmem:s17+$0x30]  }
0xb3: {  	v20 =	vld [tilespmem:s25+$0x20];
	(erf) = vpow2.f32 v14;
	v14 =	vmul.f32 v24, v16  }
0xb4: {  	s8 =	simm.s32 $0x4060;
	v25 =	vperm.xlane v5, v2;
	v17 =	vperm.xlane v10, v4;
	[tilespmem:s14+$0xFFFFFF80] =	vst v8;
	v24 =	vld [tilespmem:s31+$0xFFFFFFF0];
	v13 =	vmax.f32 v13, v7;
	v7 =	vpop (erf)  }
0xb5: {  	v27 =	vld [tilespmem:s25+$0xFFFFFFC0];
	[tilespmem:s8+$0x0] =	vst v14;
	v13 =	vmul.f32 $1.442695020e+00, v13;
	v29 =	vperm.xlane v7, v1  }
0xb6: {  	s24 =	simm.s32 $0x1B90;
	[tilespmem:s7+$0xFFFFFF90] =	vst v15;
	v8 =	vperm.xlane v5, v4;
	v14 =	vperm.xlane v18, v3;
	v15 =	vadd.f32 v23, v21;
	v30 =	vld [tilespmem:s21+$0x10]  }
0xb7: {  	v32 =	vld [tilespmem:s24+$0x0];
	(erf) = vpow2.f32 v13;
	v11 =	vmul.f32 v11, v29  }
0xb8: {  	v13 =	vmul.f32 $2.000000030e-01, v15;
	v14 =	vmul.f32 v20, v14;
	v20 =	vld [tilespmem:s17+$0xFFFFFFD0]  }
0xb9: {  	v16 =	vperm.xlane v5, v3;
	v21 =	vld [tilespmem:s22+$0x0];
	v23 =	vperm.xlane v12, v2;
	[tilespmem:s8+$0xFFFFFF80] =	vst v11;
	v11 =	vadd.f32 v24, v28  }
0xba: {  	v26 =	vmul.f32 v26, v17;
	v17 =	vld [tilespmem:s18+$0xFFFFFFB0];
	v25 =	vmul.f32 v27, v25;
	[tilespmem:s14+$0x20] =	vst v14  }
0xbb: {  	[tilespmem:s7+$0x40] =	vst v10;
	v27 =	vld [tilespmem:s25+$0x30];
	v24 =	vmax.f32 v15, v13;
	v23 =	vmul.f32 v30, v23;
	v30 =	vmul.f32 $2.000000030e-01, v11  }
0xbc: {  	s9 =	simm.s32 $0x550;
	v10 =	vperm.xlane v7, v4;
	[tilespmem:s7+$0x30] =	vst v26;
	v26 =	vld [tilespmem:s24+$0xFFFFFFF0];
	v13 =	vpop (erf);
	v24 =	vmul.f32 $1.442695020e+00, v24  }
0xbd: {  	v29 =	vld [tilespmem:s9+$0x40];
	v31 =	vperm.xlane v13, v1;
	[tilespmem:s8+$0x10] =	vst v23;
	v20 =	vmul.f32 v20, v19;
	v11 =	vmax.f32 v11, v30  }
0xbe: {  	[tilespmem:s14+$0xFFFFFF90] =	vst v25;
	(erf) = vpow2.f32 v24;
	v23 =	vld [tilespmem:s21+$0x20];
	v24 =	vperm.xlane v18, v4  }
0xbf: {  	[tilespmem:s14+$0x40] =	vst v18;
	v28 =	vld [tilespmem:s21+$0xFFFFFFC0];
	v21 =	vmul.f32 v21, v31;
	v25 =	vmul.f32 $1.442695020e+00, v11  }
0xc0: {  	s16 =	simm.s32 $0x4160;
	v30 =	vld [tilespmem:s9+$0xFFFFFFF0];
	[tilespmem:s7+$0xFFFFFFA0] =	vst v20;
	v24 =	vmul.f32 v27, v24;
	v27 =	vperm.xlane v12, v3;
	v11 =	vpop (erf)  }
0xc1: {  	v20 =	vld [tilespmem:s17+$0xFFFFFFE0];
	[tilespmem:s16+$0x0] =	vst v21;
	(erf) = vpow2.f32 v25;
	v18 =	vperm.xlane v11, v1  }
0xc2: {  	v14 =	vperm.xlane v7, v2;
	v15 =	vperm.xlane v7, v3;
	v31 =	vld [tilespmem:s22+$0x10]  }
0xc3: {  	v29 =	vadd.f32 v32, v29;
	v21 =	vld [tilespmem:s9+$0xFFFFFFB0];
	v25 =	vmul.f32 v23, v27;
	v22 =	vmul.f32 v22, v18  }
0xc4: {  	v63 =	vperm.xlane v13, v2;
	[tilespmem:s14+$0x30] =	vst v24;
	v24 =	vmul.f32 v28, v14;
	v23 =	vld [tilespmem:s25+$0xFFFFFFD0]  }
0xc5: {  	v19 =	vperm.xlane v11, v2;
	v27 =	vadd.f32 v26, v30;
	v30 =	vmul.f32 $2.000000030e-01, v29;
	v26 =	vld [tilespmem:s18+$0x0];
	[tilespmem:s8+$0x20] =	vst v25  }
0xc6: {  	v14 =	vperm.xlane v11, v4;
	v18 =	vperm.xlane v11, v3;
	v25 =	vld [tilespmem:s21+$0x30];
	[tilespmem:s16+$0xFFFFFF80] =	vst v22  }
0xc7: {  	s26 =	simm.s32 $0x5F0;
	s17 =	simm.s32 $0xA;
	[tilespmem:s8+$0xFFFFFF90] =	vst v24;
	v28 =	vmul.f32 $2.000000030e-01, v27;
	v30 =	vmax.f32 v29, v30;
	v29 =	vmul.f32 v31, v63;
	v24 =	vld [tilespmem:s22+$0xFFFFFFC0];
	v22 =	vpop (erf)  }
.LBB2_5:
0xc8: {  	v31 =	vld [tilespmem:s26+$0x40];
	v30 =	vmul.f32 $1.442695020e+00, v30;
	s24 =	sadd.s32 $0x20, s24;
	v32 =	vperm.xlane v22, v1;
	[tilespmem:s7+$0xFFFFFFC0] =	vst v6;
	v6 =	vmovc v5;
	v5 =	vmovc v7;
	v7 =	vmov v11;
	s31 =	smov.u32 s8;
	s8 =	smov.u32 s16  }
0xc9: {  	v23 =	vmul.f32 v23, v16;
	v33 =	vld [tilespmem:s24+$0x0];
	v27 =	vmax.f32 v27, v28;
	[tilespmem:s16+$0x10] =	vst v29;
	v28 =	vperm.xlane v12, v4  }
0xca: {  	v16 =	vmov v15;
	(erf) = vpow2.f32 v30;
	v26 =	vmul.f32 v26, v32;
	v11 =	vpop (erf);
	v29 =	vld [tilespmem:s22+$0x20];
	[tilespmem:s31+$0x40] =	vst v12  }
0xcb: {  	s17 =	sadd.s32 $0x2, s17;
	v15 =	vmovc v18;
	s16 =	sadd.s32 $0x100, s16;
	v27 =	vmul.f32 $1.442695020e+00, v27;
	v12 =	vmovc v13;
	v13 =	vmov v22;
	v30 =	vld [tilespmem:s24+$0xFFFFFFF0];
	v25 =	vmul.f32 v25, v28;
	[tilespmem:s14+$0xFFFFFFA0] =	vst v23  }
0xcc: {  	p0 =	slt.u32 s17, $0x4E;
	v18 =	vperm.xlane v11, v1;
	v23 =	vperm.xlane v11, v2;
	v22 =	vld [tilespmem:s26+$0xFFFFFFF0];
	[tilespmem:s16+$0x0] =	vst v26  }
0xcd: {  	v26 =	vperm.xlane v12, v3;
	v28 =	vld [tilespmem:s26+$0xFFFFFFB0];
	(erf) = vpow2.f32 v27;
	[tilespmem:s31+$0x30] =	vst v25  }
0xce: {  	v24 =	vmul.f32 v24, v19;
	v25 =	vmul.f32 v17, v18;
	v19 =	vmovc v23;
	v17 =	vmov v21;
	v32 =	vld [tilespmem:s18+$0x10]  }
.Ltmp1:
0xcf: {  	v18 =	vperm.xlane v11, v3;
	v31 =	vadd.f32 v33, v31;
	v35 =	vmul.f32 v29, v26;
	v23 =	vld [tilespmem:s21+$0xFFFFFFD0];
	(pc) =	sbr.rel @p0 .LBB2_5-.Ltmp1, $4  }
0xd0: {  	v33 =	vmul.f32 v20, v9;
	v9 =	vmovc v8;
	v8 =	vmov v10;
	v29 =	vperm.xlane v11, v4;
	[tilespmem:s16+$0xFFFFFF80] =	vst v25;
	v20 =	vld [tilespmem:s25+$0xFFFFFFE0];
	s25 =	smov.u32 s21;
	s21 =	smov.u32 s22;
	s22 =	smov.u32 s18  }
0xd1: {  	v34 =	vperm.xlane v13, v2;
	v10 =	vmovc v14;
	v36 =	vmul.f32 $2.000000030e-01, v31;
	s18 =	smov.u32 s9;
	v27 =	vadd.f32 v30, v22;
	v26 =	vld [tilespmem:s9+$0x0];
	[tilespmem:s8+$0x20] =	vst v35;
	s9 =	smov.u32 s26  }
0xd2: {  	v14 =	vmov v29;
	[tilespmem:s8+$0xFFFFFF90] =	vst v24;
	v25 =	vld [tilespmem:s21+$0x30];
	v21 =	vmov v28  }
0xd3: {  	s26 =	sadd.s32 $0xA0, s26;
	v30 =	vmax.f32 v31, v36;
	v28 =	vmul.f32 $2.000000030e-01, v27;
	v22 =	vpop (erf);
	v24 =	vld [tilespmem:s22+$0xFFFFFFC0];
	v29 =	vmul.f32 v32, v34;
	[tilespmem:s7+$0xFFFFFFB0] =	vst v33;
	s7 =	smov.u32 s14;
	s14 =	smov.u32 s31  }
0xd4: {  	v30 =	vmul.f32 $1.442695020e+00, v30;
	_ =	sdelay $0x1  }
0xd5: {  	(erf) = vpow2.f32 v30;
	_ =	sdelay $0x1  }
0xd6: {  	v27 =	vmax.f32 v27, v28  }
0xd7: {  	v28 =	vperm.xlane v22, v1;
	v27 =	vmul.f32 $1.442695020e+00, v27;
	_ =	sdelay $0x1  }
0xd8: {  	[tilespmem:s16+$0x10] =	vst v29;
	v26 =	vmul.f32 v26, v28;
	(erf) = vpow2.f32 v27  }
0xd9: {  	v27 =	vld [tilespmem:s22+$0x20]  }
0xda: {  	[tilespmem:s7+$0xFFFFFFC0] =	vst v6;
	v6 =	vperm.xlane v12, v4;
	s17 =	sadd.s32 $0x100, s16;
	v29 =	vld [tilespmem:s9+$0x0];
	v28 =	vpop (erf)  }
0xdb: {  	v16 =	vmul.f32 v23, v16;
	[tilespmem:s17+$0x0] =	vst v26;
	v23 =	vperm.xlane v28, v1  }
0xdc: {  	[tilespmem:s8+$0x40] =	vst v12;
	v12 =	vperm.xlane v13, v3;
	v6 =	vmul.f32 v25, v6;
	v25 =	vld [tilespmem:s18+$0x10];
	v26 =	vpop (erf)  }
0xdd: {  	[tilespmem:s14+$0xFFFFFFA0] =	vst v16;
	v16 =	vmul.f32 v17, v23;
	v17 =	vperm.xlane v26, v1  }
0xde: {  	[tilespmem:s8+$0x30] =	vst v6;
	v6 =	vmul.f32 v27, v12  }
0xdf: {  	v12 =	vperm.xlane v22, v2;
	[tilespmem:s17+$0xFFFFFF80] =	vst v16;
	v16 =	vmul.f32 v29, v17  }
0xe0: {  	s24 =	sadd.s32 $0x100, s17;
	[tilespmem:s16+$0x20] =	vst v6;
	v17 =	vmul.f32 v24, v19  }
0xe1: {  	v6 =	vld [tilespmem:s25+$0xFFFFFFE0];
	v12 =	vmul.f32 v25, v12;
	v23 =	vpop (erf);
	[tilespmem:s24+$0x0] =	vst v16  }
0xe2: {  	v9 =	vmul.f32 v20, v9;
	[tilespmem:s16+$0xFFFFFF90] =	vst v17;
	v16 =	vperm.xlane v23, v1;
	v17 =	vld [tilespmem:s9+$0x10]  }
0xe3: {  	[tilespmem:s17+$0x10] =	vst v12;
	v19 =	vld [tilespmem:s21+$0xFFFFFFD0]  }
0xe4: {  	[tilespmem:s7+$0xFFFFFFB0] =	vst v9;
	v9 =	vld [tilespmem:s18+$0x20];
	v12 =	vmul.f32 v21, v16  }
0xe5: {  	[tilespmem:s14+$0xFFFFFFC0] =	vst v5;
	v5 =	vperm.xlane v26, v2;
	v16 =	vld [tilespmem:s18+$0xFFFFFFC0]  }
0xe6: {  	v20 =	vld [tilespmem:s22+$0x30];
	v6 =	vmul.f32 v6, v8;
	v21 =	vperm.xlane v13, v4;
	[tilespmem:s24+$0xFFFFFF80] =	vst v12  }
0xe7: {  	[tilespmem:s16+$0x40] =	vst v13;
	v12 =	vperm.xlane v22, v3;
	v13 =	vld [tilespmem:s9+$0xFFFFFFC0];
	v5 =	vmul.f32 v17, v5  }
0xe8: {  	[tilespmem:s14+$0xFFFFFFB0] =	vst v6;
	v15 =	vmul.f32 v19, v15;
	v17 =	vperm.xlane v28, v2  }
0xe9: {  	v9 =	vmul.f32 v9, v12;
	[tilespmem:s24+$0x10] =	vst v5  }
0xea: {  	[tilespmem:s8+$0xFFFFFFA0] =	vst v15;
	v5 =	vperm.xlane v23, v2;
	v12 =	vmul.f32 v16, v17;
	v15 =	vld [tilespmem:s9+$0x20]  }
0xeb: {  	v19 =	vmul.f32 v20, v21;
	v16 =	vld [tilespmem:s22+$0xFFFFFFD0];
	[tilespmem:s17+$0x20] =	vst v9  }
0xec: {  	v8 =	vld [tilespmem:s18+$0x30];
	[tilespmem:s17+$0xFFFFFF90] =	vst v12;
	v5 =	vmul.f32 v13, v5  }
0xed: {  	v6 =	vperm.xlane v26, v3;
	[tilespmem:s16+$0x30] =	vst v19;
	v9 =	vld [tilespmem:s18+$0xFFFFFFD0]  }
0xee: {  	v12 =	vld [tilespmem:s21+$0xFFFFFFE0];
	[tilespmem:s24+$0xFFFFFF90] =	vst v5  }
0xef: {  	[tilespmem:s8+$0xFFFFFFC0] =	vst v7;
	v5 =	vperm.xlane v22, v4;
	v7 =	vld [tilespmem:s9+$0xFFFFFFD0];
	v6 =	vmul.f32 v15, v6  }
0xf0: {  	[tilespmem:s17+$0x40] =	vst v22;
	v13 =	vperm.xlane v28, v3;
	v15 =	vmul.f32 v16, v18  }
0xf1: {  	v5 =	vmul.f32 v8, v5;
	[tilespmem:s24+$0x20] =	vst v6  }
0xf2: {  	v6 =	vperm.xlane v23, v3;
	[tilespmem:s16+$0xFFFFFFA0] =	vst v15;
	v9 =	vmul.f32 v9, v13;
	v8 =	vld [tilespmem:s9+$0x30]  }
0xf3: {  	v10 =	vmul.f32 v12, v10;
	[tilespmem:s17+$0x30] =	vst v5;
	v5 =	vld [tilespmem:s22+$0xFFFFFFE0]  }
0xf4: {  	[tilespmem:s17+$0xFFFFFFA0] =	vst v9;
	v6 =	vmul.f32 v7, v6  }
0xf5: {  	[tilespmem:s8+$0xFFFFFFB0] =	vst v10;
	v7 =	vperm.xlane v26, v4;
	v9 =	vld [tilespmem:s18+$0xFFFFFFE0]  }
0xf6: {  	[tilespmem:s24+$0xFFFFFFA0] =	vst v6  }
0xf7: {  	[tilespmem:s16+$0xFFFFFFC0] =	vst v11;
	v6 =	vmul.f32 v8, v7;
	v7 =	vld [tilespmem:s9+$0xFFFFFFE0]  }
0xf8: {  	[tilespmem:s24+$0x40] =	vst v26;
	v8 =	vperm.xlane v28, v4;
	v5 =	vmul.f32 v5, v14  }
0xf9: {  	[tilespmem:s24+$0x30] =	vst v6  }
0xfa: {  	v6 =	vperm.xlane v23, v4;
	[tilespmem:s16+$0xFFFFFFB0] =	vst v5;
	v5 =	vmul.f32 v9, v8  }
0xfb: {  	[tilespmem:s17+$0xFFFFFFC0] =	vst v28  }
0xfc: {  	[tilespmem:s17+$0xFFFFFFB0] =	vst v5;
	v5 =	vmul.f32 v7, v6  }
0xfd: {  	[tilespmem:s24+$0xFFFFFFC0] =	vst v23  }
0xfe: {  	[tilespmem:s24+$0xFFFFFFB0] =	vst v5  }
0xff: {  	[spmem:s3] =	stream.indirect.scatter.add.f32 [tilespmem:s28], [sflag:$0x5], $0x80, s13, s23, $0xb8;
	[tilespmem:$0x1CDE0] =	vst v63  }
0x100: {  	_ =	swait.ge [sflag:s29], $0x2800  }
0x101: {  	[sflag:s29] =	ssyncset.done $0x0  }
0x102: {  	[sflag:s29] =	ssyncadd.s32 $0xFFFFD800  }
0x103: {  	_ =	swait.ge [sflag:s30], $0x50  }
0x104: {  	[sflag:s30] =	ssyncset.done $0x0  }
0x105: {  	[sflag:s30] =	ssyncadd.s32 $0xFFFFFFB0  }
0x106: {  	_ =	swait.ge [sflag:s30], $0x50  }
0x107: {  	[sflag:s30] =	ssyncset.done $0x0  }
0x108: {  	s21 =	simm.s32 $0x1E0;
	[sflag:s30] =	ssyncadd.s32 $0xFFFFFFB0  }
0x109: {  	[tilespmem:s21], [sflag:$0x1] =	stream.indirect.gather [hbm4b:s5+s23], $0x50, s4, s23, $0xb8;
	[tilespmem:$0x1CDE0] =	vst v63  }
0x10a: {  	_ = 	snop  }
0x10b: {  	[tilespmem:s0], [sflag:$0x1] =	stream.indirect.gather [hbm4b:s1+s23], $0x10, s23, s23, $0xb8;
	[tilespmem:$0x1CDE0] =	vst v63  }
0x10c: {  	_ =	swait.ge [sflag:s15], $0x1900  }
0x10d: {  	[sflag:s15] =	ssyncset.done $0x0  }
0x10e: {  	[sflag:s15] =	ssyncadd.s32 $0xFFFFE700  }
0x10f: {  	_ =	swait.ge [sflag:s15], $0x500  }
0x110: {  	[sflag:s15] =	ssyncset.done $0x0  }
0x111: {  	[sflag:s15] =	ssyncadd.s32 $0xFFFFFB00  }
0x112: {  	v5 =	vld [tilespmem:$0x140]  }
0x113: {  	v6 =	vld [tilespmem:$0x150]  }
0x114: {  	v7 =	vld [tilespmem:$0x160]  }
0x115: {  	v8 =	vld [tilespmem:$0x170]  }
0x116: {  	v9 =	vld [tilespmem:$0x180]  }
0x117: {  	[tilespmem:$0x190] =	vst v5  }
0x118: {  	p0 =	seq.s32 s19, $0x3D;
	[tilespmem:$0x1A0] =	vst v6  }
0x119: {  	s7 =	sadd.s32 @!p0 s20, s12;
	[tilespmem:$0x1B0] =	vst v7  }
0x11a: {  	s7 =	sshrl.u32 @!p0 s7, $0x3;
	[tilespmem:$0x1C0] =	vst v8  }
0x11b: {  	s7 =	sadd.s32 @!p0 s6, s7;
	s8 =	simm.s32 @!p0 $0x0;
	s9 =	simm.s32 @!p0 $0xF0;
	[tilespmem:$0x1D0] =	vst v9  }
0x11c: {  	[tilespmem:s9], [sflag:$0x4] =	stream.linear.gather @!p0 [hbm4b:s7+s8], $0x50, $0x38;
	[tilespmem:$0x1CDE0] =	vst v63  }
0x11d: {  	s17 =	simm.s32 $0x2030;
	s7 =	sadd.s32 @!p0 $0x9C40, s7;
	s9 =	simm.s32 @!p0 $0x140  }
0x11e: {  	[tilespmem:s9], [sflag:$0x4] =	stream.linear.gather @!p0 [hbm4b:s7+s8], $0x50, $0x38;
	[tilespmem:$0x1CDE0] =	vst v63  }
0x11f: {  	s22 =	simm.s32 $0x38F0;
	v5 =	vld [tilespmem:s17+$0x40]  }
0x120: {  	v6 =	vld [tilespmem:s22+$0x0];
	_ =	sdelay $0x4  }
0x121: {  	v5 =	vadd.f32 v6, v5;
	_ =	sdelay $0x1  }
0x122: {  	v7 =	vld [tilespmem:s22+$0xFFFFFFF0];
	v6 =	vmul.f32 $2.000000030e-01, v5  }
0x123: {  	s24 =	simm.s32 $0x3910;
	v8 =	vld [tilespmem:s17+$0xFFFFFFF0]  }
0x124: {  	s22 =	simm.s32 $0x20D0;
	v9 =	vld [tilespmem:s24+$0x0];
	v5 =	vmax.f32 v5, v6  }
0x125: {  	v6 =	vld [tilespmem:s22+$0x40];
	v5 =	vmul.f32 $1.442695020e+00, v5;
	_ =	sdelay $0x1  }
0x126: {  	(erf) = vpow2.f32 v5;
	_ =	sdelay $0x1  }
0x127: {  	v5 =	vadd.f32 v7, v8  }
0x128: {  	v6 =	vadd.f32 v9, v6  }
0x129: {  	v7 =	vmul.f32 $2.000000030e-01, v5  }
0x12a: {  	v8 =	vld [tilespmem:s24+$0xFFFFFFF0];
	v10 =	vmul.f32 $2.000000030e-01, v6  }
0x12b: {  	v9 =	vld [tilespmem:s22+$0xFFFFFFF0];
	v5 =	vmax.f32 v5, v7  }
0x12c: {  	s25 =	simm.s32 $0x3930;
	v7 =	vld [tilespmem:s17+$0x0];
	v5 =	vmul.f32 $1.442695020e+00, v5;
	v6 =	vmax.f32 v6, v10  }
0x12d: {  	s20 =	simm.s32 $0x2170;
	v12 =	vld [tilespmem:s25+$0x0];
	v6 =	vmul.f32 $1.442695020e+00, v6  }
0x12e: {  	(erf) = vpow2.f32 v5;
	v5 =	vld [tilespmem:s20+$0x40];
	v10 =	vpop (erf)  }
0x12f: {  	(erf) = vpow2.f32 v6;
	v11 =	vperm.xlane v10, v1  }
0x130: {  	v6 =	vadd.f32 v8, v9  }
0x131: {  	v7 =	vmul.f32 v7, v11  }
0x132: {  	s7 =	simm.s32 $0x6660;
	v8 =	vld [tilespmem:s25+$0xFFFFFFF0];
	v9 =	vmul.f32 $2.000000030e-01, v6  }
0x133: {  	v11 =	vld [tilespmem:s20+$0xFFFFFFF0];
	v5 =	vadd.f32 v12, v5;
	[tilespmem:s7+$0x0] =	vst v7  }
0x134: {  	v6 =	vmax.f32 v6, v9;
	v7 =	vld [tilespmem:s17+$0x10]  }
0x135: {  	v15 =	vld [tilespmem:s17+$0xFFFFFFB0];
	v9 =	vmul.f32 $1.442695020e+00, v6;
	v12 =	vmul.f32 $2.000000030e-01, v5  }
0x136: {  	v13 =	vld [tilespmem:s22+$0x0]  }
0x137: {  	v14 =	vperm.xlane v10, v2;
	v6 =	vpop (erf);
	(erf) = vpow2.f32 v9;
	v5 =	vmax.f32 v5, v12  }
0x138: {  	s26 =	simm.s32 $0x3950;
	v5 =	vmul.f32 $1.442695020e+00, v5;
	v12 =	vperm.xlane v6, v1;
	v18 =	vpop (erf)  }
0x139: {  	s21 =	simm.s32 $0x2210;
	v17 =	vld [tilespmem:s26+$0x0];
	v8 =	vadd.f32 v8, v11;
	v11 =	vperm.xlane v18, v1;
	v7 =	vmul.f32 v7, v14  }
0x13a: {  	v9 =	vld [tilespmem:s21+$0x40];
	(erf) = vpow2.f32 v5;
	v12 =	vmul.f32 v15, v12  }
0x13b: {  	v14 =	vmul.f32 $2.000000030e-01, v8;
	v5 =	vmul.f32 v13, v11;
	v13 =	vld [tilespmem:s26+$0xFFFFFFF0];
	[tilespmem:s7+$0x10] =	vst v7  }
0x13c: {  	s14 =	simm.s32 $0x6760;
	[tilespmem:s7+$0xFFFFFF80] =	vst v12;
	v7 =	vld [tilespmem:s17+$0x20]  }
0x13d: {  	v12 =	vld [tilespmem:s21+$0xFFFFFFF0];
	v8 =	vmax.f32 v8, v14;
	[tilespmem:s14+$0x0] =	vst v5  }
0x13e: {  	v5 =	vmul.f32 $1.442695020e+00, v8;
	v14 =	vld [tilespmem:s22+$0x10]  }
0x13f: {  	v22 =	vld [tilespmem:s21+$0xFFFFFFB0];
	v8 =	vperm.xlane v10, v3  }
0x140: {  	v16 =	vld [tilespmem:s22+$0xFFFFFFB0];
	v17 =	vadd.f32 v17, v9;
	(erf) = vpow2.f32 v5  }
0x141: {  	v24 =	vld [tilespmem:s20+$0x0];
	v7 =	vmul.f32 v7, v8;
	v8 =	vperm.xlane v18, v2  }
0x142: {  	s18 =	simm.s32 $0x22B0;
	v20 =	vld [tilespmem:s17+$0xFFFFFFC0];
	v23 =	vmul.f32 $2.000000030e-01, v17;
	v5 =	vpop (erf)  }
0x143: {  	v28 =	vld [tilespmem:s18+$0xFFFFFFF0];
	v13 =	vadd.f32 v13, v12;
	v21 =	vperm.xlane v5, v1;
	[tilespmem:s7+$0x20] =	vst v7;
	v7 =	vmul.f32 v14, v8  }
0x144: {  	v19 =	vperm.xlane v6, v3;
	v15 =	vperm.xlane v6, v2;
	v11 =	vld [tilespmem:s20+$0xFFFFFFB0]  }
0x145: {  	s31 =	simm.s32 $0x3970;
	v12 =	vpop (erf);
	v8 =	vmul.f32 v16, v21;
	v14 =	vmax.f32 v17, v23;
	v21 =	vld [tilespmem:s18+$0x40];
	[tilespmem:s14+$0x10] =	vst v7;
	v7 =	vmul.f32 $2.000000030e-01, v13  }
0x146: {  	v16 =	vperm.xlane v12, v1;
	v23 =	vld [tilespmem:s31+$0x0];
	v14 =	vmul.f32 $1.442695020e+00, v14  }
0x147: {  	v9 =	vperm.xlane v6, v4;
	v15 =	vmul.f32 v20, v15;
	v26 =	vld [tilespmem:s17+$0x30]  }
0x148: {  	v20 =	vld [tilespmem:s22+$0x20];
	(erf) = vpow2.f32 v14;
	v14 =	vmul.f32 v24, v16  }
0x149: {  	s8 =	simm.s32 $0x6860;
	v25 =	vperm.xlane v5, v2;
	v17 =	vperm.xlane v10, v4;
	[tilespmem:s14+$0xFFFFFF80] =	vst v8;
	v24 =	vld [tilespmem:s31+$0xFFFFFFF0];
	v13 =	vmax.f32 v13, v7;
	v7 =	vpop (erf)  }
0x14a: {  	v27 =	vld [tilespmem:s22+$0xFFFFFFC0];
	[tilespmem:s8+$0x0] =	vst v14;
	v13 =	vmul.f32 $1.442695020e+00, v13;
	v29 =	vperm.xlane v7, v1  }
0x14b: {  	s24 =	simm.s32 $0x3990;
	[tilespmem:s7+$0xFFFFFF90] =	vst v15;
	v8 =	vperm.xlane v5, v4;
	v14 =	vperm.xlane v18, v3;
	v15 =	vadd.f32 v23, v21;
	v30 =	vld [tilespmem:s20+$0x10]  }
0x14c: {  	v32 =	vld [tilespmem:s24+$0x0];
	(erf) = vpow2.f32 v13;
	v11 =	vmul.f32 v11, v29  }
0x14d: {  	v13 =	vmul.f32 $2.000000030e-01, v15;
	v14 =	vmul.f32 v20, v14;
	v20 =	vld [tilespmem:s17+$0xFFFFFFD0]  }
0x14e: {  	v16 =	vperm.xlane v5, v3;
	v21 =	vld [tilespmem:s21+$0x0];
	v23 =	vperm.xlane v12, v2;
	[tilespmem:s8+$0xFFFFFF80] =	vst v11;
	v11 =	vadd.f32 v24, v28  }
0x14f: {  	v26 =	vmul.f32 v26, v17;
	v17 =	vld [tilespmem:s18+$0xFFFFFFB0];
	v25 =	vmul.f32 v27, v25;
	[tilespmem:s14+$0x20] =	vst v14  }
0x150: {  	[tilespmem:s7+$0x40] =	vst v10;
	v27 =	vld [tilespmem:s22+$0x30];
	v24 =	vmax.f32 v15, v13;
	v23 =	vmul.f32 v30, v23;
	v30 =	vmul.f32 $2.000000030e-01, v11  }
0x151: {  	s9 =	simm.s32 $0x2350;
	v10 =	vperm.xlane v7, v4;
	[tilespmem:s7+$0x30] =	vst v26;
	v26 =	vld [tilespmem:s24+$0xFFFFFFF0];
	v13 =	vpop (erf);
	v24 =	vmul.f32 $1.442695020e+00, v24  }
0x152: {  	v29 =	vld [tilespmem:s9+$0x40];
	v31 =	vperm.xlane v13, v1;
	[tilespmem:s8+$0x10] =	vst v23;
	v20 =	vmul.f32 v20, v19;
	v11 =	vmax.f32 v11, v30  }
0x153: {  	[tilespmem:s14+$0xFFFFFF90] =	vst v25;
	(erf) = vpow2.f32 v24;
	v23 =	vld [tilespmem:s20+$0x20];
	v24 =	vperm.xlane v18, v4  }
0x154: {  	[tilespmem:s14+$0x40] =	vst v18;
	v28 =	vld [tilespmem:s20+$0xFFFFFFC0];
	v21 =	vmul.f32 v21, v31;
	v25 =	vmul.f32 $1.442695020e+00, v11  }
0x155: {  	s16 =	simm.s32 $0x6960;
	v30 =	vld [tilespmem:s9+$0xFFFFFFF0];
	[tilespmem:s7+$0xFFFFFFA0] =	vst v20;
	v24 =	vmul.f32 v27, v24;
	v27 =	vperm.xlane v12, v3;
	v11 =	vpop (erf)  }
0x156: {  	v20 =	vld [tilespmem:s17+$0xFFFFFFE0];
	[tilespmem:s16+$0x0] =	vst v21;
	(erf) = vpow2.f32 v25;
	v18 =	vperm.xlane v11, v1  }
0x157: {  	v14 =	vperm.xlane v7, v2;
	v15 =	vperm.xlane v7, v3;
	v31 =	vld [tilespmem:s21+$0x10]  }
0x158: {  	v29 =	vadd.f32 v32, v29;
	v21 =	vld [tilespmem:s9+$0xFFFFFFB0];
	v25 =	vmul.f32 v23, v27;
	v22 =	vmul.f32 v22, v18  }
0x159: {  	v63 =	vperm.xlane v13, v2;
	[tilespmem:s14+$0x30] =	vst v24;
	v24 =	vmul.f32 v28, v14;
	v23 =	vld [tilespmem:s22+$0xFFFFFFD0]  }
0x15a: {  	v19 =	vperm.xlane v11, v2;
	v27 =	vadd.f32 v26, v30;
	v30 =	vmul.f32 $2.000000030e-01, v29;
	v26 =	vld [tilespmem:s18+$0x0];
	[tilespmem:s8+$0x20] =	vst v25  }
0x15b: {  	v14 =	vperm.xlane v11, v4;
	v18 =	vperm.xlane v11, v3;
	v25 =	vld [tilespmem:s20+$0x30];
	[tilespmem:s16+$0xFFFFFF80] =	vst v22  }
0x15c: {  	s25 =	simm.s32 $0x23F0;
	s17 =	simm.s32 $0xA;
	[tilespmem:s8+$0xFFFFFF90] =	vst v24;
	v28 =	vmul.f32 $2.000000030e-01, v27;
	v30 =	vmax.f32 v29, v30;
	v29 =	vmul.f32 v31, v63;
	v24 =	vld [tilespmem:s21+$0xFFFFFFC0];
	v22 =	vpop (erf)  }
.LBB2_7:
0x15d: {  	v31 =	vld [tilespmem:s25+$0x40];
	v30 =	vmul.f32 $1.442695020e+00, v30;
	s24 =	sadd.s32 $0x20, s24;
	v32 =	vperm.xlane v22, v1;
	[tilespmem:s7+$0xFFFFFFC0] =	vst v6;
	v6 =	vmovc v5;
	v5 =	vmovc v7;
	v7 =	vmov v11;
	s26 =	smov.u32 s8;
	s8 =	smov.u32 s16  }
0x15e: {  	v23 =	vmul.f32 v23, v16;
	v33 =	vld [tilespmem:s24+$0x0];
	v27 =	vmax.f32 v27, v28;
	[tilespmem:s16+$0x10] =	vst v29;
	v28 =	vperm.xlane v12, v4  }
0x15f: {  	v16 =	vmov v15;
	(erf) = vpow2.f32 v30;
	v26 =	vmul.f32 v26, v32;
	v11 =	vpop (erf);
	v29 =	vld [tilespmem:s21+$0x20];
	[tilespmem:s26+$0x40] =	vst v12  }
0x160: {  	s17 =	sadd.s32 $0x2, s17;
	v15 =	vmovc v18;
	s16 =	sadd.s32 $0x100, s16;
	v27 =	vmul.f32 $1.442695020e+00, v27;
	v12 =	vmovc v13;
	v13 =	vmov v22;
	v30 =	vld [tilespmem:s24+$0xFFFFFFF0];
	v25 =	vmul.f32 v25, v28;
	[tilespmem:s14+$0xFFFFFFA0] =	vst v23  }
0x161: {  	p1 =	slt.u32 s17, $0x4E;
	v18 =	vperm.xlane v11, v1;
	v23 =	vperm.xlane v11, v2;
	v22 =	vld [tilespmem:s25+$0xFFFFFFF0];
	[tilespmem:s16+$0x0] =	vst v26  }
0x162: {  	v26 =	vperm.xlane v12, v3;
	v28 =	vld [tilespmem:s25+$0xFFFFFFB0];
	(erf) = vpow2.f32 v27;
	[tilespmem:s26+$0x30] =	vst v25  }
0x163: {  	v24 =	vmul.f32 v24, v19;
	v25 =	vmul.f32 v17, v18;
	v19 =	vmovc v23;
	v17 =	vmov v21;
	v32 =	vld [tilespmem:s18+$0x10]  }
.Ltmp2:
0x164: {  	v18 =	vperm.xlane v11, v3;
	v31 =	vadd.f32 v33, v31;
	v35 =	vmul.f32 v29, v26;
	v23 =	vld [tilespmem:s20+$0xFFFFFFD0];
	(pc) =	sbr.rel @p1 .LBB2_7-.Ltmp2, $4  }
0x165: {  	v33 =	vmul.f32 v20, v9;
	v9 =	vmovc v8;
	v8 =	vmov v10;
	v29 =	vperm.xlane v11, v4;
	[tilespmem:s16+$0xFFFFFF80] =	vst v25;
	v20 =	vld [tilespmem:s22+$0xFFFFFFE0];
	s22 =	smov.u32 s20;
	s20 =	smov.u32 s21;
	s21 =	smov.u32 s18  }
0x166: {  	v34 =	vperm.xlane v13, v2;
	v10 =	vmovc v14;
	v36 =	vmul.f32 $2.000000030e-01, v31;
	s18 =	smov.u32 s9;
	v27 =	vadd.f32 v30, v22;
	v26 =	vld [tilespmem:s9+$0x0];
	[tilespmem:s8+$0x20] =	vst v35;
	s9 =	smov.u32 s25  }
0x167: {  	v14 =	vmov v29;
	[tilespmem:s8+$0xFFFFFF90] =	vst v24;
	v25 =	vld [tilespmem:s20+$0x30];
	v21 =	vmov v28  }
0x168: {  	s25 =	sadd.s32 $0xA0, s25;
	v30 =	vmax.f32 v31, v36;
	v28 =	vmul.f32 $2.000000030e-01, v27;
	v22 =	vpop (erf);
	v24 =	vld [tilespmem:s21+$0xFFFFFFC0];
	v29 =	vmul.f32 v32, v34;
	[tilespmem:s7+$0xFFFFFFB0] =	vst v33;
	s7 =	smov.u32 s14;
	s14 =	smov.u32 s26  }
0x169: {  	v30 =	vmul.f32 $1.442695020e+00, v30;
	_ =	sdelay $0x1  }
0x16a: {  	(erf) = vpow2.f32 v30;
	_ =	sdelay $0x1  }
0x16b: {  	v27 =	vmax.f32 v27, v28  }
0x16c: {  	v62 =	vperm.xlane v22, v1;
	v27 =	vmul.f32 $1.442695020e+00, v27;
	_ =	sdelay $0x1  }
0x16d: {  	[tilespmem:s16+$0x10] =	vst v29;
	v26 =	vmul.f32 v26, v62;
	(erf) = vpow2.f32 v27  }
0x16e: {  	[tilespmem:s7+$0xFFFFFFC0] =	vst v6;
	s17 =	sadd.s32 $0x100, s16;
	v63 =	vld [tilespmem:s21+$0x20]  }
0x16f: {  	v6 =	vperm.xlane v12, v4;
	v32 =	vld [tilespmem:s9+$0x0];
	[tilespmem:s17+$0x0] =	vst v26  }
0x170: {  	v28 =	vpop (erf);
	v35 =	vld [tilespmem:s18+$0x10]  }
0x171: {  	v34 =	vperm.xlane v13, v3;
	v6 =	vmul.f32 v25, v6;
	v36 =	vpop (erf)  }
0x172: {  	v16 =	vmul.f32 v23, v16;
	[tilespmem:s8+$0x40] =	vst v12;
	v38 =	vperm.xlane v36, v1  }
0x173: {  	v39 =	vperm.xlane v22, v2;
	[tilespmem:s8+$0x30] =	vst v6;
	v6 =	vmul.f32 v63, v34  }
0x174: {  	[tilespmem:s14+$0xFFFFFFA0] =	vst v16;
	v40 =	vmul.f32 v32, v38  }
0x175: {  	s25 =	sadd.s32 $0x100, s17;
	[tilespmem:s16+$0x20] =	vst v6;
	v12 =	vmul.f32 v35, v39  }
0x176: {  	v9 =	vmul.f32 v20, v9;
	v33 =	vperm.xlane v28, v1;
	v6 =	vld [tilespmem:s20+$0xFFFFFFD0];
	v43 =	vpop (erf);
	[tilespmem:s25+$0x0] =	vst v40  }
0x177: {  	[tilespmem:s17+$0x10] =	vst v12;
	v44 =	vperm.xlane v43, v1;
	v45 =	vld [tilespmem:s9+$0x10]  }
0x178: {  	[tilespmem:s7+$0xFFFFFFB0] =	vst v9;
	v37 =	vmul.f32 v17, v33;
	v47 =	vld [tilespmem:s18+$0x20]  }
0x179: {  	v42 =	vld [tilespmem:s22+$0xFFFFFFE0];
	[tilespmem:s14+$0xFFFFFFC0] =	vst v5;
	v48 =	vmul.f32 v21, v44  }
0x17a: {  	v41 =	vmul.f32 v24, v19;
	[tilespmem:s17+$0xFFFFFF80] =	vst v37;
	v5 =	vperm.xlane v36, v2  }
0x17b: {  	v51 =	vperm.xlane v22, v3;
	v49 =	vld [tilespmem:s18+$0xFFFFFFC0];
	v6 =	vmul.f32 v6, v15;
	[tilespmem:s25+$0xFFFFFF80] =	vst v48  }
0x17c: {  	[tilespmem:s16+$0xFFFFFF90] =	vst v41;
	v52 =	vld [tilespmem:s9+$0xFFFFFFC0];
	v5 =	vmul.f32 v45, v5  }
0x17d: {  	v57 =	vld [tilespmem:s21+$0xFFFFFFD0];
	[tilespmem:s8+$0xFFFFFFA0] =	vst v6;
	v6 =	vmul.f32 v47, v51  }
0x17e: {  	v53 =	vperm.xlane v28, v2;
	v46 =	vld [tilespmem:s21+$0x30];
	[tilespmem:s25+$0x10] =	vst v5  }
0x17f: {  	v8 =	vmul.f32 v42, v8;
	[tilespmem:s17+$0x20] =	vst v6;
	v5 =	vperm.xlane v43, v2;
	v56 =	vld [tilespmem:s9+$0x20]  }
0x180: {  	[tilespmem:s16+$0x40] =	vst v13;
	v55 =	vmul.f32 v49, v53;
	v6 =	vld [tilespmem:s18+$0x30]  }
0x181: {  	[tilespmem:s14+$0xFFFFFFB0] =	vst v8;
	v5 =	vmul.f32 v52, v5  }
0x182: {  	v58 =	vperm.xlane v36, v3;
	[tilespmem:s17+$0xFFFFFF90] =	vst v55  }
0x183: {  	v15 =	vmul.f32 v57, v18;
	v9 =	vld [tilespmem:s18+$0xFFFFFFD0];
	[tilespmem:s25+$0xFFFFFF90] =	vst v5;
	v5 =	vperm.xlane v22, v4  }
0x184: {  	v50 =	vperm.xlane v13, v4;
	v59 =	vld [tilespmem:s20+$0xFFFFFFE0];
	[tilespmem:s8+$0xFFFFFFC0] =	vst v7;
	v7 =	vmul.f32 v56, v58  }
0x185: {  	[tilespmem:s16+$0xFFFFFFA0] =	vst v15;
	v60 =	vld [tilespmem:s9+$0xFFFFFFD0];
	v5 =	vmul.f32 v6, v5  }
0x186: {  	v61 =	vperm.xlane v28, v3;
	v54 =	vmul.f32 v46, v50;
	[tilespmem:s25+$0x20] =	vst v7  }
0x187: {  	[tilespmem:s17+$0x30] =	vst v5;
	v5 =	vld [tilespmem:s21+$0xFFFFFFE0]  }
0x188: {  	[tilespmem:s16+$0x30] =	vst v54;
	v9 =	vmul.f32 v9, v61;
	v6 =	vperm.xlane v43, v3;
	v7 =	vld [tilespmem:s9+$0x30]  }
0x189: {  	[tilespmem:s17+$0x40] =	vst v22;
	v10 =	vmul.f32 v59, v10  }
0x18a: {  	[tilespmem:s17+$0xFFFFFFA0] =	vst v9;
	v6 =	vmul.f32 v60, v6  }
0x18b: {  	v62 =	vperm.xlane v36, v4;
	[tilespmem:s8+$0xFFFFFFB0] =	vst v10;
	v9 =	vld [tilespmem:s18+$0xFFFFFFE0]  }
0x18c: {  	[tilespmem:s25+$0xFFFFFFA0] =	vst v6  }
0x18d: {  	[tilespmem:s17+$0xFFFFFFC0] =	vst v28;
	v5 =	vmul.f32 v5, v14;
	v6 =	vmul.f32 v7, v62;
	v7 =	vld [tilespmem:s9+$0xFFFFFFE0]  }
0x18e: {  	v63 =	vperm.xlane v28, v4;
	[tilespmem:s16+$0xFFFFFFC0] =	vst v11  }
0x18f: {  	[tilespmem:s16+$0xFFFFFFB0] =	vst v5  }
0x190: {  	v5 =	vmul.f32 v9, v63;
	[tilespmem:s25+$0x30] =	vst v6;
	v6 =	vperm.xlane v43, v4  }
0x191: {  	[tilespmem:s25+$0x40] =	vst v36  }
0x192: {  	[tilespmem:s17+$0xFFFFFFB0] =	vst v5;
	v5 =	vmul.f32 v7, v6  }
0x193: {  	[tilespmem:s25+$0xFFFFFFC0] =	vst v43  }
.Ltmp3:
0x194: {  	s26 =	simm.s32 $0x190;
	s31 =	simm.s32 $0x65E0;
	[tilespmem:s25+$0xFFFFFFB0] =	vst v5;
	(pc) =	sbr.rel @p0 .LBB2_10-.Ltmp3, $4  }
0x195: {  	[spmem:s3] =	stream.indirect.scatter.add.f32 [tilespmem:s31], [sflag:$0x5], $0x80, s26, s23, $0xb8;
	[tilespmem:$0x1CDE0] =	vst v63  }
0x196: {  	_ =	swait.ge [sflag:s29], $0x2800  }
0x197: {  	[sflag:s29] =	ssyncset.done $0x0  }
0x198: {  	[sflag:s29] =	ssyncadd.s32 $0xFFFFD800  }
0x199: {  	_ =	swait.ge [sflag:s2], $0x50  }
0x19a: {  	[sflag:s2] =	ssyncset.done $0x0  }
0x19b: {  	[sflag:s2] =	ssyncadd.s32 $0xFFFFFFB0  }
0x19c: {  	_ =	swait.ge [sflag:s2], $0x50  }
.Ltmp4:
0x19d: {  	[sflag:s2] =	ssyncset.done $0x0;
	(pc) =	sbr.rel .LBB2_4-.Ltmp4, $4  }
0x19e: {  	s7 =	simm.s32 $0xF0;
	s8 =	simm.s32 $0x1FE0;
	[sflag:s2] =	ssyncadd.s32 $0xFFFFFFB0  }
0x19f: {  	[tilespmem:s8], [sflag:$0x2] =	stream.indirect.gather [hbm4b:s5+s23], $0x50, s7, s23, $0xb8;
	[tilespmem:$0x1CDE0] =	vst v63  }
0x1a0: {  	s26 =	simm.s32 $0x140;
	s31 =	simm.s32 $0x38E0;
	s19 =	sadd.s32 $0x1, s19  }
0x1a1: {  	[tilespmem:s31], [sflag:$0x2] =	stream.indirect.gather [hbm4b:s1+s23], $0x10, s26, s23, $0xb8;
	[tilespmem:$0x1CDE0] =	vst v63  }
.LBB2_10:
0x1a2: {  	_ =	swait.ge [sflag:s10], $0x1900  }
0x1a3: {  	[sflag:s10] =	ssyncset.done $0x0  }
0x1a4: {  	[sflag:s10] =	ssyncadd.s32 $0xFFFFE700  }
0x1a5: {  	_ =	swait.ge [sflag:s10], $0x500  }
0x1a6: {  	[sflag:s10] =	ssyncset.done $0x0  }
0x1a7: {  	[sflag:s10] =	ssyncadd.s32 $0xFFFFFB00  }
0x1a8: {  	v5 =	vld [tilespmem:$0x50]  }
0x1a9: {  	v6 =	vld [tilespmem:$0x60]  }
0x1aa: {  	v7 =	vld [tilespmem:$0x70]  }
0x1ab: {  	v8 =	vld [tilespmem:$0x80]  }
0x1ac: {  	v9 =	vld [tilespmem:$0x90]  }
0x1ad: {  	[tilespmem:$0xA0] =	vst v5  }
0x1ae: {  	[tilespmem:$0xB0] =	vst v6  }
0x1af: {  	[tilespmem:$0xC0] =	vst v7  }
0x1b0: {  	[tilespmem:$0xD0] =	vst v8  }
0x1b1: {  	s17 =	simm.s32 $0x230;
	[tilespmem:$0xE0] =	vst v9  }
0x1b2: {  	s7 =	simm.s32 $0x1AF0;
	v5 =	vld [tilespmem:s17+$0x40]  }
0x1b3: {  	v6 =	vld [tilespmem:s7+$0x0];
	_ =	sdelay $0x4  }
0x1b4: {  	v5 =	vadd.f32 v6, v5;
	_ =	sdelay $0x1  }
0x1b5: {  	v7 =	vld [tilespmem:s7+$0xFFFFFFF0];
	v6 =	vmul.f32 $2.000000030e-01, v5  }
0x1b6: {  	s25 =	simm.s32 $0x1B10;
	v8 =	vld [tilespmem:s17+$0xFFFFFFF0]  }
0x1b7: {  	s21 =	simm.s32 $0x2D0;
	v9 =	vld [tilespmem:s25+$0x0];
	v5 =	vmax.f32 v5, v6  }
0x1b8: {  	v6 =	vld [tilespmem:s21+$0x40];
	v5 =	vmul.f32 $1.442695020e+00, v5;
	_ =	sdelay $0x1  }
0x1b9: {  	(erf) = vpow2.f32 v5;
	_ =	sdelay $0x1  }
0x1ba: {  	v5 =	vadd.f32 v7, v8  }
0x1bb: {  	v6 =	vadd.f32 v9, v6  }
0x1bc: {  	v7 =	vmul.f32 $2.000000030e-01, v5  }
0x1bd: {  	v8 =	vld [tilespmem:s25+$0xFFFFFFF0];
	v10 =	vmul.f32 $2.000000030e-01, v6  }
0x1be: {  	v9 =	vld [tilespmem:s21+$0xFFFFFFF0];
	v5 =	vmax.f32 v5, v7  }
0x1bf: {  	s8 =	simm.s32 $0x1B30;
	v7 =	vld [tilespmem:s17+$0x0];
	v5 =	vmul.f32 $1.442695020e+00, v5;
	v6 =	vmax.f32 v6, v10  }
0x1c0: {  	s19 =	simm.s32 $0x370;
	v12 =	vld [tilespmem:s8+$0x0];
	v6 =	vmul.f32 $1.442695020e+00, v6  }
0x1c1: {  	(erf) = vpow2.f32 v5;
	v5 =	vld [tilespmem:s19+$0x40];
	v10 =	vpop (erf)  }
0x1c2: {  	(erf) = vpow2.f32 v6;
	v11 =	vperm.xlane v10, v1  }
0x1c3: {  	v6 =	vadd.f32 v8, v9  }
0x1c4: {  	v7 =	vmul.f32 v7, v11  }
0x1c5: {  	s7 =	simm.s32 $0x3E60;
	v8 =	vld [tilespmem:s8+$0xFFFFFFF0];
	v9 =	vmul.f32 $2.000000030e-01, v6  }
0x1c6: {  	v11 =	vld [tilespmem:s19+$0xFFFFFFF0];
	v5 =	vadd.f32 v12, v5;
	[tilespmem:s7+$0x0] =	vst v7  }
0x1c7: {  	v6 =	vmax.f32 v6, v9;
	v7 =	vld [tilespmem:s17+$0x10]  }
0x1c8: {  	v15 =	vld [tilespmem:s17+$0xFFFFFFB0];
	v9 =	vmul.f32 $1.442695020e+00, v6;
	v12 =	vmul.f32 $2.000000030e-01, v5  }
0x1c9: {  	v13 =	vld [tilespmem:s21+$0x0]  }
0x1ca: {  	v14 =	vperm.xlane v10, v2;
	v6 =	vpop (erf);
	(erf) = vpow2.f32 v9;
	v5 =	vmax.f32 v5, v12  }
0x1cb: {  	s26 =	simm.s32 $0x1B50;
	v5 =	vmul.f32 $1.442695020e+00, v5;
	v12 =	vperm.xlane v6, v1;
	v18 =	vpop (erf)  }
0x1cc: {  	s20 =	simm.s32 $0x410;
	v17 =	vld [tilespmem:s26+$0x0];
	v8 =	vadd.f32 v8, v11;
	v11 =	vperm.xlane v18, v1;
	v7 =	vmul.f32 v7, v14  }
0x1cd: {  	v9 =	vld [tilespmem:s20+$0x40];
	(erf) = vpow2.f32 v5;
	v12 =	vmul.f32 v15, v12  }
0x1ce: {  	v14 =	vmul.f32 $2.000000030e-01, v8;
	v5 =	vmul.f32 v13, v11;
	v13 =	vld [tilespmem:s26+$0xFFFFFFF0];
	[tilespmem:s7+$0x10] =	vst v7  }
0x1cf: {  	s14 =	simm.s32 $0x3F60;
	[tilespmem:s7+$0xFFFFFF80] =	vst v12;
	v7 =	vld [tilespmem:s17+$0x20]  }
0x1d0: {  	v12 =	vld [tilespmem:s20+$0xFFFFFFF0];
	v8 =	vmax.f32 v8, v14;
	[tilespmem:s14+$0x0] =	vst v5  }
0x1d1: {  	v5 =	vmul.f32 $1.442695020e+00, v8;
	v14 =	vld [tilespmem:s21+$0x10]  }
0x1d2: {  	v16 =	vld [tilespmem:s21+$0xFFFFFFB0];
	v8 =	vperm.xlane v10, v3  }
0x1d3: {  	v22 =	vld [tilespmem:s20+$0xFFFFFFB0];
	v17 =	vadd.f32 v17, v9;
	(erf) = vpow2.f32 v5  }
0x1d4: {  	v24 =	vld [tilespmem:s19+$0x0];
	v7 =	vmul.f32 v7, v8;
	v8 =	vperm.xlane v18, v2  }
0x1d5: {  	s18 =	simm.s32 $0x4B0;
	v20 =	vld [tilespmem:s17+$0xFFFFFFC0];
	v23 =	vmul.f32 $2.000000030e-01, v17;
	v5 =	vpop (erf)  }
0x1d6: {  	v28 =	vld [tilespmem:s18+$0xFFFFFFF0];
	v13 =	vadd.f32 v13, v12;
	v21 =	vperm.xlane v5, v1;
	[tilespmem:s7+$0x20] =	vst v7;
	v7 =	vmul.f32 v14, v8  }
0x1d7: {  	v19 =	vperm.xlane v6, v3;
	v15 =	vperm.xlane v6, v2;
	v11 =	vld [tilespmem:s19+$0xFFFFFFB0]  }
0x1d8: {  	s31 =	simm.s32 $0x1B70;
	v12 =	vpop (erf);
	v8 =	vmul.f32 v16, v21;
	v14 =	vmax.f32 v17, v23;
	v21 =	vld [tilespmem:s18+$0x40];
	[tilespmem:s14+$0x10] =	vst v7;
	v7 =	vmul.f32 $2.000000030e-01, v13  }
0x1d9: {  	v16 =	vperm.xlane v12, v1;
	v23 =	vld [tilespmem:s31+$0x0];
	v14 =	vmul.f32 $1.442695020e+00, v14  }
0x1da: {  	v9 =	vperm.xlane v6, v4;
	v15 =	vmul.f32 v20, v15;
	v26 =	vld [tilespmem:s17+$0x30]  }
0x1db: {  	v20 =	vld [tilespmem:s21+$0x20];
	(erf) = vpow2.f32 v14;
	v14 =	vmul.f32 v24, v16  }
0x1dc: {  	s8 =	simm.s32 $0x4060;
	v25 =	vperm.xlane v5, v2;
	v17 =	vperm.xlane v10, v4;
	[tilespmem:s14+$0xFFFFFF80] =	vst v8;
	v24 =	vld [tilespmem:s31+$0xFFFFFFF0];
	v13 =	vmax.f32 v13, v7;
	v7 =	vpop (erf)  }
0x1dd: {  	v27 =	vld [tilespmem:s21+$0xFFFFFFC0];
	[tilespmem:s8+$0x0] =	vst v14;
	v13 =	vmul.f32 $1.442695020e+00, v13;
	v29 =	vperm.xlane v7, v1  }
0x1de: {  	s22 =	simm.s32 $0x1B90;
	[tilespmem:s7+$0xFFFFFF90] =	vst v15;
	v8 =	vperm.xlane v5, v4;
	v14 =	vperm.xlane v18, v3;
	v15 =	vadd.f32 v23, v21;
	v30 =	vld [tilespmem:s19+$0x10]  }
0x1df: {  	v32 =	vld [tilespmem:s22+$0x0];
	(erf) = vpow2.f32 v13;
	v11 =	vmul.f32 v11, v29  }
0x1e0: {  	v13 =	vmul.f32 $2.000000030e-01, v15;
	v14 =	vmul.f32 v20, v14;
	v20 =	vld [tilespmem:s17+$0xFFFFFFD0]  }
0x1e1: {  	v16 =	vperm.xlane v5, v3;
	v21 =	vld [tilespmem:s20+$0x0];
	v23 =	vperm.xlane v12, v2;
	[tilespmem:s8+$0xFFFFFF80] =	vst v11;
	v11 =	vadd.f32 v24, v28  }
0x1e2: {  	v26 =	vmul.f32 v26, v17;
	v17 =	vld [tilespmem:s18+$0xFFFFFFB0];
	v25 =	vmul.f32 v27, v25;
	[tilespmem:s14+$0x20] =	vst v14  }
0x1e3: {  	[tilespmem:s7+$0x40] =	vst v10;
	v27 =	vld [tilespmem:s21+$0x30];
	v24 =	vmax.f32 v15, v13;
	v23 =	vmul.f32 v30, v23;
	v30 =	vmul.f32 $2.000000030e-01, v11  }
0x1e4: {  	s9 =	simm.s32 $0x550;
	v10 =	vperm.xlane v7, v4;
	[tilespmem:s7+$0x30] =	vst v26;
	v26 =	vld [tilespmem:s22+$0xFFFFFFF0];
	v13 =	vpop (erf);
	v24 =	vmul.f32 $1.442695020e+00, v24  }
0x1e5: {  	v29 =	vld [tilespmem:s9+$0x40];
	v31 =	vperm.xlane v13, v1;
	[tilespmem:s8+$0x10] =	vst v23;
	v20 =	vmul.f32 v20, v19;
	v11 =	vmax.f32 v11, v30  }
0x1e6: {  	[tilespmem:s14+$0xFFFFFF90] =	vst v25;
	(erf) = vpow2.f32 v24;
	v23 =	vld [tilespmem:s19+$0x20];
	v24 =	vperm.xlane v18, v4  }
0x1e7: {  	[tilespmem:s14+$0x40] =	vst v18;
	v28 =	vld [tilespmem:s19+$0xFFFFFFC0];
	v21 =	vmul.f32 v21, v31;
	v25 =	vmul.f32 $1.442695020e+00, v11  }
0x1e8: {  	s16 =	simm.s32 $0x4160;
	v30 =	vld [tilespmem:s9+$0xFFFFFFF0];
	[tilespmem:s7+$0xFFFFFFA0] =	vst v20;
	v24 =	vmul.f32 v27, v24;
	v27 =	vperm.xlane v12, v3;
	v11 =	vpop (erf)  }
0x1e9: {  	v20 =	vld [tilespmem:s17+$0xFFFFFFE0];
	[tilespmem:s16+$0x0] =	vst v21;
	(erf) = vpow2.f32 v25;
	v18 =	vperm.xlane v11, v1  }
0x1ea: {  	v14 =	vperm.xlane v7, v2;
	v15 =	vperm.xlane v7, v3;
	v31 =	vld [tilespmem:s20+$0x10]  }
0x1eb: {  	v29 =	vadd.f32 v32, v29;
	v21 =	vld [tilespmem:s9+$0xFFFFFFB0];
	v25 =	vmul.f32 v23, v27;
	v22 =	vmul.f32 v22, v18  }
0x1ec: {  	v63 =	vperm.xlane v13, v2;
	[tilespmem:s14+$0x30] =	vst v24;
	v24 =	vmul.f32 v28, v14;
	v23 =	vld [tilespmem:s21+$0xFFFFFFD0]  }
0x1ed: {  	v19 =	vperm.xlane v11, v2;
	v27 =	vadd.f32 v26, v30;
	v30 =	vmul.f32 $2.000000030e-01, v29;
	v26 =	vld [tilespmem:s18+$0x0];
	[tilespmem:s8+$0x20] =	vst v25  }
0x1ee: {  	v14 =	vperm.xlane v11, v4;
	v18 =	vperm.xlane v11, v3;
	v25 =	vld [tilespmem:s19+$0x30];
	[tilespmem:s16+$0xFFFFFF80] =	vst v22  }
0x1ef: {  	s24 =	simm.s32 $0x5F0;
	s17 =	simm.s32 $0xA;
	[tilespmem:s8+$0xFFFFFF90] =	vst v24;
	v28 =	vmul.f32 $2.000000030e-01, v27;
	v30 =	vmax.f32 v29, v30;
	v29 =	vmul.f32 v31, v63;
	v24 =	vld [tilespmem:s20+$0xFFFFFFC0];
	v22 =	vpop (erf)  }
.LBB2_11:
0x1f0: {  	v31 =	vld [tilespmem:s24+$0x40];
	v30 =	vmul.f32 $1.442695020e+00, v30;
	s22 =	sadd.s32 $0x20, s22;
	v32 =	vperm.xlane v22, v1;
	[tilespmem:s7+$0xFFFFFFC0] =	vst v6;
	v6 =	vmovc v5;
	v5 =	vmovc v7;
	v7 =	vmov v11;
	s25 =	smov.u32 s8;
	s8 =	smov.u32 s16  }
0x1f1: {  	v23 =	vmul.f32 v23, v16;
	v33 =	vld [tilespmem:s22+$0x0];
	v27 =	vmax.f32 v27, v28;
	[tilespmem:s16+$0x10] =	vst v29;
	v28 =	vperm.xlane v12, v4  }
0x1f2: {  	v16 =	vmov v15;
	(erf) = vpow2.f32 v30;
	v26 =	vmul.f32 v26, v32;
	v11 =	vpop (erf);
	v29 =	vld [tilespmem:s20+$0x20];
	[tilespmem:s25+$0x40] =	vst v12  }
0x1f3: {  	s17 =	sadd.s32 $0x2, s17;
	v15 =	vmovc v18;
	s16 =	sadd.s32 $0x100, s16;
	v27 =	vmul.f32 $1.442695020e+00, v27;
	v12 =	vmovc v13;
	v13 =	vmov v22;
	v30 =	vld [tilespmem:s22+$0xFFFFFFF0];
	v25 =	vmul.f32 v25, v28;
	[tilespmem:s14+$0xFFFFFFA0] =	vst v23  }
0x1f4: {  	p0 =	slt.u32 s17, $0x4E;
	v18 =	vperm.xlane v11, v1;
	v23 =	vperm.xlane v11, v2;
	v22 =	vld [tilespmem:s24+$0xFFFFFFF0];
	[tilespmem:s16+$0x0] =	vst v26  }
0x1f5: {  	v26 =	vperm.xlane v12, v3;
	v28 =	vld [tilespmem:s24+$0xFFFFFFB0];
	(erf) = vpow2.f32 v27;
	[tilespmem:s25+$0x30] =	vst v25  }
0x1f6: {  	v24 =	vmul.f32 v24, v19;
	v25 =	vmul.f32 v17, v18;
	v19 =	vmovc v23;
	v17 =	vmov v21;
	v32 =	vld [tilespmem:s18+$0x10]  }
.Ltmp5:
0x1f7: {  	v18 =	vperm.xlane v11, v3;
	v31 =	vadd.f32 v33, v31;
	v35 =	vmul.f32 v29, v26;
	v23 =	vld [tilespmem:s19+$0xFFFFFFD0];
	(pc) =	sbr.rel @p0 .LBB2_11-.Ltmp5, $4  }
0x1f8: {  	v33 =	vmul.f32 v20, v9;
	v9 =	vmovc v8;
	v8 =	vmov v10;
	v29 =	vperm.xlane v11, v4;
	[tilespmem:s16+$0xFFFFFF80] =	vst v25;
	v20 =	vld [tilespmem:s21+$0xFFFFFFE0];
	s21 =	smov.u32 s19;
	s19 =	smov.u32 s20;
	s20 =	smov.u32 s18  }
0x1f9: {  	v34 =	vperm.xlane v13, v2;
	v10 =	vmovc v14;
	v36 =	vmul.f32 $2.000000030e-01, v31;
	s18 =	smov.u32 s9;
	v27 =	vadd.f32 v30, v22;
	v26 =	vld [tilespmem:s9+$0x0];
	[tilespmem:s8+$0x20] =	vst v35;
	s9 =	smov.u32 s24  }
0x1fa: {  	v14 =	vmov v29;
	[tilespmem:s8+$0xFFFFFF90] =	vst v24;
	v25 =	vld [tilespmem:s19+$0x30];
	v21 =	vmov v28  }
0x1fb: {  	s24 =	sadd.s32 $0xA0, s24;
	v30 =	vmax.f32 v31, v36;
	v28 =	vmul.f32 $2.000000030e-01, v27;
	v22 =	vpop (erf);
	v24 =	vld [tilespmem:s20+$0xFFFFFFC0];
	v29 =	vmul.f32 v32, v34;
	[tilespmem:s7+$0xFFFFFFB0] =	vst v33;
	s7 =	smov.u32 s14;
	s14 =	smov.u32 s25  }
0x1fc: {  	v30 =	vmul.f32 $1.442695020e+00, v30;
	_ =	sdelay $0x1  }
0x1fd: {  	(erf) = vpow2.f32 v30;
	_ =	sdelay $0x1  }
0x1fe: {  	v27 =	vmax.f32 v27, v28  }
0x1ff: {  	v62 =	vperm.xlane v22, v1;
	v27 =	vmul.f32 $1.442695020e+00, v27;
	_ =	sdelay $0x1  }
0x200: {  	[tilespmem:s16+$0x10] =	vst v29;
	v26 =	vmul.f32 v26, v62;
	(erf) = vpow2.f32 v27  }
0x201: {  	[tilespmem:s7+$0xFFFFFFC0] =	vst v6;
	s17 =	sadd.s32 $0x100, s16;
	v63 =	vld [tilespmem:s20+$0x20]  }
0x202: {  	v6 =	vperm.xlane v12, v4;
	v32 =	vld [tilespmem:s9+$0x0];
	[tilespmem:s17+$0x0] =	vst v26  }
0x203: {  	v28 =	vpop (erf);
	v35 =	vld [tilespmem:s18+$0x10]  }
0x204: {  	v34 =	vperm.xlane v13, v3;
	v6 =	vmul.f32 v25, v6;
	v36 =	vpop (erf)  }
0x205: {  	v16 =	vmul.f32 v23, v16;
	[tilespmem:s8+$0x40] =	vst v12;
	v38 =	vperm.xlane v36, v1  }
0x206: {  	v39 =	vperm.xlane v22, v2;
	[tilespmem:s8+$0x30] =	vst v6;
	v6 =	vmul.f32 v63, v34  }
0x207: {  	[tilespmem:s14+$0xFFFFFFA0] =	vst v16;
	v40 =	vmul.f32 v32, v38  }
0x208: {  	s31 =	sadd.s32 $0x100, s17;
	[tilespmem:s16+$0x20] =	vst v6;
	v12 =	vmul.f32 v35, v39  }
0x209: {  	v9 =	vmul.f32 v20, v9;
	v33 =	vperm.xlane v28, v1;
	v6 =	vld [tilespmem:s19+$0xFFFFFFD0];
	v43 =	vpop (erf);
	[tilespmem:s31+$0x0] =	vst v40  }
0x20a: {  	[tilespmem:s17+$0x10] =	vst v12;
	v44 =	vperm.xlane v43, v1;
	v45 =	vld [tilespmem:s9+$0x10]  }
0x20b: {  	[tilespmem:s7+$0xFFFFFFB0] =	vst v9;
	v37 =	vmul.f32 v17, v33;
	v47 =	vld [tilespmem:s18+$0x20]  }
0x20c: {  	v42 =	vld [tilespmem:s21+$0xFFFFFFE0];
	[tilespmem:s14+$0xFFFFFFC0] =	vst v5;
	v48 =	vmul.f32 v21, v44  }
0x20d: {  	v41 =	vmul.f32 v24, v19;
	[tilespmem:s17+$0xFFFFFF80] =	vst v37;
	v5 =	vperm.xlane v36, v2  }
0x20e: {  	v51 =	vperm.xlane v22, v3;
	v49 =	vld [tilespmem:s18+$0xFFFFFFC0];
	v6 =	vmul.f32 v6, v15;
	[tilespmem:s31+$0xFFFFFF80] =	vst v48  }
0x20f: {  	[tilespmem:s16+$0xFFFFFF90] =	vst v41;
	v52 =	vld [tilespmem:s9+$0xFFFFFFC0];
	v5 =	vmul.f32 v45, v5  }
0x210: {  	v57 =	vld [tilespmem:s20+$0xFFFFFFD0];
	[tilespmem:s8+$0xFFFFFFA0] =	vst v6;
	v6 =	vmul.f32 v47, v51  }
0x211: {  	v53 =	vperm.xlane v28, v2;
	v46 =	vld [tilespmem:s20+$0x30];
	[tilespmem:s31+$0x10] =	vst v5  }
0x212: {  	v8 =	vmul.f32 v42, v8;
	[tilespmem:s17+$0x20] =	vst v6;
	v5 =	vperm.xlane v43, v2;
	v56 =	vld [tilespmem:s9+$0x20]  }
0x213: {  	[tilespmem:s16+$0x40] =	vst v13;
	v55 =	vmul.f32 v49, v53;
	v6 =	vld [tilespmem:s18+$0x30]  }
0x214: {  	[tilespmem:s14+$0xFFFFFFB0] =	vst v8;
	v5 =	vmul.f32 v52, v5  }
0x215: {  	v58 =	vperm.xlane v36, v3;
	[tilespmem:s17+$0xFFFFFF90] =	vst v55  }
0x216: {  	v15 =	vmul.f32 v57, v18;
	v9 =	vld [tilespmem:s18+$0xFFFFFFD0];
	[tilespmem:s31+$0xFFFFFF90] =	vst v5;
	v5 =	vperm.xlane v22, v4  }
0x217: {  	v50 =	vperm.xlane v13, v4;
	v59 =	vld [tilespmem:s19+$0xFFFFFFE0];
	[tilespmem:s8+$0xFFFFFFC0] =	vst v7;
	v7 =	vmul.f32 v56, v58  }
0x218: {  	[tilespmem:s16+$0xFFFFFFA0] =	vst v15;
	v60 =	vld [tilespmem:s9+$0xFFFFFFD0];
	v5 =	vmul.f32 v6, v5  }
0x219: {  	v61 =	vperm.xlane v28, v3;
	v54 =	vmul.f32 v46, v50;
	[tilespmem:s31+$0x20] =	vst v7  }
0x21a: {  	[tilespmem:s17+$0x30] =	vst v5;
	v5 =	vld [tilespmem:s20+$0xFFFFFFE0]  }
0x21b: {  	[tilespmem:s16+$0x30] =	vst v54;
	v9 =	vmul.f32 v9, v61;
	v6 =	vperm.xlane v43, v3;
	v7 =	vld [tilespmem:s9+$0x30]  }
0x21c: {  	[tilespmem:s17+$0x40] =	vst v22;
	v10 =	vmul.f32 v59, v10  }
0x21d: {  	[tilespmem:s17+$0xFFFFFFA0] =	vst v9;
	v6 =	vmul.f32 v60, v6  }
0x21e: {  	v62 =	vperm.xlane v36, v4;
	[tilespmem:s8+$0xFFFFFFB0] =	vst v10;
	v9 =	vld [tilespmem:s18+$0xFFFFFFE0]  }
0x21f: {  	[tilespmem:s31+$0xFFFFFFA0] =	vst v6  }
0x220: {  	[tilespmem:s17+$0xFFFFFFC0] =	vst v28;
	v5 =	vmul.f32 v5, v14;
	v6 =	vmul.f32 v7, v62;
	v7 =	vld [tilespmem:s9+$0xFFFFFFE0]  }
0x221: {  	v63 =	vperm.xlane v28, v4;
	[tilespmem:s16+$0xFFFFFFC0] =	vst v11  }
0x222: {  	[tilespmem:s16+$0xFFFFFFB0] =	vst v5  }
0x223: {  	v5 =	vmul.f32 v9, v63;
	[tilespmem:s31+$0x30] =	vst v6;
	v6 =	vperm.xlane v43, v4  }
0x224: {  	[tilespmem:s31+$0x40] =	vst v36  }
0x225: {  	[tilespmem:s17+$0xFFFFFFB0] =	vst v5;
	v5 =	vmul.f32 v7, v6  }
0x226: {  	[tilespmem:s31+$0xFFFFFFC0] =	vst v43  }
0x227: {  	[tilespmem:s31+$0xFFFFFFB0] =	vst v5  }
0x228: {  	[spmem:s3] =	stream.indirect.scatter.add.f32 [tilespmem:s28], [sflag:$0x5], $0x80, s13, s23, $0xb8;
	[tilespmem:$0x1CDE0] =	vst v63  }
0x229: {  	_ =	swait.ge [sflag:s29], $0x2800  }
0x22a: {  	[sflag:s29] =	ssyncset.done $0x0  }
0x22b: {  	[sflag:s29] =	ssyncadd.s32 $0xFFFFD800  }
0x22c: {  	s22 =	stileid.u32;
	[bflag:$0x0] =	sbarrier.arrive $0xFFFF  }
0x22d: {  	s7 =	sshll.u32 s22, $0x6;
	s24 =	rddreg [dreg:$0x8]  }
0x22e: {  	s7 =	sor.u32 $0x1C05, s7;
	s25 =	rddreg [dreg:$0x12]  }
0x22f: {  	[hbm:s24], [sflag:s7] =	dma.local [spmem:s25], $0x2800  }
0x230: {  	_ =	swait.ge [sflag:s29], $0x2800  }
0x231: {  	s26 =	rddreg [dreg:$0x13]  }
0x232: {  	s31 =	rddreg [dreg:$0xa];
	s8 =	sadd.s32 $0x1, s26  }
0x233: {  	p0 =	sne.s32 s8, s31  }
.Ltmp6:
0x234: {  	_ = 	snop;
	(pc) =	sbr.rel @p0 .LBB2_1-.Ltmp6, $3  }
0x235: {  	_ =	sdelay $0x1  }
0x236: {  	[sflag:s29] =	ssyncset.done $0x0  }
0x237: {  	[sflag:s29] =	ssyncadd.s32 $0xFFFFD800  }
0x238: {  	_ =	sfence.sel $0x180000  }
0x239: {  	[bflag:$0x0] =	sbarrier.arrive $0xFFFF  }
0x23a: {  	_ =	strace $0x90000047  }
0x23b: {  	s0 =	stileid.u32;
	[bflag:$0x2] =	sbarrier.arrive $0xFFFF  }
0x23c: {  	p0 =	sne.s32 s0, $0x0;
	s0 =	rddreg [dreg:$0x3]  }
0x23d: {  	s0 =	sadd.s32 @!p0 $0x100000, s0  }
0x23e: {  	[sflag:s0] =	ssyncadd.tile.s32 @!p0 $0x1;
	_ =	shalt  }
.Lfunc_end2:
_tile_overlayer_lowered:
.L_overlay_start_2:
0x23f: {  	(tag) =	ssettag $0x2  }
0x240: {  	s0 =	rddreg [dreg:$0x0];
	s2 =	stileid.u32  }
0x241: {  	s1 =	rddreg [dreg:$0x1];
	p0 =	sne.s32 s2, $0x0  }
0x242: {  	s3 =	rddreg [dreg:$0x2];
	[bflag:$0x3] =	sbarrier.arrive $0xFFFF;
	s2 =	simm.s32 @!p0 $0x1C05  }
0x243: {  	[timem:s3], [sflag:s2] =	dma.local @!p0 [hbm:s0], s1  }
0x244: {  	s0 =	simm.s32 @!p0 $0x5  }
0x245: {  	_ =	swait.ge @!p0 [sflag:s0], s1  }
0x246: {  	s1 =	ssub.s32 @!p0 $0x0, s1;
	[sflag:s0] =	ssyncset.done @!p0 $0x0  }
0x247: {  	[sflag:s0] =	ssyncadd.s32 @!p0 s1  }
0x248: {  	[bflag:$0x3] =	sbarrier.arrive $0xFFFF  }
0x249: {  	_ =	shalt  }

</sc_bundles>
